<compile_context>
chip_gen: v7x
topology: tpu7x:2x2x1
jax: 0.10.2.dev20260603
libtpu: 0.0.44.dev20260713+nightly
codegen_flags: <defaults>
</compile_context>

<pallas_src>
import functools

import jax
import jax.numpy as jnp
from jax import lax
from jax.experimental import pallas as pl
from jax.experimental.pallas import tpu as pltpu
from jax.experimental.pallas import tpu_sc as plsc

NW = 32
CHUNK = 128
_SC_PARAMS = pltpu.CompilerParams(needs_layout_passes=False)



def _matmul(x, w, mb):
    m, k = x.shape
    _, n = w.shape

    def body(x_ref, w_ref, o_ref):
        o_ref[...] = jnp.dot(x_ref[...], w_ref[...],
                             preferred_element_type=jnp.float32)

    return pl.pallas_call(
        body,
        grid=(m // mb,),
        in_specs=[pl.BlockSpec((mb, k), lambda i: (i, 0)),
                  pl.BlockSpec((k, n), lambda i: (0, 0))],
        out_specs=pl.BlockSpec((mb, n), lambda i: (i, 0)),
        out_shape=jax.ShapeDtypeStruct((m, n), jnp.float32),
    )(x, w)


def _matmul_scale(x, w, degp_t, mb):
    m, k = x.shape
    _, n = w.shape
    p = degp_t.shape[1]

    def body(x_ref, w_ref, d_ref, y_ref, dinv_ref):
        deg = jnp.sum(d_ref[...], axis=1) + 1.0
        dinv = lax.rsqrt(deg)
        acc = jnp.dot(x_ref[...], w_ref[...], preferred_element_type=jnp.float32)
        y_ref[...] = acc * dinv[:, None]
        dinv_ref[...] = dinv[:, None]

    return pl.pallas_call(
        body,
        grid=(m // mb,),
        in_specs=[pl.BlockSpec((mb, k), lambda i: (i, 0)),
                  pl.BlockSpec((k, n), lambda i: (0, 0)),
                  pl.BlockSpec((mb, p), lambda i: (i, 0))],
        out_specs=[pl.BlockSpec((mb, n), lambda i: (i, 0)),
                   pl.BlockSpec((mb, 1), lambda i: (i, 0))],
        out_shape=[jax.ShapeDtypeStruct((m, n), jnp.float32),
                   jax.ShapeDtypeStruct((m, 1), jnp.float32)],
    )(x, w, degp_t)


def _layer_mm(sp, y, dinv, b, w):
    _, n, h = sp.shape
    mb = 1000

    def body(sp_ref, y_ref, di_ref, b_ref, w_ref, o_ref):
        t = di_ref[...] * (sp_ref[0] + sp_ref[1] + y_ref[...]) + b_ref[...]
        hh = jnp.maximum(t, 0.0)
        o_ref[...] = jnp.dot(hh, w_ref[...],
                             preferred_element_type=jnp.float32) * di_ref[...]

    return pl.pallas_call(
        body,
        grid=(n // mb,),
        in_specs=[pl.BlockSpec((2, mb, h), lambda i: (0, i, 0)),
                  pl.BlockSpec((mb, h), lambda i: (i, 0)),
                  pl.BlockSpec((mb, 1), lambda i: (i, 0)),
                  pl.BlockSpec((h,), lambda i: (0,)),
                  pl.BlockSpec((h, h), lambda i: (0, 0))],
        out_specs=pl.BlockSpec((mb, h), lambda i: (i, 0)),
        out_shape=jax.ShapeDtypeStruct((n, h), jnp.float32),
    )(sp, y, dinv, b, w)


def _layer_mm_final(sp, y, dinv, b, wcat, bl1):
    _, n, h = sp.shape
    mb = 1000

    def body(sp_ref, y_ref, di_ref, b_ref, w_ref, bl1_ref, t_ref):
        t = di_ref[...] * (sp_ref[0] + sp_ref[1] + y_ref[...]) + b_ref[...]
        hh = jnp.maximum(t, 0.0)
        acc = jnp.dot(hh, w_ref[...], preferred_element_type=jnp.float32)
        acc = acc + jnp.concatenate(
            [bl1_ref[...], jnp.zeros_like(bl1_ref[...])])
        u = lax.bitcast_convert_type(acc, jnp.uint32)
        b16 = (u + 0x7FFF + ((u >> 16) & 1)) >> 16
        hq = h // 2
        ta = b16[:, :hq] | (b16[:, hq:h] << 16)
        tb = b16[:, h:h + hq] | (b16[:, h + hq:] << 16)
        t_ref[...] = lax.bitcast_convert_type(
            jnp.concatenate([ta, tb], axis=1), jnp.int32)

    return pl.pallas_call(
        body,
        grid=(n // mb,),
        in_specs=[pl.BlockSpec((2, mb, h), lambda i: (0, i, 0)),
                  pl.BlockSpec((mb, h), lambda i: (i, 0)),
                  pl.BlockSpec((mb, 1), lambda i: (i, 0)),
                  pl.BlockSpec((h,), lambda i: (0,)),
                  pl.BlockSpec((h, 2 * h), lambda i: (0, 0)),
                  pl.BlockSpec((h,), lambda i: (0,))],
        out_specs=pl.BlockSpec((mb, h), lambda i: (i, 0)),
        out_shape=jax.ShapeDtypeStruct((n, h), jnp.int32),
    )(sp, y, dinv, b, wcat, bl1)


def _final(z32, wl2, bl2):
    e, hw = z32.shape
    c = wl2.shape[1]
    mb = 4000

    def body(z_ref, w_ref, b_ref, o_ref):
        u = lax.bitcast_convert_type(z_ref[...], jnp.uint32)
        lo = lax.bitcast_convert_type(u << 16, jnp.float32)
        hi = lax.bitcast_convert_type(u & jnp.uint32(0xFFFF0000), jnp.float32)
        zz = jnp.maximum(jnp.concatenate([lo, hi], axis=1), 0.0)
        l = jnp.dot(zz, w_ref[...], preferred_element_type=jnp.float32) + b_ref[...]
        m = jnp.max(l, axis=1, keepdims=True)
        s = l - m
        lse = jnp.log(jnp.sum(jnp.exp(s), axis=1, keepdims=True))
        o_ref[...] = s - lse

    return pl.pallas_call(
        body,
        grid=(e // mb,),
        in_specs=[pl.BlockSpec((mb, hw), lambda i: (i, 0)),
                  pl.BlockSpec((2 * hw, c), lambda i: (0, 0)),
                  pl.BlockSpec((c,), lambda i: (0,))],
        out_specs=pl.BlockSpec((mb, c), lambda i: (i, 0)),
        out_shape=jax.ShapeDtypeStruct((e, c), jnp.float32),
    )(z32, wl2, bl2)



def _sc_degree(dst, n):
    e = dst.shape[0]
    epw = e // NW
    full = epw // 16
    rem = epw - full * 16
    mesh = plsc.VectorSubcoreMesh(core_axis_name="c", subcore_axis_name="s")

    @functools.partial(
        pl.kernel,
        out_type=jax.ShapeDtypeStruct((NW, n), jnp.float32),
        mesh=mesh,
        compiler_params=_SC_PARAMS,
        scratch_types=[
            pltpu.VMEM((epw + 16,), jnp.int32),
            pltpu.VMEM((n,), jnp.float32),
        ],
    )
    def k(dst_hbm, out_hbm, idx_v, hist_v):
        cid = lax.axis_index("c")
        sid = lax.axis_index("s")
        wid = sid * 2 + cid
        zeros16 = jnp.zeros((16,), jnp.float32)
        ones16 = jnp.ones((16,), jnp.float32)

        def zero_body(i, _):
            hist_v[pl.ds(i * 16, 16)] = zeros16
            return 0
        lax.fori_loop(0, n // 16, zero_body, 0)

        pltpu.sync_copy(dst_hbm.at[pl.ds(wid * epw, epw)], idx_v.at[pl.ds(0, epw)])

        def body(i, _):
            v = idx_v[pl.ds(i * 16, 16)]
            plsc.addupdate_scatter(hist_v, [v], ones16)
            return 0
        lax.fori_loop(0, full, body, 0)
        if rem:
            v = idx_v[pl.ds(full * 16, 16)]
            mask = lax.iota(jnp.int32, 16) < rem
            plsc.addupdate_scatter(hist_v, [v], ones16, mask=mask)

        pltpu.sync_copy(hist_v, out_hbm.at[wid])

    return k(dst)


def _sc_aggregate(y, src, dst, zeros):
    n, h = y.shape
    e = src.shape[0]
    epw = e // NW
    ACH = 96
    nfull = epw // ACH
    tail = epw - nfull * ACH
    rps = (n // (16 * 8)) * 8
    rextra = n - 16 * rps
    mesh = plsc.VectorSubcoreMesh(core_axis_name="c", subcore_axis_name="s")

    nd = 3
    ngroups = nfull // nd
    leftover = nfull - nd * ngroups

    @functools.partial(
        pl.kernel,
        out_type=jax.ShapeDtypeStruct((2, n, h), jnp.float32),
        mesh=mesh,
        compiler_params=_SC_PARAMS,
        scratch_types=[
            pltpu.VMEM((epw + 16,), jnp.int32),
            pltpu.VMEM((epw + 16,), jnp.int32),
        ] + [pltpu.VMEM((ACH,), jnp.int32)] * nd
          + [pltpu.VMEM((ACH,), jnp.int32)] * nd
          + [pltpu.VMEM((ACH, h), jnp.float32)] * nd
          + [
            pltpu.VMEM((max(tail, 1),), jnp.int32),
            pltpu.VMEM((max(tail, 1),), jnp.int32),
            pltpu.VMEM((max(tail, 1), h), jnp.float32),
            pltpu.VMEM_SHARED((n, h), jnp.float32),
        ] + [pltpu.SemaphoreType.DMA] * (2 * nd),
    )
    def k(y_hbm, src_hbm, dst_hbm, zero_hbm, out_hbm,
          sall, dall, *rest):
        si = rest[0:nd]
        di = rest[nd:2 * nd]
        rows = rest[2 * nd:3 * nd]
        sidx_t, didx_t, rows_t, stab = rest[3 * nd:3 * nd + 4]
        semg = rest[3 * nd + 4:3 * nd + 4 + nd]
        sems = rest[3 * nd + 4 + nd:3 * nd + 4 + 2 * nd]
        cid = lax.axis_index("c")
        sid = lax.axis_index("s")
        wid = sid * 2 + cid
        base = wid * epw
        r0 = pl.multiple_of(sid * rps, 8)
        pltpu.sync_copy(zero_hbm.at[pl.ds(r0, rps)], stab.at[pl.ds(r0, rps)])
        if rextra:
            @pl.when(sid == 15)
            def _():
                pltpu.sync_copy(zero_hbm.at[pl.ds(16 * rps, rextra)],
                                stab.at[pl.ds(16 * rps, rextra)])
        pltpu.sync_copy(src_hbm.at[pl.ds(base, epw)], sall.at[pl.ds(0, epw)])
        pltpu.sync_copy(dst_hbm.at[pl.ds(base, epw)], dall.at[pl.ds(0, epw)])
        plsc.subcore_barrier()

        def stage(j, buf_all, buf_idx, m):
            for c in range(m // 16):
                buf_idx[pl.ds(c * 16, 16)] = buf_all[pl.ds(j * ACH + c * 16, 16)]

        def group(t, _):
            j0 = nd * t
            gs = []
            for q in range(nd):
                stage(j0 + q, sall, si[q], ACH)
                stage(j0 + q, dall, di[q], ACH)
                gs.append(pltpu.async_copy(y_hbm.at[si[q]], rows[q], semg[q]))
            ss = []
            for q in range(nd):
                gs[q].wait()
                ss.append(pltpu.async_copy(rows[q], stab.at[di[q]], sems[q],
                                           add=True))
            for s in ss:
                s.wait()
            return 0
        lax.fori_loop(0, ngroups, group, 0)

        if leftover:
            j0 = nd * ngroups
            gs = []
            for q in range(leftover):
                stage(j0 + q, sall, si[q], ACH)
                stage(j0 + q, dall, di[q], ACH)
                gs.append(pltpu.async_copy(y_hbm.at[si[q]], rows[q], semg[q]))
            ss = []
            for q in range(leftover):
                gs[q].wait()
                ss.append(pltpu.async_copy(rows[q], stab.at[di[q]], sems[q],
                                           add=True))
            for s in ss:
                s.wait()
        if tail:
            off = base + nfull * ACH
            pltpu.sync_copy(src_hbm.at[pl.ds(off, tail)], sidx_t)
            pltpu.sync_copy(dst_hbm.at[pl.ds(off, tail)], didx_t)
            pltpu.async_copy(y_hbm.at[sidx_t], rows_t, semg[0]).wait()
            pltpu.async_copy(rows_t, stab.at[didx_t], sems[0], add=True).wait()

        plsc.subcore_barrier()
        pltpu.sync_copy(stab.at[pl.ds(r0, rps)],
                        out_hbm.at[cid, pl.ds(r0, rps)])
        if rextra:
            @pl.when(sid == 15)
            def _():
                pltpu.sync_copy(stab.at[pl.ds(16 * rps, rextra)],
                                out_hbm.at[cid, pl.ds(16 * rps, rextra)])

    return k(y, src, dst, zeros)


def _sc_edge(t_packed, src, dst):
    n, hw = t_packed.shape
    zw = hw // 2
    e = src.shape[0]
    epw = e // NW
    nfull = epw // CHUNK
    tail = epw - nfull * CHUNK
    mesh = plsc.VectorSubcoreMesh(core_axis_name="c", subcore_axis_name="s")

    npairs = nfull // 2
    leftover = nfull - 2 * npairs

    @functools.partial(
        pl.kernel,
        out_type=jax.ShapeDtypeStruct((NW, epw, zw), jnp.int32),
        mesh=mesh,
        compiler_params=_SC_PARAMS,
        scratch_types=[
            pltpu.VMEM((epw + 16,), jnp.int32),
            pltpu.VMEM((epw + 16,), jnp.int32),
            pltpu.VMEM((CHUNK,), jnp.int32),
            pltpu.VMEM((CHUNK,), jnp.int32),
            pltpu.VMEM((CHUNK,), jnp.int32),
            pltpu.VMEM((CHUNK,), jnp.int32),
            pltpu.VMEM((CHUNK, hw), jnp.int32),
            pltpu.VMEM((CHUNK, hw), jnp.int32),
            pltpu.VMEM((CHUNK, hw), jnp.int32),
            pltpu.VMEM((CHUNK, hw), jnp.int32),
            pltpu.VMEM((CHUNK, zw), jnp.int32),
            pltpu.VMEM((CHUNK, zw), jnp.int32),
            pltpu.VMEM((max(tail, 1),), jnp.int32),
            pltpu.VMEM((max(tail, 1),), jnp.int32),
            pltpu.VMEM((max(tail, 1), hw), jnp.int32),
            pltpu.VMEM((max(tail, 1), hw), jnp.int32),
            pltpu.VMEM((max(tail, 1), zw), jnp.int32),
            pltpu.SemaphoreType.DMA,
            pltpu.SemaphoreType.DMA,
            pltpu.SemaphoreType.DMA,
            pltpu.SemaphoreType.DMA,
            pltpu.SemaphoreType.DMA,
            pltpu.SemaphoreType.DMA,
        ],
    )
    def k(t_hbm, src_hbm, dst_hbm, z_hbm,
          sall, dall, si0, di0, si1, di1, ra0, rb0, ra1, rb1, zb0, zb1,
          sidx_t, didx_t, ra_t, rb_t, zb_t,
          sga0, sgb0, sga1, sgb1, sw0, sw1):
        cid = lax.axis_index("c")
        sid = lax.axis_index("s")
        wid = sid * 2 + cid
        base = wid * epw
        pltpu.sync_copy(src_hbm.at[pl.ds(base, epw)], sall.at[pl.ds(0, epw)])
        pltpu.sync_copy(dst_hbm.at[pl.ds(base, epw)], dall.at[pl.ds(0, epw)])

        def stage(j, buf_all, buf_idx):
            for c in range(CHUNK // 16):
                buf_idx[pl.ds(c * 16, 16)] = buf_all[pl.ds(j * CHUNK + c * 16, 16)]

        def addrows(va, vb, zb, m):
            def addrow(r, _):
                for c in range(zw // 16):
                    xa = plsc.bitcast(va[r, pl.ds(c * 16, 16)], jnp.bfloat16)
                    xb = plsc.bitcast(vb[r, pl.ds(zw + c * 16, 16)], jnp.bfloat16)
                    zb[r, pl.ds(c * 16, 16)] = plsc.bitcast(xa + xb, jnp.int32)
                return 0
            lax.fori_loop(0, m, addrow, 0)

        def pair(t, _):
            a = 2 * t
            b = a + 1
            la = pl.multiple_of(a * CHUNK, 8)
            lb = pl.multiple_of(b * CHUNK, 8)
            stage(a, sall, si0)
            stage(a, dall, di0)
            stage(b, sall, si1)
            stage(b, dall, di1)
            ga = pltpu.async_copy(t_hbm.at[si0], ra0, sga0)
            gb = pltpu.async_copy(t_hbm.at[di0], rb0, sgb0)
            ga1c = pltpu.async_copy(t_hbm.at[si1], ra1, sga1)
            gb1c = pltpu.async_copy(t_hbm.at[di1], rb1, sgb1)
            ga.wait()
            gb.wait()
            addrows(ra0, rb0, zb0, CHUNK)
            wa = pltpu.async_copy(zb0, z_hbm.at[wid, pl.ds(la, CHUNK)], sw0)
            ga1c.wait()
            gb1c.wait()
            addrows(ra1, rb1, zb1, CHUNK)
            wb = pltpu.async_copy(zb1, z_hbm.at[wid, pl.ds(lb, CHUNK)], sw1)
            wa.wait()
            wb.wait()
            return 0
        lax.fori_loop(0, npairs, pair, 0)

        if leftover:
            j = 2 * npairs
            stage(j, sall, si0)
            stage(j, dall, di0)
            ga = pltpu.async_copy(t_hbm.at[si0], ra0, sga0)
            gb = pltpu.async_copy(t_hbm.at[di0], rb0, sgb0)
            ga.wait()
            gb.wait()
            addrows(ra0, rb0, zb0, CHUNK)
            pltpu.async_copy(zb0, z_hbm.at[wid, pl.ds(j * CHUNK, CHUNK)],
                             sw0).wait()
        if tail:
            off = base + nfull * CHUNK
            pltpu.sync_copy(src_hbm.at[pl.ds(off, tail)], sidx_t)
            pltpu.sync_copy(dst_hbm.at[pl.ds(off, tail)], didx_t)
            ga = pltpu.async_copy(t_hbm.at[sidx_t], ra_t, sga1)
            gb = pltpu.async_copy(t_hbm.at[didx_t], rb_t, sgb1)
            ga.wait()
            gb.wait()
            addrows(ra_t, rb_t, zb_t, tail)
            pltpu.async_copy(zb_t, z_hbm.at[wid, pl.ds(nfull * CHUNK, tail)],
                             sw1).wait()

    return k(t_packed, src, dst).reshape(e, zw)



def kernel(x, edge_index, W1, b1, W2, b2, Wl1, bl1, Wl2, bl2):
    n, _ = x.shape
    h = W1.shape[1]
    src = edge_index[0]
    dst = edge_index[1]

    degp = _sc_degree(dst, n)
    y1, dinv = _matmul_scale(x, W1, degp.T, 1000)
    zeros = jnp.zeros((n, h), jnp.float32)
    sp1 = _sc_aggregate(y1, src, dst, zeros)
    y2 = _layer_mm(sp1, y1, dinv, b1, W2)
    sp2 = _sc_aggregate(y2, src, dst, zeros)
    wcat = jnp.concatenate([Wl1[:h], Wl1[h:]], axis=1)
    t_packed = _layer_mm_final(sp2, y2, dinv, b2, wcat, bl1)
    z = _sc_edge(t_packed, src, dst)
    return _final(z, Wl2, bl2)

# --- scband reference (transcript-rebuilt; emitter-appended) ---
"""Pipeline reference for scband-single-pos-net-mg-5720896438288 (READ-ONLY COPY).

The authoritative reference and input builder live on the scoring server;
editing this copy changes nothing except your own understanding.
"""

import jax, jax.numpy as jnp
import numpy as np

N = 10000
E = 160000
D_IN = 256
H = 128
C = 2


def setup_inputs(seed: int = 0) -> dict:
    key = jax.random.key(seed)
    ks = jax.random.split(key, 12)
    x = jax.random.normal(ks[0], (N, D_IN), dtype=jnp.float32)
    edge_index = jax.random.randint(ks[1], (2, E), 0, N)
    W1 = jax.random.normal(ks[2], (D_IN, H), dtype=jnp.float32) * 0.05
    b1 = jnp.zeros((H,), dtype=jnp.float32)
    W2 = jax.random.normal(ks[3], (H, H), dtype=jnp.float32) * 0.05
    b2 = jnp.zeros((H,), dtype=jnp.float32)
    Wl1 = jax.random.normal(ks[4], (2 * H, H), dtype=jnp.float32) * 0.05
    bl1 = jnp.zeros((H,), dtype=jnp.float32)
    Wl2 = jax.random.normal(ks[5], (H, C), dtype=jnp.float32) * 0.05
    bl2 = jnp.zeros((C,), dtype=jnp.float32)
    return {"x": x, "edge_index": edge_index, "W1": W1, "b1": b1, "W2": W2, "b2": b2, "Wl1": Wl1, "bl1": bl1, "Wl2": Wl2, "bl2": bl2}


def gcn_conv(x, edge_index, W, b):
    # torch_geometric GCNConv: linear transform, add self-loops, sym-normalized sum aggregation
    xw = x @ W
    loops = jnp.arange(N, dtype=edge_index.dtype)
    src = jnp.concatenate([edge_index[0], loops])
    dst = jnp.concatenate([edge_index[1], loops])
    ones = jnp.ones((src.shape[0],), dtype=jnp.float32)
    deg = jax.ops.segment_sum(ones, dst, num_segments=N)
    dinv = jnp.where(deg > 0, jax.lax.rsqrt(jnp.maximum(deg, 1e-12)), 0.0)
    norm = dinv[src] * dinv[dst]
    msg = xw[src] * norm[:, None]
    out = jax.ops.segment_sum(msg, dst, num_segments=N)
    return out + b


def reference(x, edge_index, W1, b1, W2, b2, Wl1, bl1, Wl2, bl2):
    h = jax.nn.relu(gcn_conv(x, edge_index, W1, b1))
    h = jax.nn.relu(gcn_conv(h, edge_index, W2, b2))
    x1 = h[edge_index[0]]
    x2 = h[edge_index[1]]
    x_pos = jnp.concatenate([x1, x2], axis=1)
    x_pos = jax.nn.relu(x_pos @ Wl1 + bl1)
    x_pos = x_pos @ Wl2 + bl2
    return jax.nn.log_softmax(x_pos, axis=1)

if __name__ == "__main__":
    import jax
    _d = setup_inputs()
    print(jax.jit(kernel)(*tuple(_d.values())))

</pallas_src>

<mosaic_0001>
#map = affine_map<(d0, d1) -> (0, 0)>
#map1 = affine_map<(d0, d1) -> (0)>
#map2 = affine_map<(d0, d1) -> (0, 0, 0)>
module attributes {stable_mosaic.version = 14 : i64} {
  func.func @k(%arg0: i32, %arg1: i32, %arg2: memref<10000x128xf32, #tpu.memory_space<hbm>>, %arg3: memref<160000xi32, #tpu.memory_space<hbm>>, %arg4: memref<160000xi32, #tpu.memory_space<hbm>>, %arg5: memref<10000x128xf32, #tpu.memory_space<hbm>>, %arg6: memref<2x10000x128xf32, #tpu.memory_space<hbm>>, %arg7: memref<5016xi32, #tpu.memory_space<vmem>>, %arg8: memref<5016xi32, #tpu.memory_space<vmem>>, %arg9: memref<96xi32, #tpu.memory_space<vmem>>, %arg10: memref<96xi32, #tpu.memory_space<vmem>>, %arg11: memref<96xi32, #tpu.memory_space<vmem>>, %arg12: memref<96xi32, #tpu.memory_space<vmem>>, %arg13: memref<96xi32, #tpu.memory_space<vmem>>, %arg14: memref<96xi32, #tpu.memory_space<vmem>>, %arg15: memref<96x128xf32, #tpu.memory_space<vmem>>, %arg16: memref<96x128xf32, #tpu.memory_space<vmem>>, %arg17: memref<96x128xf32, #tpu.memory_space<vmem>>, %arg18: memref<8xi32, #tpu.memory_space<vmem>>, %arg19: memref<8xi32, #tpu.memory_space<vmem>>, %arg20: memref<8x128xf32, #tpu.memory_space<vmem>>, %arg21: memref<10000x128xf32, #tpu.memory_space<vmem_shared>>, %arg22: memref<!tpu.dma_semaphore, #tpu.memory_space<semaphore_mem>>, %arg23: memref<!tpu.dma_semaphore, #tpu.memory_space<semaphore_mem>>, %arg24: memref<!tpu.dma_semaphore, #tpu.memory_space<semaphore_mem>>, %arg25: memref<!tpu.dma_semaphore, #tpu.memory_space<semaphore_mem>>, %arg26: memref<!tpu.dma_semaphore, #tpu.memory_space<semaphore_mem>>, %arg27: memref<!tpu.dma_semaphore, #tpu.memory_space<semaphore_mem>>) attributes {dimension_semantics = [#tpu.dimension_semantics<core_parallel>, #tpu.dimension_semantics<subcore_parallel>], iteration_bounds = array<i64: 2, 16>, scalar_prefetch = 0 : i64, scratch_operands = 21 : i64, tpu.core_type = #tpu.core_type<sc_vector_subcore>, window_params = [{transform_indices = #map}, {transform_indices = #map1}, {transform_indices = #map1}, {transform_indices = #map}, {transform_indices = #map2}]} {
    %mul3A = arith.constant 2 : i32
    %mul3A_0 = arith.muli %arg1, %mul3A : i32
    %add3A = arith.addi %mul3A_0, %arg0 : i32
    %mul3A_1 = arith.constant 5000 : i32
    %mul3A_2 = arith.muli %add3A, %mul3A_1 : i32
    %mul3A_3 = arith.constant 624 : i32
    %mul3A_4 = arith.muli %arg1, %mul3A_3 : i32
    %multiple_of3A = tpu.assume_multiple %mul3A_4, 8 : i32
    "tpu.region"() ({
      %run_scoped3A = tpu.sem_alloc : memref<!tpu.dma_semaphore, #tpu.memory_space<semaphore_mem>>
      %dma_start3A_89 = arith.constant 0 : i32
      %dma_start3A_90 = tpu.memref_slice %arg21[%multiple_of3A, %dma_start3A_89] : memref<10000x128xf32, #tpu.memory_space<vmem_shared>> -> memref<624x128xf32, #tpu.memory_space<vmem_shared>>
      %dma_start3A_91 = arith.constant 0 : i32
      %dma_start3A_92 = tpu.memref_slice %arg5[%multiple_of3A, %dma_start3A_91] : memref<10000x128xf32, #tpu.memory_space<hbm>> -> memref<624x128xf32, #tpu.memory_space<hbm>>
      tpu.enqueue_dma source(%dma_start3A_92 : memref<624x128xf32, #tpu.memory_space<hbm>>) target(%dma_start3A_90 : memref<624x128xf32, #tpu.memory_space<vmem_shared>>) target_semaphore(%run_scoped3A : memref<!tpu.dma_semaphore, #tpu.memory_space<semaphore_mem>>)
      %dma_wait3A_93 = arith.constant 0 : i32
      %dma_wait3A_94 = tpu.memref_slice %arg21[%multiple_of3A, %dma_wait3A_93] : memref<10000x128xf32, #tpu.memory_space<vmem_shared>> -> memref<624x128xf32, #tpu.memory_space<vmem_shared>>
      %dma_wait3A_95 = arith.constant 0 : i32
      %dma_wait3A_96 = tpu.memref_slice %arg5[%multiple_of3A, %dma_wait3A_95] : memref<10000x128xf32, #tpu.memory_space<hbm>> -> memref<624x128xf32, #tpu.memory_space<hbm>>
      tpu.wait_dma2 semaphore(%run_scoped3A : memref<!tpu.dma_semaphore, #tpu.memory_space<semaphore_mem>>) src(%dma_wait3A_96 : memref<624x128xf32, #tpu.memory_space<hbm>>) dst(%dma_wait3A_94 : memref<624x128xf32, #tpu.memory_space<vmem_shared>>)
      tpu.yield
    }) : () -> ()
    %eq3A = arith.constant 15 : i32
    %eq3A_5 = arith.cmpi eq, %arg1, %eq3A : i32
    %convert_element_type3A = arith.extui %eq3A_5 : i1 to i32
    %cond3A = arith.constant 0 : i32
    %cond3A_6 = arith.cmpi ne, %convert_element_type3A, %cond3A : i32
    scf.if %cond3A_6 {
      "tpu.region"() ({
        %run_scoped3A = tpu.sem_alloc : memref<!tpu.dma_semaphore, #tpu.memory_space<semaphore_mem>>
        %dma_start3A_89 = arith.constant 9984 : i32
        %dma_start3A_90 = arith.constant 0 : i32
        %dma_start3A_91 = tpu.memref_slice %arg21[%dma_start3A_89, %dma_start3A_90] : memref<10000x128xf32, #tpu.memory_space<vmem_shared>> -> memref<16x128xf32, #tpu.memory_space<vmem_shared>>
        %dma_start3A_92 = arith.constant 9984 : i32
        %dma_start3A_93 = arith.constant 0 : i32
        %dma_start3A_94 = tpu.memref_slice %arg5[%dma_start3A_92, %dma_start3A_93] : memref<10000x128xf32, #tpu.memory_space<hbm>> -> memref<16x128xf32, #tpu.memory_space<hbm>>
        tpu.enqueue_dma source(%dma_start3A_94 : memref<16x128xf32, #tpu.memory_space<hbm>>) target(%dma_start3A_91 : memref<16x128xf32, #tpu.memory_space<vmem_shared>>) target_semaphore(%run_scoped3A : memref<!tpu.dma_semaphore, #tpu.memory_space<semaphore_mem>>)
        %dma_wait3A_95 = arith.constant 9984 : i32
        %dma_wait3A_96 = arith.constant 0 : i32
        %dma_wait3A_97 = tpu.memref_slice %arg21[%dma_wait3A_95, %dma_wait3A_96] : memref<10000x128xf32, #tpu.memory_space<vmem_shared>> -> memref<16x128xf32, #tpu.memory_space<vmem_shared>>
        %dma_wait3A_98 = arith.constant 9984 : i32
        %dma_wait3A_99 = arith.constant 0 : i32
        %dma_wait3A_100 = tpu.memref_slice %arg5[%dma_wait3A_98, %dma_wait3A_99] : memref<10000x128xf32, #tpu.memory_space<hbm>> -> memref<16x128xf32, #tpu.memory_space<hbm>>
        tpu.wait_dma2 semaphore(%run_scoped3A : memref<!tpu.dma_semaphore, #tpu.memory_space<semaphore_mem>>) src(%dma_wait3A_100 : memref<16x128xf32, #tpu.memory_space<hbm>>) dst(%dma_wait3A_97 : memref<16x128xf32, #tpu.memory_space<vmem_shared>>)
        tpu.yield
      }) : () -> ()
    } else {
    }
    "tpu.region"() ({
      %run_scoped3A = tpu.sem_alloc : memref<!tpu.dma_semaphore, #tpu.memory_space<semaphore_mem>>
      %dma_start3A_89 = arith.constant 0 : i32
      %dma_start3A_90 = tpu.memref_slice %arg7[%dma_start3A_89] : memref<5016xi32, #tpu.memory_space<vmem>> -> memref<5000xi32, #tpu.memory_space<vmem>>
      %dma_start3A_91 = tpu.memref_slice %arg3[%mul3A_2] : memref<160000xi32, #tpu.memory_space<hbm>> -> memref<5000xi32, #tpu.memory_space<hbm>>
      %dma_start3A_92 = arith.constant 0 : i32
      %dma_start3A_93 = tpu.memref_slice %arg7[%dma_start3A_92] : memref<5016xi32, #tpu.memory_space<vmem>> -> memref<5000xi32, #tpu.memory_space<vmem>>
      %dma_start3A_94 = tpu.memref_slice %arg3[%mul3A_2] : memref<160000xi32, #tpu.memory_space<hbm>> -> memref<5000xi32, #tpu.memory_space<hbm>>
      tpu.enqueue_dma source(%dma_start3A_94 : memref<5000xi32, #tpu.memory_space<hbm>>) target(%dma_start3A_93 : memref<5000xi32, #tpu.memory_space<vmem>>) target_semaphore(%run_scoped3A : memref<!tpu.dma_semaphore, #tpu.memory_space<semaphore_mem>>)
      %dma_wait3A_95 = arith.constant 0 : i32
      %dma_wait3A_96 = tpu.memref_slice %arg7[%dma_wait3A_95] : memref<5016xi32, #tpu.memory_space<vmem>> -> memref<5000xi32, #tpu.memory_space<vmem>>
      %dma_wait3A_97 = tpu.memref_slice %arg3[%mul3A_2] : memref<160000xi32, #tpu.memory_space<hbm>> -> memref<5000xi32, #tpu.memory_space<hbm>>
      %dma_wait3A_98 = arith.constant 0 : i32
      %dma_wait3A_99 = tpu.memref_slice %arg7[%dma_wait3A_98] : memref<5016xi32, #tpu.memory_space<vmem>> -> memref<5000xi32, #tpu.memory_space<vmem>>
      %dma_wait3A_100 = tpu.memref_slice %arg3[%mul3A_2] : memref<160000xi32, #tpu.memory_space<hbm>> -> memref<5000xi32, #tpu.memory_space<hbm>>
      tpu.wait_dma2 semaphore(%run_scoped3A : memref<!tpu.dma_semaphore, #tpu.memory_space<semaphore_mem>>) src(%dma_wait3A_100 : memref<5000xi32, #tpu.memory_space<hbm>>) dst(%dma_wait3A_99 : memref<5000xi32, #tpu.memory_space<vmem>>)
      tpu.yield
    }) : () -> ()
    "tpu.region"() ({
      %run_scoped3A = tpu.sem_alloc : memref<!tpu.dma_semaphore, #tpu.memory_space<semaphore_mem>>
      %dma_start3A_89 = arith.constant 0 : i32
      %dma_start3A_90 = tpu.memref_slice %arg8[%dma_start3A_89] : memref<5016xi32, #tpu.memory_space<vmem>> -> memref<5000xi32, #tpu.memory_space<vmem>>
      %dma_start3A_91 = tpu.memref_slice %arg4[%mul3A_2] : memref<160000xi32, #tpu.memory_space<hbm>> -> memref<5000xi32, #tpu.memory_space<hbm>>
      %dma_start3A_92 = arith.constant 0 : i32
      %dma_start3A_93 = tpu.memref_slice %arg8[%dma_start3A_92] : memref<5016xi32, #tpu.memory_space<vmem>> -> memref<5000xi32, #tpu.memory_space<vmem>>
      %dma_start3A_94 = tpu.memref_slice %arg4[%mul3A_2] : memref<160000xi32, #tpu.memory_space<hbm>> -> memref<5000xi32, #tpu.memory_space<hbm>>
      tpu.enqueue_dma source(%dma_start3A_94 : memref<5000xi32, #tpu.memory_space<hbm>>) target(%dma_start3A_93 : memref<5000xi32, #tpu.memory_space<vmem>>) target_semaphore(%run_scoped3A : memref<!tpu.dma_semaphore, #tpu.memory_space<semaphore_mem>>)
      %dma_wait3A_95 = arith.constant 0 : i32
      %dma_wait3A_96 = tpu.memref_slice %arg8[%dma_wait3A_95] : memref<5016xi32, #tpu.memory_space<vmem>> -> memref<5000xi32, #tpu.memory_space<vmem>>
      %dma_wait3A_97 = tpu.memref_slice %arg4[%mul3A_2] : memref<160000xi32, #tpu.memory_space<hbm>> -> memref<5000xi32, #tpu.memory_space<hbm>>
      %dma_wait3A_98 = arith.constant 0 : i32
      %dma_wait3A_99 = tpu.memref_slice %arg8[%dma_wait3A_98] : memref<5016xi32, #tpu.memory_space<vmem>> -> memref<5000xi32, #tpu.memory_space<vmem>>
      %dma_wait3A_100 = tpu.memref_slice %arg4[%mul3A_2] : memref<160000xi32, #tpu.memory_space<hbm>> -> memref<5000xi32, #tpu.memory_space<hbm>>
      tpu.wait_dma2 semaphore(%run_scoped3A : memref<!tpu.dma_semaphore, #tpu.memory_space<semaphore_mem>>) src(%dma_wait3A_100 : memref<5000xi32, #tpu.memory_space<hbm>>) dst(%dma_wait3A_99 : memref<5000xi32, #tpu.memory_space<vmem>>)
      tpu.yield
    }) : () -> ()
    %barrier3A = arith.constant 0 : index
    tpu.barrier barrier_id(%barrier3A)
    %scan3A = arith.constant 0 : i32
    %scan3A_7 = arith.constant 0 : i32
    %scan3A_8 = arith.constant 17 : i32
    %scan3A_9 = arith.addi %scan3A_7, %scan3A_8 : i32
    %scan3A_10 = arith.constant 1 : i32
    %scan3A_11 = scf.for %scan3A_89 = %scan3A_7 to %scan3A_9 step %scan3A_10 iter_args(%scan3A_90 = %scan3A) -> (i32)  : i32 {
      %mul3A_91 = arith.constant 3 : i32
      %mul3A_92 = arith.muli %mul3A_91, %scan3A_89 : i32
      %add3A_93 = arith.constant 0 : i32
      %add3A_94 = arith.addi %mul3A_92, %add3A_93 : i32
      %mul3A_95 = arith.constant 96 : i32
      %mul3A_96 = arith.muli %add3A_94, %mul3A_95 : i32
      %add3A_97 = arith.constant 0 : i32
      %add3A_98 = arith.addi %mul3A_96, %add3A_97 : i32
      %get3A_99 = arith.index_cast %add3A_98 : i32 to index
      %get3A_100 = tpu.vector_load %arg7[%get3A_99] {strides = array<i32>} : memref<5016xi32, #tpu.memory_space<vmem>>, vector<16xi32>,
      %swap3A_101 = arith.constant 0 : index
      %swap3A_102 = tpu.vector_load %arg9[%swap3A_101] {strides = array<i32>} : memref<96xi32, #tpu.memory_space<vmem>>, vector<16xi32>,
      tpu.vector_store %arg9[%swap3A_101], %get3A_100 {strides = array<i32>} : memref<96xi32, #tpu.memory_space<vmem>>, vector<16xi32>,
      %mul3A_103 = arith.constant 96 : i32
      %mul3A_104 = arith.muli %add3A_94, %mul3A_103 : i32
      %add3A_105 = arith.constant 16 : i32
      %add3A_106 = arith.addi %mul3A_104, %add3A_105 : i32
      %get3A_107 = arith.index_cast %add3A_106 : i32 to index
      %get3A_108 = tpu.vector_load %arg7[%get3A_107] {strides = array<i32>} : memref<5016xi32, #tpu.memory_space<vmem>>, vector<16xi32>,
      %swap3A_109 = arith.constant 16 : index
      %swap3A_110 = tpu.vector_load %arg9[%swap3A_109] {strides = array<i32>} : memref<96xi32, #tpu.memory_space<vmem>>, vector<16xi32>,
      tpu.vector_store %arg9[%swap3A_109], %get3A_108 {strides = array<i32>} : memref<96xi32, #tpu.memory_space<vmem>>, vector<16xi32>,
      %mul3A_111 = arith.constant 96 : i32
      %mul3A_112 = arith.muli %add3A_94, %mul3A_111 : i32
      %add3A_113 = arith.constant 32 : i32
      %add3A_114 = arith.addi %mul3A_112, %add3A_113 : i32
      %get3A_115 = arith.index_cast %add3A_114 : i32 to index
      %get3A_116 = tpu.vector_load %arg7[%get3A_115] {strides = array<i32>} : memref<5016xi32, #tpu.memory_space<vmem>>, vector<16xi32>,
      %swap3A_117 = arith.constant 32 : index
      %swap3A_118 = tpu.vector_load %arg9[%swap3A_117] {strides = array<i32>} : memref<96xi32, #tpu.memory_space<vmem>>, vector<16xi32>,
      tpu.vector_store %arg9[%swap3A_117], %get3A_116 {strides = array<i32>} : memref<96xi32, #tpu.memory_space<vmem>>, vector<16xi32>,
      %mul3A_119 = arith.constant 96 : i32
      %mul3A_120 = arith.muli %add3A_94, %mul3A_119 : i32
      %add3A_121 = arith.constant 48 : i32
      %add3A_122 = arith.addi %mul3A_120, %add3A_121 : i32
      %get3A_123 = arith.index_cast %add3A_122 : i32 to index
      %get3A_124 = tpu.vector_load %arg7[%get3A_123] {strides = array<i32>} : memref<5016xi32, #tpu.memory_space<vmem>>, vector<16xi32>,
      %swap3A_125 = arith.constant 48 : index
      %swap3A_126 = tpu.vector_load %arg9[%swap3A_125] {strides = array<i32>} : memref<96xi32, #tpu.memory_space<vmem>>, vector<16xi32>,
      tpu.vector_store %arg9[%swap3A_125], %get3A_124 {strides = array<i32>} : memref<96xi32, #tpu.memory_space<vmem>>, vector<16xi32>,
      %mul3A_127 = arith.constant 96 : i32
      %mul3A_128 = arith.muli %add3A_94, %mul3A_127 : i32
      %add3A_129 = arith.constant 64 : i32
      %add3A_130 = arith.addi %mul3A_128, %add3A_129 : i32
      %get3A_131 = arith.index_cast %add3A_130 : i32 to index
      %get3A_132 = tpu.vector_load %arg7[%get3A_131] {strides = array<i32>} : memref<5016xi32, #tpu.memory_space<vmem>>, vector<16xi32>,
      %swap3A_133 = arith.constant 64 : index
      %swap3A_134 = tpu.vector_load %arg9[%swap3A_133] {strides = array<i32>} : memref<96xi32, #tpu.memory_space<vmem>>, vector<16xi32>,
      tpu.vector_store %arg9[%swap3A_133], %get3A_132 {strides = array<i32>} : memref<96xi32, #tpu.memory_space<vmem>>, vector<16xi32>,
      %mul3A_135 = arith.constant 96 : i32
      %mul3A_136 = arith.muli %add3A_94, %mul3A_135 : i32
      %add3A_137 = arith.constant 80 : i32
      %add3A_138 = arith.addi %mul3A_136, %add3A_137 : i32
      %get3A_139 = arith.index_cast %add3A_138 : i32 to index
      %get3A_140 = tpu.vector_load %arg7[%get3A_139] {strides = array<i32>} : memref<5016xi32, #tpu.memory_space<vmem>>, vector<16xi32>,
      %swap3A_141 = arith.constant 80 : index
      %swap3A_142 = tpu.vector_load %arg9[%swap3A_141] {strides = array<i32>} : memref<96xi32, #tpu.memory_space<vmem>>, vector<16xi32>,
      tpu.vector_store %arg9[%swap3A_141], %get3A_140 {strides = array<i32>} : memref<96xi32, #tpu.memory_space<vmem>>, vector<16xi32>,
      %add3A_143 = arith.constant 0 : i32
      %add3A_144 = arith.addi %mul3A_92, %add3A_143 : i32
      %mul3A_145 = arith.constant 96 : i32
      %mul3A_146 = arith.muli %add3A_144, %mul3A_145 : i32
      %add3A_147 = arith.constant 0 : i32
      %add3A_148 = arith.addi %mul3A_146, %add3A_147 : i32
      %get3A_149 = arith.index_cast %add3A_148 : i32 to index
      %get3A_150 = tpu.vector_load %arg8[%get3A_149] {strides = array<i32>} : memref<5016xi32, #tpu.memory_space<vmem>>, vector<16xi32>,
      %swap3A_151 = arith.constant 0 : index
      %swap3A_152 = tpu.vector_load %arg12[%swap3A_151] {strides = array<i32>} : memref<96xi32, #tpu.memory_space<vmem>>, vector<16xi32>,
      tpu.vector_store %arg12[%swap3A_151], %get3A_150 {strides = array<i32>} : memref<96xi32, #tpu.memory_space<vmem>>, vector<16xi32>,
      %mul3A_153 = arith.constant 96 : i32
      %mul3A_154 = arith.muli %add3A_144, %mul3A_153 : i32
      %add3A_155 = arith.constant 16 : i32
      %add3A_156 = arith.addi %mul3A_154, %add3A_155 : i32
      %get3A_157 = arith.index_cast %add3A_156 : i32 to index
      %get3A_158 = tpu.vector_load %arg8[%get3A_157] {strides = array<i32>} : memref<5016xi32, #tpu.memory_space<vmem>>, vector<16xi32>,
      %swap3A_159 = arith.constant 16 : index
      %swap3A_160 = tpu.vector_load %arg12[%swap3A_159] {strides = array<i32>} : memref<96xi32, #tpu.memory_space<vmem>>, vector<16xi32>,
      tpu.vector_store %arg12[%swap3A_159], %get3A_158 {strides = array<i32>} : memref<96xi32, #tpu.memory_space<vmem>>, vector<16xi32>,
      %mul3A_161 = arith.constant 96 : i32
      %mul3A_162 = arith.muli %add3A_144, %mul3A_161 : i32
      %add3A_163 = arith.constant 32 : i32
      %add3A_164 = arith.addi %mul3A_162, %add3A_163 : i32
      %get3A_165 = arith.index_cast %add3A_164 : i32 to index
      %get3A_166 = tpu.vector_load %arg8[%get3A_165] {strides = array<i32>} : memref<5016xi32, #tpu.memory_space<vmem>>, vector<16xi32>,
      %swap3A_167 = arith.constant 32 : index
      %swap3A_168 = tpu.vector_load %arg12[%swap3A_167] {strides = array<i32>} : memref<96xi32, #tpu.memory_space<vmem>>, vector<16xi32>,
      tpu.vector_store %arg12[%swap3A_167], %get3A_166 {strides = array<i32>} : memref<96xi32, #tpu.memory_space<vmem>>, vector<16xi32>,
      %mul3A_169 = arith.constant 96 : i32
      %mul3A_170 = arith.muli %add3A_144, %mul3A_169 : i32
      %add3A_171 = arith.constant 48 : i32
      %add3A_172 = arith.addi %mul3A_170, %add3A_171 : i32
      %get3A_173 = arith.index_cast %add3A_172 : i32 to index
      %get3A_174 = tpu.vector_load %arg8[%get3A_173] {strides = array<i32>} : memref<5016xi32, #tpu.memory_space<vmem>>, vector<16xi32>,
      %swap3A_175 = arith.constant 48 : index
      %swap3A_176 = tpu.vector_load %arg12[%swap3A_175] {strides = array<i32>} : memref<96xi32, #tpu.memory_space<vmem>>, vector<16xi32>,
      tpu.vector_store %arg12[%swap3A_175], %get3A_174 {strides = array<i32>} : memref<96xi32, #tpu.memory_space<vmem>>, vector<16xi32>,
      %mul3A_177 = arith.constant 96 : i32
      %mul3A_178 = arith.muli %add3A_144, %mul3A_177 : i32
      %add3A_179 = arith.constant 64 : i32
      %add3A_180 = arith.addi %mul3A_178, %add3A_179 : i32
      %get3A_181 = arith.index_cast %add3A_180 : i32 to index
      %get3A_182 = tpu.vector_load %arg8[%get3A_181] {strides = array<i32>} : memref<5016xi32, #tpu.memory_space<vmem>>, vector<16xi32>,
      %swap3A_183 = arith.constant 64 : index
      %swap3A_184 = tpu.vector_load %arg12[%swap3A_183] {strides = array<i32>} : memref<96xi32, #tpu.memory_space<vmem>>, vector<16xi32>,
      tpu.vector_store %arg12[%swap3A_183], %get3A_182 {strides = array<i32>} : memref<96xi32, #tpu.memory_space<vmem>>, vector<16xi32>,
      %mul3A_185 = arith.constant 96 : i32
      %mul3A_186 = arith.muli %add3A_144, %mul3A_185 : i32
      %add3A_187 = arith.constant 80 : i32
      %add3A_188 = arith.addi %mul3A_186, %add3A_187 : i32
      %get3A_189 = arith.index_cast %add3A_188 : i32 to index
      %get3A_190 = tpu.vector_load %arg8[%get3A_189] {strides = array<i32>} : memref<5016xi32, #tpu.memory_space<vmem>>, vector<16xi32>,
      %swap3A_191 = arith.constant 80 : index
      %swap3A_192 = tpu.vector_load %arg12[%swap3A_191] {strides = array<i32>} : memref<96xi32, #tpu.memory_space<vmem>>, vector<16xi32>,
      tpu.vector_store %arg12[%swap3A_191], %get3A_190 {strides = array<i32>} : memref<96xi32, #tpu.memory_space<vmem>>, vector<16xi32>,
      %dma_start3A_193 = arith.constant 0 : i32
      %dma_start3A_194 = arith.constant 0 : i32
      %dma_start3A_195 = tpu.memref_slice %arg2[%dma_start3A_193, %dma_start3A_194] : memref<10000x128xf32, #tpu.memory_space<hbm>> -> memref<10000x128xf32, #tpu.memory_space<hbm>>
      tpu.enqueue_indirect_dma source(%dma_start3A_195 : memref<10000x128xf32, #tpu.memory_space<hbm>>) target(%arg15 : memref<96x128xf32, #tpu.memory_space<vmem>>) offsets(%arg9 : memref<96xi32, #tpu.memory_space<vmem>>) semaphore(%arg22 : memref<!tpu.dma_semaphore, #tpu.memory_space<semaphore_mem>>)
      %add3A_196 = arith.constant 1 : i32
      %add3A_197 = arith.addi %mul3A_92, %add3A_196 : i32
      %mul3A_198 = arith.constant 96 : i32
      %mul3A_199 = arith.muli %add3A_197, %mul3A_198 : i32
      %add3A_200 = arith.constant 0 : i32
      %add3A_201 = arith.addi %mul3A_199, %add3A_200 : i32
      %get3A_202 = arith.index_cast %add3A_201 : i32 to index
      %get3A_203 = tpu.vector_load %arg7[%get3A_202] {strides = array<i32>} : memref<5016xi32, #tpu.memory_space<vmem>>, vector<16xi32>,
      %swap3A_204 = arith.constant 0 : index
      %swap3A_205 = tpu.vector_load %arg10[%swap3A_204] {strides = array<i32>} : memref<96xi32, #tpu.memory_space<vmem>>, vector<16xi32>,
      tpu.vector_store %arg10[%swap3A_204], %get3A_203 {strides = array<i32>} : memref<96xi32, #tpu.memory_space<vmem>>, vector<16xi32>,
      %mul3A_206 = arith.constant 96 : i32
      %mul3A_207 = arith.muli %add3A_197, %mul3A_206 : i32
      %add3A_208 = arith.constant 16 : i32
      %add3A_209 = arith.addi %mul3A_207, %add3A_208 : i32
      %get3A_210 = arith.index_cast %add3A_209 : i32 to index
      %get3A_211 = tpu.vector_load %arg7[%get3A_210] {strides = array<i32>} : memref<5016xi32, #tpu.memory_space<vmem>>, vector<16xi32>,
      %swap3A_212 = arith.constant 16 : index
      %swap3A_213 = tpu.vector_load %arg10[%swap3A_212] {strides = array<i32>} : memref<96xi32, #tpu.memory_space<vmem>>, vector<16xi32>,
      tpu.vector_store %arg10[%swap3A_212], %get3A_211 {strides = array<i32>} : memref<96xi32, #tpu.memory_space<vmem>>, vector<16xi32>,
      %mul3A_214 = arith.constant 96 : i32
      %mul3A_215 = arith.muli %add3A_197, %mul3A_214 : i32
      %add3A_216 = arith.constant 32 : i32
      %add3A_217 = arith.addi %mul3A_215, %add3A_216 : i32
      %get3A_218 = arith.index_cast %add3A_217 : i32 to index
      %get3A_219 = tpu.vector_load %arg7[%get3A_218] {strides = array<i32>} : memref<5016xi32, #tpu.memory_space<vmem>>, vector<16xi32>,
      %swap3A_220 = arith.constant 32 : index
      %swap3A_221 = tpu.vector_load %arg10[%swap3A_220] {strides = array<i32>} : memref<96xi32, #tpu.memory_space<vmem>>, vector<16xi32>,
      tpu.vector_store %arg10[%swap3A_220], %get3A_219 {strides = array<i32>} : memref<96xi32, #tpu.memory_space<vmem>>, vector<16xi32>,
      %mul3A_222 = arith.constant 96 : i32
      %mul3A_223 = arith.muli %add3A_197, %mul3A_222 : i32
      %add3A_224 = arith.constant 48 : i32
      %add3A_225 = arith.addi %mul3A_223, %add3A_224 : i32
      %get3A_226 = arith.index_cast %add3A_225 : i32 to index
      %get3A_227 = tpu.vector_load %arg7[%get3A_226] {strides = array<i32>} : memref<5016xi32, #tpu.memory_space<vmem>>, vector<16xi32>,
      %swap3A_228 = arith.constant 48 : index
      %swap3A_229 = tpu.vector_load %arg10[%swap3A_228] {strides = array<i32>} : memref<96xi32, #tpu.memory_space<vmem>>, vector<16xi32>,
      tpu.vector_store %arg10[%swap3A_228], %get3A_227 {strides = array<i32>} : memref<96xi32, #tpu.memory_space<vmem>>, vector<16xi32>,
      %mul3A_230 = arith.constant 96 : i32
      %mul3A_231 = arith.muli %add3A_197, %mul3A_230 : i32
      %add3A_232 = arith.constant 64 : i32
      %add3A_233 = arith.addi %mul3A_231, %add3A_232 : i32
      %get3A_234 = arith.index_cast %add3A_233 : i32 to index
      %get3A_235 = tpu.vector_load %arg7[%get3A_234] {strides = array<i32>} : memref<5016xi32, #tpu.memory_space<vmem>>, vector<16xi32>,
      %swap3A_236 = arith.constant 64 : index
      %swap3A_237 = tpu.vector_load %arg10[%swap3A_236] {strides = array<i32>} : memref<96xi32, #tpu.memory_space<vmem>>, vector<16xi32>,
      tpu.vector_store %arg10[%swap3A_236], %get3A_235 {strides = array<i32>} : memref<96xi32, #tpu.memory_space<vmem>>, vector<16xi32>,
      %mul3A_238 = arith.constant 96 : i32
      %mul3A_239 = arith.muli %add3A_197, %mul3A_238 : i32
      %add3A_240 = arith.constant 80 : i32
      %add3A_241 = arith.addi %mul3A_239, %add3A_240 : i32
      %get3A_242 = arith.index_cast %add3A_241 : i32 to index
      %get3A_243 = tpu.vector_load %arg7[%get3A_242] {strides = array<i32>} : memref<5016xi32, #tpu.memory_space<vmem>>, vector<16xi32>,
      %swap3A_244 = arith.constant 80 : index
      %swap3A_245 = tpu.vector_load %arg10[%swap3A_244] {strides = array<i32>} : memref<96xi32, #tpu.memory_space<vmem>>, vector<16xi32>,
      tpu.vector_store %arg10[%swap3A_244], %get3A_243 {strides = array<i32>} : memref<96xi32, #tpu.memory_space<vmem>>, vector<16xi32>,
      %add3A_246 = arith.constant 1 : i32
      %add3A_247 = arith.addi %mul3A_92, %add3A_246 : i32
      %mul3A_248 = arith.constant 96 : i32
      %mul3A_249 = arith.muli %add3A_247, %mul3A_248 : i32
      %add3A_250 = arith.constant 0 : i32
      %add3A_251 = arith.addi %mul3A_249, %add3A_250 : i32
      %get3A_252 = arith.index_cast %add3A_251 : i32 to index
      %get3A_253 = tpu.vector_load %arg8[%get3A_252] {strides = array<i32>} : memref<5016xi32, #tpu.memory_space<vmem>>, vector<16xi32>,
      %swap3A_254 = arith.constant 0 : index
      %swap3A_255 = tpu.vector_load %arg13[%swap3A_254] {strides = array<i32>} : memref<96xi32, #tpu.memory_space<vmem>>, vector<16xi32>,
      tpu.vector_store %arg13[%swap3A_254], %get3A_253 {strides = array<i32>} : memref<96xi32, #tpu.memory_space<vmem>>, vector<16xi32>,
      %mul3A_256 = arith.constant 96 : i32
      %mul3A_257 = arith.muli %add3A_247, %mul3A_256 : i32
      %add3A_258 = arith.constant 16 : i32
      %add3A_259 = arith.addi %mul3A_257, %add3A_258 : i32
      %get3A_260 = arith.index_cast %add3A_259 : i32 to index
      %get3A_261 = tpu.vector_load %arg8[%get3A_260] {strides = array<i32>} : memref<5016xi32, #tpu.memory_space<vmem>>, vector<16xi32>,
      %swap3A_262 = arith.constant 16 : index
      %swap3A_263 = tpu.vector_load %arg13[%swap3A_262] {strides = array<i32>} : memref<96xi32, #tpu.memory_space<vmem>>, vector<16xi32>,
      tpu.vector_store %arg13[%swap3A_262], %get3A_261 {strides = array<i32>} : memref<96xi32, #tpu.memory_space<vmem>>, vector<16xi32>,
      %mul3A_264 = arith.constant 96 : i32
      %mul3A_265 = arith.muli %add3A_247, %mul3A_264 : i32
      %add3A_266 = arith.constant 32 : i32
      %add3A_267 = arith.addi %mul3A_265, %add3A_266 : i32
      %get3A_268 = arith.index_cast %add3A_267 : i32 to index
      %get3A_269 = tpu.vector_load %arg8[%get3A_268] {strides = array<i32>} : memref<5016xi32, #tpu.memory_space<vmem>>, vector<16xi32>,
      %swap3A_270 = arith.constant 32 : index
      %swap3A_271 = tpu.vector_load %arg13[%swap3A_270] {strides = array<i32>} : memref<96xi32, #tpu.memory_space<vmem>>, vector<16xi32>,
      tpu.vector_store %arg13[%swap3A_270], %get3A_269 {strides = array<i32>} : memref<96xi32, #tpu.memory_space<vmem>>, vector<16xi32>,
      %mul3A_272 = arith.constant 96 : i32
      %mul3A_273 = arith.muli %add3A_247, %mul3A_272 : i32
      %add3A_274 = arith.constant 48 : i32
      %add3A_275 = arith.addi %mul3A_273, %add3A_274 : i32
      %get3A_276 = arith.index_cast %add3A_275 : i32 to index
      %get3A_277 = tpu.vector_load %arg8[%get3A_276] {strides = array<i32>} : memref<5016xi32, #tpu.memory_space<vmem>>, vector<16xi32>,
      %swap3A_278 = arith.constant 48 : index
      %swap3A_279 = tpu.vector_load %arg13[%swap3A_278] {strides = array<i32>} : memref<96xi32, #tpu.memory_space<vmem>>, vector<16xi32>,
      tpu.vector_store %arg13[%swap3A_278], %get3A_277 {strides = array<i32>} : memref<96xi32, #tpu.memory_space<vmem>>, vector<16xi32>,
      %mul3A_280 = arith.constant 96 : i32
      %mul3A_281 = arith.muli %add3A_247, %mul3A_280 : i32
      %add3A_282 = arith.constant 64 : i32
      %add3A_283 = arith.addi %mul3A_281, %add3A_282 : i32
      %get3A_284 = arith.index_cast %add3A_283 : i32 to index
      %get3A_285 = tpu.vector_load %arg8[%get3A_284] {strides = array<i32>} : memref<5016xi32, #tpu.memory_space<vmem>>, vector<16xi32>,
      %swap3A_286 = arith.constant 64 : index
      %swap3A_287 = tpu.vector_load %arg13[%swap3A_286] {strides = array<i32>} : memref<96xi32, #tpu.memory_space<vmem>>, vector<16xi32>,
      tpu.vector_store %arg13[%swap3A_286], %get3A_285 {strides = array<i32>} : memref<96xi32, #tpu.memory_space<vmem>>, vector<16xi32>,
      %mul3A_288 = arith.constant 96 : i32
      %mul3A_289 = arith.muli %add3A_247, %mul3A_288 : i32
      %add3A_290 = arith.constant 80 : i32
      %add3A_291 = arith.addi %mul3A_289, %add3A_290 : i32
      %get3A_292 = arith.index_cast %add3A_291 : i32 to index
      %get3A_293 = tpu.vector_load %arg8[%get3A_292] {strides = array<i32>} : memref<5016xi32, #tpu.memory_space<vmem>>, vector<16xi32>,
      %swap3A_294 = arith.constant 80 : index
      %swap3A_295 = tpu.vector_load %arg13[%swap3A_294] {strides = array<i32>} : memref<96xi32, #tpu.memory_space<vmem>>, vector<16xi32>,
      tpu.vector_store %arg13[%swap3A_294], %get3A_293 {strides = array<i32>} : memref<96xi32, #tpu.memory_space<vmem>>, vector<16xi32>,
      %dma_start3A_296 = arith.constant 0 : i32
      %dma_start3A_297 = arith.constant 0 : i32
      %dma_start3A_298 = tpu.memref_slice %arg2[%dma_start3A_296, %dma_start3A_297] : memref<10000x128xf32, #tpu.memory_space<hbm>> -> memref<10000x128xf32, #tpu.memory_space<hbm>>
      tpu.enqueue_indirect_dma source(%dma_start3A_298 : memref<10000x128xf32, #tpu.memory_space<hbm>>) target(%arg16 : memref<96x128xf32, #tpu.memory_space<vmem>>) offsets(%arg10 : memref<96xi32, #tpu.memory_space<vmem>>) semaphore(%arg23 : memref<!tpu.dma_semaphore, #tpu.memory_space<semaphore_mem>>)
      %add3A_299 = arith.constant 2 : i32
      %add3A_300 = arith.addi %mul3A_92, %add3A_299 : i32
      %mul3A_301 = arith.constant 96 : i32
      %mul3A_302 = arith.muli %add3A_300, %mul3A_301 : i32
      %add3A_303 = arith.constant 0 : i32
      %add3A_304 = arith.addi %mul3A_302, %add3A_303 : i32
      %get3A_305 = arith.index_cast %add3A_304 : i32 to index
      %get3A_306 = tpu.vector_load %arg7[%get3A_305] {strides = array<i32>} : memref<5016xi32, #tpu.memory_space<vmem>>, vector<16xi32>,
      %swap3A_307 = arith.constant 0 : index
      %swap3A_308 = tpu.vector_load %arg11[%swap3A_307] {strides = array<i32>} : memref<96xi32, #tpu.memory_space<vmem>>, vector<16xi32>,
      tpu.vector_store %arg11[%swap3A_307], %get3A_306 {strides = array<i32>} : memref<96xi32, #tpu.memory_space<vmem>>, vector<16xi32>,
      %mul3A_309 = arith.constant 96 : i32
      %mul3A_310 = arith.muli %add3A_300, %mul3A_309 : i32
      %add3A_311 = arith.constant 16 : i32
      %add3A_312 = arith.addi %mul3A_310, %add3A_311 : i32
      %get3A_313 = arith.index_cast %add3A_312 : i32 to index
      %get3A_314 = tpu.vector_load %arg7[%get3A_313] {strides = array<i32>} : memref<5016xi32, #tpu.memory_space<vmem>>, vector<16xi32>,
      %swap3A_315 = arith.constant 16 : index
      %swap3A_316 = tpu.vector_load %arg11[%swap3A_315] {strides = array<i32>} : memref<96xi32, #tpu.memory_space<vmem>>, vector<16xi32>,
      tpu.vector_store %arg11[%swap3A_315], %get3A_314 {strides = array<i32>} : memref<96xi32, #tpu.memory_space<vmem>>, vector<16xi32>,
      %mul3A_317 = arith.constant 96 : i32
      %mul3A_318 = arith.muli %add3A_300, %mul3A_317 : i32
      %add3A_319 = arith.constant 32 : i32
      %add3A_320 = arith.addi %mul3A_318, %add3A_319 : i32
      %get3A_321 = arith.index_cast %add3A_320 : i32 to index
      %get3A_322 = tpu.vector_load %arg7[%get3A_321] {strides = array<i32>} : memref<5016xi32, #tpu.memory_space<vmem>>, vector<16xi32>,
      %swap3A_323 = arith.constant 32 : index
      %swap3A_324 = tpu.vector_load %arg11[%swap3A_323] {strides = array<i32>} : memref<96xi32, #tpu.memory_space<vmem>>, vector<16xi32>,
      tpu.vector_store %arg11[%swap3A_323], %get3A_322 {strides = array<i32>} : memref<96xi32, #tpu.memory_space<vmem>>, vector<16xi32>,
      %mul3A_325 = arith.constant 96 : i32
      %mul3A_326 = arith.muli %add3A_300, %mul3A_325 : i32
      %add3A_327 = arith.constant 48 : i32
      %add3A_328 = arith.addi %mul3A_326, %add3A_327 : i32
      %get3A_329 = arith.index_cast %add3A_328 : i32 to index
      %get3A_330 = tpu.vector_load %arg7[%get3A_329] {strides = array<i32>} : memref<5016xi32, #tpu.memory_space<vmem>>, vector<16xi32>,
      %swap3A_331 = arith.constant 48 : index
      %swap3A_332 = tpu.vector_load %arg11[%swap3A_331] {strides = array<i32>} : memref<96xi32, #tpu.memory_space<vmem>>, vector<16xi32>,
      tpu.vector_store %arg11[%swap3A_331], %get3A_330 {strides = array<i32>} : memref<96xi32, #tpu.memory_space<vmem>>, vector<16xi32>,
      %mul3A_333 = arith.constant 96 : i32
      %mul3A_334 = arith.muli %add3A_300, %mul3A_333 : i32
      %add3A_335 = arith.constant 64 : i32
      %add3A_336 = arith.addi %mul3A_334, %add3A_335 : i32
      %get3A_337 = arith.index_cast %add3A_336 : i32 to index
      %get3A_338 = tpu.vector_load %arg7[%get3A_337] {strides = array<i32>} : memref<5016xi32, #tpu.memory_space<vmem>>, vector<16xi32>,
      %swap3A_339 = arith.constant 64 : index
      %swap3A_340 = tpu.vector_load %arg11[%swap3A_339] {strides = array<i32>} : memref<96xi32, #tpu.memory_space<vmem>>, vector<16xi32>,
      tpu.vector_store %arg11[%swap3A_339], %get3A_338 {strides = array<i32>} : memref<96xi32, #tpu.memory_space<vmem>>, vector<16xi32>,
      %mul3A_341 = arith.constant 96 : i32
      %mul3A_342 = arith.muli %add3A_300, %mul3A_341 : i32
      %add3A_343 = arith.constant 80 : i32
      %add3A_344 = arith.addi %mul3A_342, %add3A_343 : i32
      %get3A_345 = arith.index_cast %add3A_344 : i32 to index
      %get3A_346 = tpu.vector_load %arg7[%get3A_345] {strides = array<i32>} : memref<5016xi32, #tpu.memory_space<vmem>>, vector<16xi32>,
      %swap3A_347 = arith.constant 80 : index
      %swap3A_348 = tpu.vector_load %arg11[%swap3A_347] {strides = array<i32>} : memref<96xi32, #tpu.memory_space<vmem>>, vector<16xi32>,
      tpu.vector_store %arg11[%swap3A_347], %get3A_346 {strides = array<i32>} : memref<96xi32, #tpu.memory_space<vmem>>, vector<16xi32>,
      %add3A_349 = arith.constant 2 : i32
      %add3A_350 = arith.addi %mul3A_92, %add3A_349 : i32
      %mul3A_351 = arith.constant 96 : i32
      %mul3A_352 = arith.muli %add3A_350, %mul3A_351 : i32
      %add3A_353 = arith.constant 0 : i32
      %add3A_354 = arith.addi %mul3A_352, %add3A_353 : i32
      %get3A_355 = arith.index_cast %add3A_354 : i32 to index
      %get3A_356 = tpu.vector_load %arg8[%get3A_355] {strides = array<i32>} : memref<5016xi32, #tpu.memory_space<vmem>>, vector<16xi32>,
      %swap3A_357 = arith.constant 0 : index
      %swap3A_358 = tpu.vector_load %arg14[%swap3A_357] {strides = array<i32>} : memref<96xi32, #tpu.memory_space<vmem>>, vector<16xi32>,
      tpu.vector_store %arg14[%swap3A_357], %get3A_356 {strides = array<i32>} : memref<96xi32, #tpu.memory_space<vmem>>, vector<16xi32>,
      %mul3A_359 = arith.constant 96 : i32
      %mul3A_360 = arith.muli %add3A_350, %mul3A_359 : i32
      %add3A_361 = arith.constant 16 : i32
      %add3A_362 = arith.addi %mul3A_360, %add3A_361 : i32
      %get3A_363 = arith.index_cast %add3A_362 : i32 to index
      %get3A_364 = tpu.vector_load %arg8[%get3A_363] {strides = array<i32>} : memref<5016xi32, #tpu.memory_space<vmem>>, vector<16xi32>,
      %swap3A_365 = arith.constant 16 : index
      %swap3A_366 = tpu.vector_load %arg14[%swap3A_365] {strides = array<i32>} : memref<96xi32, #tpu.memory_space<vmem>>, vector<16xi32>,
      tpu.vector_store %arg14[%swap3A_365], %get3A_364 {strides = array<i32>} : memref<96xi32, #tpu.memory_space<vmem>>, vector<16xi32>,
      %mul3A_367 = arith.constant 96 : i32
      %mul3A_368 = arith.muli %add3A_350, %mul3A_367 : i32
      %add3A_369 = arith.constant 32 : i32
      %add3A_370 = arith.addi %mul3A_368, %add3A_369 : i32
      %get3A_371 = arith.index_cast %add3A_370 : i32 to index
      %get3A_372 = tpu.vector_load %arg8[%get3A_371] {strides = array<i32>} : memref<5016xi32, #tpu.memory_space<vmem>>, vector<16xi32>,
      %swap3A_373 = arith.constant 32 : index
      %swap3A_374 = tpu.vector_load %arg14[%swap3A_373] {strides = array<i32>} : memref<96xi32, #tpu.memory_space<vmem>>, vector<16xi32>,
      tpu.vector_store %arg14[%swap3A_373], %get3A_372 {strides = array<i32>} : memref<96xi32, #tpu.memory_space<vmem>>, vector<16xi32>,
      %mul3A_375 = arith.constant 96 : i32
      %mul3A_376 = arith.muli %add3A_350, %mul3A_375 : i32
      %add3A_377 = arith.constant 48 : i32
      %add3A_378 = arith.addi %mul3A_376, %add3A_377 : i32
      %get3A_379 = arith.index_cast %add3A_378 : i32 to index
      %get3A_380 = tpu.vector_load %arg8[%get3A_379] {strides = array<i32>} : memref<5016xi32, #tpu.memory_space<vmem>>, vector<16xi32>,
      %swap3A_381 = arith.constant 48 : index
      %swap3A_382 = tpu.vector_load %arg14[%swap3A_381] {strides = array<i32>} : memref<96xi32, #tpu.memory_space<vmem>>, vector<16xi32>,
      tpu.vector_store %arg14[%swap3A_381], %get3A_380 {strides = array<i32>} : memref<96xi32, #tpu.memory_space<vmem>>, vector<16xi32>,
      %mul3A_383 = arith.constant 96 : i32
      %mul3A_384 = arith.muli %add3A_350, %mul3A_383 : i32
      %add3A_385 = arith.constant 64 : i32
      %add3A_386 = arith.addi %mul3A_384, %add3A_385 : i32
      %get3A_387 = arith.index_cast %add3A_386 : i32 to index
      %get3A_388 = tpu.vector_load %arg8[%get3A_387] {strides = array<i32>} : memref<5016xi32, #tpu.memory_space<vmem>>, vector<16xi32>,
      %swap3A_389 = arith.constant 64 : index
      %swap3A_390 = tpu.vector_load %arg14[%swap3A_389] {strides = array<i32>} : memref<96xi32, #tpu.memory_space<vmem>>, vector<16xi32>,
      tpu.vector_store %arg14[%swap3A_389], %get3A_388 {strides = array<i32>} : memref<96xi32, #tpu.memory_space<vmem>>, vector<16xi32>,
      %mul3A_391 = arith.constant 96 : i32
      %mul3A_392 = arith.muli %add3A_350, %mul3A_391 : i32
      %add3A_393 = arith.constant 80 : i32
      %add3A_394 = arith.addi %mul3A_392, %add3A_393 : i32
      %get3A_395 = arith.index_cast %add3A_394 : i32 to index
      %get3A_396 = tpu.vector_load %arg8[%get3A_395] {strides = array<i32>} : memref<5016xi32, #tpu.memory_space<vmem>>, vector<16xi32>,
      %swap3A_397 = arith.constant 80 : index
      %swap3A_398 = tpu.vector_load %arg14[%swap3A_397] {strides = array<i32>} : memref<96xi32, #tpu.memory_space<vmem>>, vector<16xi32>,
      tpu.vector_store %arg14[%swap3A_397], %get3A_396 {strides = array<i32>} : memref<96xi32, #tpu.memory_space<vmem>>, vector<16xi32>,
      %dma_start3A_399 = arith.constant 0 : i32
      %dma_start3A_400 = arith.constant 0 : i32
      %dma_start3A_401 = tpu.memref_slice %arg2[%dma_start3A_399, %dma_start3A_400] : memref<10000x128xf32, #tpu.memory_space<hbm>> -> memref<10000x128xf32, #tpu.memory_space<hbm>>
      tpu.enqueue_indirect_dma source(%dma_start3A_401 : memref<10000x128xf32, #tpu.memory_space<hbm>>) target(%arg17 : memref<96x128xf32, #tpu.memory_space<vmem>>) offsets(%arg11 : memref<96xi32, #tpu.memory_space<vmem>>) semaphore(%arg24 : memref<!tpu.dma_semaphore, #tpu.memory_space<semaphore_mem>>)
      %dma_wait3A_402 = arith.constant 0 : i32
      %dma_wait3A_403 = arith.constant 0 : i32
      %dma_wait3A_404 = tpu.memref_slice %arg2[%dma_wait3A_402, %dma_wait3A_403] : memref<10000x128xf32, #tpu.memory_space<hbm>> -> memref<10000x128xf32, #tpu.memory_space<hbm>>
      tpu.wait_indirect_dma semaphore(%arg22 : memref<!tpu.dma_semaphore, #tpu.memory_space<semaphore_mem>>) src(%dma_wait3A_404 : memref<10000x128xf32, #tpu.memory_space<hbm>>) dst(%arg15 : memref<96x128xf32, #tpu.memory_space<vmem>>)
      %dma_start3A_405 = arith.constant 0 : i32
      %dma_start3A_406 = arith.constant 0 : i32
      %dma_start3A_407 = tpu.memref_slice %arg21[%dma_start3A_405, %dma_start3A_406] : memref<10000x128xf32, #tpu.memory_space<vmem_shared>> -> memref<10000x128xf32, #tpu.memory_space<vmem_shared>>
      tpu.enqueue_indirect_dma source(%arg15 : memref<96x128xf32, #tpu.memory_space<vmem>>) target(%dma_start3A_407 : memref<10000x128xf32, #tpu.memory_space<vmem_shared>>) offsets(%arg12 : memref<96xi32, #tpu.memory_space<vmem>>) semaphore(%arg25 : memref<!tpu.dma_semaphore, #tpu.memory_space<semaphore_mem>>) {add = true}
      %dma_wait3A_408 = arith.constant 0 : i32
      %dma_wait3A_409 = arith.constant 0 : i32
      %dma_wait3A_410 = tpu.memref_slice %arg2[%dma_wait3A_408, %dma_wait3A_409] : memref<10000x128xf32, #tpu.memory_space<hbm>> -> memref<10000x128xf32, #tpu.memory_space<hbm>>
      tpu.wait_indirect_dma semaphore(%arg23 : memref<!tpu.dma_semaphore, #tpu.memory_space<semaphore_mem>>) src(%dma_wait3A_410 : memref<10000x128xf32, #tpu.memory_space<hbm>>) dst(%arg16 : memref<96x128xf32, #tpu.memory_space<vmem>>)
      %dma_start3A_411 = arith.constant 0 : i32
      %dma_start3A_412 = arith.constant 0 : i32
      %dma_start3A_413 = tpu.memref_slice %arg21[%dma_start3A_411, %dma_start3A_412] : memref<10000x128xf32, #tpu.memory_space<vmem_shared>> -> memref<10000x128xf32, #tpu.memory_space<vmem_shared>>
      tpu.enqueue_indirect_dma source(%arg16 : memref<96x128xf32, #tpu.memory_space<vmem>>) target(%dma_start3A_413 : memref<10000x128xf32, #tpu.memory_space<vmem_shared>>) offsets(%arg13 : memref<96xi32, #tpu.memory_space<vmem>>) semaphore(%arg26 : memref<!tpu.dma_semaphore, #tpu.memory_space<semaphore_mem>>) {add = true}
      %dma_wait3A_414 = arith.constant 0 : i32
      %dma_wait3A_415 = arith.constant 0 : i32
      %dma_wait3A_416 = tpu.memref_slice %arg2[%dma_wait3A_414, %dma_wait3A_415] : memref<10000x128xf32, #tpu.memory_space<hbm>> -> memref<10000x128xf32, #tpu.memory_space<hbm>>
      tpu.wait_indirect_dma semaphore(%arg24 : memref<!tpu.dma_semaphore, #tpu.memory_space<semaphore_mem>>) src(%dma_wait3A_416 : memref<10000x128xf32, #tpu.memory_space<hbm>>) dst(%arg17 : memref<96x128xf32, #tpu.memory_space<vmem>>)
      %dma_start3A_417 = arith.constant 0 : i32
      %dma_start3A_418 = arith.constant 0 : i32
      %dma_start3A_419 = tpu.memref_slice %arg21[%dma_start3A_417, %dma_start3A_418] : memref<10000x128xf32, #tpu.memory_space<vmem_shared>> -> memref<10000x128xf32, #tpu.memory_space<vmem_shared>>
      tpu.enqueue_indirect_dma source(%arg17 : memref<96x128xf32, #tpu.memory_space<vmem>>) target(%dma_start3A_419 : memref<10000x128xf32, #tpu.memory_space<vmem_shared>>) offsets(%arg14 : memref<96xi32, #tpu.memory_space<vmem>>) semaphore(%arg27 : memref<!tpu.dma_semaphore, #tpu.memory_space<semaphore_mem>>) {add = true}
      %dma_wait3A_420 = arith.constant 0 : i32
      %dma_wait3A_421 = arith.constant 0 : i32
      %dma_wait3A_422 = tpu.memref_slice %arg21[%dma_wait3A_420, %dma_wait3A_421] : memref<10000x128xf32, #tpu.memory_space<vmem_shared>> -> memref<10000x128xf32, #tpu.memory_space<vmem_shared>>
      tpu.wait_indirect_dma semaphore(%arg25 : memref<!tpu.dma_semaphore, #tpu.memory_space<semaphore_mem>>) src(%arg15 : memref<96x128xf32, #tpu.memory_space<vmem>>) dst(%dma_wait3A_422 : memref<10000x128xf32, #tpu.memory_space<vmem_shared>>)
      %dma_wait3A_423 = arith.constant 0 : i32
      %dma_wait3A_424 = arith.constant 0 : i32
      %dma_wait3A_425 = tpu.memref_slice %arg21[%dma_wait3A_423, %dma_wait3A_424] : memref<10000x128xf32, #tpu.memory_space<vmem_shared>> -> memref<10000x128xf32, #tpu.memory_space<vmem_shared>>
      tpu.wait_indirect_dma semaphore(%arg26 : memref<!tpu.dma_semaphore, #tpu.memory_space<semaphore_mem>>) src(%arg16 : memref<96x128xf32, #tpu.memory_space<vmem>>) dst(%dma_wait3A_425 : memref<10000x128xf32, #tpu.memory_space<vmem_shared>>)
      %dma_wait3A_426 = arith.constant 0 : i32
      %dma_wait3A_427 = arith.constant 0 : i32
      %dma_wait3A_428 = tpu.memref_slice %arg21[%dma_wait3A_426, %dma_wait3A_427] : memref<10000x128xf32, #tpu.memory_space<vmem_shared>> -> memref<10000x128xf32, #tpu.memory_space<vmem_shared>>
      tpu.wait_indirect_dma semaphore(%arg27 : memref<!tpu.dma_semaphore, #tpu.memory_space<semaphore_mem>>) src(%arg17 : memref<96x128xf32, #tpu.memory_space<vmem>>) dst(%dma_wait3A_428 : memref<10000x128xf32, #tpu.memory_space<vmem_shared>>)
      %scan3A_429 = arith.constant 0 : i32
      scf.yield %scan3A_429 : i32
    }
    %scan3A_12 = arith.constant 17 : i32
    %get3A = arith.constant 4896 : index
    %get3A_13 = tpu.vector_load %arg7[%get3A] {strides = array<i32>} : memref<5016xi32, #tpu.memory_space<vmem>>, vector<16xi32>,
    %swap3A = arith.constant 0 : index
    %swap3A_14 = tpu.vector_load %arg9[%swap3A] {strides = array<i32>} : memref<96xi32, #tpu.memory_space<vmem>>, vector<16xi32>,
    tpu.vector_store %arg9[%swap3A], %get3A_13 {strides = array<i32>} : memref<96xi32, #tpu.memory_space<vmem>>, vector<16xi32>,
    %get3A_15 = arith.constant 4912 : index
    %get3A_16 = tpu.vector_load %arg7[%get3A_15] {strides = array<i32>} : memref<5016xi32, #tpu.memory_space<vmem>>, vector<16xi32>,
    %swap3A_17 = arith.constant 16 : index
    %swap3A_18 = tpu.vector_load %arg9[%swap3A_17] {strides = array<i32>} : memref<96xi32, #tpu.memory_space<vmem>>, vector<16xi32>,
    tpu.vector_store %arg9[%swap3A_17], %get3A_16 {strides = array<i32>} : memref<96xi32, #tpu.memory_space<vmem>>, vector<16xi32>,
    %get3A_19 = arith.constant 4928 : index
    %get3A_20 = tpu.vector_load %arg7[%get3A_19] {strides = array<i32>} : memref<5016xi32, #tpu.memory_space<vmem>>, vector<16xi32>,
    %swap3A_21 = arith.constant 32 : index
    %swap3A_22 = tpu.vector_load %arg9[%swap3A_21] {strides = array<i32>} : memref<96xi32, #tpu.memory_space<vmem>>, vector<16xi32>,
    tpu.vector_store %arg9[%swap3A_21], %get3A_20 {strides = array<i32>} : memref<96xi32, #tpu.memory_space<vmem>>, vector<16xi32>,
    %get3A_23 = arith.constant 4944 : index
    %get3A_24 = tpu.vector_load %arg7[%get3A_23] {strides = array<i32>} : memref<5016xi32, #tpu.memory_space<vmem>>, vector<16xi32>,
    %swap3A_25 = arith.constant 48 : index
    %swap3A_26 = tpu.vector_load %arg9[%swap3A_25] {strides = array<i32>} : memref<96xi32, #tpu.memory_space<vmem>>, vector<16xi32>,
    tpu.vector_store %arg9[%swap3A_25], %get3A_24 {strides = array<i32>} : memref<96xi32, #tpu.memory_space<vmem>>, vector<16xi32>,
    %get3A_27 = arith.constant 4960 : index
    %get3A_28 = tpu.vector_load %arg7[%get3A_27] {strides = array<i32>} : memref<5016xi32, #tpu.memory_space<vmem>>, vector<16xi32>,
    %swap3A_29 = arith.constant 64 : index
    %swap3A_30 = tpu.vector_load %arg9[%swap3A_29] {strides = array<i32>} : memref<96xi32, #tpu.memory_space<vmem>>, vector<16xi32>,
    tpu.vector_store %arg9[%swap3A_29], %get3A_28 {strides = array<i32>} : memref<96xi32, #tpu.memory_space<vmem>>, vector<16xi32>,
    %get3A_31 = arith.constant 4976 : index
    %get3A_32 = tpu.vector_load %arg7[%get3A_31] {strides = array<i32>} : memref<5016xi32, #tpu.memory_space<vmem>>, vector<16xi32>,
    %swap3A_33 = arith.constant 80 : index
    %swap3A_34 = tpu.vector_load %arg9[%swap3A_33] {strides = array<i32>} : memref<96xi32, #tpu.memory_space<vmem>>, vector<16xi32>,
    tpu.vector_store %arg9[%swap3A_33], %get3A_32 {strides = array<i32>} : memref<96xi32, #tpu.memory_space<vmem>>, vector<16xi32>,
    %get3A_35 = arith.constant 4896 : index
    %get3A_36 = tpu.vector_load %arg8[%get3A_35] {strides = array<i32>} : memref<5016xi32, #tpu.memory_space<vmem>>, vector<16xi32>,
    %swap3A_37 = arith.constant 0 : index
    %swap3A_38 = tpu.vector_load %arg12[%swap3A_37] {strides = array<i32>} : memref<96xi32, #tpu.memory_space<vmem>>, vector<16xi32>,
    tpu.vector_store %arg12[%swap3A_37], %get3A_36 {strides = array<i32>} : memref<96xi32, #tpu.memory_space<vmem>>, vector<16xi32>,
    %get3A_39 = arith.constant 4912 : index
    %get3A_40 = tpu.vector_load %arg8[%get3A_39] {strides = array<i32>} : memref<5016xi32, #tpu.memory_space<vmem>>, vector<16xi32>,
    %swap3A_41 = arith.constant 16 : index
    %swap3A_42 = tpu.vector_load %arg12[%swap3A_41] {strides = array<i32>} : memref<96xi32, #tpu.memory_space<vmem>>, vector<16xi32>,
    tpu.vector_store %arg12[%swap3A_41], %get3A_40 {strides = array<i32>} : memref<96xi32, #tpu.memory_space<vmem>>, vector<16xi32>,
    %get3A_43 = arith.constant 4928 : index
    %get3A_44 = tpu.vector_load %arg8[%get3A_43] {strides = array<i32>} : memref<5016xi32, #tpu.memory_space<vmem>>, vector<16xi32>,
    %swap3A_45 = arith.constant 32 : index
    %swap3A_46 = tpu.vector_load %arg12[%swap3A_45] {strides = array<i32>} : memref<96xi32, #tpu.memory_space<vmem>>, vector<16xi32>,
    tpu.vector_store %arg12[%swap3A_45], %get3A_44 {strides = array<i32>} : memref<96xi32, #tpu.memory_space<vmem>>, vector<16xi32>,
    %get3A_47 = arith.constant 4944 : index
    %get3A_48 = tpu.vector_load %arg8[%get3A_47] {strides = array<i32>} : memref<5016xi32, #tpu.memory_space<vmem>>, vector<16xi32>,
    %swap3A_49 = arith.constant 48 : index
    %swap3A_50 = tpu.vector_load %arg12[%swap3A_49] {strides = array<i32>} : memref<96xi32, #tpu.memory_space<vmem>>, vector<16xi32>,
    tpu.vector_store %arg12[%swap3A_49], %get3A_48 {strides = array<i32>} : memref<96xi32, #tpu.memory_space<vmem>>, vector<16xi32>,
    %get3A_51 = arith.constant 4960 : index
    %get3A_52 = tpu.vector_load %arg8[%get3A_51] {strides = array<i32>} : memref<5016xi32, #tpu.memory_space<vmem>>, vector<16xi32>,
    %swap3A_53 = arith.constant 64 : index
    %swap3A_54 = tpu.vector_load %arg12[%swap3A_53] {strides = array<i32>} : memref<96xi32, #tpu.memory_space<vmem>>, vector<16xi32>,
    tpu.vector_store %arg12[%swap3A_53], %get3A_52 {strides = array<i32>} : memref<96xi32, #tpu.memory_space<vmem>>, vector<16xi32>,
    %get3A_55 = arith.constant 4976 : index
    %get3A_56 = tpu.vector_load %arg8[%get3A_55] {strides = array<i32>} : memref<5016xi32, #tpu.memory_space<vmem>>, vector<16xi32>,
    %swap3A_57 = arith.constant 80 : index
    %swap3A_58 = tpu.vector_load %arg12[%swap3A_57] {strides = array<i32>} : memref<96xi32, #tpu.memory_space<vmem>>, vector<16xi32>,
    tpu.vector_store %arg12[%swap3A_57], %get3A_56 {strides = array<i32>} : memref<96xi32, #tpu.memory_space<vmem>>, vector<16xi32>,
    %dma_start3A = arith.constant 0 : i32
    %dma_start3A_59 = arith.constant 0 : i32
    %dma_start3A_60 = tpu.memref_slice %arg2[%dma_start3A, %dma_start3A_59] : memref<10000x128xf32, #tpu.memory_space<hbm>> -> memref<10000x128xf32, #tpu.memory_space<hbm>>
    tpu.enqueue_indirect_dma source(%dma_start3A_60 : memref<10000x128xf32, #tpu.memory_space<hbm>>) target(%arg15 : memref<96x128xf32, #tpu.memory_space<vmem>>) offsets(%arg9 : memref<96xi32, #tpu.memory_space<vmem>>) semaphore(%arg22 : memref<!tpu.dma_semaphore, #tpu.memory_space<semaphore_mem>>)
    %dma_wait3A = arith.constant 0 : i32
    %dma_wait3A_61 = arith.constant 0 : i32
    %dma_wait3A_62 = tpu.memref_slice %arg2[%dma_wait3A, %dma_wait3A_61] : memref<10000x128xf32, #tpu.memory_space<hbm>> -> memref<10000x128xf32, #tpu.memory_space<hbm>>
    tpu.wait_indirect_dma semaphore(%arg22 : memref<!tpu.dma_semaphore, #tpu.memory_space<semaphore_mem>>) src(%dma_wait3A_62 : memref<10000x128xf32, #tpu.memory_space<hbm>>) dst(%arg15 : memref<96x128xf32, #tpu.memory_space<vmem>>)
    %dma_start3A_63 = arith.constant 0 : i32
    %dma_start3A_64 = arith.constant 0 : i32
    %dma_start3A_65 = tpu.memref_slice %arg21[%dma_start3A_63, %dma_start3A_64] : memref<10000x128xf32, #tpu.memory_space<vmem_shared>> -> memref<10000x128xf32, #tpu.memory_space<vmem_shared>>
    tpu.enqueue_indirect_dma source(%arg15 : memref<96x128xf32, #tpu.memory_space<vmem>>) target(%dma_start3A_65 : memref<10000x128xf32, #tpu.memory_space<vmem_shared>>) offsets(%arg12 : memref<96xi32, #tpu.memory_space<vmem>>) semaphore(%arg25 : memref<!tpu.dma_semaphore, #tpu.memory_space<semaphore_mem>>) {add = true}
    %dma_wait3A_66 = arith.constant 0 : i32
    %dma_wait3A_67 = arith.constant 0 : i32
    %dma_wait3A_68 = tpu.memref_slice %arg21[%dma_wait3A_66, %dma_wait3A_67] : memref<10000x128xf32, #tpu.memory_space<vmem_shared>> -> memref<10000x128xf32, #tpu.memory_space<vmem_shared>>
    tpu.wait_indirect_dma semaphore(%arg25 : memref<!tpu.dma_semaphore, #tpu.memory_space<semaphore_mem>>) src(%arg15 : memref<96x128xf32, #tpu.memory_space<vmem>>) dst(%dma_wait3A_68 : memref<10000x128xf32, #tpu.memory_space<vmem_shared>>)
    %add3A_69 = arith.constant 4992 : i32
    %add3A_70 = arith.addi %mul3A_2, %add3A_69 : i32
    "tpu.region"() ({
      %run_scoped3A = tpu.sem_alloc : memref<!tpu.dma_semaphore, #tpu.memory_space<semaphore_mem>>
      %dma_start3A_89 = tpu.memref_slice %arg3[%add3A_70] : memref<160000xi32, #tpu.memory_space<hbm>> -> memref<8xi32, #tpu.memory_space<hbm>>
      %dma_start3A_90 = tpu.memref_slice %arg3[%add3A_70] : memref<160000xi32, #tpu.memory_space<hbm>> -> memref<8xi32, #tpu.memory_space<hbm>>
      tpu.enqueue_dma source(%dma_start3A_90 : memref<8xi32, #tpu.memory_space<hbm>>) target(%arg18 : memref<8xi32, #tpu.memory_space<vmem>>) target_semaphore(%run_scoped3A : memref<!tpu.dma_semaphore, #tpu.memory_space<semaphore_mem>>)
      %dma_wait3A_91 = tpu.memref_slice %arg3[%add3A_70] : memref<160000xi32, #tpu.memory_space<hbm>> -> memref<8xi32, #tpu.memory_space<hbm>>
      %dma_wait3A_92 = tpu.memref_slice %arg3[%add3A_70] : memref<160000xi32, #tpu.memory_space<hbm>> -> memref<8xi32, #tpu.memory_space<hbm>>
      tpu.wait_dma2 semaphore(%run_scoped3A : memref<!tpu.dma_semaphore, #tpu.memory_space<semaphore_mem>>) src(%dma_wait3A_92 : memref<8xi32, #tpu.memory_space<hbm>>) dst(%arg18 : memref<8xi32, #tpu.memory_space<vmem>>)
      tpu.yield
    }) : () -> ()
    "tpu.region"() ({
      %run_scoped3A = tpu.sem_alloc : memref<!tpu.dma_semaphore, #tpu.memory_space<semaphore_mem>>
      %dma_start3A_89 = tpu.memref_slice %arg4[%add3A_70] : memref<160000xi32, #tpu.memory_space<hbm>> -> memref<8xi32, #tpu.memory_space<hbm>>
      %dma_start3A_90 = tpu.memref_slice %arg4[%add3A_70] : memref<160000xi32, #tpu.memory_space<hbm>> -> memref<8xi32, #tpu.memory_space<hbm>>
      tpu.enqueue_dma source(%dma_start3A_90 : memref<8xi32, #tpu.memory_space<hbm>>) target(%arg19 : memref<8xi32, #tpu.memory_space<vmem>>) target_semaphore(%run_scoped3A : memref<!tpu.dma_semaphore, #tpu.memory_space<semaphore_mem>>)
      %dma_wait3A_91 = tpu.memref_slice %arg4[%add3A_70] : memref<160000xi32, #tpu.memory_space<hbm>> -> memref<8xi32, #tpu.memory_space<hbm>>
      %dma_wait3A_92 = tpu.memref_slice %arg4[%add3A_70] : memref<160000xi32, #tpu.memory_space<hbm>> -> memref<8xi32, #tpu.memory_space<hbm>>
      tpu.wait_dma2 semaphore(%run_scoped3A : memref<!tpu.dma_semaphore, #tpu.memory_space<semaphore_mem>>) src(%dma_wait3A_92 : memref<8xi32, #tpu.memory_space<hbm>>) dst(%arg19 : memref<8xi32, #tpu.memory_space<vmem>>)
      tpu.yield
    }) : () -> ()
    %dma_start3A_71 = arith.constant 0 : i32
    %dma_start3A_72 = arith.constant 0 : i32
    %dma_start3A_73 = tpu.memref_slice %arg2[%dma_start3A_71, %dma_start3A_72] : memref<10000x128xf32, #tpu.memory_space<hbm>> -> memref<10000x128xf32, #tpu.memory_space<hbm>>
    tpu.enqueue_indirect_dma source(%dma_start3A_73 : memref<10000x128xf32, #tpu.memory_space<hbm>>) target(%arg20 : memref<8x128xf32, #tpu.memory_space<vmem>>) offsets(%arg18 : memref<8xi32, #tpu.memory_space<vmem>>) semaphore(%arg22 : memref<!tpu.dma_semaphore, #tpu.memory_space<semaphore_mem>>)
    %dma_wait3A_74 = arith.constant 0 : i32
    %dma_wait3A_75 = arith.constant 0 : i32
    %dma_wait3A_76 = tpu.memref_slice %arg2[%dma_wait3A_74, %dma_wait3A_75] : memref<10000x128xf32, #tpu.memory_space<hbm>> -> memref<10000x128xf32, #tpu.memory_space<hbm>>
    tpu.wait_indirect_dma semaphore(%arg22 : memref<!tpu.dma_semaphore, #tpu.memory_space<semaphore_mem>>) src(%dma_wait3A_76 : memref<10000x128xf32, #tpu.memory_space<hbm>>) dst(%arg20 : memref<8x128xf32, #tpu.memory_space<vmem>>)
    %dma_start3A_77 = arith.constant 0 : i32
    %dma_start3A_78 = arith.constant 0 : i32
    %dma_start3A_79 = tpu.memref_slice %arg21[%dma_start3A_77, %dma_start3A_78] : memref<10000x128xf32, #tpu.memory_space<vmem_shared>> -> memref<10000x128xf32, #tpu.memory_space<vmem_shared>>
    tpu.enqueue_indirect_dma source(%arg20 : memref<8x128xf32, #tpu.memory_space<vmem>>) target(%dma_start3A_79 : memref<10000x128xf32, #tpu.memory_space<vmem_shared>>) offsets(%arg19 : memref<8xi32, #tpu.memory_space<vmem>>) semaphore(%arg25 : memref<!tpu.dma_semaphore, #tpu.memory_space<semaphore_mem>>) {add = true}
    %dma_wait3A_80 = arith.constant 0 : i32
    %dma_wait3A_81 = arith.constant 0 : i32
    %dma_wait3A_82 = tpu.memref_slice %arg21[%dma_wait3A_80, %dma_wait3A_81] : memref<10000x128xf32, #tpu.memory_space<vmem_shared>> -> memref<10000x128xf32, #tpu.memory_space<vmem_shared>>
    tpu.wait_indirect_dma semaphore(%arg25 : memref<!tpu.dma_semaphore, #tpu.memory_space<semaphore_mem>>) src(%arg20 : memref<8x128xf32, #tpu.memory_space<vmem>>) dst(%dma_wait3A_82 : memref<10000x128xf32, #tpu.memory_space<vmem_shared>>)
    %barrier3A_83 = arith.constant 0 : index
    tpu.barrier barrier_id(%barrier3A_83)
    "tpu.region"() ({
      %run_scoped3A = tpu.sem_alloc : memref<!tpu.dma_semaphore, #tpu.memory_space<semaphore_mem>>
      %dma_start3A_89 = arith.constant 0 : i32
      %dma_start3A_90 = tpu.memref_slice %arg6[%arg0, %multiple_of3A, %dma_start3A_89] : memref<2x10000x128xf32, #tpu.memory_space<hbm>> -> memref<1x624x128xf32, #tpu.memory_space<hbm>>
      %dma_start3A_91 = tpu.memref_squeeze %dma_start3A_90 : memref<1x624x128xf32, #tpu.memory_space<hbm>> -> memref<624x128xf32, #tpu.memory_space<hbm>>
      %dma_start3A_92 = arith.constant 0 : i32
      %dma_start3A_93 = tpu.memref_slice %arg21[%multiple_of3A, %dma_start3A_92] : memref<10000x128xf32, #tpu.memory_space<vmem_shared>> -> memref<624x128xf32, #tpu.memory_space<vmem_shared>>
      tpu.enqueue_dma source(%dma_start3A_93 : memref<624x128xf32, #tpu.memory_space<vmem_shared>>) target(%dma_start3A_91 : memref<624x128xf32, #tpu.memory_space<hbm>>) target_semaphore(%run_scoped3A : memref<!tpu.dma_semaphore, #tpu.memory_space<semaphore_mem>>)
      %dma_wait3A_94 = arith.constant 0 : i32
      %dma_wait3A_95 = tpu.memref_slice %arg6[%arg0, %multiple_of3A, %dma_wait3A_94] : memref<2x10000x128xf32, #tpu.memory_space<hbm>> -> memref<1x624x128xf32, #tpu.memory_space<hbm>>
      %dma_wait3A_96 = tpu.memref_squeeze %dma_wait3A_95 : memref<1x624x128xf32, #tpu.memory_space<hbm>> -> memref<624x128xf32, #tpu.memory_space<hbm>>
      %dma_wait3A_97 = arith.constant 0 : i32
      %dma_wait3A_98 = tpu.memref_slice %arg21[%multiple_of3A, %dma_wait3A_97] : memref<10000x128xf32, #tpu.memory_space<vmem_shared>> -> memref<624x128xf32, #tpu.memory_space<vmem_shared>>
      tpu.wait_dma2 semaphore(%run_scoped3A : memref<!tpu.dma_semaphore, #tpu.memory_space<semaphore_mem>>) src(%dma_wait3A_98 : memref<624x128xf32, #tpu.memory_space<vmem_shared>>) dst(%dma_wait3A_96 : memref<624x128xf32, #tpu.memory_space<hbm>>)
      tpu.yield
    }) : () -> ()
    %eq3A_84 = arith.constant 15 : i32
    %eq3A_85 = arith.cmpi eq, %arg1, %eq3A_84 : i32
    %convert_element_type3A_86 = arith.extui %eq3A_85 : i1 to i32
    %cond3A_87 = arith.constant 0 : i32
    %cond3A_88 = arith.cmpi ne, %convert_element_type3A_86, %cond3A_87 : i32
    scf.if %cond3A_88 {
      "tpu.region"() ({
        %run_scoped3A = tpu.sem_alloc : memref<!tpu.dma_semaphore, #tpu.memory_space<semaphore_mem>>
        %dma_start3A_89 = arith.constant 9984 : i32
        %dma_start3A_90 = arith.constant 0 : i32
        %dma_start3A_91 = tpu.memref_slice %arg6[%arg0, %dma_start3A_89, %dma_start3A_90] : memref<2x10000x128xf32, #tpu.memory_space<hbm>> -> memref<1x16x128xf32, #tpu.memory_space<hbm>>
        %dma_start3A_92 = tpu.memref_squeeze %dma_start3A_91 : memref<1x16x128xf32, #tpu.memory_space<hbm>> -> memref<16x128xf32, #tpu.memory_space<hbm>>
        %dma_start3A_93 = arith.constant 9984 : i32
        %dma_start3A_94 = arith.constant 0 : i32
        %dma_start3A_95 = tpu.memref_slice %arg21[%dma_start3A_93, %dma_start3A_94] : memref<10000x128xf32, #tpu.memory_space<vmem_shared>> -> memref<16x128xf32, #tpu.memory_space<vmem_shared>>
        tpu.enqueue_dma source(%dma_start3A_95 : memref<16x128xf32, #tpu.memory_space<vmem_shared>>) target(%dma_start3A_92 : memref<16x128xf32, #tpu.memory_space<hbm>>) target_semaphore(%run_scoped3A : memref<!tpu.dma_semaphore, #tpu.memory_space<semaphore_mem>>)
        %dma_wait3A_96 = arith.constant 9984 : i32
        %dma_wait3A_97 = arith.constant 0 : i32
        %dma_wait3A_98 = tpu.memref_slice %arg6[%arg0, %dma_wait3A_96, %dma_wait3A_97] : memref<2x10000x128xf32, #tpu.memory_space<hbm>> -> memref<1x16x128xf32, #tpu.memory_space<hbm>>
        %dma_wait3A_99 = tpu.memref_squeeze %dma_wait3A_98 : memref<1x16x128xf32, #tpu.memory_space<hbm>> -> memref<16x128xf32, #tpu.memory_space<hbm>>
        %dma_wait3A_100 = arith.constant 9984 : i32
        %dma_wait3A_101 = arith.constant 0 : i32
        %dma_wait3A_102 = tpu.memref_slice %arg21[%dma_wait3A_100, %dma_wait3A_101] : memref<10000x128xf32, #tpu.memory_space<vmem_shared>> -> memref<16x128xf32, #tpu.memory_space<vmem_shared>>
        tpu.wait_dma2 semaphore(%run_scoped3A : memref<!tpu.dma_semaphore, #tpu.memory_space<semaphore_mem>>) src(%dma_wait3A_102 : memref<16x128xf32, #tpu.memory_space<vmem_shared>>) dst(%dma_wait3A_99 : memref<16x128xf32, #tpu.memory_space<hbm>>)
        tpu.yield
      }) : () -> ()
    } else {
    }
    return
  }
}

#map = affine_map<(d0, d1) -> (0)>
#map1 = affine_map<(d0, d1) -> (0, 0)>
module attributes {stable_mosaic.version = 14 : i64} {
  func.func @k(%arg0: i32, %arg1: i32, %arg2: memref<160000xi32, #tpu.memory_space<hbm>>, %arg3: memref<32x10000xf32, #tpu.memory_space<hbm>>, %arg4: memref<5016xi32, #tpu.memory_space<vmem>>, %arg5: memref<10000xf32, #tpu.memory_space<vmem>>) attributes {dimension_semantics = [#tpu.dimension_semantics<core_parallel>, #tpu.dimension_semantics<subcore_parallel>], iteration_bounds = array<i64: 2, 16>, scalar_prefetch = 0 : i64, scratch_operands = 2 : i64, tpu.core_type = #tpu.core_type<sc_vector_subcore>, window_params = [{transform_indices = #map}, {transform_indices = #map1}]} {
    %mul3A = arith.constant 2 : i32
    %mul3A_0 = arith.muli %arg1, %mul3A : i32
    %add3A = arith.addi %mul3A_0, %arg0 : i32
    %broadcast_in_dim3A = arith.constant 0.000000e+00 : f32
    %broadcast_in_dim3A_1 = vector.broadcast %broadcast_in_dim3A : f32 to vector<16xf32>
    %broadcast_in_dim3A_2 = arith.constant 1.000000e+00 : f32
    %broadcast_in_dim3A_3 = vector.broadcast %broadcast_in_dim3A_2 : f32 to vector<16xf32>
    %scan3A = arith.constant 0 : i32
    %scan3A_4 = arith.constant 0 : i32
    %scan3A_5 = arith.constant 625 : i32
    %scan3A_6 = arith.addi %scan3A_4, %scan3A_5 : i32
    %scan3A_7 = arith.constant 1 : i32
    %scan3A_8 = scf.for %scan3A_22 = %scan3A_4 to %scan3A_6 step %scan3A_7 iter_args(%scan3A_23 = %scan3A) -> (i32)  : i32 {
      %mul3A_24 = arith.constant 16 : i32
      %mul3A_25 = arith.muli %scan3A_22, %mul3A_24 : i32
      %swap3A = arith.index_cast %mul3A_25 : i32 to index
      %swap3A_26 = tpu.vector_load %arg5[%swap3A] {strides = array<i32>} : memref<10000xf32, #tpu.memory_space<vmem>>, vector<16xf32>,
      tpu.vector_store %arg5[%swap3A], %broadcast_in_dim3A_1 {strides = array<i32>} : memref<10000xf32, #tpu.memory_space<vmem>>, vector<16xf32>,
      %scan3A_27 = arith.constant 0 : i32
      scf.yield %scan3A_27 : i32
    }
    %scan3A_9 = arith.constant 625 : i32
    %mul3A_10 = arith.constant 5000 : i32
    %mul3A_11 = arith.muli %add3A, %mul3A_10 : i32
    "tpu.region"() ({
      %run_scoped3A = tpu.sem_alloc : memref<!tpu.dma_semaphore, #tpu.memory_space<semaphore_mem>>
      %dma_start3A = arith.constant 0 : i32
      %dma_start3A_22 = tpu.memref_slice %arg4[%dma_start3A] : memref<5016xi32, #tpu.memory_space<vmem>> -> memref<5000xi32, #tpu.memory_space<vmem>>
      %dma_start3A_23 = tpu.memref_slice %arg2[%mul3A_11] : memref<160000xi32, #tpu.memory_space<hbm>> -> memref<5000xi32, #tpu.memory_space<hbm>>
      %dma_start3A_24 = arith.constant 0 : i32
      %dma_start3A_25 = tpu.memref_slice %arg4[%dma_start3A_24] : memref<5016xi32, #tpu.memory_space<vmem>> -> memref<5000xi32, #tpu.memory_space<vmem>>
      %dma_start3A_26 = tpu.memref_slice %arg2[%mul3A_11] : memref<160000xi32, #tpu.memory_space<hbm>> -> memref<5000xi32, #tpu.memory_space<hbm>>
      tpu.enqueue_dma source(%dma_start3A_26 : memref<5000xi32, #tpu.memory_space<hbm>>) target(%dma_start3A_25 : memref<5000xi32, #tpu.memory_space<vmem>>) target_semaphore(%run_scoped3A : memref<!tpu.dma_semaphore, #tpu.memory_space<semaphore_mem>>)
      %dma_wait3A = arith.constant 0 : i32
      %dma_wait3A_27 = tpu.memref_slice %arg4[%dma_wait3A] : memref<5016xi32, #tpu.memory_space<vmem>> -> memref<5000xi32, #tpu.memory_space<vmem>>
      %dma_wait3A_28 = tpu.memref_slice %arg2[%mul3A_11] : memref<160000xi32, #tpu.memory_space<hbm>> -> memref<5000xi32, #tpu.memory_space<hbm>>
      %dma_wait3A_29 = arith.constant 0 : i32
      %dma_wait3A_30 = tpu.memref_slice %arg4[%dma_wait3A_29] : memref<5016xi32, #tpu.memory_space<vmem>> -> memref<5000xi32, #tpu.memory_space<vmem>>
      %dma_wait3A_31 = tpu.memref_slice %arg2[%mul3A_11] : memref<160000xi32, #tpu.memory_space<hbm>> -> memref<5000xi32, #tpu.memory_space<hbm>>
      tpu.wait_dma2 semaphore(%run_scoped3A : memref<!tpu.dma_semaphore, #tpu.memory_space<semaphore_mem>>) src(%dma_wait3A_31 : memref<5000xi32, #tpu.memory_space<hbm>>) dst(%dma_wait3A_30 : memref<5000xi32, #tpu.memory_space<vmem>>)
      tpu.yield
    }) : () -> ()
    %scan3A_12 = arith.constant 0 : i32
    %scan3A_13 = arith.constant 0 : i32
    %scan3A_14 = arith.constant 312 : i32
    %scan3A_15 = arith.addi %scan3A_13, %scan3A_14 : i32
    %scan3A_16 = arith.constant 1 : i32
    %scan3A_17 = scf.for %scan3A_22 = %scan3A_13 to %scan3A_15 step %scan3A_16 iter_args(%scan3A_23 = %scan3A_12) -> (i32)  : i32 {
      %mul3A_24 = arith.constant 16 : i32
      %mul3A_25 = arith.muli %scan3A_22, %mul3A_24 : i32
      %get3A_26 = arith.index_cast %mul3A_25 : i32 to index
      %get3A_27 = tpu.vector_load %arg4[%get3A_26] {strides = array<i32>} : memref<5016xi32, #tpu.memory_space<vmem>>, vector<16xi32>,
      tpu.vector_store_idx %arg5[%get3A_27], %broadcast_in_dim3A_3 {add = true} : memref<10000xf32, #tpu.memory_space<vmem>>[vector<16xi32>], vector<16xf32>,
      %scan3A_28 = arith.constant 0 : i32
      scf.yield %scan3A_28 : i32
    }
    %scan3A_18 = arith.constant 312 : i32
    %get3A = arith.constant 4992 : index
    %get3A_19 = tpu.vector_load %arg4[%get3A] {strides = array<i32>} : memref<5016xi32, #tpu.memory_space<vmem>>, vector<16xi32>,
    %iota3A = tpu.iota {dimensions = array<i32: 0>} : vector<16xi32>
    %lt3A = arith.constant 8 : i32
    %lt3A_20 = vector.broadcast %lt3A : i32 to vector<16xi32>
    %lt3A_21 = arith.cmpi slt, %iota3A, %lt3A_20 : vector<16xi32>
    tpu.vector_store_idx %arg5[%get3A_19], %broadcast_in_dim3A_3 masked %lt3A_21 {add = true} : memref<10000xf32, #tpu.memory_space<vmem>>[vector<16xi32>], vector<16xf32>, vector<16xi1>
    "tpu.region"() ({
      %run_scoped3A = tpu.sem_alloc : memref<!tpu.dma_semaphore, #tpu.memory_space<semaphore_mem>>
      %dma_start3A = arith.constant 0 : i32
      %dma_start3A_22 = tpu.memref_slice %arg3[%add3A, %dma_start3A] : memref<32x10000xf32, #tpu.memory_space<hbm>> -> memref<1x10000xf32, #tpu.memory_space<hbm>>
      %dma_start3A_23 = tpu.memref_squeeze %dma_start3A_22 : memref<1x10000xf32, #tpu.memory_space<hbm>> -> memref<10000xf32, #tpu.memory_space<hbm>>
      %dma_start3A_24 = arith.constant 0 : i32
      %dma_start3A_25 = tpu.memref_slice %arg3[%add3A, %dma_start3A_24] : memref<32x10000xf32, #tpu.memory_space<hbm>> -> memref<1x10000xf32, #tpu.memory_space<hbm>>
      %dma_start3A_26 = tpu.memref_squeeze %dma_start3A_25 : memref<1x10000xf32, #tpu.memory_space<hbm>> -> memref<10000xf32, #tpu.memory_space<hbm>>
      tpu.enqueue_dma source(%arg5 : memref<10000xf32, #tpu.memory_space<vmem>>) target(%dma_start3A_26 : memref<10000xf32, #tpu.memory_space<hbm>>) target_semaphore(%run_scoped3A : memref<!tpu.dma_semaphore, #tpu.memory_space<semaphore_mem>>)
      %dma_wait3A = arith.constant 0 : i32
      %dma_wait3A_27 = tpu.memref_slice %arg3[%add3A, %dma_wait3A] : memref<32x10000xf32, #tpu.memory_space<hbm>> -> memref<1x10000xf32, #tpu.memory_space<hbm>>
      %dma_wait3A_28 = tpu.memref_squeeze %dma_wait3A_27 : memref<1x10000xf32, #tpu.memory_space<hbm>> -> memref<10000xf32, #tpu.memory_space<hbm>>
      %dma_wait3A_29 = arith.constant 0 : i32
      %dma_wait3A_30 = tpu.memref_slice %arg3[%add3A, %dma_wait3A_29] : memref<32x10000xf32, #tpu.memory_space<hbm>> -> memref<1x10000xf32, #tpu.memory_space<hbm>>
      %dma_wait3A_31 = tpu.memref_squeeze %dma_wait3A_30 : memref<1x10000xf32, #tpu.memory_space<hbm>> -> memref<10000xf32, #tpu.memory_space<hbm>>
      tpu.wait_dma2 semaphore(%run_scoped3A : memref<!tpu.dma_semaphore, #tpu.memory_space<semaphore_mem>>) src(%arg5 : memref<10000xf32, #tpu.memory_space<vmem>>) dst(%dma_wait3A_31 : memref<10000xf32, #tpu.memory_space<hbm>>)
      tpu.yield
    }) : () -> ()
    return
  }
}

#map = affine_map<(d0, d1) -> (0, 0)>
#map1 = affine_map<(d0, d1) -> (0)>
#map2 = affine_map<(d0, d1) -> (0, 0, 0)>
module attributes {stable_mosaic.version = 14 : i64} {
  func.func @k(%arg0: i32, %arg1: i32, %arg2: memref<10000x128xf32, #tpu.memory_space<hbm>>, %arg3: memref<160000xi32, #tpu.memory_space<hbm>>, %arg4: memref<160000xi32, #tpu.memory_space<hbm>>, %arg5: memref<10000x128xf32, #tpu.memory_space<hbm>>, %arg6: memref<2x10000x128xf32, #tpu.memory_space<hbm>>, %arg7: memref<5016xi32, #tpu.memory_space<vmem>>, %arg8: memref<5016xi32, #tpu.memory_space<vmem>>, %arg9: memref<96xi32, #tpu.memory_space<vmem>>, %arg10: memref<96xi32, #tpu.memory_space<vmem>>, %arg11: memref<96xi32, #tpu.memory_space<vmem>>, %arg12: memref<96xi32, #tpu.memory_space<vmem>>, %arg13: memref<96xi32, #tpu.memory_space<vmem>>, %arg14: memref<96xi32, #tpu.memory_space<vmem>>, %arg15: memref<96x128xf32, #tpu.memory_space<vmem>>, %arg16: memref<96x128xf32, #tpu.memory_space<vmem>>, %arg17: memref<96x128xf32, #tpu.memory_space<vmem>>, %arg18: memref<8xi32, #tpu.memory_space<vmem>>, %arg19: memref<8xi32, #tpu.memory_space<vmem>>, %arg20: memref<8x128xf32, #tpu.memory_space<vmem>>, %arg21: memref<10000x128xf32, #tpu.memory_space<vmem_shared>>, %arg22: memref<!tpu.dma_semaphore, #tpu.memory_space<semaphore_mem>>, %arg23: memref<!tpu.dma_semaphore, #tpu.memory_space<semaphore_mem>>, %arg24: memref<!tpu.dma_semaphore, #tpu.memory_space<semaphore_mem>>, %arg25: memref<!tpu.dma_semaphore, #tpu.memory_space<semaphore_mem>>, %arg26: memref<!tpu.dma_semaphore, #tpu.memory_space<semaphore_mem>>, %arg27: memref<!tpu.dma_semaphore, #tpu.memory_space<semaphore_mem>>) attributes {dimension_semantics = [#tpu.dimension_semantics<core_parallel>, #tpu.dimension_semantics<subcore_parallel>], iteration_bounds = array<i64: 2, 16>, scalar_prefetch = 0 : i64, scratch_operands = 21 : i64, tpu.core_type = #tpu.core_type<sc_vector_subcore>, window_params = [{transform_indices = #map}, {transform_indices = #map1}, {transform_indices = #map1}, {transform_indices = #map}, {transform_indices = #map2}]} {
    %mul3A = arith.constant 2 : i32
    %mul3A_0 = arith.muli %arg1, %mul3A : i32
    %add3A = arith.addi %mul3A_0, %arg0 : i32
    %mul3A_1 = arith.constant 5000 : i32
    %mul3A_2 = arith.muli %add3A, %mul3A_1 : i32
    %mul3A_3 = arith.constant 624 : i32
    %mul3A_4 = arith.muli %arg1, %mul3A_3 : i32
    %multiple_of3A = tpu.assume_multiple %mul3A_4, 8 : i32
    "tpu.region"() ({
      %run_scoped3A = tpu.sem_alloc : memref<!tpu.dma_semaphore, #tpu.memory_space<semaphore_mem>>
      %dma_start3A_89 = arith.constant 0 : i32
      %dma_start3A_90 = tpu.memref_slice %arg21[%multiple_of3A, %dma_start3A_89] : memref<10000x128xf32, #tpu.memory_space<vmem_shared>> -> memref<624x128xf32, #tpu.memory_space<vmem_shared>>
      %dma_start3A_91 = arith.constant 0 : i32
      %dma_start3A_92 = tpu.memref_slice %arg5[%multiple_of3A, %dma_start3A_91] : memref<10000x128xf32, #tpu.memory_space<hbm>> -> memref<624x128xf32, #tpu.memory_space<hbm>>
      tpu.enqueue_dma source(%dma_start3A_92 : memref<624x128xf32, #tpu.memory_space<hbm>>) target(%dma_start3A_90 : memref<624x128xf32, #tpu.memory_space<vmem_shared>>) target_semaphore(%run_scoped3A : memref<!tpu.dma_semaphore, #tpu.memory_space<semaphore_mem>>)
      %dma_wait3A_93 = arith.constant 0 : i32
      %dma_wait3A_94 = tpu.memref_slice %arg21[%multiple_of3A, %dma_wait3A_93] : memref<10000x128xf32, #tpu.memory_space<vmem_shared>> -> memref<624x128xf32, #tpu.memory_space<vmem_shared>>
      %dma_wait3A_95 = arith.constant 0 : i32
      %dma_wait3A_96 = tpu.memref_slice %arg5[%multiple_of3A, %dma_wait3A_95] : memref<10000x128xf32, #tpu.memory_space<hbm>> -> memref<624x128xf32, #tpu.memory_space<hbm>>
      tpu.wait_dma2 semaphore(%run_scoped3A : memref<!tpu.dma_semaphore, #tpu.memory_space<semaphore_mem>>) src(%dma_wait3A_96 : memref<624x128xf32, #tpu.memory_space<hbm>>) dst(%dma_wait3A_94 : memref<624x128xf32, #tpu.memory_space<vmem_shared>>)
      tpu.yield
    }) : () -> ()
    %eq3A = arith.constant 15 : i32
    %eq3A_5 = arith.cmpi eq, %arg1, %eq3A : i32
    %convert_element_type3A = arith.extui %eq3A_5 : i1 to i32
    %cond3A = arith.constant 0 : i32
    %cond3A_6 = arith.cmpi ne, %convert_element_type3A, %cond3A : i32
    scf.if %cond3A_6 {
      "tpu.region"() ({
        %run_scoped3A = tpu.sem_alloc : memref<!tpu.dma_semaphore, #tpu.memory_space<semaphore_mem>>
        %dma_start3A_89 = arith.constant 9984 : i32
        %dma_start3A_90 = arith.constant 0 : i32
        %dma_start3A_91 = tpu.memref_slice %arg21[%dma_start3A_89, %dma_start3A_90] : memref<10000x128xf32, #tpu.memory_space<vmem_shared>> -> memref<16x128xf32, #tpu.memory_space<vmem_shared>>
        %dma_start3A_92 = arith.constant 9984 : i32
        %dma_start3A_93 = arith.constant 0 : i32
        %dma_start3A_94 = tpu.memref_slice %arg5[%dma_start3A_92, %dma_start3A_93] : memref<10000x128xf32, #tpu.memory_space<hbm>> -> memref<16x128xf32, #tpu.memory_space<hbm>>
        tpu.enqueue_dma source(%dma_start3A_94 : memref<16x128xf32, #tpu.memory_space<hbm>>) target(%dma_start3A_91 : memref<16x128xf32, #tpu.memory_space<vmem_shared>>) target_semaphore(%run_scoped3A : memref<!tpu.dma_semaphore, #tpu.memory_space<semaphore_mem>>)
        %dma_wait3A_95 = arith.constant 9984 : i32
        %dma_wait3A_96 = arith.constant 0 : i32
        %dma_wait3A_97 = tpu.memref_slice %arg21[%dma_wait3A_95, %dma_wait3A_96] : memref<10000x128xf32, #tpu.memory_space<vmem_shared>> -> memref<16x128xf32, #tpu.memory_space<vmem_shared>>
        %dma_wait3A_98 = arith.constant 9984 : i32
        %dma_wait3A_99 = arith.constant 0 : i32
        %dma_wait3A_100 = tpu.memref_slice %arg5[%dma_wait3A_98, %dma_wait3A_99] : memref<10000x128xf32, #tpu.memory_space<hbm>> -> memref<16x128xf32, #tpu.memory_space<hbm>>
        tpu.wait_dma2 semaphore(%run_scoped3A : memref<!tpu.dma_semaphore, #tpu.memory_space<semaphore_mem>>) src(%dma_wait3A_100 : memref<16x128xf32, #tpu.memory_space<hbm>>) dst(%dma_wait3A_97 : memref<16x128xf32, #tpu.memory_space<vmem_shared>>)
        tpu.yield
      }) : () -> ()
    } else {
    }
    "tpu.region"() ({
      %run_scoped3A = tpu.sem_alloc : memref<!tpu.dma_semaphore, #tpu.memory_space<semaphore_mem>>
      %dma_start3A_89 = arith.constant 0 : i32
      %dma_start3A_90 = tpu.memref_slice %arg7[%dma_start3A_89] : memref<5016xi32, #tpu.memory_space<vmem>> -> memref<5000xi32, #tpu.memory_space<vmem>>
      %dma_start3A_91 = tpu.memref_slice %arg3[%mul3A_2] : memref<160000xi32, #tpu.memory_space<hbm>> -> memref<5000xi32, #tpu.memory_space<hbm>>
      %dma_start3A_92 = arith.constant 0 : i32
      %dma_start3A_93 = tpu.memref_slice %arg7[%dma_start3A_92] : memref<5016xi32, #tpu.memory_space<vmem>> -> memref<5000xi32, #tpu.memory_space<vmem>>
      %dma_start3A_94 = tpu.memref_slice %arg3[%mul3A_2] : memref<160000xi32, #tpu.memory_space<hbm>> -> memref<5000xi32, #tpu.memory_space<hbm>>
      tpu.enqueue_dma source(%dma_start3A_94 : memref<5000xi32, #tpu.memory_space<hbm>>) target(%dma_start3A_93 : memref<5000xi32, #tpu.memory_space<vmem>>) target_semaphore(%run_scoped3A : memref<!tpu.dma_semaphore, #tpu.memory_space<semaphore_mem>>)
      %dma_wait3A_95 = arith.constant 0 : i32
      %dma_wait3A_96 = tpu.memref_slice %arg7[%dma_wait3A_95] : memref<5016xi32, #tpu.memory_space<vmem>> -> memref<5000xi32, #tpu.memory_space<vmem>>
      %dma_wait3A_97 = tpu.memref_slice %arg3[%mul3A_2] : memref<160000xi32, #tpu.memory_space<hbm>> -> memref<5000xi32, #tpu.memory_space<hbm>>
      %dma_wait3A_98 = arith.constant 0 : i32
      %dma_wait3A_99 = tpu.memref_slice %arg7[%dma_wait3A_98] : memref<5016xi32, #tpu.memory_space<vmem>> -> memref<5000xi32, #tpu.memory_space<vmem>>
      %dma_wait3A_100 = tpu.memref_slice %arg3[%mul3A_2] : memref<160000xi32, #tpu.memory_space<hbm>> -> memref<5000xi32, #tpu.memory_space<hbm>>
      tpu.wait_dma2 semaphore(%run_scoped3A : memref<!tpu.dma_semaphore, #tpu.memory_space<semaphore_mem>>) src(%dma_wait3A_100 : memref<5000xi32, #tpu.memory_space<hbm>>) dst(%dma_wait3A_99 : memref<5000xi32, #tpu.memory_space<vmem>>)
      tpu.yield
    }) : () -> ()
    "tpu.region"() ({
      %run_scoped3A = tpu.sem_alloc : memref<!tpu.dma_semaphore, #tpu.memory_space<semaphore_mem>>
      %dma_start3A_89 = arith.constant 0 : i32
      %dma_start3A_90 = tpu.memref_slice %arg8[%dma_start3A_89] : memref<5016xi32, #tpu.memory_space<vmem>> -> memref<5000xi32, #tpu.memory_space<vmem>>
      %dma_start3A_91 = tpu.memref_slice %arg4[%mul3A_2] : memref<160000xi32, #tpu.memory_space<hbm>> -> memref<5000xi32, #tpu.memory_space<hbm>>
      %dma_start3A_92 = arith.constant 0 : i32
      %dma_start3A_93 = tpu.memref_slice %arg8[%dma_start3A_92] : memref<5016xi32, #tpu.memory_space<vmem>> -> memref<5000xi32, #tpu.memory_space<vmem>>
      %dma_start3A_94 = tpu.memref_slice %arg4[%mul3A_2] : memref<160000xi32, #tpu.memory_space<hbm>> -> memref<5000xi32, #tpu.memory_space<hbm>>
      tpu.enqueue_dma source(%dma_start3A_94 : memref<5000xi32, #tpu.memory_space<hbm>>) target(%dma_start3A_93 : memref<5000xi32, #tpu.memory_space<vmem>>) target_semaphore(%run_scoped3A : memref<!tpu.dma_semaphore, #tpu.memory_space<semaphore_mem>>)
      %dma_wait3A_95 = arith.constant 0 : i32
      %dma_wait3A_96 = tpu.memref_slice %arg8[%dma_wait3A_95] : memref<5016xi32, #tpu.memory_space<vmem>> -> memref<5000xi32, #tpu.memory_space<vmem>>
      %dma_wait3A_97 = tpu.memref_slice %arg4[%mul3A_2] : memref<160000xi32, #tpu.memory_space<hbm>> -> memref<5000xi32, #tpu.memory_space<hbm>>
      %dma_wait3A_98 = arith.constant 0 : i32
      %dma_wait3A_99 = tpu.memref_slice %arg8[%dma_wait3A_98] : memref<5016xi32, #tpu.memory_space<vmem>> -> memref<5000xi32, #tpu.memory_space<vmem>>
      %dma_wait3A_100 = tpu.memref_slice %arg4[%mul3A_2] : memref<160000xi32, #tpu.memory_space<hbm>> -> memref<5000xi32, #tpu.memory_space<hbm>>
      tpu.wait_dma2 semaphore(%run_scoped3A : memref<!tpu.dma_semaphore, #tpu.memory_space<semaphore_mem>>) src(%dma_wait3A_100 : memref<5000xi32, #tpu.memory_space<hbm>>) dst(%dma_wait3A_99 : memref<5000xi32, #tpu.memory_space<vmem>>)
      tpu.yield
    }) : () -> ()
    %barrier3A = arith.constant 0 : index
    tpu.barrier barrier_id(%barrier3A)
    %scan3A = arith.constant 0 : i32
    %scan3A_7 = arith.constant 0 : i32
    %scan3A_8 = arith.constant 17 : i32
    %scan3A_9 = arith.addi %scan3A_7, %scan3A_8 : i32
    %scan3A_10 = arith.constant 1 : i32
    %scan3A_11 = scf.for %scan3A_89 = %scan3A_7 to %scan3A_9 step %scan3A_10 iter_args(%scan3A_90 = %scan3A) -> (i32)  : i32 {
      %mul3A_91 = arith.constant 3 : i32
      %mul3A_92 = arith.muli %mul3A_91, %scan3A_89 : i32
      %add3A_93 = arith.constant 0 : i32
      %add3A_94 = arith.addi %mul3A_92, %add3A_93 : i32
      %mul3A_95 = arith.constant 96 : i32
      %mul3A_96 = arith.muli %add3A_94, %mul3A_95 : i32
      %add3A_97 = arith.constant 0 : i32
      %add3A_98 = arith.addi %mul3A_96, %add3A_97 : i32
      %get3A_99 = arith.index_cast %add3A_98 : i32 to index
      %get3A_100 = tpu.vector_load %arg7[%get3A_99] {strides = array<i32>} : memref<5016xi32, #tpu.memory_space<vmem>>, vector<16xi32>,
      %swap3A_101 = arith.constant 0 : index
      %swap3A_102 = tpu.vector_load %arg9[%swap3A_101] {strides = array<i32>} : memref<96xi32, #tpu.memory_space<vmem>>, vector<16xi32>,
      tpu.vector_store %arg9[%swap3A_101], %get3A_100 {strides = array<i32>} : memref<96xi32, #tpu.memory_space<vmem>>, vector<16xi32>,
      %mul3A_103 = arith.constant 96 : i32
      %mul3A_104 = arith.muli %add3A_94, %mul3A_103 : i32
      %add3A_105 = arith.constant 16 : i32
      %add3A_106 = arith.addi %mul3A_104, %add3A_105 : i32
      %get3A_107 = arith.index_cast %add3A_106 : i32 to index
      %get3A_108 = tpu.vector_load %arg7[%get3A_107] {strides = array<i32>} : memref<5016xi32, #tpu.memory_space<vmem>>, vector<16xi32>,
      %swap3A_109 = arith.constant 16 : index
      %swap3A_110 = tpu.vector_load %arg9[%swap3A_109] {strides = array<i32>} : memref<96xi32, #tpu.memory_space<vmem>>, vector<16xi32>,
      tpu.vector_store %arg9[%swap3A_109], %get3A_108 {strides = array<i32>} : memref<96xi32, #tpu.memory_space<vmem>>, vector<16xi32>,
      %mul3A_111 = arith.constant 96 : i32
      %mul3A_112 = arith.muli %add3A_94, %mul3A_111 : i32
      %add3A_113 = arith.constant 32 : i32
      %add3A_114 = arith.addi %mul3A_112, %add3A_113 : i32
      %get3A_115 = arith.index_cast %add3A_114 : i32 to index
      %get3A_116 = tpu.vector_load %arg7[%get3A_115] {strides = array<i32>} : memref<5016xi32, #tpu.memory_space<vmem>>, vector<16xi32>,
      %swap3A_117 = arith.constant 32 : index
      %swap3A_118 = tpu.vector_load %arg9[%swap3A_117] {strides = array<i32>} : memref<96xi32, #tpu.memory_space<vmem>>, vector<16xi32>,
      tpu.vector_store %arg9[%swap3A_117], %get3A_116 {strides = array<i32>} : memref<96xi32, #tpu.memory_space<vmem>>, vector<16xi32>,
      %mul3A_119 = arith.constant 96 : i32
      %mul3A_120 = arith.muli %add3A_94, %mul3A_119 : i32
      %add3A_121 = arith.constant 48 : i32
      %add3A_122 = arith.addi %mul3A_120, %add3A_121 : i32
      %get3A_123 = arith.index_cast %add3A_122 : i32 to index
      %get3A_124 = tpu.vector_load %arg7[%get3A_123] {strides = array<i32>} : memref<5016xi32, #tpu.memory_space<vmem>>, vector<16xi32>,
      %swap3A_125 = arith.constant 48 : index
      %swap3A_126 = tpu.vector_load %arg9[%swap3A_125] {strides = array<i32>} : memref<96xi32, #tpu.memory_space<vmem>>, vector<16xi32>,
      tpu.vector_store %arg9[%swap3A_125], %get3A_124 {strides = array<i32>} : memref<96xi32, #tpu.memory_space<vmem>>, vector<16xi32>,
      %mul3A_127 = arith.constant 96 : i32
      %mul3A_128 = arith.muli %add3A_94, %mul3A_127 : i32
      %add3A_129 = arith.constant 64 : i32
      %add3A_130 = arith.addi %mul3A_128, %add3A_129 : i32
      %get3A_131 = arith.index_cast %add3A_130 : i32 to index
      %get3A_132 = tpu.vector_load %arg7[%get3A_131] {strides = array<i32>} : memref<5016xi32, #tpu.memory_space<vmem>>, vector<16xi32>,
      %swap3A_133 = arith.constant 64 : index
      %swap3A_134 = tpu.vector_load %arg9[%swap3A_133] {strides = array<i32>} : memref<96xi32, #tpu.memory_space<vmem>>, vector<16xi32>,
      tpu.vector_store %arg9[%swap3A_133], %get3A_132 {strides = array<i32>} : memref<96xi32, #tpu.memory_space<vmem>>, vector<16xi32>,
      %mul3A_135 = arith.constant 96 : i32
      %mul3A_136 = arith.muli %add3A_94, %mul3A_135 : i32
      %add3A_137 = arith.constant 80 : i32
      %add3A_138 = arith.addi %mul3A_136, %add3A_137 : i32
      %get3A_139 = arith.index_cast %add3A_138 : i32 to index
      %get3A_140 = tpu.vector_load %arg7[%get3A_139] {strides = array<i32>} : memref<5016xi32, #tpu.memory_space<vmem>>, vector<16xi32>,
      %swap3A_141 = arith.constant 80 : index
      %swap3A_142 = tpu.vector_load %arg9[%swap3A_141] {strides = array<i32>} : memref<96xi32, #tpu.memory_space<vmem>>, vector<16xi32>,
      tpu.vector_store %arg9[%swap3A_141], %get3A_140 {strides = array<i32>} : memref<96xi32, #tpu.memory_space<vmem>>, vector<16xi32>,
      %add3A_143 = arith.constant 0 : i32
      %add3A_144 = arith.addi %mul3A_92, %add3A_143 : i32
      %mul3A_145 = arith.constant 96 : i32
      %mul3A_146 = arith.muli %add3A_144, %mul3A_145 : i32
      %add3A_147 = arith.constant 0 : i32
      %add3A_148 = arith.addi %mul3A_146, %add3A_147 : i32
      %get3A_149 = arith.index_cast %add3A_148 : i32 to index
      %get3A_150 = tpu.vector_load %arg8[%get3A_149] {strides = array<i32>} : memref<5016xi32, #tpu.memory_space<vmem>>, vector<16xi32>,
      %swap3A_151 = arith.constant 0 : index
      %swap3A_152 = tpu.vector_load %arg12[%swap3A_151] {strides = array<i32>} : memref<96xi32, #tpu.memory_space<vmem>>, vector<16xi32>,
      tpu.vector_store %arg12[%swap3A_151], %get3A_150 {strides = array<i32>} : memref<96xi32, #tpu.memory_space<vmem>>, vector<16xi32>,
      %mul3A_153 = arith.constant 96 : i32
      %mul3A_154 = arith.muli %add3A_144, %mul3A_153 : i32
      %add3A_155 = arith.constant 16 : i32
      %add3A_156 = arith.addi %mul3A_154, %add3A_155 : i32
      %get3A_157 = arith.index_cast %add3A_156 : i32 to index
      %get3A_158 = tpu.vector_load %arg8[%get3A_157] {strides = array<i32>} : memref<5016xi32, #tpu.memory_space<vmem>>, vector<16xi32>,
      %swap3A_159 = arith.constant 16 : index
      %swap3A_160 = tpu.vector_load %arg12[%swap3A_159] {strides = array<i32>} : memref<96xi32, #tpu.memory_space<vmem>>, vector<16xi32>,
      tpu.vector_store %arg12[%swap3A_159], %get3A_158 {strides = array<i32>} : memref<96xi32, #tpu.memory_space<vmem>>, vector<16xi32>,
      %mul3A_161 = arith.constant 96 : i32
      %mul3A_162 = arith.muli %add3A_144, %mul3A_161 : i32
      %add3A_163 = arith.constant 32 : i32
      %add3A_164 = arith.addi %mul3A_162, %add3A_163 : i32
      %get3A_165 = arith.index_cast %add3A_164 : i32 to index
      %get3A_166 = tpu.vector_load %arg8[%get3A_165] {strides = array<i32>} : memref<5016xi32, #tpu.memory_space<vmem>>, vector<16xi32>,
      %swap3A_167 = arith.constant 32 : index
      %swap3A_168 = tpu.vector_load %arg12[%swap3A_167] {strides = array<i32>} : memref<96xi32, #tpu.memory_space<vmem>>, vector<16xi32>,
      tpu.vector_store %arg12[%swap3A_167], %get3A_166 {strides = array<i32>} : memref<96xi32, #tpu.memory_space<vmem>>, vector<16xi32>,
      %mul3A_169 = arith.constant 96 : i32
      %mul3A_170 = arith.muli %add3A_144, %mul3A_169 : i32
      %add3A_171 = arith.constant 48 : i32
      %add3A_172 = arith.addi %mul3A_170, %add3A_171 : i32
      %get3A_173 = arith.index_cast %add3A_172 : i32 to index
      %get3A_174 = tpu.vector_load %arg8[%get3A_173] {strides = array<i32>} : memref<5016xi32, #tpu.memory_space<vmem>>, vector<16xi32>,
      %swap3A_175 = arith.constant 48 : index
      %swap3A_176 = tpu.vector_load %arg12[%swap3A_175] {strides = array<i32>} : memref<96xi32, #tpu.memory_space<vmem>>, vector<16xi32>,
      tpu.vector_store %arg12[%swap3A_175], %get3A_174 {strides = array<i32>} : memref<96xi32, #tpu.memory_space<vmem>>, vector<16xi32>,
      %mul3A_177 = arith.constant 96 : i32
      %mul3A_178 = arith.muli %add3A_144, %mul3A_177 : i32
      %add3A_179 = arith.constant 64 : i32
      %add3A_180 = arith.addi %mul3A_178, %add3A_179 : i32
      %get3A_181 = arith.index_cast %add3A_180 : i32 to index
      %get3A_182 = tpu.vector_load %arg8[%get3A_181] {strides = array<i32>} : memref<5016xi32, #tpu.memory_space<vmem>>, vector<16xi32>,
      %swap3A_183 = arith.constant 64 : index
      %swap3A_184 = tpu.vector_load %arg12[%swap3A_183] {strides = array<i32>} : memref<96xi32, #tpu.memory_space<vmem>>, vector<16xi32>,
      tpu.vector_store %arg12[%swap3A_183], %get3A_182 {strides = array<i32>} : memref<96xi32, #tpu.memory_space<vmem>>, vector<16xi32>,
      %mul3A_185 = arith.constant 96 : i32
      %mul3A_186 = arith.muli %add3A_144, %mul3A_185 : i32
      %add3A_187 = arith.constant 80 : i32
      %add3A_188 = arith.addi %mul3A_186, %add3A_187 : i32
      %get3A_189 = arith.index_cast %add3A_188 : i32 to index
      %get3A_190 = tpu.vector_load %arg8[%get3A_189] {strides = array<i32>} : memref<5016xi32, #tpu.memory_space<vmem>>, vector<16xi32>,
      %swap3A_191 = arith.constant 80 : index
      %swap3A_192 = tpu.vector_load %arg12[%swap3A_191] {strides = array<i32>} : memref<96xi32, #tpu.memory_space<vmem>>, vector<16xi32>,
      tpu.vector_store %arg12[%swap3A_191], %get3A_190 {strides = array<i32>} : memref<96xi32, #tpu.memory_space<vmem>>, vector<16xi32>,
      %dma_start3A_193 = arith.constant 0 : i32
      %dma_start3A_194 = arith.constant 0 : i32
      %dma_start3A_195 = tpu.memref_slice %arg2[%dma_start3A_193, %dma_start3A_194] : memref<10000x128xf32, #tpu.memory_space<hbm>> -> memref<10000x128xf32, #tpu.memory_space<hbm>>
      tpu.enqueue_indirect_dma source(%dma_start3A_195 : memref<10000x128xf32, #tpu.memory_space<hbm>>) target(%arg15 : memref<96x128xf32, #tpu.memory_space<vmem>>) offsets(%arg9 : memref<96xi32, #tpu.memory_space<vmem>>) semaphore(%arg22 : memref<!tpu.dma_semaphore, #tpu.memory_space<semaphore_mem>>)
      %add3A_196 = arith.constant 1 : i32
      %add3A_197 = arith.addi %mul3A_92, %add3A_196 : i32
      %mul3A_198 = arith.constant 96 : i32
      %mul3A_199 = arith.muli %add3A_197, %mul3A_198 : i32
      %add3A_200 = arith.constant 0 : i32
      %add3A_201 = arith.addi %mul3A_199, %add3A_200 : i32
      %get3A_202 = arith.index_cast %add3A_201 : i32 to index
      %get3A_203 = tpu.vector_load %arg7[%get3A_202] {strides = array<i32>} : memref<5016xi32, #tpu.memory_space<vmem>>, vector<16xi32>,
      %swap3A_204 = arith.constant 0 : index
      %swap3A_205 = tpu.vector_load %arg10[%swap3A_204] {strides = array<i32>} : memref<96xi32, #tpu.memory_space<vmem>>, vector<16xi32>,
      tpu.vector_store %arg10[%swap3A_204], %get3A_203 {strides = array<i32>} : memref<96xi32, #tpu.memory_space<vmem>>, vector<16xi32>,
      %mul3A_206 = arith.constant 96 : i32
      %mul3A_207 = arith.muli %add3A_197, %mul3A_206 : i32
      %add3A_208 = arith.constant 16 : i32
      %add3A_209 = arith.addi %mul3A_207, %add3A_208 : i32
      %get3A_210 = arith.index_cast %add3A_209 : i32 to index
      %get3A_211 = tpu.vector_load %arg7[%get3A_210] {strides = array<i32>} : memref<5016xi32, #tpu.memory_space<vmem>>, vector<16xi32>,
      %swap3A_212 = arith.constant 16 : index
      %swap3A_213 = tpu.vector_load %arg10[%swap3A_212] {strides = array<i32>} : memref<96xi32, #tpu.memory_space<vmem>>, vector<16xi32>,
      tpu.vector_store %arg10[%swap3A_212], %get3A_211 {strides = array<i32>} : memref<96xi32, #tpu.memory_space<vmem>>, vector<16xi32>,
      %mul3A_214 = arith.constant 96 : i32
      %mul3A_215 = arith.muli %add3A_197, %mul3A_214 : i32
      %add3A_216 = arith.constant 32 : i32
      %add3A_217 = arith.addi %mul3A_215, %add3A_216 : i32
      %get3A_218 = arith.index_cast %add3A_217 : i32 to index
      %get3A_219 = tpu.vector_load %arg7[%get3A_218] {strides = array<i32>} : memref<5016xi32, #tpu.memory_space<vmem>>, vector<16xi32>,
      %swap3A_220 = arith.constant 32 : index
      %swap3A_221 = tpu.vector_load %arg10[%swap3A_220] {strides = array<i32>} : memref<96xi32, #tpu.memory_space<vmem>>, vector<16xi32>,
      tpu.vector_store %arg10[%swap3A_220], %get3A_219 {strides = array<i32>} : memref<96xi32, #tpu.memory_space<vmem>>, vector<16xi32>,
      %mul3A_222 = arith.constant 96 : i32
      %mul3A_223 = arith.muli %add3A_197, %mul3A_222 : i32
      %add3A_224 = arith.constant 48 : i32
      %add3A_225 = arith.addi %mul3A_223, %add3A_224 : i32
      %get3A_226 = arith.index_cast %add3A_225 : i32 to index
      %get3A_227 = tpu.vector_load %arg7[%get3A_226] {strides = array<i32>} : memref<5016xi32, #tpu.memory_space<vmem>>, vector<16xi32>,
      %swap3A_228 = arith.constant 48 : index
      %swap3A_229 = tpu.vector_load %arg10[%swap3A_228] {strides = array<i32>} : memref<96xi32, #tpu.memory_space<vmem>>, vector<16xi32>,
      tpu.vector_store %arg10[%swap3A_228], %get3A_227 {strides = array<i32>} : memref<96xi32, #tpu.memory_space<vmem>>, vector<16xi32>,
      %mul3A_230 = arith.constant 96 : i32
      %mul3A_231 = arith.muli %add3A_197, %mul3A_230 : i32
      %add3A_232 = arith.constant 64 : i32
      %add3A_233 = arith.addi %mul3A_231, %add3A_232 : i32
      %get3A_234 = arith.index_cast %add3A_233 : i32 to index
      %get3A_235 = tpu.vector_load %arg7[%get3A_234] {strides = array<i32>} : memref<5016xi32, #tpu.memory_space<vmem>>, vector<16xi32>,
      %swap3A_236 = arith.constant 64 : index
      %swap3A_237 = tpu.vector_load %arg10[%swap3A_236] {strides = array<i32>} : memref<96xi32, #tpu.memory_space<vmem>>, vector<16xi32>,
      tpu.vector_store %arg10[%swap3A_236], %get3A_235 {strides = array<i32>} : memref<96xi32, #tpu.memory_space<vmem>>, vector<16xi32>,
      %mul3A_238 = arith.constant 96 : i32
      %mul3A_239 = arith.muli %add3A_197, %mul3A_238 : i32
      %add3A_240 = arith.constant 80 : i32
      %add3A_241 = arith.addi %mul3A_239, %add3A_240 : i32
      %get3A_242 = arith.index_cast %add3A_241 : i32 to index
      %get3A_243 = tpu.vector_load %arg7[%get3A_242] {strides = array<i32>} : memref<5016xi32, #tpu.memory_space<vmem>>, vector<16xi32>,
      %swap3A_244 = arith.constant 80 : index
      %swap3A_245 = tpu.vector_load %arg10[%swap3A_244] {strides = array<i32>} : memref<96xi32, #tpu.memory_space<vmem>>, vector<16xi32>,
      tpu.vector_store %arg10[%swap3A_244], %get3A_243 {strides = array<i32>} : memref<96xi32, #tpu.memory_space<vmem>>, vector<16xi32>,
      %add3A_246 = arith.constant 1 : i32
      %add3A_247 = arith.addi %mul3A_92, %add3A_246 : i32
      %mul3A_248 = arith.constant 96 : i32
      %mul3A_249 = arith.muli %add3A_247, %mul3A_248 : i32
      %add3A_250 = arith.constant 0 : i32
      %add3A_251 = arith.addi %mul3A_249, %add3A_250 : i32
      %get3A_252 = arith.index_cast %add3A_251 : i32 to index
      %get3A_253 = tpu.vector_load %arg8[%get3A_252] {strides = array<i32>} : memref<5016xi32, #tpu.memory_space<vmem>>, vector<16xi32>,
      %swap3A_254 = arith.constant 0 : index
      %swap3A_255 = tpu.vector_load %arg13[%swap3A_254] {strides = array<i32>} : memref<96xi32, #tpu.memory_space<vmem>>, vector<16xi32>,
      tpu.vector_store %arg13[%swap3A_254], %get3A_253 {strides = array<i32>} : memref<96xi32, #tpu.memory_space<vmem>>, vector<16xi32>,
      %mul3A_256 = arith.constant 96 : i32
      %mul3A_257 = arith.muli %add3A_247, %mul3A_256 : i32
      %add3A_258 = arith.constant 16 : i32
      %add3A_259 = arith.addi %mul3A_257, %add3A_258 : i32
      %get3A_260 = arith.index_cast %add3A_259 : i32 to index
      %get3A_261 = tpu.vector_load %arg8[%get3A_260] {strides = array<i32>} : memref<5016xi32, #tpu.memory_space<vmem>>, vector<16xi32>,
      %swap3A_262 = arith.constant 16 : index
      %swap3A_263 = tpu.vector_load %arg13[%swap3A_262] {strides = array<i32>} : memref<96xi32, #tpu.memory_space<vmem>>, vector<16xi32>,
      tpu.vector_store %arg13[%swap3A_262], %get3A_261 {strides = array<i32>} : memref<96xi32, #tpu.memory_space<vmem>>, vector<16xi32>,
      %mul3A_264 = arith.constant 96 : i32
      %mul3A_265 = arith.muli %add3A_247, %mul3A_264 : i32
      %add3A_266 = arith.constant 32 : i32
      %add3A_267 = arith.addi %mul3A_265, %add3A_266 : i32
      %get3A_268 = arith.index_cast %add3A_267 : i32 to index
      %get3A_269 = tpu.vector_load %arg8[%get3A_268] {strides = array<i32>} : memref<5016xi32, #tpu.memory_space<vmem>>, vector<16xi32>,
      %swap3A_270 = arith.constant 32 : index
      %swap3A_271 = tpu.vector_load %arg13[%swap3A_270] {strides = array<i32>} : memref<96xi32, #tpu.memory_space<vmem>>, vector<16xi32>,
      tpu.vector_store %arg13[%swap3A_270], %get3A_269 {strides = array<i32>} : memref<96xi32, #tpu.memory_space<vmem>>, vector<16xi32>,
      %mul3A_272 = arith.constant 96 : i32
      %mul3A_273 = arith.muli %add3A_247, %mul3A_272 : i32
      %add3A_274 = arith.constant 48 : i32
      %add3A_275 = arith.addi %mul3A_273, %add3A_274 : i32
      %get3A_276 = arith.index_cast %add3A_275 : i32 to index
      %get3A_277 = tpu.vector_load %arg8[%get3A_276] {strides = array<i32>} : memref<5016xi32, #tpu.memory_space<vmem>>, vector<16xi32>,
      %swap3A_278 = arith.constant 48 : index
      %swap3A_279 = tpu.vector_load %arg13[%swap3A_278] {strides = array<i32>} : memref<96xi32, #tpu.memory_space<vmem>>, vector<16xi32>,
      tpu.vector_store %arg13[%swap3A_278], %get3A_277 {strides = array<i32>} : memref<96xi32, #tpu.memory_space<vmem>>, vector<16xi32>,
      %mul3A_280 = arith.constant 96 : i32
      %mul3A_281 = arith.muli %add3A_247, %mul3A_280 : i32
      %add3A_282 = arith.constant 64 : i32
      %add3A_283 = arith.addi %mul3A_281, %add3A_282 : i32
      %get3A_284 = arith.index_cast %add3A_283 : i32 to index
      %get3A_285 = tpu.vector_load %arg8[%get3A_284] {strides = array<i32>} : memref<5016xi32, #tpu.memory_space<vmem>>, vector<16xi32>,
      %swap3A_286 = arith.constant 64 : index
      %swap3A_287 = tpu.vector_load %arg13[%swap3A_286] {strides = array<i32>} : memref<96xi32, #tpu.memory_space<vmem>>, vector<16xi32>,
      tpu.vector_store %arg13[%swap3A_286], %get3A_285 {strides = array<i32>} : memref<96xi32, #tpu.memory_space<vmem>>, vector<16xi32>,
      %mul3A_288 = arith.constant 96 : i32
      %mul3A_289 = arith.muli %add3A_247, %mul3A_288 : i32
      %add3A_290 = arith.constant 80 : i32
      %add3A_291 = arith.addi %mul3A_289, %add3A_290 : i32
      %get3A_292 = arith.index_cast %add3A_291 : i32 to index
      %get3A_293 = tpu.vector_load %arg8[%get3A_292] {strides = array<i32>} : memref<5016xi32, #tpu.memory_space<vmem>>, vector<16xi32>,
      %swap3A_294 = arith.constant 80 : index
      %swap3A_295 = tpu.vector_load %arg13[%swap3A_294] {strides = array<i32>} : memref<96xi32, #tpu.memory_space<vmem>>, vector<16xi32>,
      tpu.vector_store %arg13[%swap3A_294], %get3A_293 {strides = array<i32>} : memref<96xi32, #tpu.memory_space<vmem>>, vector<16xi32>,
      %dma_start3A_296 = arith.constant 0 : i32
      %dma_start3A_297 = arith.constant 0 : i32
      %dma_start3A_298 = tpu.memref_slice %arg2[%dma_start3A_296, %dma_start3A_297] : memref<10000x128xf32, #tpu.memory_space<hbm>> -> memref<10000x128xf32, #tpu.memory_space<hbm>>
      tpu.enqueue_indirect_dma source(%dma_start3A_298 : memref<10000x128xf32, #tpu.memory_space<hbm>>) target(%arg16 : memref<96x128xf32, #tpu.memory_space<vmem>>) offsets(%arg10 : memref<96xi32, #tpu.memory_space<vmem>>) semaphore(%arg23 : memref<!tpu.dma_semaphore, #tpu.memory_space<semaphore_mem>>)
      %add3A_299 = arith.constant 2 : i32
      %add3A_300 = arith.addi %mul3A_92, %add3A_299 : i32
      %mul3A_301 = arith.constant 96 : i32
      %mul3A_302 = arith.muli %add3A_300, %mul3A_301 : i32
      %add3A_303 = arith.constant 0 : i32
      %add3A_304 = arith.addi %mul3A_302, %add3A_303 : i32
      %get3A_305 = arith.index_cast %add3A_304 : i32 to index
      %get3A_306 = tpu.vector_load %arg7[%get3A_305] {strides = array<i32>} : memref<5016xi32, #tpu.memory_space<vmem>>, vector<16xi32>,
      %swap3A_307 = arith.constant 0 : index
      %swap3A_308 = tpu.vector_load %arg11[%swap3A_307] {strides = array<i32>} : memref<96xi32, #tpu.memory_space<vmem>>, vector<16xi32>,
      tpu.vector_store %arg11[%swap3A_307], %get3A_306 {strides = array<i32>} : memref<96xi32, #tpu.memory_space<vmem>>, vector<16xi32>,
      %mul3A_309 = arith.constant 96 : i32
      %mul3A_310 = arith.muli %add3A_300, %mul3A_309 : i32
      %add3A_311 = arith.constant 16 : i32
      %add3A_312 = arith.addi %mul3A_310, %add3A_311 : i32
      %get3A_313 = arith.index_cast %add3A_312 : i32 to index
      %get3A_314 = tpu.vector_load %arg7[%get3A_313] {strides = array<i32>} : memref<5016xi32, #tpu.memory_space<vmem>>, vector<16xi32>,
      %swap3A_315 = arith.constant 16 : index
      %swap3A_316 = tpu.vector_load %arg11[%swap3A_315] {strides = array<i32>} : memref<96xi32, #tpu.memory_space<vmem>>, vector<16xi32>,
      tpu.vector_store %arg11[%swap3A_315], %get3A_314 {strides = array<i32>} : memref<96xi32, #tpu.memory_space<vmem>>, vector<16xi32>,
      %mul3A_317 = arith.constant 96 : i32
      %mul3A_318 = arith.muli %add3A_300, %mul3A_317 : i32
      %add3A_319 = arith.constant 32 : i32
      %add3A_320 = arith.addi %mul3A_318, %add3A_319 : i32
      %get3A_321 = arith.index_cast %add3A_320 : i32 to index
      %get3A_322 = tpu.vector_load %arg7[%get3A_321] {strides = array<i32>} : memref<5016xi32, #tpu.memory_space<vmem>>, vector<16xi32>,
      %swap3A_323 = arith.constant 32 : index
      %swap3A_324 = tpu.vector_load %arg11[%swap3A_323] {strides = array<i32>} : memref<96xi32, #tpu.memory_space<vmem>>, vector<16xi32>,
      tpu.vector_store %arg11[%swap3A_323], %get3A_322 {strides = array<i32>} : memref<96xi32, #tpu.memory_space<vmem>>, vector<16xi32>,
      %mul3A_325 = arith.constant 96 : i32
      %mul3A_326 = arith.muli %add3A_300, %mul3A_325 : i32
      %add3A_327 = arith.constant 48 : i32
      %add3A_328 = arith.addi %mul3A_326, %add3A_327 : i32
      %get3A_329 = arith.index_cast %add3A_328 : i32 to index
      %get3A_330 = tpu.vector_load %arg7[%get3A_329] {strides = array<i32>} : memref<5016xi32, #tpu.memory_space<vmem>>, vector<16xi32>,
      %swap3A_331 = arith.constant 48 : index
      %swap3A_332 = tpu.vector_load %arg11[%swap3A_331] {strides = array<i32>} : memref<96xi32, #tpu.memory_space<vmem>>, vector<16xi32>,
      tpu.vector_store %arg11[%swap3A_331], %get3A_330 {strides = array<i32>} : memref<96xi32, #tpu.memory_space<vmem>>, vector<16xi32>,
      %mul3A_333 = arith.constant 96 : i32
      %mul3A_334 = arith.muli %add3A_300, %mul3A_333 : i32
      %add3A_335 = arith.constant 64 : i32
      %add3A_336 = arith.addi %mul3A_334, %add3A_335 : i32
      %get3A_337 = arith.index_cast %add3A_336 : i32 to index
      %get3A_338 = tpu.vector_load %arg7[%get3A_337] {strides = array<i32>} : memref<5016xi32, #tpu.memory_space<vmem>>, vector<16xi32>,
      %swap3A_339 = arith.constant 64 : index
      %swap3A_340 = tpu.vector_load %arg11[%swap3A_339] {strides = array<i32>} : memref<96xi32, #tpu.memory_space<vmem>>, vector<16xi32>,
      tpu.vector_store %arg11[%swap3A_339], %get3A_338 {strides = array<i32>} : memref<96xi32, #tpu.memory_space<vmem>>, vector<16xi32>,
      %mul3A_341 = arith.constant 96 : i32
      %mul3A_342 = arith.muli %add3A_300, %mul3A_341 : i32
      %add3A_343 = arith.constant 80 : i32
      %add3A_344 = arith.addi %mul3A_342, %add3A_343 : i32
      %get3A_345 = arith.index_cast %add3A_344 : i32 to index
      %get3A_346 = tpu.vector_load %arg7[%get3A_345] {strides = array<i32>} : memref<5016xi32, #tpu.memory_space<vmem>>, vector<16xi32>,
      %swap3A_347 = arith.constant 80 : index
      %swap3A_348 = tpu.vector_load %arg11[%swap3A_347] {strides = array<i32>} : memref<96xi32, #tpu.memory_space<vmem>>, vector<16xi32>,
      tpu.vector_store %arg11[%swap3A_347], %get3A_346 {strides = array<i32>} : memref<96xi32, #tpu.memory_space<vmem>>, vector<16xi32>,
      %add3A_349 = arith.constant 2 : i32
      %add3A_350 = arith.addi %mul3A_92, %add3A_349 : i32
      %mul3A_351 = arith.constant 96 : i32
      %mul3A_352 = arith.muli %add3A_350, %mul3A_351 : i32
      %add3A_353 = arith.constant 0 : i32
      %add3A_354 = arith.addi %mul3A_352, %add3A_353 : i32
      %get3A_355 = arith.index_cast %add3A_354 : i32 to index
      %get3A_356 = tpu.vector_load %arg8[%get3A_355] {strides = array<i32>} : memref<5016xi32, #tpu.memory_space<vmem>>, vector<16xi32>,
      %swap3A_357 = arith.constant 0 : index
      %swap3A_358 = tpu.vector_load %arg14[%swap3A_357] {strides = array<i32>} : memref<96xi32, #tpu.memory_space<vmem>>, vector<16xi32>,
      tpu.vector_store %arg14[%swap3A_357], %get3A_356 {strides = array<i32>} : memref<96xi32, #tpu.memory_space<vmem>>, vector<16xi32>,
      %mul3A_359 = arith.constant 96 : i32
      %mul3A_360 = arith.muli %add3A_350, %mul3A_359 : i32
      %add3A_361 = arith.constant 16 : i32
      %add3A_362 = arith.addi %mul3A_360, %add3A_361 : i32
      %get3A_363 = arith.index_cast %add3A_362 : i32 to index
      %get3A_364 = tpu.vector_load %arg8[%get3A_363] {strides = array<i32>} : memref<5016xi32, #tpu.memory_space<vmem>>, vector<16xi32>,
      %swap3A_365 = arith.constant 16 : index
      %swap3A_366 = tpu.vector_load %arg14[%swap3A_365] {strides = array<i32>} : memref<96xi32, #tpu.memory_space<vmem>>, vector<16xi32>,
      tpu.vector_store %arg14[%swap3A_365], %get3A_364 {strides = array<i32>} : memref<96xi32, #tpu.memory_space<vmem>>, vector<16xi32>,
      %mul3A_367 = arith.constant 96 : i32
      %mul3A_368 = arith.muli %add3A_350, %mul3A_367 : i32
      %add3A_369 = arith.constant 32 : i32
      %add3A_370 = arith.addi %mul3A_368, %add3A_369 : i32
      %get3A_371 = arith.index_cast %add3A_370 : i32 to index
      %get3A_372 = tpu.vector_load %arg8[%get3A_371] {strides = array<i32>} : memref<5016xi32, #tpu.memory_space<vmem>>, vector<16xi32>,
      %swap3A_373 = arith.constant 32 : index
      %swap3A_374 = tpu.vector_load %arg14[%swap3A_373] {strides = array<i32>} : memref<96xi32, #tpu.memory_space<vmem>>, vector<16xi32>,
      tpu.vector_store %arg14[%swap3A_373], %get3A_372 {strides = array<i32>} : memref<96xi32, #tpu.memory_space<vmem>>, vector<16xi32>,
      %mul3A_375 = arith.constant 96 : i32
      %mul3A_376 = arith.muli %add3A_350, %mul3A_375 : i32
      %add3A_377 = arith.constant 48 : i32
      %add3A_378 = arith.addi %mul3A_376, %add3A_377 : i32
      %get3A_379 = arith.index_cast %add3A_378 : i32 to index
      %get3A_380 = tpu.vector_load %arg8[%get3A_379] {strides = array<i32>} : memref<5016xi32, #tpu.memory_space<vmem>>, vector<16xi32>,
      %swap3A_381 = arith.constant 48 : index
      %swap3A_382 = tpu.vector_load %arg14[%swap3A_381] {strides = array<i32>} : memref<96xi32, #tpu.memory_space<vmem>>, vector<16xi32>,
      tpu.vector_store %arg14[%swap3A_381], %get3A_380 {strides = array<i32>} : memref<96xi32, #tpu.memory_space<vmem>>, vector<16xi32>,
      %mul3A_383 = arith.constant 96 : i32
      %mul3A_384 = arith.muli %add3A_350, %mul3A_383 : i32
      %add3A_385 = arith.constant 64 : i32
      %add3A_386 = arith.addi %mul3A_384, %add3A_385 : i32
      %get3A_387 = arith.index_cast %add3A_386 : i32 to index
      %get3A_388 = tpu.vector_load %arg8[%get3A_387] {strides = array<i32>} : memref<5016xi32, #tpu.memory_space<vmem>>, vector<16xi32>,
      %swap3A_389 = arith.constant 64 : index
      %swap3A_390 = tpu.vector_load %arg14[%swap3A_389] {strides = array<i32>} : memref<96xi32, #tpu.memory_space<vmem>>, vector<16xi32>,
      tpu.vector_store %arg14[%swap3A_389], %get3A_388 {strides = array<i32>} : memref<96xi32, #tpu.memory_space<vmem>>, vector<16xi32>,
      %mul3A_391 = arith.constant 96 : i32
      %mul3A_392 = arith.muli %add3A_350, %mul3A_391 : i32
      %add3A_393 = arith.constant 80 : i32
      %add3A_394 = arith.addi %mul3A_392, %add3A_393 : i32
      %get3A_395 = arith.index_cast %add3A_394 : i32 to index
      %get3A_396 = tpu.vector_load %arg8[%get3A_395] {strides = array<i32>} : memref<5016xi32, #tpu.memory_space<vmem>>, vector<16xi32>,
      %swap3A_397 = arith.constant 80 : index
      %swap3A_398 = tpu.vector_load %arg14[%swap3A_397] {strides = array<i32>} : memref<96xi32, #tpu.memory_space<vmem>>, vector<16xi32>,
      tpu.vector_store %arg14[%swap3A_397], %get3A_396 {strides = array<i32>} : memref<96xi32, #tpu.memory_space<vmem>>, vector<16xi32>,
      %dma_start3A_399 = arith.constant 0 : i32
      %dma_start3A_400 = arith.constant 0 : i32
      %dma_start3A_401 = tpu.memref_slice %arg2[%dma_start3A_399, %dma_start3A_400] : memref<10000x128xf32, #tpu.memory_space<hbm>> -> memref<10000x128xf32, #tpu.memory_space<hbm>>
      tpu.enqueue_indirect_dma source(%dma_start3A_401 : memref<10000x128xf32, #tpu.memory_space<hbm>>) target(%arg17 : memref<96x128xf32, #tpu.memory_space<vmem>>) offsets(%arg11 : memref<96xi32, #tpu.memory_space<vmem>>) semaphore(%arg24 : memref<!tpu.dma_semaphore, #tpu.memory_space<semaphore_mem>>)
      %dma_wait3A_402 = arith.constant 0 : i32
      %dma_wait3A_403 = arith.constant 0 : i32
      %dma_wait3A_404 = tpu.memref_slice %arg2[%dma_wait3A_402, %dma_wait3A_403] : memref<10000x128xf32, #tpu.memory_space<hbm>> -> memref<10000x128xf32, #tpu.memory_space<hbm>>
      tpu.wait_indirect_dma semaphore(%arg22 : memref<!tpu.dma_semaphore, #tpu.memory_space<semaphore_mem>>) src(%dma_wait3A_404 : memref<10000x128xf32, #tpu.memory_space<hbm>>) dst(%arg15 : memref<96x128xf32, #tpu.memory_space<vmem>>)
      %dma_start3A_405 = arith.constant 0 : i32
      %dma_start3A_406 = arith.constant 0 : i32
      %dma_start3A_407 = tpu.memref_slice %arg21[%dma_start3A_405, %dma_start3A_406] : memref<10000x128xf32, #tpu.memory_space<vmem_shared>> -> memref<10000x128xf32, #tpu.memory_space<vmem_shared>>
      tpu.enqueue_indirect_dma source(%arg15 : memref<96x128xf32, #tpu.memory_space<vmem>>) target(%dma_start3A_407 : memref<10000x128xf32, #tpu.memory_space<vmem_shared>>) offsets(%arg12 : memref<96xi32, #tpu.memory_space<vmem>>) semaphore(%arg25 : memref<!tpu.dma_semaphore, #tpu.memory_space<semaphore_mem>>) {add = true}
      %dma_wait3A_408 = arith.constant 0 : i32
      %dma_wait3A_409 = arith.constant 0 : i32
      %dma_wait3A_410 = tpu.memref_slice %arg2[%dma_wait3A_408, %dma_wait3A_409] : memref<10000x128xf32, #tpu.memory_space<hbm>> -> memref<10000x128xf32, #tpu.memory_space<hbm>>
      tpu.wait_indirect_dma semaphore(%arg23 : memref<!tpu.dma_semaphore, #tpu.memory_space<semaphore_mem>>) src(%dma_wait3A_410 : memref<10000x128xf32, #tpu.memory_space<hbm>>) dst(%arg16 : memref<96x128xf32, #tpu.memory_space<vmem>>)
      %dma_start3A_411 = arith.constant 0 : i32
      %dma_start3A_412 = arith.constant 0 : i32
      %dma_start3A_413 = tpu.memref_slice %arg21[%dma_start3A_411, %dma_start3A_412] : memref<10000x128xf32, #tpu.memory_space<vmem_shared>> -> memref<10000x128xf32, #tpu.memory_space<vmem_shared>>
      tpu.enqueue_indirect_dma source(%arg16 : memref<96x128xf32, #tpu.memory_space<vmem>>) target(%dma_start3A_413 : memref<10000x128xf32, #tpu.memory_space<vmem_shared>>) offsets(%arg13 : memref<96xi32, #tpu.memory_space<vmem>>) semaphore(%arg26 : memref<!tpu.dma_semaphore, #tpu.memory_space<semaphore_mem>>) {add = true}
      %dma_wait3A_414 = arith.constant 0 : i32
      %dma_wait3A_415 = arith.constant 0 : i32
      %dma_wait3A_416 = tpu.memref_slice %arg2[%dma_wait3A_414, %dma_wait3A_415] : memref<10000x128xf32, #tpu.memory_space<hbm>> -> memref<10000x128xf32, #tpu.memory_space<hbm>>
      tpu.wait_indirect_dma semaphore(%arg24 : memref<!tpu.dma_semaphore, #tpu.memory_space<semaphore_mem>>) src(%dma_wait3A_416 : memref<10000x128xf32, #tpu.memory_space<hbm>>) dst(%arg17 : memref<96x128xf32, #tpu.memory_space<vmem>>)
      %dma_start3A_417 = arith.constant 0 : i32
      %dma_start3A_418 = arith.constant 0 : i32
      %dma_start3A_419 = tpu.memref_slice %arg21[%dma_start3A_417, %dma_start3A_418] : memref<10000x128xf32, #tpu.memory_space<vmem_shared>> -> memref<10000x128xf32, #tpu.memory_space<vmem_shared>>
      tpu.enqueue_indirect_dma source(%arg17 : memref<96x128xf32, #tpu.memory_space<vmem>>) target(%dma_start3A_419 : memref<10000x128xf32, #tpu.memory_space<vmem_shared>>) offsets(%arg14 : memref<96xi32, #tpu.memory_space<vmem>>) semaphore(%arg27 : memref<!tpu.dma_semaphore, #tpu.memory_space<semaphore_mem>>) {add = true}
      %dma_wait3A_420 = arith.constant 0 : i32
      %dma_wait3A_421 = arith.constant 0 : i32
      %dma_wait3A_422 = tpu.memref_slice %arg21[%dma_wait3A_420, %dma_wait3A_421] : memref<10000x128xf32, #tpu.memory_space<vmem_shared>> -> memref<10000x128xf32, #tpu.memory_space<vmem_shared>>
      tpu.wait_indirect_dma semaphore(%arg25 : memref<!tpu.dma_semaphore, #tpu.memory_space<semaphore_mem>>) src(%arg15 : memref<96x128xf32, #tpu.memory_space<vmem>>) dst(%dma_wait3A_422 : memref<10000x128xf32, #tpu.memory_space<vmem_shared>>)
      %dma_wait3A_423 = arith.constant 0 : i32
      %dma_wait3A_424 = arith.constant 0 : i32
      %dma_wait3A_425 = tpu.memref_slice %arg21[%dma_wait3A_423, %dma_wait3A_424] : memref<10000x128xf32, #tpu.memory_space<vmem_shared>> -> memref<10000x128xf32, #tpu.memory_space<vmem_shared>>
      tpu.wait_indirect_dma semaphore(%arg26 : memref<!tpu.dma_semaphore, #tpu.memory_space<semaphore_mem>>) src(%arg16 : memref<96x128xf32, #tpu.memory_space<vmem>>) dst(%dma_wait3A_425 : memref<10000x128xf32, #tpu.memory_space<vmem_shared>>)
      %dma_wait3A_426 = arith.constant 0 : i32
      %dma_wait3A_427 = arith.constant 0 : i32
      %dma_wait3A_428 = tpu.memref_slice %arg21[%dma_wait3A_426, %dma_wait3A_427] : memref<10000x128xf32, #tpu.memory_space<vmem_shared>> -> memref<10000x128xf32, #tpu.memory_space<vmem_shared>>
      tpu.wait_indirect_dma semaphore(%arg27 : memref<!tpu.dma_semaphore, #tpu.memory_space<semaphore_mem>>) src(%arg17 : memref<96x128xf32, #tpu.memory_space<vmem>>) dst(%dma_wait3A_428 : memref<10000x128xf32, #tpu.memory_space<vmem_shared>>)
      %scan3A_429 = arith.constant 0 : i32
      scf.yield %scan3A_429 : i32
    }
    %scan3A_12 = arith.constant 17 : i32
    %get3A = arith.constant 4896 : index
    %get3A_13 = tpu.vector_load %arg7[%get3A] {strides = array<i32>} : memref<5016xi32, #tpu.memory_space<vmem>>, vector<16xi32>,
    %swap3A = arith.constant 0 : index
    %swap3A_14 = tpu.vector_load %arg9[%swap3A] {strides = array<i32>} : memref<96xi32, #tpu.memory_space<vmem>>, vector<16xi32>,
    tpu.vector_store %arg9[%swap3A], %get3A_13 {strides = array<i32>} : memref<96xi32, #tpu.memory_space<vmem>>, vector<16xi32>,
    %get3A_15 = arith.constant 4912 : index
    %get3A_16 = tpu.vector_load %arg7[%get3A_15] {strides = array<i32>} : memref<5016xi32, #tpu.memory_space<vmem>>, vector<16xi32>,
    %swap3A_17 = arith.constant 16 : index
    %swap3A_18 = tpu.vector_load %arg9[%swap3A_17] {strides = array<i32>} : memref<96xi32, #tpu.memory_space<vmem>>, vector<16xi32>,
    tpu.vector_store %arg9[%swap3A_17], %get3A_16 {strides = array<i32>} : memref<96xi32, #tpu.memory_space<vmem>>, vector<16xi32>,
    %get3A_19 = arith.constant 4928 : index
    %get3A_20 = tpu.vector_load %arg7[%get3A_19] {strides = array<i32>} : memref<5016xi32, #tpu.memory_space<vmem>>, vector<16xi32>,
    %swap3A_21 = arith.constant 32 : index
    %swap3A_22 = tpu.vector_load %arg9[%swap3A_21] {strides = array<i32>} : memref<96xi32, #tpu.memory_space<vmem>>, vector<16xi32>,
    tpu.vector_store %arg9[%swap3A_21], %get3A_20 {strides = array<i32>} : memref<96xi32, #tpu.memory_space<vmem>>, vector<16xi32>,
    %get3A_23 = arith.constant 4944 : index
    %get3A_24 = tpu.vector_load %arg7[%get3A_23] {strides = array<i32>} : memref<5016xi32, #tpu.memory_space<vmem>>, vector<16xi32>,
    %swap3A_25 = arith.constant 48 : index
    %swap3A_26 = tpu.vector_load %arg9[%swap3A_25] {strides = array<i32>} : memref<96xi32, #tpu.memory_space<vmem>>, vector<16xi32>,
    tpu.vector_store %arg9[%swap3A_25], %get3A_24 {strides = array<i32>} : memref<96xi32, #tpu.memory_space<vmem>>, vector<16xi32>,
    %get3A_27 = arith.constant 4960 : index
    %get3A_28 = tpu.vector_load %arg7[%get3A_27] {strides = array<i32>} : memref<5016xi32, #tpu.memory_space<vmem>>, vector<16xi32>,
    %swap3A_29 = arith.constant 64 : index
    %swap3A_30 = tpu.vector_load %arg9[%swap3A_29] {strides = array<i32>} : memref<96xi32, #tpu.memory_space<vmem>>, vector<16xi32>,
    tpu.vector_store %arg9[%swap3A_29], %get3A_28 {strides = array<i32>} : memref<96xi32, #tpu.memory_space<vmem>>, vector<16xi32>,
    %get3A_31 = arith.constant 4976 : index
    %get3A_32 = tpu.vector_load %arg7[%get3A_31] {strides = array<i32>} : memref<5016xi32, #tpu.memory_space<vmem>>, vector<16xi32>,
    %swap3A_33 = arith.constant 80 : index
    %swap3A_34 = tpu.vector_load %arg9[%swap3A_33] {strides = array<i32>} : memref<96xi32, #tpu.memory_space<vmem>>, vector<16xi32>,
    tpu.vector_store %arg9[%swap3A_33], %get3A_32 {strides = array<i32>} : memref<96xi32, #tpu.memory_space<vmem>>, vector<16xi32>,
    %get3A_35 = arith.constant 4896 : index
    %get3A_36 = tpu.vector_load %arg8[%get3A_35] {strides = array<i32>} : memref<5016xi32, #tpu.memory_space<vmem>>, vector<16xi32>,
    %swap3A_37 = arith.constant 0 : index
    %swap3A_38 = tpu.vector_load %arg12[%swap3A_37] {strides = array<i32>} : memref<96xi32, #tpu.memory_space<vmem>>, vector<16xi32>,
    tpu.vector_store %arg12[%swap3A_37], %get3A_36 {strides = array<i32>} : memref<96xi32, #tpu.memory_space<vmem>>, vector<16xi32>,
    %get3A_39 = arith.constant 4912 : index
    %get3A_40 = tpu.vector_load %arg8[%get3A_39] {strides = array<i32>} : memref<5016xi32, #tpu.memory_space<vmem>>, vector<16xi32>,
    %swap3A_41 = arith.constant 16 : index
    %swap3A_42 = tpu.vector_load %arg12[%swap3A_41] {strides = array<i32>} : memref<96xi32, #tpu.memory_space<vmem>>, vector<16xi32>,
    tpu.vector_store %arg12[%swap3A_41], %get3A_40 {strides = array<i32>} : memref<96xi32, #tpu.memory_space<vmem>>, vector<16xi32>,
    %get3A_43 = arith.constant 4928 : index
    %get3A_44 = tpu.vector_load %arg8[%get3A_43] {strides = array<i32>} : memref<5016xi32, #tpu.memory_space<vmem>>, vector<16xi32>,
    %swap3A_45 = arith.constant 32 : index
    %swap3A_46 = tpu.vector_load %arg12[%swap3A_45] {strides = array<i32>} : memref<96xi32, #tpu.memory_space<vmem>>, vector<16xi32>,
    tpu.vector_store %arg12[%swap3A_45], %get3A_44 {strides = array<i32>} : memref<96xi32, #tpu.memory_space<vmem>>, vector<16xi32>,
    %get3A_47 = arith.constant 4944 : index
    %get3A_48 = tpu.vector_load %arg8[%get3A_47] {strides = array<i32>} : memref<5016xi32, #tpu.memory_space<vmem>>, vector<16xi32>,
    %swap3A_49 = arith.constant 48 : index
    %swap3A_50 = tpu.vector_load %arg12[%swap3A_49] {strides = array<i32>} : memref<96xi32, #tpu.memory_space<vmem>>, vector<16xi32>,
    tpu.vector_store %arg12[%swap3A_49], %get3A_48 {strides = array<i32>} : memref<96xi32, #tpu.memory_space<vmem>>, vector<16xi32>,
    %get3A_51 = arith.constant 4960 : index
    %get3A_52 = tpu.vector_load %arg8[%get3A_51] {strides = array<i32>} : memref<5016xi32, #tpu.memory_space<vmem>>, vector<16xi32>,
    %swap3A_53 = arith.constant 64 : index
    %swap3A_54 = tpu.vector_load %arg12[%swap3A_53] {strides = array<i32>} : memref<96xi32, #tpu.memory_space<vmem>>, vector<16xi32>,
    tpu.vector_store %arg12[%swap3A_53], %get3A_52 {strides = array<i32>} : memref<96xi32, #tpu.memory_space<vmem>>, vector<16xi32>,
    %get3A_55 = arith.constant 4976 : index
    %get3A_56 = tpu.vector_load %arg8[%get3A_55] {strides = array<i32>} : memref<5016xi32, #tpu.memory_space<vmem>>, vector<16xi32>,
    %swap3A_57 = arith.constant 80 : index
    %swap3A_58 = tpu.vector_load %arg12[%swap3A_57] {strides = array<i32>} : memref<96xi32, #tpu.memory_space<vmem>>, vector<16xi32>,
    tpu.vector_store %arg12[%swap3A_57], %get3A_56 {strides = array<i32>} : memref<96xi32, #tpu.memory_space<vmem>>, vector<16xi32>,
    %dma_start3A = arith.constant 0 : i32
    %dma_start3A_59 = arith.constant 0 : i32
    %dma_start3A_60 = tpu.memref_slice %arg2[%dma_start3A, %dma_start3A_59] : memref<10000x128xf32, #tpu.memory_space<hbm>> -> memref<10000x128xf32, #tpu.memory_space<hbm>>
    tpu.enqueue_indirect_dma source(%dma_start3A_60 : memref<10000x128xf32, #tpu.memory_space<hbm>>) target(%arg15 : memref<96x128xf32, #tpu.memory_space<vmem>>) offsets(%arg9 : memref<96xi32, #tpu.memory_space<vmem>>) semaphore(%arg22 : memref<!tpu.dma_semaphore, #tpu.memory_space<semaphore_mem>>)
    %dma_wait3A = arith.constant 0 : i32
    %dma_wait3A_61 = arith.constant 0 : i32
    %dma_wait3A_62 = tpu.memref_slice %arg2[%dma_wait3A, %dma_wait3A_61] : memref<10000x128xf32, #tpu.memory_space<hbm>> -> memref<10000x128xf32, #tpu.memory_space<hbm>>
    tpu.wait_indirect_dma semaphore(%arg22 : memref<!tpu.dma_semaphore, #tpu.memory_space<semaphore_mem>>) src(%dma_wait3A_62 : memref<10000x128xf32, #tpu.memory_space<hbm>>) dst(%arg15 : memref<96x128xf32, #tpu.memory_space<vmem>>)
    %dma_start3A_63 = arith.constant 0 : i32
    %dma_start3A_64 = arith.constant 0 : i32
    %dma_start3A_65 = tpu.memref_slice %arg21[%dma_start3A_63, %dma_start3A_64] : memref<10000x128xf32, #tpu.memory_space<vmem_shared>> -> memref<10000x128xf32, #tpu.memory_space<vmem_shared>>
    tpu.enqueue_indirect_dma source(%arg15 : memref<96x128xf32, #tpu.memory_space<vmem>>) target(%dma_start3A_65 : memref<10000x128xf32, #tpu.memory_space<vmem_shared>>) offsets(%arg12 : memref<96xi32, #tpu.memory_space<vmem>>) semaphore(%arg25 : memref<!tpu.dma_semaphore, #tpu.memory_space<semaphore_mem>>) {add = true}
    %dma_wait3A_66 = arith.constant 0 : i32
    %dma_wait3A_67 = arith.constant 0 : i32
    %dma_wait3A_68 = tpu.memref_slice %arg21[%dma_wait3A_66, %dma_wait3A_67] : memref<10000x128xf32, #tpu.memory_space<vmem_shared>> -> memref<10000x128xf32, #tpu.memory_space<vmem_shared>>
    tpu.wait_indirect_dma semaphore(%arg25 : memref<!tpu.dma_semaphore, #tpu.memory_space<semaphore_mem>>) src(%arg15 : memref<96x128xf32, #tpu.memory_space<vmem>>) dst(%dma_wait3A_68 : memref<10000x128xf32, #tpu.memory_space<vmem_shared>>)
    %add3A_69 = arith.constant 4992 : i32
    %add3A_70 = arith.addi %mul3A_2, %add3A_69 : i32
    "tpu.region"() ({
      %run_scoped3A = tpu.sem_alloc : memref<!tpu.dma_semaphore, #tpu.memory_space<semaphore_mem>>
      %dma_start3A_89 = tpu.memref_slice %arg3[%add3A_70] : memref<160000xi32, #tpu.memory_space<hbm>> -> memref<8xi32, #tpu.memory_space<hbm>>
      %dma_start3A_90 = tpu.memref_slice %arg3[%add3A_70] : memref<160000xi32, #tpu.memory_space<hbm>> -> memref<8xi32, #tpu.memory_space<hbm>>
      tpu.enqueue_dma source(%dma_start3A_90 : memref<8xi32, #tpu.memory_space<hbm>>) target(%arg18 : memref<8xi32, #tpu.memory_space<vmem>>) target_semaphore(%run_scoped3A : memref<!tpu.dma_semaphore, #tpu.memory_space<semaphore_mem>>)
      %dma_wait3A_91 = tpu.memref_slice %arg3[%add3A_70] : memref<160000xi32, #tpu.memory_space<hbm>> -> memref<8xi32, #tpu.memory_space<hbm>>
      %dma_wait3A_92 = tpu.memref_slice %arg3[%add3A_70] : memref<160000xi32, #tpu.memory_space<hbm>> -> memref<8xi32, #tpu.memory_space<hbm>>
      tpu.wait_dma2 semaphore(%run_scoped3A : memref<!tpu.dma_semaphore, #tpu.memory_space<semaphore_mem>>) src(%dma_wait3A_92 : memref<8xi32, #tpu.memory_space<hbm>>) dst(%arg18 : memref<8xi32, #tpu.memory_space<vmem>>)
      tpu.yield
    }) : () -> ()
    "tpu.region"() ({
      %run_scoped3A = tpu.sem_alloc : memref<!tpu.dma_semaphore, #tpu.memory_space<semaphore_mem>>
      %dma_start3A_89 = tpu.memref_slice %arg4[%add3A_70] : memref<160000xi32, #tpu.memory_space<hbm>> -> memref<8xi32, #tpu.memory_space<hbm>>
      %dma_start3A_90 = tpu.memref_slice %arg4[%add3A_70] : memref<160000xi32, #tpu.memory_space<hbm>> -> memref<8xi32, #tpu.memory_space<hbm>>
      tpu.enqueue_dma source(%dma_start3A_90 : memref<8xi32, #tpu.memory_space<hbm>>) target(%arg19 : memref<8xi32, #tpu.memory_space<vmem>>) target_semaphore(%run_scoped3A : memref<!tpu.dma_semaphore, #tpu.memory_space<semaphore_mem>>)
      %dma_wait3A_91 = tpu.memref_slice %arg4[%add3A_70] : memref<160000xi32, #tpu.memory_space<hbm>> -> memref<8xi32, #tpu.memory_space<hbm>>
      %dma_wait3A_92 = tpu.memref_slice %arg4[%add3A_70] : memref<160000xi32, #tpu.memory_space<hbm>> -> memref<8xi32, #tpu.memory_space<hbm>>
      tpu.wait_dma2 semaphore(%run_scoped3A : memref<!tpu.dma_semaphore, #tpu.memory_space<semaphore_mem>>) src(%dma_wait3A_92 : memref<8xi32, #tpu.memory_space<hbm>>) dst(%arg19 : memref<8xi32, #tpu.memory_space<vmem>>)
      tpu.yield
    }) : () -> ()
    %dma_start3A_71 = arith.constant 0 : i32
    %dma_start3A_72 = arith.constant 0 : i32
    %dma_start3A_73 = tpu.memref_slice %arg2[%dma_start3A_71, %dma_start3A_72] : memref<10000x128xf32, #tpu.memory_space<hbm>> -> memref<10000x128xf32, #tpu.memory_space<hbm>>
    tpu.enqueue_indirect_dma source(%dma_start3A_73 : memref<10000x128xf32, #tpu.memory_space<hbm>>) target(%arg20 : memref<8x128xf32, #tpu.memory_space<vmem>>) offsets(%arg18 : memref<8xi32, #tpu.memory_space<vmem>>) semaphore(%arg22 : memref<!tpu.dma_semaphore, #tpu.memory_space<semaphore_mem>>)
    %dma_wait3A_74 = arith.constant 0 : i32
    %dma_wait3A_75 = arith.constant 0 : i32
    %dma_wait3A_76 = tpu.memref_slice %arg2[%dma_wait3A_74, %dma_wait3A_75] : memref<10000x128xf32, #tpu.memory_space<hbm>> -> memref<10000x128xf32, #tpu.memory_space<hbm>>
    tpu.wait_indirect_dma semaphore(%arg22 : memref<!tpu.dma_semaphore, #tpu.memory_space<semaphore_mem>>) src(%dma_wait3A_76 : memref<10000x128xf32, #tpu.memory_space<hbm>>) dst(%arg20 : memref<8x128xf32, #tpu.memory_space<vmem>>)
    %dma_start3A_77 = arith.constant 0 : i32
    %dma_start3A_78 = arith.constant 0 : i32
    %dma_start3A_79 = tpu.memref_slice %arg21[%dma_start3A_77, %dma_start3A_78] : memref<10000x128xf32, #tpu.memory_space<vmem_shared>> -> memref<10000x128xf32, #tpu.memory_space<vmem_shared>>
    tpu.enqueue_indirect_dma source(%arg20 : memref<8x128xf32, #tpu.memory_space<vmem>>) target(%dma_start3A_79 : memref<10000x128xf32, #tpu.memory_space<vmem_shared>>) offsets(%arg19 : memref<8xi32, #tpu.memory_space<vmem>>) semaphore(%arg25 : memref<!tpu.dma_semaphore, #tpu.memory_space<semaphore_mem>>) {add = true}
    %dma_wait3A_80 = arith.constant 0 : i32
    %dma_wait3A_81 = arith.constant 0 : i32
    %dma_wait3A_82 = tpu.memref_slice %arg21[%dma_wait3A_80, %dma_wait3A_81] : memref<10000x128xf32, #tpu.memory_space<vmem_shared>> -> memref<10000x128xf32, #tpu.memory_space<vmem_shared>>
    tpu.wait_indirect_dma semaphore(%arg25 : memref<!tpu.dma_semaphore, #tpu.memory_space<semaphore_mem>>) src(%arg20 : memref<8x128xf32, #tpu.memory_space<vmem>>) dst(%dma_wait3A_82 : memref<10000x128xf32, #tpu.memory_space<vmem_shared>>)
    %barrier3A_83 = arith.constant 0 : index
    tpu.barrier barrier_id(%barrier3A_83)
    "tpu.region"() ({
      %run_scoped3A = tpu.sem_alloc : memref<!tpu.dma_semaphore, #tpu.memory_space<semaphore_mem>>
      %dma_start3A_89 = arith.constant 0 : i32
      %dma_start3A_90 = tpu.memref_slice %arg6[%arg0, %multiple_of3A, %dma_start3A_89] : memref<2x10000x128xf32, #tpu.memory_space<hbm>> -> memref<1x624x128xf32, #tpu.memory_space<hbm>>
      %dma_start3A_91 = tpu.memref_squeeze %dma_start3A_90 : memref<1x624x128xf32, #tpu.memory_space<hbm>> -> memref<624x128xf32, #tpu.memory_space<hbm>>
      %dma_start3A_92 = arith.constant 0 : i32
      %dma_start3A_93 = tpu.memref_slice %arg21[%multiple_of3A, %dma_start3A_92] : memref<10000x128xf32, #tpu.memory_space<vmem_shared>> -> memref<624x128xf32, #tpu.memory_space<vmem_shared>>
      tpu.enqueue_dma source(%dma_start3A_93 : memref<624x128xf32, #tpu.memory_space<vmem_shared>>) target(%dma_start3A_91 : memref<624x128xf32, #tpu.memory_space<hbm>>) target_semaphore(%run_scoped3A : memref<!tpu.dma_semaphore, #tpu.memory_space<semaphore_mem>>)
      %dma_wait3A_94 = arith.constant 0 : i32
      %dma_wait3A_95 = tpu.memref_slice %arg6[%arg0, %multiple_of3A, %dma_wait3A_94] : memref<2x10000x128xf32, #tpu.memory_space<hbm>> -> memref<1x624x128xf32, #tpu.memory_space<hbm>>
      %dma_wait3A_96 = tpu.memref_squeeze %dma_wait3A_95 : memref<1x624x128xf32, #tpu.memory_space<hbm>> -> memref<624x128xf32, #tpu.memory_space<hbm>>
      %dma_wait3A_97 = arith.constant 0 : i32
      %dma_wait3A_98 = tpu.memref_slice %arg21[%multiple_of3A, %dma_wait3A_97] : memref<10000x128xf32, #tpu.memory_space<vmem_shared>> -> memref<624x128xf32, #tpu.memory_space<vmem_shared>>
      tpu.wait_dma2 semaphore(%run_scoped3A : memref<!tpu.dma_semaphore, #tpu.memory_space<semaphore_mem>>) src(%dma_wait3A_98 : memref<624x128xf32, #tpu.memory_space<vmem_shared>>) dst(%dma_wait3A_96 : memref<624x128xf32, #tpu.memory_space<hbm>>)
      tpu.yield
    }) : () -> ()
    %eq3A_84 = arith.constant 15 : i32
    %eq3A_85 = arith.cmpi eq, %arg1, %eq3A_84 : i32
    %convert_element_type3A_86 = arith.extui %eq3A_85 : i1 to i32
    %cond3A_87 = arith.constant 0 : i32
    %cond3A_88 = arith.cmpi ne, %convert_element_type3A_86, %cond3A_87 : i32
    scf.if %cond3A_88 {
      "tpu.region"() ({
        %run_scoped3A = tpu.sem_alloc : memref<!tpu.dma_semaphore, #tpu.memory_space<semaphore_mem>>
        %dma_start3A_89 = arith.constant 9984 : i32
        %dma_start3A_90 = arith.constant 0 : i32
        %dma_start3A_91 = tpu.memref_slice %arg6[%arg0, %dma_start3A_89, %dma_start3A_90] : memref<2x10000x128xf32, #tpu.memory_space<hbm>> -> memref<1x16x128xf32, #tpu.memory_space<hbm>>
        %dma_start3A_92 = tpu.memref_squeeze %dma_start3A_91 : memref<1x16x128xf32, #tpu.memory_space<hbm>> -> memref<16x128xf32, #tpu.memory_space<hbm>>
        %dma_start3A_93 = arith.constant 9984 : i32
        %dma_start3A_94 = arith.constant 0 : i32
        %dma_start3A_95 = tpu.memref_slice %arg21[%dma_start3A_93, %dma_start3A_94] : memref<10000x128xf32, #tpu.memory_space<vmem_shared>> -> memref<16x128xf32, #tpu.memory_space<vmem_shared>>
        tpu.enqueue_dma source(%dma_start3A_95 : memref<16x128xf32, #tpu.memory_space<vmem_shared>>) target(%dma_start3A_92 : memref<16x128xf32, #tpu.memory_space<hbm>>) target_semaphore(%run_scoped3A : memref<!tpu.dma_semaphore, #tpu.memory_space<semaphore_mem>>)
        %dma_wait3A_96 = arith.constant 9984 : i32
        %dma_wait3A_97 = arith.constant 0 : i32
        %dma_wait3A_98 = tpu.memref_slice %arg6[%arg0, %dma_wait3A_96, %dma_wait3A_97] : memref<2x10000x128xf32, #tpu.memory_space<hbm>> -> memref<1x16x128xf32, #tpu.memory_space<hbm>>
        %dma_wait3A_99 = tpu.memref_squeeze %dma_wait3A_98 : memref<1x16x128xf32, #tpu.memory_space<hbm>> -> memref<16x128xf32, #tpu.memory_space<hbm>>
        %dma_wait3A_100 = arith.constant 9984 : i32
        %dma_wait3A_101 = arith.constant 0 : i32
        %dma_wait3A_102 = tpu.memref_slice %arg21[%dma_wait3A_100, %dma_wait3A_101] : memref<10000x128xf32, #tpu.memory_space<vmem_shared>> -> memref<16x128xf32, #tpu.memory_space<vmem_shared>>
        tpu.wait_dma2 semaphore(%run_scoped3A : memref<!tpu.dma_semaphore, #tpu.memory_space<semaphore_mem>>) src(%dma_wait3A_102 : memref<16x128xf32, #tpu.memory_space<vmem_shared>>) dst(%dma_wait3A_99 : memref<16x128xf32, #tpu.memory_space<hbm>>)
        tpu.yield
      }) : () -> ()
    } else {
    }
    return
  }
}

#map = affine_map<(d0, d1) -> (0, 0)>
#map1 = affine_map<(d0, d1) -> (0)>
#map2 = affine_map<(d0, d1) -> (0, 0, 0)>
module attributes {stable_mosaic.version = 14 : i64} {
  func.func @k(%arg0: i32, %arg1: i32, %arg2: memref<10000x128xi32, #tpu.memory_space<hbm>>, %arg3: memref<160000xi32, #tpu.memory_space<hbm>>, %arg4: memref<160000xi32, #tpu.memory_space<hbm>>, %arg5: memref<32x5000x64xi32, #tpu.memory_space<hbm>>, %arg6: memref<5016xi32, #tpu.memory_space<vmem>>, %arg7: memref<5016xi32, #tpu.memory_space<vmem>>, %arg8: memref<128xi32, #tpu.memory_space<vmem>>, %arg9: memref<128xi32, #tpu.memory_space<vmem>>, %arg10: memref<128xi32, #tpu.memory_space<vmem>>, %arg11: memref<128xi32, #tpu.memory_space<vmem>>, %arg12: memref<128x128xi32, #tpu.memory_space<vmem>>, %arg13: memref<128x128xi32, #tpu.memory_space<vmem>>, %arg14: memref<128x128xi32, #tpu.memory_space<vmem>>, %arg15: memref<128x128xi32, #tpu.memory_space<vmem>>, %arg16: memref<128x64xi32, #tpu.memory_space<vmem>>, %arg17: memref<128x64xi32, #tpu.memory_space<vmem>>, %arg18: memref<8xi32, #tpu.memory_space<vmem>>, %arg19: memref<8xi32, #tpu.memory_space<vmem>>, %arg20: memref<8x128xi32, #tpu.memory_space<vmem>>, %arg21: memref<8x128xi32, #tpu.memory_space<vmem>>, %arg22: memref<8x64xi32, #tpu.memory_space<vmem>>, %arg23: memref<!tpu.dma_semaphore, #tpu.memory_space<semaphore_mem>>, %arg24: memref<!tpu.dma_semaphore, #tpu.memory_space<semaphore_mem>>, %arg25: memref<!tpu.dma_semaphore, #tpu.memory_space<semaphore_mem>>, %arg26: memref<!tpu.dma_semaphore, #tpu.memory_space<semaphore_mem>>, %arg27: memref<!tpu.dma_semaphore, #tpu.memory_space<semaphore_mem>>, %arg28: memref<!tpu.dma_semaphore, #tpu.memory_space<semaphore_mem>>) attributes {dimension_semantics = [#tpu.dimension_semantics<core_parallel>, #tpu.dimension_semantics<subcore_parallel>], iteration_bounds = array<i64: 2, 16>, scalar_prefetch = 0 : i64, scratch_operands = 23 : i64, tpu.core_type = #tpu.core_type<sc_vector_subcore>, window_params = [{transform_indices = #map}, {transform_indices = #map1}, {transform_indices = #map1}, {transform_indices = #map2}]} {
    %mul3A = arith.constant 2 : i32
    %mul3A_0 = arith.muli %arg1, %mul3A : i32
    %add3A = arith.addi %mul3A_0, %arg0 : i32
    %mul3A_1 = arith.constant 5000 : i32
    %mul3A_2 = arith.muli %add3A, %mul3A_1 : i32
    "tpu.region"() ({
      %run_scoped3A = tpu.sem_alloc : memref<!tpu.dma_semaphore, #tpu.memory_space<semaphore_mem>>
      %dma_start3A_141 = arith.constant 0 : i32
      %dma_start3A_142 = tpu.memref_slice %arg6[%dma_start3A_141] : memref<5016xi32, #tpu.memory_space<vmem>> -> memref<5000xi32, #tpu.memory_space<vmem>>
      %dma_start3A_143 = tpu.memref_slice %arg3[%mul3A_2] : memref<160000xi32, #tpu.memory_space<hbm>> -> memref<5000xi32, #tpu.memory_space<hbm>>
      %dma_start3A_144 = arith.constant 0 : i32
      %dma_start3A_145 = tpu.memref_slice %arg6[%dma_start3A_144] : memref<5016xi32, #tpu.memory_space<vmem>> -> memref<5000xi32, #tpu.memory_space<vmem>>
      %dma_start3A_146 = tpu.memref_slice %arg3[%mul3A_2] : memref<160000xi32, #tpu.memory_space<hbm>> -> memref<5000xi32, #tpu.memory_space<hbm>>
      tpu.enqueue_dma source(%dma_start3A_146 : memref<5000xi32, #tpu.memory_space<hbm>>) target(%dma_start3A_145 : memref<5000xi32, #tpu.memory_space<vmem>>) target_semaphore(%run_scoped3A : memref<!tpu.dma_semaphore, #tpu.memory_space<semaphore_mem>>)
      %dma_wait3A_147 = arith.constant 0 : i32
      %dma_wait3A_148 = tpu.memref_slice %arg6[%dma_wait3A_147] : memref<5016xi32, #tpu.memory_space<vmem>> -> memref<5000xi32, #tpu.memory_space<vmem>>
      %dma_wait3A_149 = tpu.memref_slice %arg3[%mul3A_2] : memref<160000xi32, #tpu.memory_space<hbm>> -> memref<5000xi32, #tpu.memory_space<hbm>>
      %dma_wait3A_150 = arith.constant 0 : i32
      %dma_wait3A_151 = tpu.memref_slice %arg6[%dma_wait3A_150] : memref<5016xi32, #tpu.memory_space<vmem>> -> memref<5000xi32, #tpu.memory_space<vmem>>
      %dma_wait3A_152 = tpu.memref_slice %arg3[%mul3A_2] : memref<160000xi32, #tpu.memory_space<hbm>> -> memref<5000xi32, #tpu.memory_space<hbm>>
      tpu.wait_dma2 semaphore(%run_scoped3A : memref<!tpu.dma_semaphore, #tpu.memory_space<semaphore_mem>>) src(%dma_wait3A_152 : memref<5000xi32, #tpu.memory_space<hbm>>) dst(%dma_wait3A_151 : memref<5000xi32, #tpu.memory_space<vmem>>)
      tpu.yield
    }) : () -> ()
    "tpu.region"() ({
      %run_scoped3A = tpu.sem_alloc : memref<!tpu.dma_semaphore, #tpu.memory_space<semaphore_mem>>
      %dma_start3A_141 = arith.constant 0 : i32
      %dma_start3A_142 = tpu.memref_slice %arg7[%dma_start3A_141] : memref<5016xi32, #tpu.memory_space<vmem>> -> memref<5000xi32, #tpu.memory_space<vmem>>
      %dma_start3A_143 = tpu.memref_slice %arg4[%mul3A_2] : memref<160000xi32, #tpu.memory_space<hbm>> -> memref<5000xi32, #tpu.memory_space<hbm>>
      %dma_start3A_144 = arith.constant 0 : i32
      %dma_start3A_145 = tpu.memref_slice %arg7[%dma_start3A_144] : memref<5016xi32, #tpu.memory_space<vmem>> -> memref<5000xi32, #tpu.memory_space<vmem>>
      %dma_start3A_146 = tpu.memref_slice %arg4[%mul3A_2] : memref<160000xi32, #tpu.memory_space<hbm>> -> memref<5000xi32, #tpu.memory_space<hbm>>
      tpu.enqueue_dma source(%dma_start3A_146 : memref<5000xi32, #tpu.memory_space<hbm>>) target(%dma_start3A_145 : memref<5000xi32, #tpu.memory_space<vmem>>) target_semaphore(%run_scoped3A : memref<!tpu.dma_semaphore, #tpu.memory_space<semaphore_mem>>)
      %dma_wait3A_147 = arith.constant 0 : i32
      %dma_wait3A_148 = tpu.memref_slice %arg7[%dma_wait3A_147] : memref<5016xi32, #tpu.memory_space<vmem>> -> memref<5000xi32, #tpu.memory_space<vmem>>
      %dma_wait3A_149 = tpu.memref_slice %arg4[%mul3A_2] : memref<160000xi32, #tpu.memory_space<hbm>> -> memref<5000xi32, #tpu.memory_space<hbm>>
      %dma_wait3A_150 = arith.constant 0 : i32
      %dma_wait3A_151 = tpu.memref_slice %arg7[%dma_wait3A_150] : memref<5016xi32, #tpu.memory_space<vmem>> -> memref<5000xi32, #tpu.memory_space<vmem>>
      %dma_wait3A_152 = tpu.memref_slice %arg4[%mul3A_2] : memref<160000xi32, #tpu.memory_space<hbm>> -> memref<5000xi32, #tpu.memory_space<hbm>>
      tpu.wait_dma2 semaphore(%run_scoped3A : memref<!tpu.dma_semaphore, #tpu.memory_space<semaphore_mem>>) src(%dma_wait3A_152 : memref<5000xi32, #tpu.memory_space<hbm>>) dst(%dma_wait3A_151 : memref<5000xi32, #tpu.memory_space<vmem>>)
      tpu.yield
    }) : () -> ()
    %scan3A = arith.constant 0 : i32
    %scan3A_3 = arith.constant 0 : i32
    %scan3A_4 = arith.constant 19 : i32
    %scan3A_5 = arith.addi %scan3A_3, %scan3A_4 : i32
    %scan3A_6 = arith.constant 1 : i32
    %scan3A_7 = scf.for %scan3A_141 = %scan3A_3 to %scan3A_5 step %scan3A_6 iter_args(%scan3A_142 = %scan3A) -> (i32)  : i32 {
      %mul3A_143 = arith.constant 2 : i32
      %mul3A_144 = arith.muli %mul3A_143, %scan3A_141 : i32
      %add3A_145 = arith.constant 1 : i32
      %add3A_146 = arith.addi %mul3A_144, %add3A_145 : i32
      %mul3A_147 = arith.constant 128 : i32
      %mul3A_148 = arith.muli %mul3A_144, %mul3A_147 : i32
      %multiple_of3A = tpu.assume_multiple %mul3A_148, 8 : i32
      %mul3A_149 = arith.constant 128 : i32
      %mul3A_150 = arith.muli %add3A_146, %mul3A_149 : i32
      %multiple_of3A_151 = tpu.assume_multiple %mul3A_150, 8 : i32
      %mul3A_152 = arith.constant 128 : i32
      %mul3A_153 = arith.muli %mul3A_144, %mul3A_152 : i32
      %add3A_154 = arith.constant 0 : i32
      %add3A_155 = arith.addi %mul3A_153, %add3A_154 : i32
      %get3A_156 = arith.index_cast %add3A_155 : i32 to index
      %get3A_157 = tpu.vector_load %arg6[%get3A_156] {strides = array<i32>} : memref<5016xi32, #tpu.memory_space<vmem>>, vector<16xi32>,
      %swap3A_158 = arith.constant 0 : index
      %swap3A_159 = tpu.vector_load %arg8[%swap3A_158] {strides = array<i32>} : memref<128xi32, #tpu.memory_space<vmem>>, vector<16xi32>,
      tpu.vector_store %arg8[%swap3A_158], %get3A_157 {strides = array<i32>} : memref<128xi32, #tpu.memory_space<vmem>>, vector<16xi32>,
      %mul3A_160 = arith.constant 128 : i32
      %mul3A_161 = arith.muli %mul3A_144, %mul3A_160 : i32
      %add3A_162 = arith.constant 16 : i32
      %add3A_163 = arith.addi %mul3A_161, %add3A_162 : i32
      %get3A_164 = arith.index_cast %add3A_163 : i32 to index
      %get3A_165 = tpu.vector_load %arg6[%get3A_164] {strides = array<i32>} : memref<5016xi32, #tpu.memory_space<vmem>>, vector<16xi32>,
      %swap3A_166 = arith.constant 16 : index
      %swap3A_167 = tpu.vector_load %arg8[%swap3A_166] {strides = array<i32>} : memref<128xi32, #tpu.memory_space<vmem>>, vector<16xi32>,
      tpu.vector_store %arg8[%swap3A_166], %get3A_165 {strides = array<i32>} : memref<128xi32, #tpu.memory_space<vmem>>, vector<16xi32>,
      %mul3A_168 = arith.constant 128 : i32
      %mul3A_169 = arith.muli %mul3A_144, %mul3A_168 : i32
      %add3A_170 = arith.constant 32 : i32
      %add3A_171 = arith.addi %mul3A_169, %add3A_170 : i32
      %get3A_172 = arith.index_cast %add3A_171 : i32 to index
      %get3A_173 = tpu.vector_load %arg6[%get3A_172] {strides = array<i32>} : memref<5016xi32, #tpu.memory_space<vmem>>, vector<16xi32>,
      %swap3A_174 = arith.constant 32 : index
      %swap3A_175 = tpu.vector_load %arg8[%swap3A_174] {strides = array<i32>} : memref<128xi32, #tpu.memory_space<vmem>>, vector<16xi32>,
      tpu.vector_store %arg8[%swap3A_174], %get3A_173 {strides = array<i32>} : memref<128xi32, #tpu.memory_space<vmem>>, vector<16xi32>,
      %mul3A_176 = arith.constant 128 : i32
      %mul3A_177 = arith.muli %mul3A_144, %mul3A_176 : i32
      %add3A_178 = arith.constant 48 : i32
      %add3A_179 = arith.addi %mul3A_177, %add3A_178 : i32
      %get3A_180 = arith.index_cast %add3A_179 : i32 to index
      %get3A_181 = tpu.vector_load %arg6[%get3A_180] {strides = array<i32>} : memref<5016xi32, #tpu.memory_space<vmem>>, vector<16xi32>,
      %swap3A_182 = arith.constant 48 : index
      %swap3A_183 = tpu.vector_load %arg8[%swap3A_182] {strides = array<i32>} : memref<128xi32, #tpu.memory_space<vmem>>, vector<16xi32>,
      tpu.vector_store %arg8[%swap3A_182], %get3A_181 {strides = array<i32>} : memref<128xi32, #tpu.memory_space<vmem>>, vector<16xi32>,
      %mul3A_184 = arith.constant 128 : i32
      %mul3A_185 = arith.muli %mul3A_144, %mul3A_184 : i32
      %add3A_186 = arith.constant 64 : i32
      %add3A_187 = arith.addi %mul3A_185, %add3A_186 : i32
      %get3A_188 = arith.index_cast %add3A_187 : i32 to index
      %get3A_189 = tpu.vector_load %arg6[%get3A_188] {strides = array<i32>} : memref<5016xi32, #tpu.memory_space<vmem>>, vector<16xi32>,
      %swap3A_190 = arith.constant 64 : index
      %swap3A_191 = tpu.vector_load %arg8[%swap3A_190] {strides = array<i32>} : memref<128xi32, #tpu.memory_space<vmem>>, vector<16xi32>,
      tpu.vector_store %arg8[%swap3A_190], %get3A_189 {strides = array<i32>} : memref<128xi32, #tpu.memory_space<vmem>>, vector<16xi32>,
      %mul3A_192 = arith.constant 128 : i32
      %mul3A_193 = arith.muli %mul3A_144, %mul3A_192 : i32
      %add3A_194 = arith.constant 80 : i32
      %add3A_195 = arith.addi %mul3A_193, %add3A_194 : i32
      %get3A_196 = arith.index_cast %add3A_195 : i32 to index
      %get3A_197 = tpu.vector_load %arg6[%get3A_196] {strides = array<i32>} : memref<5016xi32, #tpu.memory_space<vmem>>, vector<16xi32>,
      %swap3A_198 = arith.constant 80 : index
      %swap3A_199 = tpu.vector_load %arg8[%swap3A_198] {strides = array<i32>} : memref<128xi32, #tpu.memory_space<vmem>>, vector<16xi32>,
      tpu.vector_store %arg8[%swap3A_198], %get3A_197 {strides = array<i32>} : memref<128xi32, #tpu.memory_space<vmem>>, vector<16xi32>,
      %mul3A_200 = arith.constant 128 : i32
      %mul3A_201 = arith.muli %mul3A_144, %mul3A_200 : i32
      %add3A_202 = arith.constant 96 : i32
      %add3A_203 = arith.addi %mul3A_201, %add3A_202 : i32
      %get3A_204 = arith.index_cast %add3A_203 : i32 to index
      %get3A_205 = tpu.vector_load %arg6[%get3A_204] {strides = array<i32>} : memref<5016xi32, #tpu.memory_space<vmem>>, vector<16xi32>,
      %swap3A_206 = arith.constant 96 : index
      %swap3A_207 = tpu.vector_load %arg8[%swap3A_206] {strides = array<i32>} : memref<128xi32, #tpu.memory_space<vmem>>, vector<16xi32>,
      tpu.vector_store %arg8[%swap3A_206], %get3A_205 {strides = array<i32>} : memref<128xi32, #tpu.memory_space<vmem>>, vector<16xi32>,
      %mul3A_208 = arith.constant 128 : i32
      %mul3A_209 = arith.muli %mul3A_144, %mul3A_208 : i32
      %add3A_210 = arith.constant 112 : i32
      %add3A_211 = arith.addi %mul3A_209, %add3A_210 : i32
      %get3A_212 = arith.index_cast %add3A_211 : i32 to index
      %get3A_213 = tpu.vector_load %arg6[%get3A_212] {strides = array<i32>} : memref<5016xi32, #tpu.memory_space<vmem>>, vector<16xi32>,
      %swap3A_214 = arith.constant 112 : index
      %swap3A_215 = tpu.vector_load %arg8[%swap3A_214] {strides = array<i32>} : memref<128xi32, #tpu.memory_space<vmem>>, vector<16xi32>,
      tpu.vector_store %arg8[%swap3A_214], %get3A_213 {strides = array<i32>} : memref<128xi32, #tpu.memory_space<vmem>>, vector<16xi32>,
      %mul3A_216 = arith.constant 128 : i32
      %mul3A_217 = arith.muli %mul3A_144, %mul3A_216 : i32
      %add3A_218 = arith.constant 0 : i32
      %add3A_219 = arith.addi %mul3A_217, %add3A_218 : i32
      %get3A_220 = arith.index_cast %add3A_219 : i32 to index
      %get3A_221 = tpu.vector_load %arg7[%get3A_220] {strides = array<i32>} : memref<5016xi32, #tpu.memory_space<vmem>>, vector<16xi32>,
      %swap3A_222 = arith.constant 0 : index
      %swap3A_223 = tpu.vector_load %arg9[%swap3A_222] {strides = array<i32>} : memref<128xi32, #tpu.memory_space<vmem>>, vector<16xi32>,
      tpu.vector_store %arg9[%swap3A_222], %get3A_221 {strides = array<i32>} : memref<128xi32, #tpu.memory_space<vmem>>, vector<16xi32>,
      %mul3A_224 = arith.constant 128 : i32
      %mul3A_225 = arith.muli %mul3A_144, %mul3A_224 : i32
      %add3A_226 = arith.constant 16 : i32
      %add3A_227 = arith.addi %mul3A_225, %add3A_226 : i32
      %get3A_228 = arith.index_cast %add3A_227 : i32 to index
      %get3A_229 = tpu.vector_load %arg7[%get3A_228] {strides = array<i32>} : memref<5016xi32, #tpu.memory_space<vmem>>, vector<16xi32>,
      %swap3A_230 = arith.constant 16 : index
      %swap3A_231 = tpu.vector_load %arg9[%swap3A_230] {strides = array<i32>} : memref<128xi32, #tpu.memory_space<vmem>>, vector<16xi32>,
      tpu.vector_store %arg9[%swap3A_230], %get3A_229 {strides = array<i32>} : memref<128xi32, #tpu.memory_space<vmem>>, vector<16xi32>,
      %mul3A_232 = arith.constant 128 : i32
      %mul3A_233 = arith.muli %mul3A_144, %mul3A_232 : i32
      %add3A_234 = arith.constant 32 : i32
      %add3A_235 = arith.addi %mul3A_233, %add3A_234 : i32
      %get3A_236 = arith.index_cast %add3A_235 : i32 to index
      %get3A_237 = tpu.vector_load %arg7[%get3A_236] {strides = array<i32>} : memref<5016xi32, #tpu.memory_space<vmem>>, vector<16xi32>,
      %swap3A_238 = arith.constant 32 : index
      %swap3A_239 = tpu.vector_load %arg9[%swap3A_238] {strides = array<i32>} : memref<128xi32, #tpu.memory_space<vmem>>, vector<16xi32>,
      tpu.vector_store %arg9[%swap3A_238], %get3A_237 {strides = array<i32>} : memref<128xi32, #tpu.memory_space<vmem>>, vector<16xi32>,
      %mul3A_240 = arith.constant 128 : i32
      %mul3A_241 = arith.muli %mul3A_144, %mul3A_240 : i32
      %add3A_242 = arith.constant 48 : i32
      %add3A_243 = arith.addi %mul3A_241, %add3A_242 : i32
      %get3A_244 = arith.index_cast %add3A_243 : i32 to index
      %get3A_245 = tpu.vector_load %arg7[%get3A_244] {strides = array<i32>} : memref<5016xi32, #tpu.memory_space<vmem>>, vector<16xi32>,
      %swap3A_246 = arith.constant 48 : index
      %swap3A_247 = tpu.vector_load %arg9[%swap3A_246] {strides = array<i32>} : memref<128xi32, #tpu.memory_space<vmem>>, vector<16xi32>,
      tpu.vector_store %arg9[%swap3A_246], %get3A_245 {strides = array<i32>} : memref<128xi32, #tpu.memory_space<vmem>>, vector<16xi32>,
      %mul3A_248 = arith.constant 128 : i32
      %mul3A_249 = arith.muli %mul3A_144, %mul3A_248 : i32
      %add3A_250 = arith.constant 64 : i32
      %add3A_251 = arith.addi %mul3A_249, %add3A_250 : i32
      %get3A_252 = arith.index_cast %add3A_251 : i32 to index
      %get3A_253 = tpu.vector_load %arg7[%get3A_252] {strides = array<i32>} : memref<5016xi32, #tpu.memory_space<vmem>>, vector<16xi32>,
      %swap3A_254 = arith.constant 64 : index
      %swap3A_255 = tpu.vector_load %arg9[%swap3A_254] {strides = array<i32>} : memref<128xi32, #tpu.memory_space<vmem>>, vector<16xi32>,
      tpu.vector_store %arg9[%swap3A_254], %get3A_253 {strides = array<i32>} : memref<128xi32, #tpu.memory_space<vmem>>, vector<16xi32>,
      %mul3A_256 = arith.constant 128 : i32
      %mul3A_257 = arith.muli %mul3A_144, %mul3A_256 : i32
      %add3A_258 = arith.constant 80 : i32
      %add3A_259 = arith.addi %mul3A_257, %add3A_258 : i32
      %get3A_260 = arith.index_cast %add3A_259 : i32 to index
      %get3A_261 = tpu.vector_load %arg7[%get3A_260] {strides = array<i32>} : memref<5016xi32, #tpu.memory_space<vmem>>, vector<16xi32>,
      %swap3A_262 = arith.constant 80 : index
      %swap3A_263 = tpu.vector_load %arg9[%swap3A_262] {strides = array<i32>} : memref<128xi32, #tpu.memory_space<vmem>>, vector<16xi32>,
      tpu.vector_store %arg9[%swap3A_262], %get3A_261 {strides = array<i32>} : memref<128xi32, #tpu.memory_space<vmem>>, vector<16xi32>,
      %mul3A_264 = arith.constant 128 : i32
      %mul3A_265 = arith.muli %mul3A_144, %mul3A_264 : i32
      %add3A_266 = arith.constant 96 : i32
      %add3A_267 = arith.addi %mul3A_265, %add3A_266 : i32
      %get3A_268 = arith.index_cast %add3A_267 : i32 to index
      %get3A_269 = tpu.vector_load %arg7[%get3A_268] {strides = array<i32>} : memref<5016xi32, #tpu.memory_space<vmem>>, vector<16xi32>,
      %swap3A_270 = arith.constant 96 : index
      %swap3A_271 = tpu.vector_load %arg9[%swap3A_270] {strides = array<i32>} : memref<128xi32, #tpu.memory_space<vmem>>, vector<16xi32>,
      tpu.vector_store %arg9[%swap3A_270], %get3A_269 {strides = array<i32>} : memref<128xi32, #tpu.memory_space<vmem>>, vector<16xi32>,
      %mul3A_272 = arith.constant 128 : i32
      %mul3A_273 = arith.muli %mul3A_144, %mul3A_272 : i32
      %add3A_274 = arith.constant 112 : i32
      %add3A_275 = arith.addi %mul3A_273, %add3A_274 : i32
      %get3A_276 = arith.index_cast %add3A_275 : i32 to index
      %get3A_277 = tpu.vector_load %arg7[%get3A_276] {strides = array<i32>} : memref<5016xi32, #tpu.memory_space<vmem>>, vector<16xi32>,
      %swap3A_278 = arith.constant 112 : index
      %swap3A_279 = tpu.vector_load %arg9[%swap3A_278] {strides = array<i32>} : memref<128xi32, #tpu.memory_space<vmem>>, vector<16xi32>,
      tpu.vector_store %arg9[%swap3A_278], %get3A_277 {strides = array<i32>} : memref<128xi32, #tpu.memory_space<vmem>>, vector<16xi32>,
      %mul3A_280 = arith.constant 128 : i32
      %mul3A_281 = arith.muli %add3A_146, %mul3A_280 : i32
      %add3A_282 = arith.constant 0 : i32
      %add3A_283 = arith.addi %mul3A_281, %add3A_282 : i32
      %get3A_284 = arith.index_cast %add3A_283 : i32 to index
      %get3A_285 = tpu.vector_load %arg6[%get3A_284] {strides = array<i32>} : memref<5016xi32, #tpu.memory_space<vmem>>, vector<16xi32>,
      %swap3A_286 = arith.constant 0 : index
      %swap3A_287 = tpu.vector_load %arg10[%swap3A_286] {strides = array<i32>} : memref<128xi32, #tpu.memory_space<vmem>>, vector<16xi32>,
      tpu.vector_store %arg10[%swap3A_286], %get3A_285 {strides = array<i32>} : memref<128xi32, #tpu.memory_space<vmem>>, vector<16xi32>,
      %mul3A_288 = arith.constant 128 : i32
      %mul3A_289 = arith.muli %add3A_146, %mul3A_288 : i32
      %add3A_290 = arith.constant 16 : i32
      %add3A_291 = arith.addi %mul3A_289, %add3A_290 : i32
      %get3A_292 = arith.index_cast %add3A_291 : i32 to index
      %get3A_293 = tpu.vector_load %arg6[%get3A_292] {strides = array<i32>} : memref<5016xi32, #tpu.memory_space<vmem>>, vector<16xi32>,
      %swap3A_294 = arith.constant 16 : index
      %swap3A_295 = tpu.vector_load %arg10[%swap3A_294] {strides = array<i32>} : memref<128xi32, #tpu.memory_space<vmem>>, vector<16xi32>,
      tpu.vector_store %arg10[%swap3A_294], %get3A_293 {strides = array<i32>} : memref<128xi32, #tpu.memory_space<vmem>>, vector<16xi32>,
      %mul3A_296 = arith.constant 128 : i32
      %mul3A_297 = arith.muli %add3A_146, %mul3A_296 : i32
      %add3A_298 = arith.constant 32 : i32
      %add3A_299 = arith.addi %mul3A_297, %add3A_298 : i32
      %get3A_300 = arith.index_cast %add3A_299 : i32 to index
      %get3A_301 = tpu.vector_load %arg6[%get3A_300] {strides = array<i32>} : memref<5016xi32, #tpu.memory_space<vmem>>, vector<16xi32>,
      %swap3A_302 = arith.constant 32 : index
      %swap3A_303 = tpu.vector_load %arg10[%swap3A_302] {strides = array<i32>} : memref<128xi32, #tpu.memory_space<vmem>>, vector<16xi32>,
      tpu.vector_store %arg10[%swap3A_302], %get3A_301 {strides = array<i32>} : memref<128xi32, #tpu.memory_space<vmem>>, vector<16xi32>,
      %mul3A_304 = arith.constant 128 : i32
      %mul3A_305 = arith.muli %add3A_146, %mul3A_304 : i32
      %add3A_306 = arith.constant 48 : i32
      %add3A_307 = arith.addi %mul3A_305, %add3A_306 : i32
      %get3A_308 = arith.index_cast %add3A_307 : i32 to index
      %get3A_309 = tpu.vector_load %arg6[%get3A_308] {strides = array<i32>} : memref<5016xi32, #tpu.memory_space<vmem>>, vector<16xi32>,
      %swap3A_310 = arith.constant 48 : index
      %swap3A_311 = tpu.vector_load %arg10[%swap3A_310] {strides = array<i32>} : memref<128xi32, #tpu.memory_space<vmem>>, vector<16xi32>,
      tpu.vector_store %arg10[%swap3A_310], %get3A_309 {strides = array<i32>} : memref<128xi32, #tpu.memory_space<vmem>>, vector<16xi32>,
      %mul3A_312 = arith.constant 128 : i32
      %mul3A_313 = arith.muli %add3A_146, %mul3A_312 : i32
      %add3A_314 = arith.constant 64 : i32
      %add3A_315 = arith.addi %mul3A_313, %add3A_314 : i32
      %get3A_316 = arith.index_cast %add3A_315 : i32 to index
      %get3A_317 = tpu.vector_load %arg6[%get3A_316] {strides = array<i32>} : memref<5016xi32, #tpu.memory_space<vmem>>, vector<16xi32>,
      %swap3A_318 = arith.constant 64 : index
      %swap3A_319 = tpu.vector_load %arg10[%swap3A_318] {strides = array<i32>} : memref<128xi32, #tpu.memory_space<vmem>>, vector<16xi32>,
      tpu.vector_store %arg10[%swap3A_318], %get3A_317 {strides = array<i32>} : memref<128xi32, #tpu.memory_space<vmem>>, vector<16xi32>,
      %mul3A_320 = arith.constant 128 : i32
      %mul3A_321 = arith.muli %add3A_146, %mul3A_320 : i32
      %add3A_322 = arith.constant 80 : i32
      %add3A_323 = arith.addi %mul3A_321, %add3A_322 : i32
      %get3A_324 = arith.index_cast %add3A_323 : i32 to index
      %get3A_325 = tpu.vector_load %arg6[%get3A_324] {strides = array<i32>} : memref<5016xi32, #tpu.memory_space<vmem>>, vector<16xi32>,
      %swap3A_326 = arith.constant 80 : index
      %swap3A_327 = tpu.vector_load %arg10[%swap3A_326] {strides = array<i32>} : memref<128xi32, #tpu.memory_space<vmem>>, vector<16xi32>,
      tpu.vector_store %arg10[%swap3A_326], %get3A_325 {strides = array<i32>} : memref<128xi32, #tpu.memory_space<vmem>>, vector<16xi32>,
      %mul3A_328 = arith.constant 128 : i32
      %mul3A_329 = arith.muli %add3A_146, %mul3A_328 : i32
      %add3A_330 = arith.constant 96 : i32
      %add3A_331 = arith.addi %mul3A_329, %add3A_330 : i32
      %get3A_332 = arith.index_cast %add3A_331 : i32 to index
      %get3A_333 = tpu.vector_load %arg6[%get3A_332] {strides = array<i32>} : memref<5016xi32, #tpu.memory_space<vmem>>, vector<16xi32>,
      %swap3A_334 = arith.constant 96 : index
      %swap3A_335 = tpu.vector_load %arg10[%swap3A_334] {strides = array<i32>} : memref<128xi32, #tpu.memory_space<vmem>>, vector<16xi32>,
      tpu.vector_store %arg10[%swap3A_334], %get3A_333 {strides = array<i32>} : memref<128xi32, #tpu.memory_space<vmem>>, vector<16xi32>,
      %mul3A_336 = arith.constant 128 : i32
      %mul3A_337 = arith.muli %add3A_146, %mul3A_336 : i32
      %add3A_338 = arith.constant 112 : i32
      %add3A_339 = arith.addi %mul3A_337, %add3A_338 : i32
      %get3A_340 = arith.index_cast %add3A_339 : i32 to index
      %get3A_341 = tpu.vector_load %arg6[%get3A_340] {strides = array<i32>} : memref<5016xi32, #tpu.memory_space<vmem>>, vector<16xi32>,
      %swap3A_342 = arith.constant 112 : index
      %swap3A_343 = tpu.vector_load %arg10[%swap3A_342] {strides = array<i32>} : memref<128xi32, #tpu.memory_space<vmem>>, vector<16xi32>,
      tpu.vector_store %arg10[%swap3A_342], %get3A_341 {strides = array<i32>} : memref<128xi32, #tpu.memory_space<vmem>>, vector<16xi32>,
      %mul3A_344 = arith.constant 128 : i32
      %mul3A_345 = arith.muli %add3A_146, %mul3A_344 : i32
      %add3A_346 = arith.constant 0 : i32
      %add3A_347 = arith.addi %mul3A_345, %add3A_346 : i32
      %get3A_348 = arith.index_cast %add3A_347 : i32 to index
      %get3A_349 = tpu.vector_load %arg7[%get3A_348] {strides = array<i32>} : memref<5016xi32, #tpu.memory_space<vmem>>, vector<16xi32>,
      %swap3A_350 = arith.constant 0 : index
      %swap3A_351 = tpu.vector_load %arg11[%swap3A_350] {strides = array<i32>} : memref<128xi32, #tpu.memory_space<vmem>>, vector<16xi32>,
      tpu.vector_store %arg11[%swap3A_350], %get3A_349 {strides = array<i32>} : memref<128xi32, #tpu.memory_space<vmem>>, vector<16xi32>,
      %mul3A_352 = arith.constant 128 : i32
      %mul3A_353 = arith.muli %add3A_146, %mul3A_352 : i32
      %add3A_354 = arith.constant 16 : i32
      %add3A_355 = arith.addi %mul3A_353, %add3A_354 : i32
      %get3A_356 = arith.index_cast %add3A_355 : i32 to index
      %get3A_357 = tpu.vector_load %arg7[%get3A_356] {strides = array<i32>} : memref<5016xi32, #tpu.memory_space<vmem>>, vector<16xi32>,
      %swap3A_358 = arith.constant 16 : index
      %swap3A_359 = tpu.vector_load %arg11[%swap3A_358] {strides = array<i32>} : memref<128xi32, #tpu.memory_space<vmem>>, vector<16xi32>,
      tpu.vector_store %arg11[%swap3A_358], %get3A_357 {strides = array<i32>} : memref<128xi32, #tpu.memory_space<vmem>>, vector<16xi32>,
      %mul3A_360 = arith.constant 128 : i32
      %mul3A_361 = arith.muli %add3A_146, %mul3A_360 : i32
      %add3A_362 = arith.constant 32 : i32
      %add3A_363 = arith.addi %mul3A_361, %add3A_362 : i32
      %get3A_364 = arith.index_cast %add3A_363 : i32 to index
      %get3A_365 = tpu.vector_load %arg7[%get3A_364] {strides = array<i32>} : memref<5016xi32, #tpu.memory_space<vmem>>, vector<16xi32>,
      %swap3A_366 = arith.constant 32 : index
      %swap3A_367 = tpu.vector_load %arg11[%swap3A_366] {strides = array<i32>} : memref<128xi32, #tpu.memory_space<vmem>>, vector<16xi32>,
      tpu.vector_store %arg11[%swap3A_366], %get3A_365 {strides = array<i32>} : memref<128xi32, #tpu.memory_space<vmem>>, vector<16xi32>,
      %mul3A_368 = arith.constant 128 : i32
      %mul3A_369 = arith.muli %add3A_146, %mul3A_368 : i32
      %add3A_370 = arith.constant 48 : i32
      %add3A_371 = arith.addi %mul3A_369, %add3A_370 : i32
      %get3A_372 = arith.index_cast %add3A_371 : i32 to index
      %get3A_373 = tpu.vector_load %arg7[%get3A_372] {strides = array<i32>} : memref<5016xi32, #tpu.memory_space<vmem>>, vector<16xi32>,
      %swap3A_374 = arith.constant 48 : index
      %swap3A_375 = tpu.vector_load %arg11[%swap3A_374] {strides = array<i32>} : memref<128xi32, #tpu.memory_space<vmem>>, vector<16xi32>,
      tpu.vector_store %arg11[%swap3A_374], %get3A_373 {strides = array<i32>} : memref<128xi32, #tpu.memory_space<vmem>>, vector<16xi32>,
      %mul3A_376 = arith.constant 128 : i32
      %mul3A_377 = arith.muli %add3A_146, %mul3A_376 : i32
      %add3A_378 = arith.constant 64 : i32
      %add3A_379 = arith.addi %mul3A_377, %add3A_378 : i32
      %get3A_380 = arith.index_cast %add3A_379 : i32 to index
      %get3A_381 = tpu.vector_load %arg7[%get3A_380] {strides = array<i32>} : memref<5016xi32, #tpu.memory_space<vmem>>, vector<16xi32>,
      %swap3A_382 = arith.constant 64 : index
      %swap3A_383 = tpu.vector_load %arg11[%swap3A_382] {strides = array<i32>} : memref<128xi32, #tpu.memory_space<vmem>>, vector<16xi32>,
      tpu.vector_store %arg11[%swap3A_382], %get3A_381 {strides = array<i32>} : memref<128xi32, #tpu.memory_space<vmem>>, vector<16xi32>,
      %mul3A_384 = arith.constant 128 : i32
      %mul3A_385 = arith.muli %add3A_146, %mul3A_384 : i32
      %add3A_386 = arith.constant 80 : i32
      %add3A_387 = arith.addi %mul3A_385, %add3A_386 : i32
      %get3A_388 = arith.index_cast %add3A_387 : i32 to index
      %get3A_389 = tpu.vector_load %arg7[%get3A_388] {strides = array<i32>} : memref<5016xi32, #tpu.memory_space<vmem>>, vector<16xi32>,
      %swap3A_390 = arith.constant 80 : index
      %swap3A_391 = tpu.vector_load %arg11[%swap3A_390] {strides = array<i32>} : memref<128xi32, #tpu.memory_space<vmem>>, vector<16xi32>,
      tpu.vector_store %arg11[%swap3A_390], %get3A_389 {strides = array<i32>} : memref<128xi32, #tpu.memory_space<vmem>>, vector<16xi32>,
      %mul3A_392 = arith.constant 128 : i32
      %mul3A_393 = arith.muli %add3A_146, %mul3A_392 : i32
      %add3A_394 = arith.constant 96 : i32
      %add3A_395 = arith.addi %mul3A_393, %add3A_394 : i32
      %get3A_396 = arith.index_cast %add3A_395 : i32 to index
      %get3A_397 = tpu.vector_load %arg7[%get3A_396] {strides = array<i32>} : memref<5016xi32, #tpu.memory_space<vmem>>, vector<16xi32>,
      %swap3A_398 = arith.constant 96 : index
      %swap3A_399 = tpu.vector_load %arg11[%swap3A_398] {strides = array<i32>} : memref<128xi32, #tpu.memory_space<vmem>>, vector<16xi32>,
      tpu.vector_store %arg11[%swap3A_398], %get3A_397 {strides = array<i32>} : memref<128xi32, #tpu.memory_space<vmem>>, vector<16xi32>,
      %mul3A_400 = arith.constant 128 : i32
      %mul3A_401 = arith.muli %add3A_146, %mul3A_400 : i32
      %add3A_402 = arith.constant 112 : i32
      %add3A_403 = arith.addi %mul3A_401, %add3A_402 : i32
      %get3A_404 = arith.index_cast %add3A_403 : i32 to index
      %get3A_405 = tpu.vector_load %arg7[%get3A_404] {strides = array<i32>} : memref<5016xi32, #tpu.memory_space<vmem>>, vector<16xi32>,
      %swap3A_406 = arith.constant 112 : index
      %swap3A_407 = tpu.vector_load %arg11[%swap3A_406] {strides = array<i32>} : memref<128xi32, #tpu.memory_space<vmem>>, vector<16xi32>,
      tpu.vector_store %arg11[%swap3A_406], %get3A_405 {strides = array<i32>} : memref<128xi32, #tpu.memory_space<vmem>>, vector<16xi32>,
      %dma_start3A_408 = arith.constant 0 : i32
      %dma_start3A_409 = arith.constant 0 : i32
      %dma_start3A_410 = tpu.memref_slice %arg2[%dma_start3A_408, %dma_start3A_409] : memref<10000x128xi32, #tpu.memory_space<hbm>> -> memref<10000x128xi32, #tpu.memory_space<hbm>>
      tpu.enqueue_indirect_dma source(%dma_start3A_410 : memref<10000x128xi32, #tpu.memory_space<hbm>>) target(%arg12 : memref<128x128xi32, #tpu.memory_space<vmem>>) offsets(%arg8 : memref<128xi32, #tpu.memory_space<vmem>>) semaphore(%arg23 : memref<!tpu.dma_semaphore, #tpu.memory_space<semaphore_mem>>)
      %dma_start3A_411 = arith.constant 0 : i32
      %dma_start3A_412 = arith.constant 0 : i32
      %dma_start3A_413 = tpu.memref_slice %arg2[%dma_start3A_411, %dma_start3A_412] : memref<10000x128xi32, #tpu.memory_space<hbm>> -> memref<10000x128xi32, #tpu.memory_space<hbm>>
      tpu.enqueue_indirect_dma source(%dma_start3A_413 : memref<10000x128xi32, #tpu.memory_space<hbm>>) target(%arg13 : memref<128x128xi32, #tpu.memory_space<vmem>>) offsets(%arg9 : memref<128xi32, #tpu.memory_space<vmem>>) semaphore(%arg24 : memref<!tpu.dma_semaphore, #tpu.memory_space<semaphore_mem>>)
      %dma_start3A_414 = arith.constant 0 : i32
      %dma_start3A_415 = arith.constant 0 : i32
      %dma_start3A_416 = tpu.memref_slice %arg2[%dma_start3A_414, %dma_start3A_415] : memref<10000x128xi32, #tpu.memory_space<hbm>> -> memref<10000x128xi32, #tpu.memory_space<hbm>>
      tpu.enqueue_indirect_dma source(%dma_start3A_416 : memref<10000x128xi32, #tpu.memory_space<hbm>>) target(%arg14 : memref<128x128xi32, #tpu.memory_space<vmem>>) offsets(%arg10 : memref<128xi32, #tpu.memory_space<vmem>>) semaphore(%arg25 : memref<!tpu.dma_semaphore, #tpu.memory_space<semaphore_mem>>)
      %dma_start3A_417 = arith.constant 0 : i32
      %dma_start3A_418 = arith.constant 0 : i32
      %dma_start3A_419 = tpu.memref_slice %arg2[%dma_start3A_417, %dma_start3A_418] : memref<10000x128xi32, #tpu.memory_space<hbm>> -> memref<10000x128xi32, #tpu.memory_space<hbm>>
      tpu.enqueue_indirect_dma source(%dma_start3A_419 : memref<10000x128xi32, #tpu.memory_space<hbm>>) target(%arg15 : memref<128x128xi32, #tpu.memory_space<vmem>>) offsets(%arg11 : memref<128xi32, #tpu.memory_space<vmem>>) semaphore(%arg26 : memref<!tpu.dma_semaphore, #tpu.memory_space<semaphore_mem>>)
      %dma_wait3A_420 = arith.constant 0 : i32
      %dma_wait3A_421 = arith.constant 0 : i32
      %dma_wait3A_422 = tpu.memref_slice %arg2[%dma_wait3A_420, %dma_wait3A_421] : memref<10000x128xi32, #tpu.memory_space<hbm>> -> memref<10000x128xi32, #tpu.memory_space<hbm>>
      tpu.wait_indirect_dma semaphore(%arg23 : memref<!tpu.dma_semaphore, #tpu.memory_space<semaphore_mem>>) src(%dma_wait3A_422 : memref<10000x128xi32, #tpu.memory_space<hbm>>) dst(%arg12 : memref<128x128xi32, #tpu.memory_space<vmem>>)
      %dma_wait3A_423 = arith.constant 0 : i32
      %dma_wait3A_424 = arith.constant 0 : i32
      %dma_wait3A_425 = tpu.memref_slice %arg2[%dma_wait3A_423, %dma_wait3A_424] : memref<10000x128xi32, #tpu.memory_space<hbm>> -> memref<10000x128xi32, #tpu.memory_space<hbm>>
      tpu.wait_indirect_dma semaphore(%arg24 : memref<!tpu.dma_semaphore, #tpu.memory_space<semaphore_mem>>) src(%dma_wait3A_425 : memref<10000x128xi32, #tpu.memory_space<hbm>>) dst(%arg13 : memref<128x128xi32, #tpu.memory_space<vmem>>)
      %scan3A_426 = arith.constant 0 : i32
      %scan3A_427 = arith.constant 0 : i32
      %scan3A_428 = arith.constant 128 : i32
      %scan3A_429 = arith.addi %scan3A_427, %scan3A_428 : i32
      %scan3A_430 = arith.constant 1 : i32
      %scan3A_431 = scf.for %scan3A_471 = %scan3A_427 to %scan3A_429 step %scan3A_430 iter_args(%scan3A_472 = %scan3A_426) -> (i32)  : i32 {
        %get3A_473 = arith.index_cast %scan3A_471 : i32 to index
        %get3A_474 = arith.constant 0 : index
        %get3A_475 = tpu.vector_load %arg12[%get3A_473, %get3A_474] {strides = array<i32>} : memref<128x128xi32, #tpu.memory_space<vmem>>, vector<16xi32>,
        %bitcast3A = vector.bitcast %get3A_475 : vector<16xi32> to vector<32xbf16>
        %get3A_476 = arith.index_cast %scan3A_471 : i32 to index
        %get3A_477 = arith.constant 64 : index
        %get3A_478 = tpu.vector_load %arg13[%get3A_476, %get3A_477] {strides = array<i32>} : memref<128x128xi32, #tpu.memory_space<vmem>>, vector<16xi32>,
        %bitcast3A_479 = vector.bitcast %get3A_478 : vector<16xi32> to vector<32xbf16>
        %add3A_480 = arith.addf %bitcast3A, %bitcast3A_479 : vector<32xbf16>
        %bitcast3A_481 = vector.bitcast %add3A_480 : vector<32xbf16> to vector<16xi32>
        %swap3A_482 = arith.index_cast %scan3A_471 : i32 to index
        %swap3A_483 = arith.constant 0 : index
        %swap3A_484 = tpu.vector_load %arg16[%swap3A_482, %swap3A_483] {strides = array<i32>} : memref<128x64xi32, #tpu.memory_space<vmem>>, vector<16xi32>,
        tpu.vector_store %arg16[%swap3A_482, %swap3A_483], %bitcast3A_481 {strides = array<i32>} : memref<128x64xi32, #tpu.memory_space<vmem>>, vector<16xi32>,
        %get3A_485 = arith.index_cast %scan3A_471 : i32 to index
        %get3A_486 = arith.constant 16 : index
        %get3A_487 = tpu.vector_load %arg12[%get3A_485, %get3A_486] {strides = array<i32>} : memref<128x128xi32, #tpu.memory_space<vmem>>, vector<16xi32>,
        %bitcast3A_488 = vector.bitcast %get3A_487 : vector<16xi32> to vector<32xbf16>
        %get3A_489 = arith.index_cast %scan3A_471 : i32 to index
        %get3A_490 = arith.constant 80 : index
        %get3A_491 = tpu.vector_load %arg13[%get3A_489, %get3A_490] {strides = array<i32>} : memref<128x128xi32, #tpu.memory_space<vmem>>, vector<16xi32>,
        %bitcast3A_492 = vector.bitcast %get3A_491 : vector<16xi32> to vector<32xbf16>
        %add3A_493 = arith.addf %bitcast3A_488, %bitcast3A_492 : vector<32xbf16>
        %bitcast3A_494 = vector.bitcast %add3A_493 : vector<32xbf16> to vector<16xi32>
        %swap3A_495 = arith.index_cast %scan3A_471 : i32 to index
        %swap3A_496 = arith.constant 16 : index
        %swap3A_497 = tpu.vector_load %arg16[%swap3A_495, %swap3A_496] {strides = array<i32>} : memref<128x64xi32, #tpu.memory_space<vmem>>, vector<16xi32>,
        tpu.vector_store %arg16[%swap3A_495, %swap3A_496], %bitcast3A_494 {strides = array<i32>} : memref<128x64xi32, #tpu.memory_space<vmem>>, vector<16xi32>,
        %get3A_498 = arith.index_cast %scan3A_471 : i32 to index
        %get3A_499 = arith.constant 32 : index
        %get3A_500 = tpu.vector_load %arg12[%get3A_498, %get3A_499] {strides = array<i32>} : memref<128x128xi32, #tpu.memory_space<vmem>>, vector<16xi32>,
        %bitcast3A_501 = vector.bitcast %get3A_500 : vector<16xi32> to vector<32xbf16>
        %get3A_502 = arith.index_cast %scan3A_471 : i32 to index
        %get3A_503 = arith.constant 96 : index
        %get3A_504 = tpu.vector_load %arg13[%get3A_502, %get3A_503] {strides = array<i32>} : memref<128x128xi32, #tpu.memory_space<vmem>>, vector<16xi32>,
        %bitcast3A_505 = vector.bitcast %get3A_504 : vector<16xi32> to vector<32xbf16>
        %add3A_506 = arith.addf %bitcast3A_501, %bitcast3A_505 : vector<32xbf16>
        %bitcast3A_507 = vector.bitcast %add3A_506 : vector<32xbf16> to vector<16xi32>
        %swap3A_508 = arith.index_cast %scan3A_471 : i32 to index
        %swap3A_509 = arith.constant 32 : index
        %swap3A_510 = tpu.vector_load %arg16[%swap3A_508, %swap3A_509] {strides = array<i32>} : memref<128x64xi32, #tpu.memory_space<vmem>>, vector<16xi32>,
        tpu.vector_store %arg16[%swap3A_508, %swap3A_509], %bitcast3A_507 {strides = array<i32>} : memref<128x64xi32, #tpu.memory_space<vmem>>, vector<16xi32>,
        %get3A_511 = arith.index_cast %scan3A_471 : i32 to index
        %get3A_512 = arith.constant 48 : index
        %get3A_513 = tpu.vector_load %arg12[%get3A_511, %get3A_512] {strides = array<i32>} : memref<128x128xi32, #tpu.memory_space<vmem>>, vector<16xi32>,
        %bitcast3A_514 = vector.bitcast %get3A_513 : vector<16xi32> to vector<32xbf16>
        %get3A_515 = arith.index_cast %scan3A_471 : i32 to index
        %get3A_516 = arith.constant 112 : index
        %get3A_517 = tpu.vector_load %arg13[%get3A_515, %get3A_516] {strides = array<i32>} : memref<128x128xi32, #tpu.memory_space<vmem>>, vector<16xi32>,
        %bitcast3A_518 = vector.bitcast %get3A_517 : vector<16xi32> to vector<32xbf16>
        %add3A_519 = arith.addf %bitcast3A_514, %bitcast3A_518 : vector<32xbf16>
        %bitcast3A_520 = vector.bitcast %add3A_519 : vector<32xbf16> to vector<16xi32>
        %swap3A_521 = arith.index_cast %scan3A_471 : i32 to index
        %swap3A_522 = arith.constant 48 : index
        %swap3A_523 = tpu.vector_load %arg16[%swap3A_521, %swap3A_522] {strides = array<i32>} : memref<128x64xi32, #tpu.memory_space<vmem>>, vector<16xi32>,
        tpu.vector_store %arg16[%swap3A_521, %swap3A_522], %bitcast3A_520 {strides = array<i32>} : memref<128x64xi32, #tpu.memory_space<vmem>>, vector<16xi32>,
        %scan3A_524 = arith.constant 0 : i32
        scf.yield %scan3A_524 : i32
      }
      %scan3A_432 = arith.constant 128 : i32
      %dma_start3A_433 = arith.constant 0 : i32
      %dma_start3A_434 = tpu.memref_slice %arg5[%add3A, %multiple_of3A, %dma_start3A_433] : memref<32x5000x64xi32, #tpu.memory_space<hbm>> -> memref<1x128x64xi32, #tpu.memory_space<hbm>>
      %dma_start3A_435 = tpu.memref_squeeze %dma_start3A_434 : memref<1x128x64xi32, #tpu.memory_space<hbm>> -> memref<128x64xi32, #tpu.memory_space<hbm>>
      %dma_start3A_436 = arith.constant 0 : i32
      %dma_start3A_437 = tpu.memref_slice %arg5[%add3A, %multiple_of3A, %dma_start3A_436] : memref<32x5000x64xi32, #tpu.memory_space<hbm>> -> memref<1x128x64xi32, #tpu.memory_space<hbm>>
      %dma_start3A_438 = tpu.memref_squeeze %dma_start3A_437 : memref<1x128x64xi32, #tpu.memory_space<hbm>> -> memref<128x64xi32, #tpu.memory_space<hbm>>
      tpu.enqueue_dma source(%arg16 : memref<128x64xi32, #tpu.memory_space<vmem>>) target(%dma_start3A_438 : memref<128x64xi32, #tpu.memory_space<hbm>>) target_semaphore(%arg27 : memref<!tpu.dma_semaphore, #tpu.memory_space<semaphore_mem>>)
      %dma_wait3A_439 = arith.constant 0 : i32
      %dma_wait3A_440 = arith.constant 0 : i32
      %dma_wait3A_441 = tpu.memref_slice %arg2[%dma_wait3A_439, %dma_wait3A_440] : memref<10000x128xi32, #tpu.memory_space<hbm>> -> memref<10000x128xi32, #tpu.memory_space<hbm>>
      tpu.wait_indirect_dma semaphore(%arg25 : memref<!tpu.dma_semaphore, #tpu.memory_space<semaphore_mem>>) src(%dma_wait3A_441 : memref<10000x128xi32, #tpu.memory_space<hbm>>) dst(%arg14 : memref<128x128xi32, #tpu.memory_space<vmem>>)
      %dma_wait3A_442 = arith.constant 0 : i32
      %dma_wait3A_443 = arith.constant 0 : i32
      %dma_wait3A_444 = tpu.memref_slice %arg2[%dma_wait3A_442, %dma_wait3A_443] : memref<10000x128xi32, #tpu.memory_space<hbm>> -> memref<10000x128xi32, #tpu.memory_space<hbm>>
      tpu.wait_indirect_dma semaphore(%arg26 : memref<!tpu.dma_semaphore, #tpu.memory_space<semaphore_mem>>) src(%dma_wait3A_444 : memref<10000x128xi32, #tpu.memory_space<hbm>>) dst(%arg15 : memref<128x128xi32, #tpu.memory_space<vmem>>)
      %scan3A_445 = arith.constant 0 : i32
      %scan3A_446 = arith.constant 0 : i32
      %scan3A_447 = arith.constant 128 : i32
      %scan3A_448 = arith.addi %scan3A_446, %scan3A_447 : i32
      %scan3A_449 = arith.constant 1 : i32
      %scan3A_450 = scf.for %scan3A_471 = %scan3A_446 to %scan3A_448 step %scan3A_449 iter_args(%scan3A_472 = %scan3A_445) -> (i32)  : i32 {
        %get3A_473 = arith.index_cast %scan3A_471 : i32 to index
        %get3A_474 = arith.constant 0 : index
        %get3A_475 = tpu.vector_load %arg14[%get3A_473, %get3A_474] {strides = array<i32>} : memref<128x128xi32, #tpu.memory_space<vmem>>, vector<16xi32>,
        %bitcast3A = vector.bitcast %get3A_475 : vector<16xi32> to vector<32xbf16>
        %get3A_476 = arith.index_cast %scan3A_471 : i32 to index
        %get3A_477 = arith.constant 64 : index
        %get3A_478 = tpu.vector_load %arg15[%get3A_476, %get3A_477] {strides = array<i32>} : memref<128x128xi32, #tpu.memory_space<vmem>>, vector<16xi32>,
        %bitcast3A_479 = vector.bitcast %get3A_478 : vector<16xi32> to vector<32xbf16>
        %add3A_480 = arith.addf %bitcast3A, %bitcast3A_479 : vector<32xbf16>
        %bitcast3A_481 = vector.bitcast %add3A_480 : vector<32xbf16> to vector<16xi32>
        %swap3A_482 = arith.index_cast %scan3A_471 : i32 to index
        %swap3A_483 = arith.constant 0 : index
        %swap3A_484 = tpu.vector_load %arg17[%swap3A_482, %swap3A_483] {strides = array<i32>} : memref<128x64xi32, #tpu.memory_space<vmem>>, vector<16xi32>,
        tpu.vector_store %arg17[%swap3A_482, %swap3A_483], %bitcast3A_481 {strides = array<i32>} : memref<128x64xi32, #tpu.memory_space<vmem>>, vector<16xi32>,
        %get3A_485 = arith.index_cast %scan3A_471 : i32 to index
        %get3A_486 = arith.constant 16 : index
        %get3A_487 = tpu.vector_load %arg14[%get3A_485, %get3A_486] {strides = array<i32>} : memref<128x128xi32, #tpu.memory_space<vmem>>, vector<16xi32>,
        %bitcast3A_488 = vector.bitcast %get3A_487 : vector<16xi32> to vector<32xbf16>
        %get3A_489 = arith.index_cast %scan3A_471 : i32 to index
        %get3A_490 = arith.constant 80 : index
        %get3A_491 = tpu.vector_load %arg15[%get3A_489, %get3A_490] {strides = array<i32>} : memref<128x128xi32, #tpu.memory_space<vmem>>, vector<16xi32>,
        %bitcast3A_492 = vector.bitcast %get3A_491 : vector<16xi32> to vector<32xbf16>
        %add3A_493 = arith.addf %bitcast3A_488, %bitcast3A_492 : vector<32xbf16>
        %bitcast3A_494 = vector.bitcast %add3A_493 : vector<32xbf16> to vector<16xi32>
        %swap3A_495 = arith.index_cast %scan3A_471 : i32 to index
        %swap3A_496 = arith.constant 16 : index
        %swap3A_497 = tpu.vector_load %arg17[%swap3A_495, %swap3A_496] {strides = array<i32>} : memref<128x64xi32, #tpu.memory_space<vmem>>, vector<16xi32>,
        tpu.vector_store %arg17[%swap3A_495, %swap3A_496], %bitcast3A_494 {strides = array<i32>} : memref<128x64xi32, #tpu.memory_space<vmem>>, vector<16xi32>,
        %get3A_498 = arith.index_cast %scan3A_471 : i32 to index
        %get3A_499 = arith.constant 32 : index
        %get3A_500 = tpu.vector_load %arg14[%get3A_498, %get3A_499] {strides = array<i32>} : memref<128x128xi32, #tpu.memory_space<vmem>>, vector<16xi32>,
        %bitcast3A_501 = vector.bitcast %get3A_500 : vector<16xi32> to vector<32xbf16>
        %get3A_502 = arith.index_cast %scan3A_471 : i32 to index
        %get3A_503 = arith.constant 96 : index
        %get3A_504 = tpu.vector_load %arg15[%get3A_502, %get3A_503] {strides = array<i32>} : memref<128x128xi32, #tpu.memory_space<vmem>>, vector<16xi32>,
        %bitcast3A_505 = vector.bitcast %get3A_504 : vector<16xi32> to vector<32xbf16>
        %add3A_506 = arith.addf %bitcast3A_501, %bitcast3A_505 : vector<32xbf16>
        %bitcast3A_507 = vector.bitcast %add3A_506 : vector<32xbf16> to vector<16xi32>
        %swap3A_508 = arith.index_cast %scan3A_471 : i32 to index
        %swap3A_509 = arith.constant 32 : index
        %swap3A_510 = tpu.vector_load %arg17[%swap3A_508, %swap3A_509] {strides = array<i32>} : memref<128x64xi32, #tpu.memory_space<vmem>>, vector<16xi32>,
        tpu.vector_store %arg17[%swap3A_508, %swap3A_509], %bitcast3A_507 {strides = array<i32>} : memref<128x64xi32, #tpu.memory_space<vmem>>, vector<16xi32>,
        %get3A_511 = arith.index_cast %scan3A_471 : i32 to index
        %get3A_512 = arith.constant 48 : index
        %get3A_513 = tpu.vector_load %arg14[%get3A_511, %get3A_512] {strides = array<i32>} : memref<128x128xi32, #tpu.memory_space<vmem>>, vector<16xi32>,
        %bitcast3A_514 = vector.bitcast %get3A_513 : vector<16xi32> to vector<32xbf16>
        %get3A_515 = arith.index_cast %scan3A_471 : i32 to index
        %get3A_516 = arith.constant 112 : index
        %get3A_517 = tpu.vector_load %arg15[%get3A_515, %get3A_516] {strides = array<i32>} : memref<128x128xi32, #tpu.memory_space<vmem>>, vector<16xi32>,
        %bitcast3A_518 = vector.bitcast %get3A_517 : vector<16xi32> to vector<32xbf16>
        %add3A_519 = arith.addf %bitcast3A_514, %bitcast3A_518 : vector<32xbf16>
        %bitcast3A_520 = vector.bitcast %add3A_519 : vector<32xbf16> to vector<16xi32>
        %swap3A_521 = arith.index_cast %scan3A_471 : i32 to index
        %swap3A_522 = arith.constant 48 : index
        %swap3A_523 = tpu.vector_load %arg17[%swap3A_521, %swap3A_522] {strides = array<i32>} : memref<128x64xi32, #tpu.memory_space<vmem>>, vector<16xi32>,
        tpu.vector_store %arg17[%swap3A_521, %swap3A_522], %bitcast3A_520 {strides = array<i32>} : memref<128x64xi32, #tpu.memory_space<vmem>>, vector<16xi32>,
        %scan3A_524 = arith.constant 0 : i32
        scf.yield %scan3A_524 : i32
      }
      %scan3A_451 = arith.constant 128 : i32
      %dma_start3A_452 = arith.constant 0 : i32
      %dma_start3A_453 = tpu.memref_slice %arg5[%add3A, %multiple_of3A_151, %dma_start3A_452] : memref<32x5000x64xi32, #tpu.memory_space<hbm>> -> memref<1x128x64xi32, #tpu.memory_space<hbm>>
      %dma_start3A_454 = tpu.memref_squeeze %dma_start3A_453 : memref<1x128x64xi32, #tpu.memory_space<hbm>> -> memref<128x64xi32, #tpu.memory_space<hbm>>
      %dma_start3A_455 = arith.constant 0 : i32
      %dma_start3A_456 = tpu.memref_slice %arg5[%add3A, %multiple_of3A_151, %dma_start3A_455] : memref<32x5000x64xi32, #tpu.memory_space<hbm>> -> memref<1x128x64xi32, #tpu.memory_space<hbm>>
      %dma_start3A_457 = tpu.memref_squeeze %dma_start3A_456 : memref<1x128x64xi32, #tpu.memory_space<hbm>> -> memref<128x64xi32, #tpu.memory_space<hbm>>
      tpu.enqueue_dma source(%arg17 : memref<128x64xi32, #tpu.memory_space<vmem>>) target(%dma_start3A_457 : memref<128x64xi32, #tpu.memory_space<hbm>>) target_semaphore(%arg28 : memref<!tpu.dma_semaphore, #tpu.memory_space<semaphore_mem>>)
      %dma_wait3A_458 = arith.constant 0 : i32
      %dma_wait3A_459 = tpu.memref_slice %arg5[%add3A, %multiple_of3A, %dma_wait3A_458] : memref<32x5000x64xi32, #tpu.memory_space<hbm>> -> memref<1x128x64xi32, #tpu.memory_space<hbm>>
      %dma_wait3A_460 = tpu.memref_squeeze %dma_wait3A_459 : memref<1x128x64xi32, #tpu.memory_space<hbm>> -> memref<128x64xi32, #tpu.memory_space<hbm>>
      %dma_wait3A_461 = arith.constant 0 : i32
      %dma_wait3A_462 = tpu.memref_slice %arg5[%add3A, %multiple_of3A, %dma_wait3A_461] : memref<32x5000x64xi32, #tpu.memory_space<hbm>> -> memref<1x128x64xi32, #tpu.memory_space<hbm>>
      %dma_wait3A_463 = tpu.memref_squeeze %dma_wait3A_462 : memref<1x128x64xi32, #tpu.memory_space<hbm>> -> memref<128x64xi32, #tpu.memory_space<hbm>>
      tpu.wait_dma2 semaphore(%arg27 : memref<!tpu.dma_semaphore, #tpu.memory_space<semaphore_mem>>) src(%arg16 : memref<128x64xi32, #tpu.memory_space<vmem>>) dst(%dma_wait3A_463 : memref<128x64xi32, #tpu.memory_space<hbm>>)
      %dma_wait3A_464 = arith.constant 0 : i32
      %dma_wait3A_465 = tpu.memref_slice %arg5[%add3A, %multiple_of3A_151, %dma_wait3A_464] : memref<32x5000x64xi32, #tpu.memory_space<hbm>> -> memref<1x128x64xi32, #tpu.memory_space<hbm>>
      %dma_wait3A_466 = tpu.memref_squeeze %dma_wait3A_465 : memref<1x128x64xi32, #tpu.memory_space<hbm>> -> memref<128x64xi32, #tpu.memory_space<hbm>>
      %dma_wait3A_467 = arith.constant 0 : i32
      %dma_wait3A_468 = tpu.memref_slice %arg5[%add3A, %multiple_of3A_151, %dma_wait3A_467] : memref<32x5000x64xi32, #tpu.memory_space<hbm>> -> memref<1x128x64xi32, #tpu.memory_space<hbm>>
      %dma_wait3A_469 = tpu.memref_squeeze %dma_wait3A_468 : memref<1x128x64xi32, #tpu.memory_space<hbm>> -> memref<128x64xi32, #tpu.memory_space<hbm>>
      tpu.wait_dma2 semaphore(%arg28 : memref<!tpu.dma_semaphore, #tpu.memory_space<semaphore_mem>>) src(%arg17 : memref<128x64xi32, #tpu.memory_space<vmem>>) dst(%dma_wait3A_469 : memref<128x64xi32, #tpu.memory_space<hbm>>)
      %scan3A_470 = arith.constant 0 : i32
      scf.yield %scan3A_470 : i32
    }
    %scan3A_8 = arith.constant 19 : i32
    %get3A = arith.constant 4864 : index
    %get3A_9 = tpu.vector_load %arg6[%get3A] {strides = array<i32>} : memref<5016xi32, #tpu.memory_space<vmem>>, vector<16xi32>,
    %swap3A = arith.constant 0 : index
    %swap3A_10 = tpu.vector_load %arg8[%swap3A] {strides = array<i32>} : memref<128xi32, #tpu.memory_space<vmem>>, vector<16xi32>,
    tpu.vector_store %arg8[%swap3A], %get3A_9 {strides = array<i32>} : memref<128xi32, #tpu.memory_space<vmem>>, vector<16xi32>,
    %get3A_11 = arith.constant 4880 : index
    %get3A_12 = tpu.vector_load %arg6[%get3A_11] {strides = array<i32>} : memref<5016xi32, #tpu.memory_space<vmem>>, vector<16xi32>,
    %swap3A_13 = arith.constant 16 : index
    %swap3A_14 = tpu.vector_load %arg8[%swap3A_13] {strides = array<i32>} : memref<128xi32, #tpu.memory_space<vmem>>, vector<16xi32>,
    tpu.vector_store %arg8[%swap3A_13], %get3A_12 {strides = array<i32>} : memref<128xi32, #tpu.memory_space<vmem>>, vector<16xi32>,
    %get3A_15 = arith.constant 4896 : index
    %get3A_16 = tpu.vector_load %arg6[%get3A_15] {strides = array<i32>} : memref<5016xi32, #tpu.memory_space<vmem>>, vector<16xi32>,
    %swap3A_17 = arith.constant 32 : index
    %swap3A_18 = tpu.vector_load %arg8[%swap3A_17] {strides = array<i32>} : memref<128xi32, #tpu.memory_space<vmem>>, vector<16xi32>,
    tpu.vector_store %arg8[%swap3A_17], %get3A_16 {strides = array<i32>} : memref<128xi32, #tpu.memory_space<vmem>>, vector<16xi32>,
    %get3A_19 = arith.constant 4912 : index
    %get3A_20 = tpu.vector_load %arg6[%get3A_19] {strides = array<i32>} : memref<5016xi32, #tpu.memory_space<vmem>>, vector<16xi32>,
    %swap3A_21 = arith.constant 48 : index
    %swap3A_22 = tpu.vector_load %arg8[%swap3A_21] {strides = array<i32>} : memref<128xi32, #tpu.memory_space<vmem>>, vector<16xi32>,
    tpu.vector_store %arg8[%swap3A_21], %get3A_20 {strides = array<i32>} : memref<128xi32, #tpu.memory_space<vmem>>, vector<16xi32>,
    %get3A_23 = arith.constant 4928 : index
    %get3A_24 = tpu.vector_load %arg6[%get3A_23] {strides = array<i32>} : memref<5016xi32, #tpu.memory_space<vmem>>, vector<16xi32>,
    %swap3A_25 = arith.constant 64 : index
    %swap3A_26 = tpu.vector_load %arg8[%swap3A_25] {strides = array<i32>} : memref<128xi32, #tpu.memory_space<vmem>>, vector<16xi32>,
    tpu.vector_store %arg8[%swap3A_25], %get3A_24 {strides = array<i32>} : memref<128xi32, #tpu.memory_space<vmem>>, vector<16xi32>,
    %get3A_27 = arith.constant 4944 : index
    %get3A_28 = tpu.vector_load %arg6[%get3A_27] {strides = array<i32>} : memref<5016xi32, #tpu.memory_space<vmem>>, vector<16xi32>,
    %swap3A_29 = arith.constant 80 : index
    %swap3A_30 = tpu.vector_load %arg8[%swap3A_29] {strides = array<i32>} : memref<128xi32, #tpu.memory_space<vmem>>, vector<16xi32>,
    tpu.vector_store %arg8[%swap3A_29], %get3A_28 {strides = array<i32>} : memref<128xi32, #tpu.memory_space<vmem>>, vector<16xi32>,
    %get3A_31 = arith.constant 4960 : index
    %get3A_32 = tpu.vector_load %arg6[%get3A_31] {strides = array<i32>} : memref<5016xi32, #tpu.memory_space<vmem>>, vector<16xi32>,
    %swap3A_33 = arith.constant 96 : index
    %swap3A_34 = tpu.vector_load %arg8[%swap3A_33] {strides = array<i32>} : memref<128xi32, #tpu.memory_space<vmem>>, vector<16xi32>,
    tpu.vector_store %arg8[%swap3A_33], %get3A_32 {strides = array<i32>} : memref<128xi32, #tpu.memory_space<vmem>>, vector<16xi32>,
    %get3A_35 = arith.constant 4976 : index
    %get3A_36 = tpu.vector_load %arg6[%get3A_35] {strides = array<i32>} : memref<5016xi32, #tpu.memory_space<vmem>>, vector<16xi32>,
    %swap3A_37 = arith.constant 112 : index
    %swap3A_38 = tpu.vector_load %arg8[%swap3A_37] {strides = array<i32>} : memref<128xi32, #tpu.memory_space<vmem>>, vector<16xi32>,
    tpu.vector_store %arg8[%swap3A_37], %get3A_36 {strides = array<i32>} : memref<128xi32, #tpu.memory_space<vmem>>, vector<16xi32>,
    %get3A_39 = arith.constant 4864 : index
    %get3A_40 = tpu.vector_load %arg7[%get3A_39] {strides = array<i32>} : memref<5016xi32, #tpu.memory_space<vmem>>, vector<16xi32>,
    %swap3A_41 = arith.constant 0 : index
    %swap3A_42 = tpu.vector_load %arg9[%swap3A_41] {strides = array<i32>} : memref<128xi32, #tpu.memory_space<vmem>>, vector<16xi32>,
    tpu.vector_store %arg9[%swap3A_41], %get3A_40 {strides = array<i32>} : memref<128xi32, #tpu.memory_space<vmem>>, vector<16xi32>,
    %get3A_43 = arith.constant 4880 : index
    %get3A_44 = tpu.vector_load %arg7[%get3A_43] {strides = array<i32>} : memref<5016xi32, #tpu.memory_space<vmem>>, vector<16xi32>,
    %swap3A_45 = arith.constant 16 : index
    %swap3A_46 = tpu.vector_load %arg9[%swap3A_45] {strides = array<i32>} : memref<128xi32, #tpu.memory_space<vmem>>, vector<16xi32>,
    tpu.vector_store %arg9[%swap3A_45], %get3A_44 {strides = array<i32>} : memref<128xi32, #tpu.memory_space<vmem>>, vector<16xi32>,
    %get3A_47 = arith.constant 4896 : index
    %get3A_48 = tpu.vector_load %arg7[%get3A_47] {strides = array<i32>} : memref<5016xi32, #tpu.memory_space<vmem>>, vector<16xi32>,
    %swap3A_49 = arith.constant 32 : index
    %swap3A_50 = tpu.vector_load %arg9[%swap3A_49] {strides = array<i32>} : memref<128xi32, #tpu.memory_space<vmem>>, vector<16xi32>,
    tpu.vector_store %arg9[%swap3A_49], %get3A_48 {strides = array<i32>} : memref<128xi32, #tpu.memory_space<vmem>>, vector<16xi32>,
    %get3A_51 = arith.constant 4912 : index
    %get3A_52 = tpu.vector_load %arg7[%get3A_51] {strides = array<i32>} : memref<5016xi32, #tpu.memory_space<vmem>>, vector<16xi32>,
    %swap3A_53 = arith.constant 48 : index
    %swap3A_54 = tpu.vector_load %arg9[%swap3A_53] {strides = array<i32>} : memref<128xi32, #tpu.memory_space<vmem>>, vector<16xi32>,
    tpu.vector_store %arg9[%swap3A_53], %get3A_52 {strides = array<i32>} : memref<128xi32, #tpu.memory_space<vmem>>, vector<16xi32>,
    %get3A_55 = arith.constant 4928 : index
    %get3A_56 = tpu.vector_load %arg7[%get3A_55] {strides = array<i32>} : memref<5016xi32, #tpu.memory_space<vmem>>, vector<16xi32>,
    %swap3A_57 = arith.constant 64 : index
    %swap3A_58 = tpu.vector_load %arg9[%swap3A_57] {strides = array<i32>} : memref<128xi32, #tpu.memory_space<vmem>>, vector<16xi32>,
    tpu.vector_store %arg9[%swap3A_57], %get3A_56 {strides = array<i32>} : memref<128xi32, #tpu.memory_space<vmem>>, vector<16xi32>,
    %get3A_59 = arith.constant 4944 : index
    %get3A_60 = tpu.vector_load %arg7[%get3A_59] {strides = array<i32>} : memref<5016xi32, #tpu.memory_space<vmem>>, vector<16xi32>,
    %swap3A_61 = arith.constant 80 : index
    %swap3A_62 = tpu.vector_load %arg9[%swap3A_61] {strides = array<i32>} : memref<128xi32, #tpu.memory_space<vmem>>, vector<16xi32>,
    tpu.vector_store %arg9[%swap3A_61], %get3A_60 {strides = array<i32>} : memref<128xi32, #tpu.memory_space<vmem>>, vector<16xi32>,
    %get3A_63 = arith.constant 4960 : index
    %get3A_64 = tpu.vector_load %arg7[%get3A_63] {strides = array<i32>} : memref<5016xi32, #tpu.memory_space<vmem>>, vector<16xi32>,
    %swap3A_65 = arith.constant 96 : index
    %swap3A_66 = tpu.vector_load %arg9[%swap3A_65] {strides = array<i32>} : memref<128xi32, #tpu.memory_space<vmem>>, vector<16xi32>,
    tpu.vector_store %arg9[%swap3A_65], %get3A_64 {strides = array<i32>} : memref<128xi32, #tpu.memory_space<vmem>>, vector<16xi32>,
    %get3A_67 = arith.constant 4976 : index
    %get3A_68 = tpu.vector_load %arg7[%get3A_67] {strides = array<i32>} : memref<5016xi32, #tpu.memory_space<vmem>>, vector<16xi32>,
    %swap3A_69 = arith.constant 112 : index
    %swap3A_70 = tpu.vector_load %arg9[%swap3A_69] {strides = array<i32>} : memref<128xi32, #tpu.memory_space<vmem>>, vector<16xi32>,
    tpu.vector_store %arg9[%swap3A_69], %get3A_68 {strides = array<i32>} : memref<128xi32, #tpu.memory_space<vmem>>, vector<16xi32>,
    %dma_start3A = arith.constant 0 : i32
    %dma_start3A_71 = arith.constant 0 : i32
    %dma_start3A_72 = tpu.memref_slice %arg2[%dma_start3A, %dma_start3A_71] : memref<10000x128xi32, #tpu.memory_space<hbm>> -> memref<10000x128xi32, #tpu.memory_space<hbm>>
    tpu.enqueue_indirect_dma source(%dma_start3A_72 : memref<10000x128xi32, #tpu.memory_space<hbm>>) target(%arg12 : memref<128x128xi32, #tpu.memory_space<vmem>>) offsets(%arg8 : memref<128xi32, #tpu.memory_space<vmem>>) semaphore(%arg23 : memref<!tpu.dma_semaphore, #tpu.memory_space<semaphore_mem>>)
    %dma_start3A_73 = arith.constant 0 : i32
    %dma_start3A_74 = arith.constant 0 : i32
    %dma_start3A_75 = tpu.memref_slice %arg2[%dma_start3A_73, %dma_start3A_74] : memref<10000x128xi32, #tpu.memory_space<hbm>> -> memref<10000x128xi32, #tpu.memory_space<hbm>>
    tpu.enqueue_indirect_dma source(%dma_start3A_75 : memref<10000x128xi32, #tpu.memory_space<hbm>>) target(%arg13 : memref<128x128xi32, #tpu.memory_space<vmem>>) offsets(%arg9 : memref<128xi32, #tpu.memory_space<vmem>>) semaphore(%arg24 : memref<!tpu.dma_semaphore, #tpu.memory_space<semaphore_mem>>)
    %dma_wait3A = arith.constant 0 : i32
    %dma_wait3A_76 = arith.constant 0 : i32
    %dma_wait3A_77 = tpu.memref_slice %arg2[%dma_wait3A, %dma_wait3A_76] : memref<10000x128xi32, #tpu.memory_space<hbm>> -> memref<10000x128xi32, #tpu.memory_space<hbm>>
    tpu.wait_indirect_dma semaphore(%arg23 : memref<!tpu.dma_semaphore, #tpu.memory_space<semaphore_mem>>) src(%dma_wait3A_77 : memref<10000x128xi32, #tpu.memory_space<hbm>>) dst(%arg12 : memref<128x128xi32, #tpu.memory_space<vmem>>)
    %dma_wait3A_78 = arith.constant 0 : i32
    %dma_wait3A_79 = arith.constant 0 : i32
    %dma_wait3A_80 = tpu.memref_slice %arg2[%dma_wait3A_78, %dma_wait3A_79] : memref<10000x128xi32, #tpu.memory_space<hbm>> -> memref<10000x128xi32, #tpu.memory_space<hbm>>
    tpu.wait_indirect_dma semaphore(%arg24 : memref<!tpu.dma_semaphore, #tpu.memory_space<semaphore_mem>>) src(%dma_wait3A_80 : memref<10000x128xi32, #tpu.memory_space<hbm>>) dst(%arg13 : memref<128x128xi32, #tpu.memory_space<vmem>>)
    %scan3A_81 = arith.constant 0 : i32
    %scan3A_82 = arith.constant 0 : i32
    %scan3A_83 = arith.constant 128 : i32
    %scan3A_84 = arith.addi %scan3A_82, %scan3A_83 : i32
    %scan3A_85 = arith.constant 1 : i32
    %scan3A_86 = scf.for %scan3A_141 = %scan3A_82 to %scan3A_84 step %scan3A_85 iter_args(%scan3A_142 = %scan3A_81) -> (i32)  : i32 {
      %get3A_143 = arith.index_cast %scan3A_141 : i32 to index
      %get3A_144 = arith.constant 0 : index
      %get3A_145 = tpu.vector_load %arg12[%get3A_143, %get3A_144] {strides = array<i32>} : memref<128x128xi32, #tpu.memory_space<vmem>>, vector<16xi32>,
      %bitcast3A = vector.bitcast %get3A_145 : vector<16xi32> to vector<32xbf16>
      %get3A_146 = arith.index_cast %scan3A_141 : i32 to index
      %get3A_147 = arith.constant 64 : index
      %get3A_148 = tpu.vector_load %arg13[%get3A_146, %get3A_147] {strides = array<i32>} : memref<128x128xi32, #tpu.memory_space<vmem>>, vector<16xi32>,
      %bitcast3A_149 = vector.bitcast %get3A_148 : vector<16xi32> to vector<32xbf16>
      %add3A_150 = arith.addf %bitcast3A, %bitcast3A_149 : vector<32xbf16>
      %bitcast3A_151 = vector.bitcast %add3A_150 : vector<32xbf16> to vector<16xi32>
      %swap3A_152 = arith.index_cast %scan3A_141 : i32 to index
      %swap3A_153 = arith.constant 0 : index
      %swap3A_154 = tpu.vector_load %arg16[%swap3A_152, %swap3A_153] {strides = array<i32>} : memref<128x64xi32, #tpu.memory_space<vmem>>, vector<16xi32>,
      tpu.vector_store %arg16[%swap3A_152, %swap3A_153], %bitcast3A_151 {strides = array<i32>} : memref<128x64xi32, #tpu.memory_space<vmem>>, vector<16xi32>,
      %get3A_155 = arith.index_cast %scan3A_141 : i32 to index
      %get3A_156 = arith.constant 16 : index
      %get3A_157 = tpu.vector_load %arg12[%get3A_155, %get3A_156] {strides = array<i32>} : memref<128x128xi32, #tpu.memory_space<vmem>>, vector<16xi32>,
      %bitcast3A_158 = vector.bitcast %get3A_157 : vector<16xi32> to vector<32xbf16>
      %get3A_159 = arith.index_cast %scan3A_141 : i32 to index
      %get3A_160 = arith.constant 80 : index
      %get3A_161 = tpu.vector_load %arg13[%get3A_159, %get3A_160] {strides = array<i32>} : memref<128x128xi32, #tpu.memory_space<vmem>>, vector<16xi32>,
      %bitcast3A_162 = vector.bitcast %get3A_161 : vector<16xi32> to vector<32xbf16>
      %add3A_163 = arith.addf %bitcast3A_158, %bitcast3A_162 : vector<32xbf16>
      %bitcast3A_164 = vector.bitcast %add3A_163 : vector<32xbf16> to vector<16xi32>
      %swap3A_165 = arith.index_cast %scan3A_141 : i32 to index
      %swap3A_166 = arith.constant 16 : index
      %swap3A_167 = tpu.vector_load %arg16[%swap3A_165, %swap3A_166] {strides = array<i32>} : memref<128x64xi32, #tpu.memory_space<vmem>>, vector<16xi32>,
      tpu.vector_store %arg16[%swap3A_165, %swap3A_166], %bitcast3A_164 {strides = array<i32>} : memref<128x64xi32, #tpu.memory_space<vmem>>, vector<16xi32>,
      %get3A_168 = arith.index_cast %scan3A_141 : i32 to index
      %get3A_169 = arith.constant 32 : index
      %get3A_170 = tpu.vector_load %arg12[%get3A_168, %get3A_169] {strides = array<i32>} : memref<128x128xi32, #tpu.memory_space<vmem>>, vector<16xi32>,
      %bitcast3A_171 = vector.bitcast %get3A_170 : vector<16xi32> to vector<32xbf16>
      %get3A_172 = arith.index_cast %scan3A_141 : i32 to index
      %get3A_173 = arith.constant 96 : index
      %get3A_174 = tpu.vector_load %arg13[%get3A_172, %get3A_173] {strides = array<i32>} : memref<128x128xi32, #tpu.memory_space<vmem>>, vector<16xi32>,
      %bitcast3A_175 = vector.bitcast %get3A_174 : vector<16xi32> to vector<32xbf16>
      %add3A_176 = arith.addf %bitcast3A_171, %bitcast3A_175 : vector<32xbf16>
      %bitcast3A_177 = vector.bitcast %add3A_176 : vector<32xbf16> to vector<16xi32>
      %swap3A_178 = arith.index_cast %scan3A_141 : i32 to index
      %swap3A_179 = arith.constant 32 : index
      %swap3A_180 = tpu.vector_load %arg16[%swap3A_178, %swap3A_179] {strides = array<i32>} : memref<128x64xi32, #tpu.memory_space<vmem>>, vector<16xi32>,
      tpu.vector_store %arg16[%swap3A_178, %swap3A_179], %bitcast3A_177 {strides = array<i32>} : memref<128x64xi32, #tpu.memory_space<vmem>>, vector<16xi32>,
      %get3A_181 = arith.index_cast %scan3A_141 : i32 to index
      %get3A_182 = arith.constant 48 : index
      %get3A_183 = tpu.vector_load %arg12[%get3A_181, %get3A_182] {strides = array<i32>} : memref<128x128xi32, #tpu.memory_space<vmem>>, vector<16xi32>,
      %bitcast3A_184 = vector.bitcast %get3A_183 : vector<16xi32> to vector<32xbf16>
      %get3A_185 = arith.index_cast %scan3A_141 : i32 to index
      %get3A_186 = arith.constant 112 : index
      %get3A_187 = tpu.vector_load %arg13[%get3A_185, %get3A_186] {strides = array<i32>} : memref<128x128xi32, #tpu.memory_space<vmem>>, vector<16xi32>,
      %bitcast3A_188 = vector.bitcast %get3A_187 : vector<16xi32> to vector<32xbf16>
      %add3A_189 = arith.addf %bitcast3A_184, %bitcast3A_188 : vector<32xbf16>
      %bitcast3A_190 = vector.bitcast %add3A_189 : vector<32xbf16> to vector<16xi32>
      %swap3A_191 = arith.index_cast %scan3A_141 : i32 to index
      %swap3A_192 = arith.constant 48 : index
      %swap3A_193 = tpu.vector_load %arg16[%swap3A_191, %swap3A_192] {strides = array<i32>} : memref<128x64xi32, #tpu.memory_space<vmem>>, vector<16xi32>,
      tpu.vector_store %arg16[%swap3A_191, %swap3A_192], %bitcast3A_190 {strides = array<i32>} : memref<128x64xi32, #tpu.memory_space<vmem>>, vector<16xi32>,
      %scan3A_194 = arith.constant 0 : i32
      scf.yield %scan3A_194 : i32
    }
    %scan3A_87 = arith.constant 128 : i32
    %dma_start3A_88 = arith.constant 4864 : i32
    %dma_start3A_89 = arith.constant 0 : i32
    %dma_start3A_90 = tpu.memref_slice %arg5[%add3A, %dma_start3A_88, %dma_start3A_89] : memref<32x5000x64xi32, #tpu.memory_space<hbm>> -> memref<1x128x64xi32, #tpu.memory_space<hbm>>
    %dma_start3A_91 = tpu.memref_squeeze %dma_start3A_90 : memref<1x128x64xi32, #tpu.memory_space<hbm>> -> memref<128x64xi32, #tpu.memory_space<hbm>>
    %dma_start3A_92 = arith.constant 4864 : i32
    %dma_start3A_93 = arith.constant 0 : i32
    %dma_start3A_94 = tpu.memref_slice %arg5[%add3A, %dma_start3A_92, %dma_start3A_93] : memref<32x5000x64xi32, #tpu.memory_space<hbm>> -> memref<1x128x64xi32, #tpu.memory_space<hbm>>
    %dma_start3A_95 = tpu.memref_squeeze %dma_start3A_94 : memref<1x128x64xi32, #tpu.memory_space<hbm>> -> memref<128x64xi32, #tpu.memory_space<hbm>>
    tpu.enqueue_dma source(%arg16 : memref<128x64xi32, #tpu.memory_space<vmem>>) target(%dma_start3A_95 : memref<128x64xi32, #tpu.memory_space<hbm>>) target_semaphore(%arg27 : memref<!tpu.dma_semaphore, #tpu.memory_space<semaphore_mem>>)
    %dma_wait3A_96 = arith.constant 4864 : i32
    %dma_wait3A_97 = arith.constant 0 : i32
    %dma_wait3A_98 = tpu.memref_slice %arg5[%add3A, %dma_wait3A_96, %dma_wait3A_97] : memref<32x5000x64xi32, #tpu.memory_space<hbm>> -> memref<1x128x64xi32, #tpu.memory_space<hbm>>
    %dma_wait3A_99 = tpu.memref_squeeze %dma_wait3A_98 : memref<1x128x64xi32, #tpu.memory_space<hbm>> -> memref<128x64xi32, #tpu.memory_space<hbm>>
    %dma_wait3A_100 = arith.constant 4864 : i32
    %dma_wait3A_101 = arith.constant 0 : i32
    %dma_wait3A_102 = tpu.memref_slice %arg5[%add3A, %dma_wait3A_100, %dma_wait3A_101] : memref<32x5000x64xi32, #tpu.memory_space<hbm>> -> memref<1x128x64xi32, #tpu.memory_space<hbm>>
    %dma_wait3A_103 = tpu.memref_squeeze %dma_wait3A_102 : memref<1x128x64xi32, #tpu.memory_space<hbm>> -> memref<128x64xi32, #tpu.memory_space<hbm>>
    tpu.wait_dma2 semaphore(%arg27 : memref<!tpu.dma_semaphore, #tpu.memory_space<semaphore_mem>>) src(%arg16 : memref<128x64xi32, #tpu.memory_space<vmem>>) dst(%dma_wait3A_103 : memref<128x64xi32, #tpu.memory_space<hbm>>)
    %add3A_104 = arith.constant 4992 : i32
    %add3A_105 = arith.addi %mul3A_2, %add3A_104 : i32
    "tpu.region"() ({
      %run_scoped3A = tpu.sem_alloc : memref<!tpu.dma_semaphore, #tpu.memory_space<semaphore_mem>>
      %dma_start3A_141 = tpu.memref_slice %arg3[%add3A_105] : memref<160000xi32, #tpu.memory_space<hbm>> -> memref<8xi32, #tpu.memory_space<hbm>>
      %dma_start3A_142 = tpu.memref_slice %arg3[%add3A_105] : memref<160000xi32, #tpu.memory_space<hbm>> -> memref<8xi32, #tpu.memory_space<hbm>>
      tpu.enqueue_dma source(%dma_start3A_142 : memref<8xi32, #tpu.memory_space<hbm>>) target(%arg18 : memref<8xi32, #tpu.memory_space<vmem>>) target_semaphore(%run_scoped3A : memref<!tpu.dma_semaphore, #tpu.memory_space<semaphore_mem>>)
      %dma_wait3A_143 = tpu.memref_slice %arg3[%add3A_105] : memref<160000xi32, #tpu.memory_space<hbm>> -> memref<8xi32, #tpu.memory_space<hbm>>
      %dma_wait3A_144 = tpu.memref_slice %arg3[%add3A_105] : memref<160000xi32, #tpu.memory_space<hbm>> -> memref<8xi32, #tpu.memory_space<hbm>>
      tpu.wait_dma2 semaphore(%run_scoped3A : memref<!tpu.dma_semaphore, #tpu.memory_space<semaphore_mem>>) src(%dma_wait3A_144 : memref<8xi32, #tpu.memory_space<hbm>>) dst(%arg18 : memref<8xi32, #tpu.memory_space<vmem>>)
      tpu.yield
    }) : () -> ()
    "tpu.region"() ({
      %run_scoped3A = tpu.sem_alloc : memref<!tpu.dma_semaphore, #tpu.memory_space<semaphore_mem>>
      %dma_start3A_141 = tpu.memref_slice %arg4[%add3A_105] : memref<160000xi32, #tpu.memory_space<hbm>> -> memref<8xi32, #tpu.memory_space<hbm>>
      %dma_start3A_142 = tpu.memref_slice %arg4[%add3A_105] : memref<160000xi32, #tpu.memory_space<hbm>> -> memref<8xi32, #tpu.memory_space<hbm>>
      tpu.enqueue_dma source(%dma_start3A_142 : memref<8xi32, #tpu.memory_space<hbm>>) target(%arg19 : memref<8xi32, #tpu.memory_space<vmem>>) target_semaphore(%run_scoped3A : memref<!tpu.dma_semaphore, #tpu.memory_space<semaphore_mem>>)
      %dma_wait3A_143 = tpu.memref_slice %arg4[%add3A_105] : memref<160000xi32, #tpu.memory_space<hbm>> -> memref<8xi32, #tpu.memory_space<hbm>>
      %dma_wait3A_144 = tpu.memref_slice %arg4[%add3A_105] : memref<160000xi32, #tpu.memory_space<hbm>> -> memref<8xi32, #tpu.memory_space<hbm>>
      tpu.wait_dma2 semaphore(%run_scoped3A : memref<!tpu.dma_semaphore, #tpu.memory_space<semaphore_mem>>) src(%dma_wait3A_144 : memref<8xi32, #tpu.memory_space<hbm>>) dst(%arg19 : memref<8xi32, #tpu.memory_space<vmem>>)
      tpu.yield
    }) : () -> ()
    %dma_start3A_106 = arith.constant 0 : i32
    %dma_start3A_107 = arith.constant 0 : i32
    %dma_start3A_108 = tpu.memref_slice %arg2[%dma_start3A_106, %dma_start3A_107] : memref<10000x128xi32, #tpu.memory_space<hbm>> -> memref<10000x128xi32, #tpu.memory_space<hbm>>
    tpu.enqueue_indirect_dma source(%dma_start3A_108 : memref<10000x128xi32, #tpu.memory_space<hbm>>) target(%arg20 : memref<8x128xi32, #tpu.memory_space<vmem>>) offsets(%arg18 : memref<8xi32, #tpu.memory_space<vmem>>) semaphore(%arg25 : memref<!tpu.dma_semaphore, #tpu.memory_space<semaphore_mem>>)
    %dma_start3A_109 = arith.constant 0 : i32
    %dma_start3A_110 = arith.constant 0 : i32
    %dma_start3A_111 = tpu.memref_slice %arg2[%dma_start3A_109, %dma_start3A_110] : memref<10000x128xi32, #tpu.memory_space<hbm>> -> memref<10000x128xi32, #tpu.memory_space<hbm>>
    tpu.enqueue_indirect_dma source(%dma_start3A_111 : memref<10000x128xi32, #tpu.memory_space<hbm>>) target(%arg21 : memref<8x128xi32, #tpu.memory_space<vmem>>) offsets(%arg19 : memref<8xi32, #tpu.memory_space<vmem>>) semaphore(%arg26 : memref<!tpu.dma_semaphore, #tpu.memory_space<semaphore_mem>>)
    %dma_wait3A_112 = arith.constant 0 : i32
    %dma_wait3A_113 = arith.constant 0 : i32
    %dma_wait3A_114 = tpu.memref_slice %arg2[%dma_wait3A_112, %dma_wait3A_113] : memref<10000x128xi32, #tpu.memory_space<hbm>> -> memref<10000x128xi32, #tpu.memory_space<hbm>>
    tpu.wait_indirect_dma semaphore(%arg25 : memref<!tpu.dma_semaphore, #tpu.memory_space<semaphore_mem>>) src(%dma_wait3A_114 : memref<10000x128xi32, #tpu.memory_space<hbm>>) dst(%arg20 : memref<8x128xi32, #tpu.memory_space<vmem>>)
    %dma_wait3A_115 = arith.constant 0 : i32
    %dma_wait3A_116 = arith.constant 0 : i32
    %dma_wait3A_117 = tpu.memref_slice %arg2[%dma_wait3A_115, %dma_wait3A_116] : memref<10000x128xi32, #tpu.memory_space<hbm>> -> memref<10000x128xi32, #tpu.memory_space<hbm>>
    tpu.wait_indirect_dma semaphore(%arg26 : memref<!tpu.dma_semaphore, #tpu.memory_space<semaphore_mem>>) src(%dma_wait3A_117 : memref<10000x128xi32, #tpu.memory_space<hbm>>) dst(%arg21 : memref<8x128xi32, #tpu.memory_space<vmem>>)
    %scan3A_118 = arith.constant 0 : i32
    %scan3A_119 = arith.constant 0 : i32
    %scan3A_120 = arith.constant 8 : i32
    %scan3A_121 = arith.addi %scan3A_119, %scan3A_120 : i32
    %scan3A_122 = arith.constant 1 : i32
    %scan3A_123 = scf.for %scan3A_141 = %scan3A_119 to %scan3A_121 step %scan3A_122 iter_args(%scan3A_142 = %scan3A_118) -> (i32)  : i32 {
      %get3A_143 = arith.index_cast %scan3A_141 : i32 to index
      %get3A_144 = arith.constant 0 : index
      %get3A_145 = tpu.vector_load %arg20[%get3A_143, %get3A_144] {strides = array<i32>} : memref<8x128xi32, #tpu.memory_space<vmem>>, vector<16xi32>,
      %bitcast3A = vector.bitcast %get3A_145 : vector<16xi32> to vector<32xbf16>
      %get3A_146 = arith.index_cast %scan3A_141 : i32 to index
      %get3A_147 = arith.constant 64 : index
      %get3A_148 = tpu.vector_load %arg21[%get3A_146, %get3A_147] {strides = array<i32>} : memref<8x128xi32, #tpu.memory_space<vmem>>, vector<16xi32>,
      %bitcast3A_149 = vector.bitcast %get3A_148 : vector<16xi32> to vector<32xbf16>
      %add3A_150 = arith.addf %bitcast3A, %bitcast3A_149 : vector<32xbf16>
      %bitcast3A_151 = vector.bitcast %add3A_150 : vector<32xbf16> to vector<16xi32>
      %swap3A_152 = arith.index_cast %scan3A_141 : i32 to index
      %swap3A_153 = arith.constant 0 : index
      %swap3A_154 = tpu.vector_load %arg22[%swap3A_152, %swap3A_153] {strides = array<i32>} : memref<8x64xi32, #tpu.memory_space<vmem>>, vector<16xi32>,
      tpu.vector_store %arg22[%swap3A_152, %swap3A_153], %bitcast3A_151 {strides = array<i32>} : memref<8x64xi32, #tpu.memory_space<vmem>>, vector<16xi32>,
      %get3A_155 = arith.index_cast %scan3A_141 : i32 to index
      %get3A_156 = arith.constant 16 : index
      %get3A_157 = tpu.vector_load %arg20[%get3A_155, %get3A_156] {strides = array<i32>} : memref<8x128xi32, #tpu.memory_space<vmem>>, vector<16xi32>,
      %bitcast3A_158 = vector.bitcast %get3A_157 : vector<16xi32> to vector<32xbf16>
      %get3A_159 = arith.index_cast %scan3A_141 : i32 to index
      %get3A_160 = arith.constant 80 : index
      %get3A_161 = tpu.vector_load %arg21[%get3A_159, %get3A_160] {strides = array<i32>} : memref<8x128xi32, #tpu.memory_space<vmem>>, vector<16xi32>,
      %bitcast3A_162 = vector.bitcast %get3A_161 : vector<16xi32> to vector<32xbf16>
      %add3A_163 = arith.addf %bitcast3A_158, %bitcast3A_162 : vector<32xbf16>
      %bitcast3A_164 = vector.bitcast %add3A_163 : vector<32xbf16> to vector<16xi32>
      %swap3A_165 = arith.index_cast %scan3A_141 : i32 to index
      %swap3A_166 = arith.constant 16 : index
      %swap3A_167 = tpu.vector_load %arg22[%swap3A_165, %swap3A_166] {strides = array<i32>} : memref<8x64xi32, #tpu.memory_space<vmem>>, vector<16xi32>,
      tpu.vector_store %arg22[%swap3A_165, %swap3A_166], %bitcast3A_164 {strides = array<i32>} : memref<8x64xi32, #tpu.memory_space<vmem>>, vector<16xi32>,
      %get3A_168 = arith.index_cast %scan3A_141 : i32 to index
      %get3A_169 = arith.constant 32 : index
      %get3A_170 = tpu.vector_load %arg20[%get3A_168, %get3A_169] {strides = array<i32>} : memref<8x128xi32, #tpu.memory_space<vmem>>, vector<16xi32>,
      %bitcast3A_171 = vector.bitcast %get3A_170 : vector<16xi32> to vector<32xbf16>
      %get3A_172 = arith.index_cast %scan3A_141 : i32 to index
      %get3A_173 = arith.constant 96 : index
      %get3A_174 = tpu.vector_load %arg21[%get3A_172, %get3A_173] {strides = array<i32>} : memref<8x128xi32, #tpu.memory_space<vmem>>, vector<16xi32>,
      %bitcast3A_175 = vector.bitcast %get3A_174 : vector<16xi32> to vector<32xbf16>
      %add3A_176 = arith.addf %bitcast3A_171, %bitcast3A_175 : vector<32xbf16>
      %bitcast3A_177 = vector.bitcast %add3A_176 : vector<32xbf16> to vector<16xi32>
      %swap3A_178 = arith.index_cast %scan3A_141 : i32 to index
      %swap3A_179 = arith.constant 32 : index
      %swap3A_180 = tpu.vector_load %arg22[%swap3A_178, %swap3A_179] {strides = array<i32>} : memref<8x64xi32, #tpu.memory_space<vmem>>, vector<16xi32>,
      tpu.vector_store %arg22[%swap3A_178, %swap3A_179], %bitcast3A_177 {strides = array<i32>} : memref<8x64xi32, #tpu.memory_space<vmem>>, vector<16xi32>,
      %get3A_181 = arith.index_cast %scan3A_141 : i32 to index
      %get3A_182 = arith.constant 48 : index
      %get3A_183 = tpu.vector_load %arg20[%get3A_181, %get3A_182] {strides = array<i32>} : memref<8x128xi32, #tpu.memory_space<vmem>>, vector<16xi32>,
      %bitcast3A_184 = vector.bitcast %get3A_183 : vector<16xi32> to vector<32xbf16>
      %get3A_185 = arith.index_cast %scan3A_141 : i32 to index
      %get3A_186 = arith.constant 112 : index
      %get3A_187 = tpu.vector_load %arg21[%get3A_185, %get3A_186] {strides = array<i32>} : memref<8x128xi32, #tpu.memory_space<vmem>>, vector<16xi32>,
      %bitcast3A_188 = vector.bitcast %get3A_187 : vector<16xi32> to vector<32xbf16>
      %add3A_189 = arith.addf %bitcast3A_184, %bitcast3A_188 : vector<32xbf16>
      %bitcast3A_190 = vector.bitcast %add3A_189 : vector<32xbf16> to vector<16xi32>
      %swap3A_191 = arith.index_cast %scan3A_141 : i32 to index
      %swap3A_192 = arith.constant 48 : index
      %swap3A_193 = tpu.vector_load %arg22[%swap3A_191, %swap3A_192] {strides = array<i32>} : memref<8x64xi32, #tpu.memory_space<vmem>>, vector<16xi32>,
      tpu.vector_store %arg22[%swap3A_191, %swap3A_192], %bitcast3A_190 {strides = array<i32>} : memref<8x64xi32, #tpu.memory_space<vmem>>, vector<16xi32>,
      %scan3A_194 = arith.constant 0 : i32
      scf.yield %scan3A_194 : i32
    }
    %scan3A_124 = arith.constant 8 : i32
    %dma_start3A_125 = arith.constant 4992 : i32
    %dma_start3A_126 = arith.constant 0 : i32
    %dma_start3A_127 = tpu.memref_slice %arg5[%add3A, %dma_start3A_125, %dma_start3A_126] : memref<32x5000x64xi32, #tpu.memory_space<hbm>> -> memref<1x8x64xi32, #tpu.memory_space<hbm>>
    %dma_start3A_128 = tpu.memref_squeeze %dma_start3A_127 : memref<1x8x64xi32, #tpu.memory_space<hbm>> -> memref<8x64xi32, #tpu.memory_space<hbm>>
    %dma_start3A_129 = arith.constant 4992 : i32
    %dma_start3A_130 = arith.constant 0 : i32
    %dma_start3A_131 = tpu.memref_slice %arg5[%add3A, %dma_start3A_129, %dma_start3A_130] : memref<32x5000x64xi32, #tpu.memory_space<hbm>> -> memref<1x8x64xi32, #tpu.memory_space<hbm>>
    %dma_start3A_132 = tpu.memref_squeeze %dma_start3A_131 : memref<1x8x64xi32, #tpu.memory_space<hbm>> -> memref<8x64xi32, #tpu.memory_space<hbm>>
    tpu.enqueue_dma source(%arg22 : memref<8x64xi32, #tpu.memory_space<vmem>>) target(%dma_start3A_132 : memref<8x64xi32, #tpu.memory_space<hbm>>) target_semaphore(%arg28 : memref<!tpu.dma_semaphore, #tpu.memory_space<semaphore_mem>>)
    %dma_wait3A_133 = arith.constant 4992 : i32
    %dma_wait3A_134 = arith.constant 0 : i32
    %dma_wait3A_135 = tpu.memref_slice %arg5[%add3A, %dma_wait3A_133, %dma_wait3A_134] : memref<32x5000x64xi32, #tpu.memory_space<hbm>> -> memref<1x8x64xi32, #tpu.memory_space<hbm>>
    %dma_wait3A_136 = tpu.memref_squeeze %dma_wait3A_135 : memref<1x8x64xi32, #tpu.memory_space<hbm>> -> memref<8x64xi32, #tpu.memory_space<hbm>>
    %dma_wait3A_137 = arith.constant 4992 : i32
    %dma_wait3A_138 = arith.constant 0 : i32
    %dma_wait3A_139 = tpu.memref_slice %arg5[%add3A, %dma_wait3A_137, %dma_wait3A_138] : memref<32x5000x64xi32, #tpu.memory_space<hbm>> -> memref<1x8x64xi32, #tpu.memory_space<hbm>>
    %dma_wait3A_140 = tpu.memref_squeeze %dma_wait3A_139 : memref<1x8x64xi32, #tpu.memory_space<hbm>> -> memref<8x64xi32, #tpu.memory_space<hbm>>
    tpu.wait_dma2 semaphore(%arg28 : memref<!tpu.dma_semaphore, #tpu.memory_space<semaphore_mem>>) src(%arg22 : memref<8x64xi32, #tpu.memory_space<vmem>>) dst(%dma_wait3A_140 : memref<8x64xi32, #tpu.memory_space<hbm>>)
    return
  }
}

module attributes {stable_mosaic.version = 14 : i64} {
  func.func @body(%arg0: i32, %arg1: memref<1000x256xf32, #tpu.memory_space<vmem>>, %arg2: memref<256x128xf32, #tpu.memory_space<vmem>>, %arg3: memref<1000x32xf32, #tpu.memory_space<vmem>>, %arg4: memref<1000x128xf32, #tpu.memory_space<vmem>>, %arg5: memref<1000x1xf32, #tpu.memory_space<vmem>>) attributes {dimension_semantics = [#tpu.dimension_semantics<arbitrary>], iteration_bounds = array<i64: 10>, scalar_prefetch = 0 : i64, scratch_operands = 0 : i64, tpu.core_type = #tpu.core_type<tc>, window_params = [{transform_indices = @transform_0, window_bounds = array<i64: 1000, 256>}, {pipeline_mode = #tpu.pipeline_mode<synchronous>, transform_indices = @transform_1, window_bounds = array<i64: 256, 128>}, {transform_indices = @transform_2, window_bounds = array<i64: 1000, 32>}, {transform_indices = @transform_3, window_bounds = array<i64: 1000, 128>}, {transform_indices = @transform_4, window_bounds = array<i64: 1000, 1>}]} {
    %get3A = arith.constant 0 : index
    %get3A_0 = arith.constant 0 : index
    %get3A_1 = vector.load %arg3[%get3A, %get3A_0] : memref<1000x32xf32, #tpu.memory_space<vmem>>, vector<1000x32xf32>
    %reduce_sum3A = arith.constant dense<0.000000e+00> : vector<1000xf32>
    %reduce_sum3A_2 = vector.multi_reduction <add>, %get3A_1, %reduce_sum3A [1] : vector<1000x32xf32> to vector<1000xf32>
    %add3A = arith.constant 1.000000e+00 : f32
    %add3A_3 = vector.broadcast %add3A : f32 to vector<1000xf32>
    %add3A_4 = arith.addf %reduce_sum3A_2, %add3A_3 : vector<1000xf32>
    %rsqrt3A = math.rsqrt %add3A_4 : vector<1000xf32>
    %get3A_5 = arith.constant 0 : index
    %get3A_6 = arith.constant 0 : index
    %get3A_7 = vector.load %arg1[%get3A_5, %get3A_6] : memref<1000x256xf32, #tpu.memory_space<vmem>>, vector<1000x256xf32>
    %get3A_8 = arith.constant 0 : index
    %get3A_9 = arith.constant 0 : index
    %get3A_10 = vector.load %arg2[%get3A_8, %get3A_9] : memref<256x128xf32, #tpu.memory_space<vmem>>, vector<256x128xf32>
    %dot_general3A = arith.constant dense<0.000000e+00> : vector<1000x128xf32>
    %dot_general3A_11 = tpu.matmul %get3A_7, %get3A_10, %dot_general3A {dimension_numbers = #tpu.dot_dimension_numbers<[1], [0], [0], [1], [0, 0, 1, 1], [], []>, transpose_lhs_hint = false} : vector<1000x256xf32>, vector<256x128xf32>, vector<1000x128xf32> -> vector<1000x128xf32>
    %broadcast_in_dim3A = vector.shape_cast %rsqrt3A : vector<1000xf32> to vector<1000x1xf32>
    %mul3A = vector.broadcast %broadcast_in_dim3A : vector<1000x1xf32> to vector<1000x128xf32>
    %mul3A_12 = arith.mulf %dot_general3A_11, %mul3A : vector<1000x128xf32>
    %swap3A = arith.constant 0 : index
    %swap3A_13 = arith.constant 0 : index
    %swap3A_14 = vector.load %arg4[%swap3A, %swap3A_13] : memref<1000x128xf32, #tpu.memory_space<vmem>>, vector<1000x128xf32>
    tpu.vector_store %arg4[%swap3A, %swap3A_13], %mul3A_12 {strides = array<i32>} : memref<1000x128xf32, #tpu.memory_space<vmem>>, vector<1000x128xf32>,
    %broadcast_in_dim3A_15 = vector.shape_cast %rsqrt3A : vector<1000xf32> to vector<1000x1xf32>
    %swap3A_16 = arith.constant 0 : index
    %swap3A_17 = arith.constant 0 : index
    %swap3A_18 = vector.load %arg5[%swap3A_16, %swap3A_17] : memref<1000x1xf32, #tpu.memory_space<vmem>>, vector<1000x1xf32>
    tpu.vector_store %arg5[%swap3A_16, %swap3A_17], %broadcast_in_dim3A_15 {strides = array<i32>} : memref<1000x1xf32, #tpu.memory_space<vmem>>, vector<1000x1xf32>,
    return
  }
  func.func @transform_0(%arg0: i32) -> (i32, i32) {
    %c0_i32 = arith.constant 0 : i32
    %c0_i32_0 = arith.constant 0 : i32
    return %arg0, %c0_i32 : i32, i32
  }
  func.func @transform_1(%arg0: i32) -> (i32, i32) {
    %c0_i32 = arith.constant 0 : i32
    %c0_i32_0 = arith.constant 0 : i32
    %c0_i32_1 = arith.constant 0 : i32
    return %c0_i32, %c0_i32_0 : i32, i32
  }
  func.func @transform_2(%arg0: i32) -> (i32, i32) {
    %c0_i32 = arith.constant 0 : i32
    %c0_i32_0 = arith.constant 0 : i32
    return %arg0, %c0_i32 : i32, i32
  }
  func.func @transform_3(%arg0: i32) -> (i32, i32) {
    %c0_i32 = arith.constant 0 : i32
    %c0_i32_0 = arith.constant 0 : i32
    return %arg0, %c0_i32 : i32, i32
  }
  func.func @transform_4(%arg0: i32) -> (i32, i32) {
    %c0_i32 = arith.constant 0 : i32
    %c0_i32_0 = arith.constant 0 : i32
    return %arg0, %c0_i32 : i32, i32
  }
}

module attributes {stable_mosaic.version = 14 : i64} {
  func.func @body(%arg0: i32, %arg1: memref<2x1000x128xf32, #tpu.memory_space<vmem>>, %arg2: memref<1000x128xf32, #tpu.memory_space<vmem>>, %arg3: memref<1000x1xf32, #tpu.memory_space<vmem>>, %arg4: memref<128xf32, #tpu.memory_space<vmem>>, %arg5: memref<128x128xf32, #tpu.memory_space<vmem>>, %arg6: memref<1000x128xf32, #tpu.memory_space<vmem>>) attributes {dimension_semantics = [#tpu.dimension_semantics<arbitrary>], iteration_bounds = array<i64: 10>, scalar_prefetch = 0 : i64, scratch_operands = 0 : i64, tpu.core_type = #tpu.core_type<tc>, window_params = [{transform_indices = @transform_0, window_bounds = array<i64: 2, 1000, 128>}, {transform_indices = @transform_1, window_bounds = array<i64: 1000, 128>}, {transform_indices = @transform_2, window_bounds = array<i64: 1000, 1>}, {pipeline_mode = #tpu.pipeline_mode<synchronous>, transform_indices = @transform_3, window_bounds = array<i64: 128>}, {pipeline_mode = #tpu.pipeline_mode<synchronous>, transform_indices = @transform_4, window_bounds = array<i64: 128, 128>}, {transform_indices = @transform_5, window_bounds = array<i64: 1000, 128>}]} {
    %get3A = arith.constant 0 : index
    %get3A_0 = arith.constant 0 : index
    %get3A_1 = vector.load %arg3[%get3A, %get3A_0] : memref<1000x1xf32, #tpu.memory_space<vmem>>, vector<1000x1xf32>
    %get3A_2 = arith.constant 0 : index
    %get3A_3 = arith.constant 0 : index
    %get3A_4 = arith.constant 0 : index
    %get3A_5 = vector.load %arg1[%get3A_2, %get3A_3, %get3A_4] : memref<2x1000x128xf32, #tpu.memory_space<vmem>>, vector<1x1000x128xf32>
    %get3A_6 = vector.shape_cast %get3A_5 : vector<1x1000x128xf32> to vector<1000x128xf32>
    %get3A_7 = arith.constant 1 : index
    %get3A_8 = arith.constant 0 : index
    %get3A_9 = arith.constant 0 : index
    %get3A_10 = vector.load %arg1[%get3A_7, %get3A_8, %get3A_9] : memref<2x1000x128xf32, #tpu.memory_space<vmem>>, vector<1x1000x128xf32>
    %get3A_11 = vector.shape_cast %get3A_10 : vector<1x1000x128xf32> to vector<1000x128xf32>
    %add3A = arith.addf %get3A_6, %get3A_11 : vector<1000x128xf32>
    %get3A_12 = arith.constant 0 : index
    %get3A_13 = arith.constant 0 : index
    %get3A_14 = vector.load %arg2[%get3A_12, %get3A_13] : memref<1000x128xf32, #tpu.memory_space<vmem>>, vector<1000x128xf32>
    %add3A_15 = arith.addf %add3A, %get3A_14 : vector<1000x128xf32>
    %mul3A = vector.broadcast %get3A_1 : vector<1000x1xf32> to vector<1000x128xf32>
    %mul3A_16 = arith.mulf %mul3A, %add3A_15 : vector<1000x128xf32>
    %get3A_17 = arith.constant 0 : index
    %get3A_18 = vector.load %arg4[%get3A_17] : memref<128xf32, #tpu.memory_space<vmem>>, vector<128xf32>
    %broadcast_in_dim3A = vector.shape_cast %get3A_18 : vector<128xf32> to vector<1x128xf32>
    %add3A_19 = vector.broadcast %broadcast_in_dim3A : vector<1x128xf32> to vector<1000x128xf32>
    %add3A_20 = arith.addf %mul3A_16, %add3A_19 : vector<1000x128xf32>
    %max3A = arith.constant 0.000000e+00 : f32
    %max3A_21 = vector.broadcast %max3A : f32 to vector<1000x128xf32>
    %max3A_22 = arith.maximumf %add3A_20, %max3A_21 : vector<1000x128xf32>
    %get3A_23 = arith.constant 0 : index
    %get3A_24 = arith.constant 0 : index
    %get3A_25 = vector.load %arg5[%get3A_23, %get3A_24] : memref<128x128xf32, #tpu.memory_space<vmem>>, vector<128x128xf32>
    %dot_general3A = arith.constant dense<0.000000e+00> : vector<1000x128xf32>
    %dot_general3A_26 = tpu.matmul %max3A_22, %get3A_25, %dot_general3A {dimension_numbers = #tpu.dot_dimension_numbers<[1], [0], [0], [1], [0, 0, 1, 1], [], []>, transpose_lhs_hint = false} : vector<1000x128xf32>, vector<128x128xf32>, vector<1000x128xf32> -> vector<1000x128xf32>
    %get3A_27 = arith.constant 0 : index
    %get3A_28 = arith.constant 0 : index
    %get3A_29 = vector.load %arg3[%get3A_27, %get3A_28] : memref<1000x1xf32, #tpu.memory_space<vmem>>, vector<1000x1xf32>
    %mul3A_30 = vector.broadcast %get3A_29 : vector<1000x1xf32> to vector<1000x128xf32>
    %mul3A_31 = arith.mulf %dot_general3A_26, %mul3A_30 : vector<1000x128xf32>
    %swap3A = arith.constant 0 : index
    %swap3A_32 = arith.constant 0 : index
    %swap3A_33 = vector.load %arg6[%swap3A, %swap3A_32] : memref<1000x128xf32, #tpu.memory_space<vmem>>, vector<1000x128xf32>
    tpu.vector_store %arg6[%swap3A, %swap3A_32], %mul3A_31 {strides = array<i32>} : memref<1000x128xf32, #tpu.memory_space<vmem>>, vector<1000x128xf32>,
    return
  }
  func.func @transform_0(%arg0: i32) -> (i32, i32, i32) {
    %c0_i32 = arith.constant 0 : i32
    %c0_i32_0 = arith.constant 0 : i32
    %c0_i32_1 = arith.constant 0 : i32
    return %c0_i32, %arg0, %c0_i32_0 : i32, i32, i32
  }
  func.func @transform_1(%arg0: i32) -> (i32, i32) {
    %c0_i32 = arith.constant 0 : i32
    %c0_i32_0 = arith.constant 0 : i32
    return %arg0, %c0_i32 : i32, i32
  }
  func.func @transform_2(%arg0: i32) -> (i32, i32) {
    %c0_i32 = arith.constant 0 : i32
    %c0_i32_0 = arith.constant 0 : i32
    return %arg0, %c0_i32 : i32, i32
  }
  func.func @transform_3(%arg0: i32) -> i32 {
    %c0_i32 = arith.constant 0 : i32
    %c0_i32_0 = arith.constant 0 : i32
    return %c0_i32 : i32
  }
  func.func @transform_4(%arg0: i32) -> (i32, i32) {
    %c0_i32 = arith.constant 0 : i32
    %c0_i32_0 = arith.constant 0 : i32
    %c0_i32_1 = arith.constant 0 : i32
    return %c0_i32, %c0_i32_0 : i32, i32
  }
  func.func @transform_5(%arg0: i32) -> (i32, i32) {
    %c0_i32 = arith.constant 0 : i32
    %c0_i32_0 = arith.constant 0 : i32
    return %arg0, %c0_i32 : i32, i32
  }
}

module attributes {stable_mosaic.version = 14 : i64} {
  func.func @body(%arg0: i32, %arg1: memref<2x1000x128xf32, #tpu.memory_space<vmem>>, %arg2: memref<1000x128xf32, #tpu.memory_space<vmem>>, %arg3: memref<1000x1xf32, #tpu.memory_space<vmem>>, %arg4: memref<128xf32, #tpu.memory_space<vmem>>, %arg5: memref<128x256xf32, #tpu.memory_space<vmem>>, %arg6: memref<128xf32, #tpu.memory_space<vmem>>, %arg7: memref<1000x128xi32, #tpu.memory_space<vmem>>) attributes {dimension_semantics = [#tpu.dimension_semantics<arbitrary>], iteration_bounds = array<i64: 10>, scalar_prefetch = 0 : i64, scratch_operands = 0 : i64, tpu.core_type = #tpu.core_type<tc>, window_params = [{transform_indices = @transform_0, window_bounds = array<i64: 2, 1000, 128>}, {transform_indices = @transform_1, window_bounds = array<i64: 1000, 128>}, {transform_indices = @transform_2, window_bounds = array<i64: 1000, 1>}, {pipeline_mode = #tpu.pipeline_mode<synchronous>, transform_indices = @transform_3, window_bounds = array<i64: 128>}, {pipeline_mode = #tpu.pipeline_mode<synchronous>, transform_indices = @transform_4, window_bounds = array<i64: 128, 256>}, {pipeline_mode = #tpu.pipeline_mode<synchronous>, transform_indices = @transform_5, window_bounds = array<i64: 128>}, {transform_indices = @transform_6, window_bounds = array<i64: 1000, 128>}]} {
    %get3A = arith.constant 0 : index
    %get3A_0 = arith.constant 0 : index
    %get3A_1 = vector.load %arg3[%get3A, %get3A_0] : memref<1000x1xf32, #tpu.memory_space<vmem>>, vector<1000x1xf32>
    %get3A_2 = arith.constant 0 : index
    %get3A_3 = arith.constant 0 : index
    %get3A_4 = arith.constant 0 : index
    %get3A_5 = vector.load %arg1[%get3A_2, %get3A_3, %get3A_4] : memref<2x1000x128xf32, #tpu.memory_space<vmem>>, vector<1x1000x128xf32>
    %get3A_6 = vector.shape_cast %get3A_5 : vector<1x1000x128xf32> to vector<1000x128xf32>
    %get3A_7 = arith.constant 1 : index
    %get3A_8 = arith.constant 0 : index
    %get3A_9 = arith.constant 0 : index
    %get3A_10 = vector.load %arg1[%get3A_7, %get3A_8, %get3A_9] : memref<2x1000x128xf32, #tpu.memory_space<vmem>>, vector<1x1000x128xf32>
    %get3A_11 = vector.shape_cast %get3A_10 : vector<1x1000x128xf32> to vector<1000x128xf32>
    %add3A = arith.addf %get3A_6, %get3A_11 : vector<1000x128xf32>
    %get3A_12 = arith.constant 0 : index
    %get3A_13 = arith.constant 0 : index
    %get3A_14 = vector.load %arg2[%get3A_12, %get3A_13] : memref<1000x128xf32, #tpu.memory_space<vmem>>, vector<1000x128xf32>
    %add3A_15 = arith.addf %add3A, %get3A_14 : vector<1000x128xf32>
    %mul3A = vector.broadcast %get3A_1 : vector<1000x1xf32> to vector<1000x128xf32>
    %mul3A_16 = arith.mulf %mul3A, %add3A_15 : vector<1000x128xf32>
    %get3A_17 = arith.constant 0 : index
    %get3A_18 = vector.load %arg4[%get3A_17] : memref<128xf32, #tpu.memory_space<vmem>>, vector<128xf32>
    %broadcast_in_dim3A = vector.shape_cast %get3A_18 : vector<128xf32> to vector<1x128xf32>
    %add3A_19 = vector.broadcast %broadcast_in_dim3A : vector<1x128xf32> to vector<1000x128xf32>
    %add3A_20 = arith.addf %mul3A_16, %add3A_19 : vector<1000x128xf32>
    %max3A = arith.constant 0.000000e+00 : f32
    %max3A_21 = vector.broadcast %max3A : f32 to vector<1000x128xf32>
    %max3A_22 = arith.maximumf %add3A_20, %max3A_21 : vector<1000x128xf32>
    %get3A_23 = arith.constant 0 : index
    %get3A_24 = arith.constant 0 : index
    %get3A_25 = vector.load %arg5[%get3A_23, %get3A_24] : memref<128x256xf32, #tpu.memory_space<vmem>>, vector<128x256xf32>
    %dot_general3A = arith.constant dense<0.000000e+00> : vector<1000x256xf32>
    %dot_general3A_26 = tpu.matmul %max3A_22, %get3A_25, %dot_general3A {dimension_numbers = #tpu.dot_dimension_numbers<[1], [0], [0], [1], [0, 0, 1, 1], [], []>, transpose_lhs_hint = false} : vector<1000x128xf32>, vector<128x256xf32>, vector<1000x256xf32> -> vector<1000x256xf32>
    %get3A_27 = arith.constant 0 : index
    %get3A_28 = vector.load %arg6[%get3A_27] : memref<128xf32, #tpu.memory_space<vmem>>, vector<128xf32>
    %broadcast_in_dim3A_29 = arith.constant 0.000000e+00 : f32
    %broadcast_in_dim3A_30 = vector.broadcast %broadcast_in_dim3A_29 : f32 to vector<128xf32>
    %concatenate3A = tpu.concatenate %get3A_28, %broadcast_in_dim3A_30 in 0 : vector<128xf32>, vector<128xf32> -> vector<256xf32>
    %broadcast_in_dim3A_31 = vector.shape_cast %concatenate3A : vector<256xf32> to vector<1x256xf32>
    %add3A_32 = vector.broadcast %broadcast_in_dim3A_31 : vector<1x256xf32> to vector<1000x256xf32>
    %add3A_33 = arith.addf %dot_general3A_26, %add3A_32 : vector<1000x256xf32>
    %bitcast_convert_type3A = tpu.bitcast %add3A_33 : vector<1000x256xf32> -> vector<1000x256xi32>
    %add3A_34 = arith.constant 32767 : i32
    %add3A_35 = vector.broadcast %add3A_34 : i32 to vector<1000x256xi32>
    %add3A_36 = arith.addi %bitcast_convert_type3A, %add3A_35 : vector<1000x256xi32>
    %shift_right_logical3A = arith.constant 16 : i32
    %shift_right_logical3A_37 = vector.broadcast %shift_right_logical3A : i32 to vector<1000x256xi32>
    %shift_right_logical3A_38 = arith.shrui %bitcast_convert_type3A, %shift_right_logical3A_37 : vector<1000x256xi32>
    %and3A = arith.constant 1 : i32
    %and3A_39 = vector.broadcast %and3A : i32 to vector<1000x256xi32>
    %and3A_40 = arith.andi %shift_right_logical3A_38, %and3A_39 : vector<1000x256xi32>
    %add3A_41 = arith.addi %add3A_36, %and3A_40 : vector<1000x256xi32>
    %shift_right_logical3A_42 = arith.constant 16 : i32
    %shift_right_logical3A_43 = vector.broadcast %shift_right_logical3A_42 : i32 to vector<1000x256xi32>
    %shift_right_logical3A_44 = arith.shrui %add3A_41, %shift_right_logical3A_43 : vector<1000x256xi32>
    %slice3A = vector.extract_strided_slice %shift_right_logical3A_44 {offsets = [0, 0], sizes = [1000, 64], strides = [1, 1]} : vector<1000x256xi32> to vector<1000x64xi32>
    %slice3A_45 = vector.extract_strided_slice %shift_right_logical3A_44 {offsets = [0, 64], sizes = [1000, 64], strides = [1, 1]} : vector<1000x256xi32> to vector<1000x64xi32>
    %shift_left3A = arith.constant 16 : i32
    %shift_left3A_46 = vector.broadcast %shift_left3A : i32 to vector<1000x64xi32>
    %shift_left3A_47 = arith.shli %slice3A_45, %shift_left3A_46 : vector<1000x64xi32>
    %or3A = arith.ori %slice3A, %shift_left3A_47 : vector<1000x64xi32>
    %slice3A_48 = vector.extract_strided_slice %shift_right_logical3A_44 {offsets = [0, 128], sizes = [1000, 64], strides = [1, 1]} : vector<1000x256xi32> to vector<1000x64xi32>
    %slice3A_49 = vector.extract_strided_slice %shift_right_logical3A_44 {offsets = [0, 192], sizes = [1000, 64], strides = [1, 1]} : vector<1000x256xi32> to vector<1000x64xi32>
    %shift_left3A_50 = arith.constant 16 : i32
    %shift_left3A_51 = vector.broadcast %shift_left3A_50 : i32 to vector<1000x64xi32>
    %shift_left3A_52 = arith.shli %slice3A_49, %shift_left3A_51 : vector<1000x64xi32>
    %or3A_53 = arith.ori %slice3A_48, %shift_left3A_52 : vector<1000x64xi32>
    %concatenate3A_54 = tpu.concatenate %or3A, %or3A_53 in 1 : vector<1000x64xi32>, vector<1000x64xi32> -> vector<1000x128xi32>
    %bitcast_convert_type3A_55 = tpu.bitcast %concatenate3A_54 : vector<1000x128xi32> -> vector<1000x128xi32>
    %swap3A = arith.constant 0 : index
    %swap3A_56 = arith.constant 0 : index
    %swap3A_57 = vector.load %arg7[%swap3A, %swap3A_56] : memref<1000x128xi32, #tpu.memory_space<vmem>>, vector<1000x128xi32>
    tpu.vector_store %arg7[%swap3A, %swap3A_56], %bitcast_convert_type3A_55 {strides = array<i32>} : memref<1000x128xi32, #tpu.memory_space<vmem>>, vector<1000x128xi32>,
    return
  }
  func.func @transform_0(%arg0: i32) -> (i32, i32, i32) {
    %c0_i32 = arith.constant 0 : i32
    %c0_i32_0 = arith.constant 0 : i32
    %c0_i32_1 = arith.constant 0 : i32
    return %c0_i32, %arg0, %c0_i32_0 : i32, i32, i32
  }
  func.func @transform_1(%arg0: i32) -> (i32, i32) {
    %c0_i32 = arith.constant 0 : i32
    %c0_i32_0 = arith.constant 0 : i32
    return %arg0, %c0_i32 : i32, i32
  }
  func.func @transform_2(%arg0: i32) -> (i32, i32) {
    %c0_i32 = arith.constant 0 : i32
    %c0_i32_0 = arith.constant 0 : i32
    return %arg0, %c0_i32 : i32, i32
  }
  func.func @transform_3(%arg0: i32) -> i32 {
    %c0_i32 = arith.constant 0 : i32
    %c0_i32_0 = arith.constant 0 : i32
    return %c0_i32 : i32
  }
  func.func @transform_4(%arg0: i32) -> (i32, i32) {
    %c0_i32 = arith.constant 0 : i32
    %c0_i32_0 = arith.constant 0 : i32
    %c0_i32_1 = arith.constant 0 : i32
    return %c0_i32, %c0_i32_0 : i32, i32
  }
  func.func @transform_5(%arg0: i32) -> i32 {
    %c0_i32 = arith.constant 0 : i32
    %c0_i32_0 = arith.constant 0 : i32
    return %c0_i32 : i32
  }
  func.func @transform_6(%arg0: i32) -> (i32, i32) {
    %c0_i32 = arith.constant 0 : i32
    %c0_i32_0 = arith.constant 0 : i32
    return %arg0, %c0_i32 : i32, i32
  }
}

module attributes {stable_mosaic.version = 14 : i64} {
  func.func @body(%arg0: i32, %arg1: memref<4000x64xi32, #tpu.memory_space<vmem>>, %arg2: memref<128x2xf32, #tpu.memory_space<vmem>>, %arg3: memref<2xf32, #tpu.memory_space<vmem>>, %arg4: memref<4000x2xf32, #tpu.memory_space<vmem>>) attributes {dimension_semantics = [#tpu.dimension_semantics<arbitrary>], iteration_bounds = array<i64: 40>, scalar_prefetch = 0 : i64, scratch_operands = 0 : i64, tpu.core_type = #tpu.core_type<tc>, window_params = [{transform_indices = @transform_0, window_bounds = array<i64: 4000, 64>}, {pipeline_mode = #tpu.pipeline_mode<synchronous>, transform_indices = @transform_1, window_bounds = array<i64: 128, 2>}, {pipeline_mode = #tpu.pipeline_mode<synchronous>, transform_indices = @transform_2, window_bounds = array<i64: 2>}, {transform_indices = @transform_3, window_bounds = array<i64: 4000, 2>}]} {
    %get3A = arith.constant 0 : index
    %get3A_0 = arith.constant 0 : index
    %get3A_1 = vector.load %arg1[%get3A, %get3A_0] : memref<4000x64xi32, #tpu.memory_space<vmem>>, vector<4000x64xi32>
    %bitcast_convert_type3A = tpu.bitcast %get3A_1 : vector<4000x64xi32> -> vector<4000x64xi32>
    %shift_left3A = arith.constant 16 : i32
    %shift_left3A_2 = vector.broadcast %shift_left3A : i32 to vector<4000x64xi32>
    %shift_left3A_3 = arith.shli %bitcast_convert_type3A, %shift_left3A_2 : vector<4000x64xi32>
    %bitcast_convert_type3A_4 = tpu.bitcast %shift_left3A_3 : vector<4000x64xi32> -> vector<4000x64xf32>
    %and3A = arith.constant -65536 : i32
    %and3A_5 = vector.broadcast %and3A : i32 to vector<4000x64xi32>
    %and3A_6 = arith.andi %bitcast_convert_type3A, %and3A_5 : vector<4000x64xi32>
    %bitcast_convert_type3A_7 = tpu.bitcast %and3A_6 : vector<4000x64xi32> -> vector<4000x64xf32>
    %concatenate3A = tpu.concatenate %bitcast_convert_type3A_4, %bitcast_convert_type3A_7 in 1 : vector<4000x64xf32>, vector<4000x64xf32> -> vector<4000x128xf32>
    %max3A = arith.constant 0.000000e+00 : f32
    %max3A_8 = vector.broadcast %max3A : f32 to vector<4000x128xf32>
    %max3A_9 = arith.maximumf %concatenate3A, %max3A_8 : vector<4000x128xf32>
    %get3A_10 = arith.constant 0 : index
    %get3A_11 = arith.constant 0 : index
    %get3A_12 = vector.load %arg2[%get3A_10, %get3A_11] : memref<128x2xf32, #tpu.memory_space<vmem>>, vector<128x2xf32>
    %dot_general3A = arith.constant dense<0.000000e+00> : vector<4000x2xf32>
    %dot_general3A_13 = tpu.matmul %max3A_9, %get3A_12, %dot_general3A {dimension_numbers = #tpu.dot_dimension_numbers<[1], [0], [0], [1], [0, 0, 1, 1], [], []>, transpose_lhs_hint = false} : vector<4000x128xf32>, vector<128x2xf32>, vector<4000x2xf32> -> vector<4000x2xf32>
    %get3A_14 = arith.constant 0 : index
    %get3A_15 = vector.load %arg3[%get3A_14] : memref<2xf32, #tpu.memory_space<vmem>>, vector<2xf32>
    %broadcast_in_dim3A = vector.shape_cast %get3A_15 : vector<2xf32> to vector<1x2xf32>
    %add3A = vector.broadcast %broadcast_in_dim3A : vector<1x2xf32> to vector<4000x2xf32>
    %add3A_16 = arith.addf %dot_general3A_13, %add3A : vector<4000x2xf32>
    %reduce_max3A = arith.constant dense<0xFF800000> : vector<4000xf32>
    %reduce_max3A_17 = vector.multi_reduction <maximumf>, %add3A_16, %reduce_max3A [1] : vector<4000x2xf32> to vector<4000xf32>
    %broadcast_in_dim3A_18 = vector.shape_cast %reduce_max3A_17 : vector<4000xf32> to vector<4000x1xf32>
    %sub3A = vector.broadcast %broadcast_in_dim3A_18 : vector<4000x1xf32> to vector<4000x2xf32>
    %sub3A_19 = arith.subf %add3A_16, %sub3A : vector<4000x2xf32>
    %exp3A = math.exp %sub3A_19 : vector<4000x2xf32>
    %reduce_sum3A = arith.constant dense<0.000000e+00> : vector<4000xf32>
    %reduce_sum3A_20 = vector.multi_reduction <add>, %exp3A, %reduce_sum3A [1] : vector<4000x2xf32> to vector<4000xf32>
    %broadcast_in_dim3A_21 = vector.shape_cast %reduce_sum3A_20 : vector<4000xf32> to vector<4000x1xf32>
    %log3A = math.log %broadcast_in_dim3A_21 : vector<4000x1xf32>
    %sub3A_22 = vector.broadcast %log3A : vector<4000x1xf32> to vector<4000x2xf32>
    %sub3A_23 = arith.subf %sub3A_19, %sub3A_22 : vector<4000x2xf32>
    %swap3A = arith.constant 0 : index
    %swap3A_24 = arith.constant 0 : index
    %swap3A_25 = vector.load %arg4[%swap3A, %swap3A_24] : memref<4000x2xf32, #tpu.memory_space<vmem>>, vector<4000x2xf32>
    tpu.vector_store %arg4[%swap3A, %swap3A_24], %sub3A_23 {strides = array<i32>} : memref<4000x2xf32, #tpu.memory_space<vmem>>, vector<4000x2xf32>,
    return
  }
  func.func @transform_0(%arg0: i32) -> (i32, i32) {
    %c0_i32 = arith.constant 0 : i32
    %c0_i32_0 = arith.constant 0 : i32
    return %arg0, %c0_i32 : i32, i32
  }
  func.func @transform_1(%arg0: i32) -> (i32, i32) {
    %c0_i32 = arith.constant 0 : i32
    %c0_i32_0 = arith.constant 0 : i32
    %c0_i32_1 = arith.constant 0 : i32
    return %c0_i32, %c0_i32_0 : i32, i32
  }
  func.func @transform_2(%arg0: i32) -> i32 {
    %c0_i32 = arith.constant 0 : i32
    %c0_i32_0 = arith.constant 0 : i32
    return %c0_i32 : i32
  }
  func.func @transform_3(%arg0: i32) -> (i32, i32) {
    %c0_i32 = arith.constant 0 : i32
    %c0_i32_0 = arith.constant 0 : i32
    return %arg0, %c0_i32 : i32, i32
  }
}

</mosaic_0001>

<sc_bundles>
// kernel: kernel.10.cloned.1.call-start
scs
__scs_entry_jumppad:
0x0: {  	(pc) =	sbr.rel $0x88, $3  }
0x1: {  	(tag) =	ssettag $0x0;
	lr =	simm.s32 $0x1  }
0x2: {  	[smem:$0x3F97] =	sst lr;
	_ =	strace $0xD0000000  }
0x3: {  	_ = 	snop  }
0x4: {  	_ = 	snop  }
0x5: {  	_ = 	snop  }
0x6: {  	_ = 	snop  }
0x7: {  	_ = 	snop  }
__scs_overlays_trampoline_lowered:
0x8: {  	[smem:$0x3FA6] =	sst s0  }
0x9: {  	[smem:$0x3FA7] =	sst s1  }
0xa: {  	[smem:$0x3FA8] =	sst s2  }
0xb: {  	[smem:$0x3FA9] =	sst s3  }
0xc: {  	[smem:$0x3FAA] =	sst s4  }
0xd: {  	[smem:$0x3FAB] =	sst s5  }
0xe: {  	[smem:$0x3FAC] =	sst s6  }
0xf: {  	[smem:$0x3FAD] =	sst s7  }
0x10: {  	[smem:$0x3FAE] =	sst s8  }
0x11: {  	[smem:$0x3FAF] =	sst s9;
	s0 =	simm.s32 @!p0 $0x0  }
0x12: {  	s1 =	sld [smem:$0x3F95];
	s0 =	simm.s32 @p0 $0x1  }
0x13: {  	[smem:$0x3FB0] =	sst s0;
	s0 =	simm.s32 @!p1 $0x0  }
0x14: {  	s2 =	sld [smem:$0x3F94];
	s0 =	simm.s32 @p1 $0x1  }
0x15: {  	[smem:$0x3FB1] =	sst s0;
	s0 =	simm.s32 @!p2 $0x0  }
0x16: {  	s3 =	sld [smem:$0x3FDB];
	s0 =	simm.s32 @p2 $0x1  }
0x17: {  	s4 =	simm.s32 $0x1BF5;
	[smem:$0x3FB3] =	sst s0  }
0x18: {  	s0 =	sld [smem:$0x3F96];
	_ =	swait.ge [sflag:s4], $0x0  }
0x19: {  	s7 =	sld [smem:$0x3F97]  }
0x1a: {  	s8 =	sadd.s32 $0xFFFFE003, lr  }
0x1b: {  	s9 =	sadd.s32 $0xFFFFFEF7, lr;
	s5 =	simm.s32 $0xFFFFFFFF;
	p2 =	slt.u32 s8, $0xFFFFF086  }
0x1c: {  	p1 =	slt.u32 s9, $0xF7A;
	s5 =	simm.s32 @!p2 $0x0  }
0x1d: {  	s5 =	simm.s32 @p1 $0x1;
	p0 =	seq.s32 s7, s2  }
0x1e: {  	s7 =	smul.u32 @!p0 $0xF7A, s2;
	p2 =	seq.s32 @!p0 s5, $0x0  }
0x1f: {  	s9 =	smul.u32 $0xF7A, s1;
	s8 =	simm.s32 @!p0 $0x1BF5;
	p2 =	por !p2, p0  }
0x20: {  	[sflag:s8] =	ssyncset.s32 @!p0 $0xFFFFF086;
	s6 =	sadd.s32 @!p0 s3, s7;
	s7 =	simm.s32 @!p0 $0x108  }
0x21: {  	s3 =	sadd.s32 s3, s9;
	s6 =	sadd.s32 @!p0 $0x88, s6;
	s7 =	simm.s32 @p2 $0x1082  }
0x22: {  	[simem:s7], [sflag:s8] =	dma.local @!p0 [hbm:s6], $0xF7A  }
0x23: {  	s9 =	sor.u32 $0xD0000000, s2;
	s6 =	simm.s32 $0x108;
	_ =	swait.ge @!p0 [sflag:s8], $0x0  }
0x24: {  	s3 =	sadd.s32 $0x88, s3;
	s6 =	simm.s32 @!p1 $0x1082;
	[sflag:s4] =	ssyncset.s32 $0xFFFFF086  }
0x25: {  	[simem:s6], [sflag:s4] =	dma.local [hbm:s3], $0xF7A  }
0x26: {  	[smem:$0x3F97] =	sst s1;
	(tag) =	ssettag s2;
	_ =	strace s9  }
0x27: {  	s1 =	sld [smem:$0x3FA7]  }
0x28: {  	s2 =	sld [smem:$0x3FA8]  }
0x29: {  	s4 =	sld [smem:$0x3FAA]  }
0x2a: {  	p0 =	seq.s32 s5, $0x0;
	s5 =	sld [smem:$0x3FAB]  }
0x2b: {  	s6 =	sld [smem:$0x3FAC]  }
0x2c: {  	s7 =	sld [smem:$0x3FAD]  }
0x2d: {  	s3 =	simm.s32 $0x108;
	s8 =	sld [smem:$0x3FAE]  }
0x2e: {  	s3 =	simm.s32 @!p0 $0x1082;
	s9 =	sld [smem:$0x3FAF]  }
0x2f: {  	lr =	sadd.s32 s0, s3;
	s0 =	sld [smem:$0x3FA6]  }
0x30: {  	s3 =	sld [smem:$0x3FA9]  }
0x31: {  	[smem:$0x3FB2] =	sst s10  }
0x32: {  	s10 =	sld [smem:$0x3FB0];
	_ =	sdelay $0x3  }
0x33: {  	p0 =	seq.s32 s10, $0x1;
	s10 =	sld [smem:$0x3FB2];
	_ =	sdelay $0x3  }
0x34: {  	[smem:$0x3FB2] =	sst s10  }
0x35: {  	s10 =	sld [smem:$0x3FB1];
	_ =	sdelay $0x3  }
0x36: {  	p1 =	seq.s32 s10, $0x1;
	s10 =	sld [smem:$0x3FB2];
	_ =	sdelay $0x3  }
0x37: {  	[smem:$0x3FB2] =	sst s10  }
0x38: {  	s10 =	sld [smem:$0x3FB3]  }
0x39: {  	_ = 	snop;
	(pc) =	sbr.ind lr, $3  }
0x3a: {  	_ = 	snop  }
0x3b: {  	_ = 	snop  }
0x3c: {  	p2 =	seq.s32 s10, $0x1;
	s10 =	sld [smem:$0x3FB2]  }
0x3d: {  	_ =	shalt  }
0x3e: {  	_ =	shalt  }
0x3f: {  	_ =	shalt  }
0x40: {  	_ =	shalt  }
0x41: {  	_ =	shalt  }
0x42: {  	_ =	shalt  }
0x43: {  	_ =	shalt  }
0x44: {  	_ =	shalt  }
0x45: {  	_ =	shalt  }
0x46: {  	_ =	shalt  }
0x47: {  	_ =	shalt  }
0x48: {  	_ =	shalt  }
0x49: {  	_ =	shalt  }
0x4a: {  	_ =	shalt  }
0x4b: {  	_ =	shalt  }
0x4c: {  	_ =	shalt  }
0x4d: {  	_ =	shalt  }
0x4e: {  	_ =	shalt  }
0x4f: {  	_ =	shalt  }
0x50: {  	_ =	shalt  }
0x51: {  	_ =	shalt  }
0x52: {  	_ =	shalt  }
0x53: {  	_ =	shalt  }
0x54: {  	_ =	shalt  }
0x55: {  	_ =	shalt  }
0x56: {  	_ =	shalt  }
0x57: {  	_ =	shalt  }
0x58: {  	_ =	shalt  }
0x59: {  	_ =	shalt  }
0x5a: {  	_ =	shalt  }
0x5b: {  	_ =	shalt  }
0x5c: {  	_ =	shalt  }
0x5d: {  	_ =	shalt  }
0x5e: {  	_ =	shalt  }
0x5f: {  	_ =	shalt  }
0x60: {  	_ =	shalt  }
0x61: {  	_ =	shalt  }
0x62: {  	_ =	shalt  }
0x63: {  	_ =	shalt  }
0x64: {  	_ =	shalt  }
0x65: {  	_ =	shalt  }
0x66: {  	_ =	shalt  }
0x67: {  	_ =	shalt  }
0x68: {  	_ =	shalt  }
0x69: {  	_ =	shalt  }
0x6a: {  	_ =	shalt  }
0x6b: {  	_ =	shalt  }
0x6c: {  	_ =	shalt  }
0x6d: {  	_ =	shalt  }
0x6e: {  	_ =	shalt  }
0x6f: {  	_ =	shalt  }
0x70: {  	_ =	shalt  }
0x71: {  	_ =	shalt  }
0x72: {  	_ =	shalt  }
0x73: {  	_ =	shalt  }
0x74: {  	_ =	shalt  }
0x75: {  	_ =	shalt  }
0x76: {  	_ =	shalt  }
0x77: {  	_ =	shalt  }
0x78: {  	_ =	shalt  }
0x79: {  	_ =	shalt  }
0x7a: {  	_ =	shalt  }
0x7b: {  	_ =	shalt  }
0x7c: {  	_ =	shalt  }
0x7d: {  	_ =	shalt  }
0x7e: {  	_ =	shalt  }
0x7f: {  	_ =	shalt  }
0x80: {  	_ =	shalt  }
0x81: {  	_ =	shalt  }
0x82: {  	_ =	shalt  }
0x83: {  	_ =	shalt  }
0x84: {  	_ =	shalt  }
0x85: {  	_ =	shalt  }
0x86: {  	_ =	shalt  }
0x87: {  	_ =	shalt  }
.Lfunc_end0:
.L_simem_size_0:
called_computation_lowered:
.L_overlay_start_0:
0x88: {  	s2 =	sld [smem:$0x3FD9]  }
0x89: {  	s3 =	sld [smem:$0x3FFE];
	_ =	sdelay $0x1  }
0x8a: {  	s1 =	srdreg.scid  }
0x8b: {  	s0 =	sand.u32 $0x1, s1  }
0x8c: {  	s16 =	sshll.u32 s0, $0xA;
	s2 =	sadd.s32 s3, s2  }
0x8d: {  	s2 =	sadd.s32 s2, s16  }
0x8e: {  	[smem:$0x3FBE] =	sst s2  }
0x8f: {  	_ = 	snop  }
0x90: {  	(tm) =	ssettm $0x1  }
0x91: {  	s17 =	sld [smem:$0x3FFB];
	_ =	sdelay $0x3  }
0x92: {  	_ =	strace s17  }
0x93: {  	s2 =	sld [smem:$0x3FFC];
	_ =	sdelay $0x3  }
0x94: {  	_ =	strace s2  }
0x95: {  	s2 =	sld [smem:$0x3FFD];
	_ =	sdelay $0x3  }
0x96: {  	_ =	strace s2  }
0x97: {  	_ =	strace $0x8FFFFFFF  }
0x98: {  	s18 =	sld [smem:$0x3FDB];
	_ =	sdelay $0x1  }
0x99: {  	s19 =	simm.s32 $_scs_section_size  }
0x9a: {  	s4 =	simm.s32 $_size__tile_overlayer_lowered;
	s5 =	simm.s32 $_tile_overlayer_lowered  }
0x9b: {  	s22 =	simm.s32 $0x1BFF;
	s21 =	sshll.u32 s5, $0x1;
	s2 =	sadd.s32 s19, s18  }
0x9c: {  	s6 =	simm.s32 $0x0;
	s20 =	sshll.u32 s4, $0x1;
	s4 =	sadd.s32 s21, s2  }
0x9d: {  	[timem:s6], [sflag:s22] =	dma.local [hbm:s4], s20  }
0x9e: {  	_ =	swait.ge [sflag:s22], s20  }
0x9f: {  	s3 =	ssub.s32 $0x0, s20;
	[sflag:s22] =	ssyncset.done $0x0  }
0xa0: {  	[sflag:s22] =	ssyncadd.s32 s3;
	_ =	sdelay $0x1  }
0xa1: {  	s23 =	simm.s32 $0x1B8B  }
0xa2: {  	_ =	swait.ge [sflag:s23], $0x1  }
0xa3: {  	[sflag:s23] =	ssyncset.done $0x0  }
0xa4: {  	s25 =	simm.s32 $0x1B8E;
	s24 =	sld [smem:$0x3FFE];
	[sflag:s23] =	ssyncadd.s32 $0xFFFFFFFF  }
0xa5: {  	s26 =	simm.s32 $execute0_lowered;
	[smem:$0x3FD2] =	sst s25  }
0xa6: {  	s4 =	sshll.u32 s26, $0x1;
	_ =	strace $0x80000046;
	[dreg:$0x1] =	wrdreg $0xFFFFFFFF  }
0xa7: {  	s28 =	simm.s32 $_size_execute0_lowered;
	s2 =	sadd.s32 s2, s4;
	[dreg:$0x0] =	wrdreg $0x0  }
0xa8: {  	s4 =	sshll.u32 s28, $0x1;
	[dreg:$0x2] =	wrdreg s2  }
0xa9: {  	[dreg:$0x3] =	wrdreg s4  }
0xaa: {  	[dreg:$0x4] =	wrdreg $0xC0  }
0xab: {  	_ =	task [dreg:s6], $0x5FFFF  }
0xac: {  	[dreg:$0x1] =	wrdreg $0xFFFFFFFF  }
0xad: {  	[dreg:$0x0] =	wrdreg $0x60  }
0xae: {  	[dreg:$0x2] =	wrdreg s24  }
0xaf: {  	[dreg:$0x3] =	wrdreg $0x9  }
0xb0: {  	_ =	task.clear_ibuf [dreg:s6], $0x4FFFF;
	_ =	strace $0x90000046  }
0xb1: {  	s29 =	simm.s32 $0x9;
	_ =	strace $0x80000048  }
0xb2: {  	_ =	swait.ge [sflag:s29], $0x1  }
0xb3: {  	[sflag:s29] =	ssyncadd.s32 $0xFFFFFFFF  }
0xb4: {  	_ =	strace $0x90000048  }
0xb5: {  	_ =	sfence  }
0xb6: {  	s30 =	sld [smem:$0x0];
	_ =	sdelay $0x2  }
0xb7: {  	s31 =	sshll.u32 s1, $0xD;
	s1 =	sshrl.u32 s1, $0x2  }
0xb8: {  	s3 =	sand.u32 $0x4000, s31;
	s1 =	sadd.s32 s1, s30  }
0xb9: {  	s0 =	sor.u32 s3, s0;
	s1 =	sshll.u32 s1, $0x11  }
0xba: {  	s0 =	sor.u32 s1, s0  }
0xbb: {  	s0 =	sadd.s32 $0x8F2B, s0  }
0xbc: {  	[sflag:s0] =	ssyncadd.remote.s32 $0x1  }
0xbd: {  	_ =	sfence.sel $0xFFFF  }
0xbe: {  	[dreg:$0x0] =	wrdreg $0xFFFFFFFF;
	(pc) =	sbr.abs _section_cstart, $3  }
0xbf: {  	[dreg:$0x1] =	wrdreg $0xFFFFFFFF  }
0xc0: {  	_ =	task.clear_ibuf [dreg:s6], $0x2FFFF;
	_ =	strace $0x9FFFFFFF  }
0xc1: {  	(tm) =	ssettm $0x7FFFFFFF  }
tec
execute0_lowered:
.L_overlay_start_1:
0x0: {  	(tag) =	ssettag $0x1  }
0x1: {  	s1 =	srdreg.scid;
	s0 =	stileid.u32  }
0x2: {  	s3 =	rddreg [dreg:$0x0];
	s8 =	simm.s32 $0x80;
	s9 =	simm.s32 $0x400  }
0x3: {  	s4 =	sand.u32 $0x1, s1;
	s2 =	sshll.u32 s0, $0x1;
	s1 =	rddreg [dreg:$0x1]  }
0x4: {  	s6 =	sshrl.u32 s0, $0x2;
	s5 =	sor.u32 s4, s2;
	s2 =	simm.s32 $0x0  }
0x5: {  	s6 =	smul.u32 $0x13C00, s6;
	s4 =	ssub.s32 $0x2, s4;
	s7 =	sshll.u32 s5, $0x7  }
0x6: {  	[smem:$0x7FF] =	sst s2;
	s5 =	smul.u32 $0x271, s5;
	s7 =	sand.u32 $0x380, s7  }
0x7: {  	s31 =	sshrl.u32 s4, $0x1;
	_ =	strace $0x80000047;
	s6 =	sor.u32 s6, s7  }
0x8: {  	s5 =	sadd.s32 s5, s3;
	s7 =	ssub.s32 s4, s31;
	s6 =	sshrl.u32 s6, $0x3  }
0x9: {  	s6 =	sadd.s32 s6, s3;
	s3 =	sadd.s32 $0x2600, s5;
	s5 =	smax.u32 s7, $0x1  }
0xa: {  	v0 =	vimm.f32 $0.0e+00;
	v1 =	vimm.f32 $1.000000000e+00;
	s7 =	simm.s32 $0x1400;
	s4 =	sadd.s32 $0x7600, s6;
	s6 =	simm.s32 $0x1  }
.LBB2_1:
0xb: {  	s10 =	simm.s32 $0x40;
	s11 =	simm.s32 $0x0  }
.LBB2_2:
0xc: {  	p0 =	sne.s32 s10, $0x9C00;
	[tilespmem:s11+$0x1400] =	vst v0;
	s11 =	smov.u32 s10;
	s10 =	sadd.s32 $0x40, s10  }
.Ltmp0:
0xd: {  	(pc) =	sbr.rel @p0 .LBB2_2-.Ltmp0, $2  }
0xe: {  	_ =	sdelay $0x2  }
0xf: {  	s11 =	sshra.s32 s11, $0x2  }
0x10: {  	[tilespmem:s11+$0x1400] =	vst v0;
	s10 =	simm.s32 $0x0  }
0x11: {  	[tilespmem:s10], [sflag:$0x1] =	stream.linear.gather [hbm4b:s3+s10], $0x1388, $0x38;
	[tilespmem:$0x3B80] =	vst v63  }
0x12: {  	_ =	swait.ge [sflag:s6], $0x1388  }
0x13: {  	[sflag:s6] =	ssyncset.done $0x0  }
0x14: {  	s11 =	simm.s32 $0x0;
	s10 =	simm.s32 $0x40;
	[sflag:s6] =	ssyncadd.s32 $0xFFFFEC78  }
.LBB2_4:
0x15: {  	p0 =	sne.s32 s10, $0x4DC0;
	v2 =	vld [tilespmem:s11+$0x0];
	_ =	sdelay $0x3  }
.Ltmp1:
0x16: {  	(pc) =	sbr.rel @p0 .LBB2_4-.Ltmp1, $2  }
0x17: {  	_ =	sdelay $0x2  }
0x18: {  	s11 =	sshra.s32 s10, $0x2;
	s10 =	sadd.s32 $0x40, s10;
	[tilespmem:v2+s7+$0x0] =	vst.idx.add.f32.msk $0xffff, v1  }
0x19: {  	v2 =	vld [tilespmem:s11+$0x0];
	_ =	sdelay $0x7  }
0x1a: {  	[tilespmem:v2+s7+$0x0] =	vst.idx.add.f32.msk $0xffff, v1  }
0x1b: {  	v2 =	vld [tilespmem:$0x1380];
	_ =	sdelay $0x5  }
0x1c: {  	s2 =	sadd.s32 $0x1, s2  }
0x1d: {  	p0 =	sne.s32 s2, s5  }
.Ltmp2:
0x1e: {  	[tilespmem:v2+s7+$0x0] =	vst.idx.add.f32.msk $0xff, v1;
	(pc) =	sbr.rel @p0 .LBB2_1-.Ltmp2, $4  }
0x1f: {  	[hbm4b:s4+s8] =	stream.strided.scatter [tilespmem:s7], [sflag:$0x1], $0x2780, s9, s8, $0x38;
	[tilespmem:$0x3B80] =	vst v63  }
0x20: {  	_ =	swait.ge [sflag:s6], $0x2780  }
0x21: {  	[sflag:s6] =	ssyncset.done $0x0  }
0x22: {  	[sflag:s6] =	ssyncadd.s32 $0xFFFFD880  }
0x23: {  	_ =	sfence.sel $0x180000  }
0x24: {  	[bflag:$0x0] =	sbarrier.arrive $0xFFFF  }
0x25: {  	p0 =	sne.s32 s0, $0x0;
	_ =	strace $0x90000047  }
0x26: {  	s0 =	sadd.s32 @!p0 $0x100000, s1;
	[bflag:$0x2] =	sbarrier.arrive $0xFFFF  }
0x27: {  	[sflag:s0] =	ssyncadd.tile.s32 @!p0 $0x1;
	_ =	shalt  }
.Lfunc_end2:
_tile_overlayer_lowered:
.L_overlay_start_2:
0x28: {  	(tag) =	ssettag $0x2  }
0x29: {  	s0 =	rddreg [dreg:$0x0];
	s2 =	stileid.u32  }
0x2a: {  	s1 =	rddreg [dreg:$0x1];
	p0 =	sne.s32 s2, $0x0  }
0x2b: {  	s3 =	rddreg [dreg:$0x2];
	[bflag:$0x3] =	sbarrier.arrive $0xFFFF;
	s2 =	simm.s32 @!p0 $0x1C01  }
0x2c: {  	[timem:s3], [sflag:s2] =	dma.local @!p0 [hbm:s0], s1  }
0x2d: {  	s0 =	simm.s32 @!p0 $0x1  }
0x2e: {  	_ =	swait.ge @!p0 [sflag:s0], s1  }
0x2f: {  	s1 =	ssub.s32 @!p0 $0x0, s1;
	[sflag:s0] =	ssyncset.done @!p0 $0x0  }
0x30: {  	[sflag:s0] =	ssyncadd.s32 @!p0 s1  }
0x31: {  	[bflag:$0x3] =	sbarrier.arrive $0xFFFF  }
0x32: {  	_ =	shalt  }

// kernel: kernel.13.cloned.1.call-start
scs
__scs_entry_jumppad:
0x0: {  	(pc) =	sbr.rel $0x88, $3  }
0x1: {  	(tag) =	ssettag $0x0;
	lr =	simm.s32 $0x1  }
0x2: {  	[smem:$0x3F97] =	sst lr;
	_ =	strace $0xD0000000  }
0x3: {  	_ = 	snop  }
0x4: {  	_ = 	snop  }
0x5: {  	_ = 	snop  }
0x6: {  	_ = 	snop  }
0x7: {  	_ = 	snop  }
__scs_overlays_trampoline_lowered:
0x8: {  	[smem:$0x3FA6] =	sst s0  }
0x9: {  	[smem:$0x3FA7] =	sst s1  }
0xa: {  	[smem:$0x3FA8] =	sst s2  }
0xb: {  	[smem:$0x3FA9] =	sst s3  }
0xc: {  	[smem:$0x3FAA] =	sst s4  }
0xd: {  	[smem:$0x3FAB] =	sst s5  }
0xe: {  	[smem:$0x3FAC] =	sst s6  }
0xf: {  	[smem:$0x3FAD] =	sst s7  }
0x10: {  	[smem:$0x3FAE] =	sst s8  }
0x11: {  	[smem:$0x3FAF] =	sst s9;
	s0 =	simm.s32 @!p0 $0x0  }
0x12: {  	s1 =	sld [smem:$0x3F95];
	s0 =	simm.s32 @p0 $0x1  }
0x13: {  	[smem:$0x3FB0] =	sst s0;
	s0 =	simm.s32 @!p1 $0x0  }
0x14: {  	s2 =	sld [smem:$0x3F94];
	s0 =	simm.s32 @p1 $0x1  }
0x15: {  	[smem:$0x3FB1] =	sst s0;
	s0 =	simm.s32 @!p2 $0x0  }
0x16: {  	s3 =	sld [smem:$0x3FDB];
	s0 =	simm.s32 @p2 $0x1  }
0x17: {  	s4 =	simm.s32 $0x1BF5;
	[smem:$0x3FB3] =	sst s0  }
0x18: {  	s0 =	sld [smem:$0x3F96];
	_ =	swait.ge [sflag:s4], $0x0  }
0x19: {  	s7 =	sld [smem:$0x3F97]  }
0x1a: {  	s8 =	sadd.s32 $0xFFFFE003, lr  }
0x1b: {  	s9 =	sadd.s32 $0xFFFFFEF7, lr;
	s5 =	simm.s32 $0xFFFFFFFF;
	p2 =	slt.u32 s8, $0xFFFFF086  }
0x1c: {  	p1 =	slt.u32 s9, $0xF7A;
	s5 =	simm.s32 @!p2 $0x0  }
0x1d: {  	s5 =	simm.s32 @p1 $0x1;
	p0 =	seq.s32 s7, s2  }
0x1e: {  	s7 =	smul.u32 @!p0 $0xF7A, s2;
	p2 =	seq.s32 @!p0 s5, $0x0  }
0x1f: {  	s9 =	smul.u32 $0xF7A, s1;
	s8 =	simm.s32 @!p0 $0x1BF5;
	p2 =	por !p2, p0  }
0x20: {  	[sflag:s8] =	ssyncset.s32 @!p0 $0xFFFFF086;
	s6 =	sadd.s32 @!p0 s3, s7;
	s7 =	simm.s32 @!p0 $0x108  }
0x21: {  	s3 =	sadd.s32 s3, s9;
	s6 =	sadd.s32 @!p0 $0x88, s6;
	s7 =	simm.s32 @p2 $0x1082  }
0x22: {  	[simem:s7], [sflag:s8] =	dma.local @!p0 [hbm:s6], $0xF7A  }
0x23: {  	s9 =	sor.u32 $0xD0000000, s2;
	s6 =	simm.s32 $0x108;
	_ =	swait.ge @!p0 [sflag:s8], $0x0  }
0x24: {  	s3 =	sadd.s32 $0x88, s3;
	s6 =	simm.s32 @!p1 $0x1082;
	[sflag:s4] =	ssyncset.s32 $0xFFFFF086  }
0x25: {  	[simem:s6], [sflag:s4] =	dma.local [hbm:s3], $0xF7A  }
0x26: {  	[smem:$0x3F97] =	sst s1;
	(tag) =	ssettag s2;
	_ =	strace s9  }
0x27: {  	s1 =	sld [smem:$0x3FA7]  }
0x28: {  	s2 =	sld [smem:$0x3FA8]  }
0x29: {  	s4 =	sld [smem:$0x3FAA]  }
0x2a: {  	p0 =	seq.s32 s5, $0x0;
	s5 =	sld [smem:$0x3FAB]  }
0x2b: {  	s6 =	sld [smem:$0x3FAC]  }
0x2c: {  	s7 =	sld [smem:$0x3FAD]  }
0x2d: {  	s3 =	simm.s32 $0x108;
	s8 =	sld [smem:$0x3FAE]  }
0x2e: {  	s3 =	simm.s32 @!p0 $0x1082;
	s9 =	sld [smem:$0x3FAF]  }
0x2f: {  	lr =	sadd.s32 s0, s3;
	s0 =	sld [smem:$0x3FA6]  }
0x30: {  	s3 =	sld [smem:$0x3FA9]  }
0x31: {  	[smem:$0x3FB2] =	sst s10  }
0x32: {  	s10 =	sld [smem:$0x3FB0];
	_ =	sdelay $0x3  }
0x33: {  	p0 =	seq.s32 s10, $0x1;
	s10 =	sld [smem:$0x3FB2];
	_ =	sdelay $0x3  }
0x34: {  	[smem:$0x3FB2] =	sst s10  }
0x35: {  	s10 =	sld [smem:$0x3FB1];
	_ =	sdelay $0x3  }
0x36: {  	p1 =	seq.s32 s10, $0x1;
	s10 =	sld [smem:$0x3FB2];
	_ =	sdelay $0x3  }
0x37: {  	[smem:$0x3FB2] =	sst s10  }
0x38: {  	s10 =	sld [smem:$0x3FB3]  }
0x39: {  	_ = 	snop;
	(pc) =	sbr.ind lr, $3  }
0x3a: {  	_ = 	snop  }
0x3b: {  	_ = 	snop  }
0x3c: {  	p2 =	seq.s32 s10, $0x1;
	s10 =	sld [smem:$0x3FB2]  }
0x3d: {  	_ =	shalt  }
0x3e: {  	_ =	shalt  }
0x3f: {  	_ =	shalt  }
0x40: {  	_ =	shalt  }
0x41: {  	_ =	shalt  }
0x42: {  	_ =	shalt  }
0x43: {  	_ =	shalt  }
0x44: {  	_ =	shalt  }
0x45: {  	_ =	shalt  }
0x46: {  	_ =	shalt  }
0x47: {  	_ =	shalt  }
0x48: {  	_ =	shalt  }
0x49: {  	_ =	shalt  }
0x4a: {  	_ =	shalt  }
0x4b: {  	_ =	shalt  }
0x4c: {  	_ =	shalt  }
0x4d: {  	_ =	shalt  }
0x4e: {  	_ =	shalt  }
0x4f: {  	_ =	shalt  }
0x50: {  	_ =	shalt  }
0x51: {  	_ =	shalt  }
0x52: {  	_ =	shalt  }
0x53: {  	_ =	shalt  }
0x54: {  	_ =	shalt  }
0x55: {  	_ =	shalt  }
0x56: {  	_ =	shalt  }
0x57: {  	_ =	shalt  }
0x58: {  	_ =	shalt  }
0x59: {  	_ =	shalt  }
0x5a: {  	_ =	shalt  }
0x5b: {  	_ =	shalt  }
0x5c: {  	_ =	shalt  }
0x5d: {  	_ =	shalt  }
0x5e: {  	_ =	shalt  }
0x5f: {  	_ =	shalt  }
0x60: {  	_ =	shalt  }
0x61: {  	_ =	shalt  }
0x62: {  	_ =	shalt  }
0x63: {  	_ =	shalt  }
0x64: {  	_ =	shalt  }
0x65: {  	_ =	shalt  }
0x66: {  	_ =	shalt  }
0x67: {  	_ =	shalt  }
0x68: {  	_ =	shalt  }
0x69: {  	_ =	shalt  }
0x6a: {  	_ =	shalt  }
0x6b: {  	_ =	shalt  }
0x6c: {  	_ =	shalt  }
0x6d: {  	_ =	shalt  }
0x6e: {  	_ =	shalt  }
0x6f: {  	_ =	shalt  }
0x70: {  	_ =	shalt  }
0x71: {  	_ =	shalt  }
0x72: {  	_ =	shalt  }
0x73: {  	_ =	shalt  }
0x74: {  	_ =	shalt  }
0x75: {  	_ =	shalt  }
0x76: {  	_ =	shalt  }
0x77: {  	_ =	shalt  }
0x78: {  	_ =	shalt  }
0x79: {  	_ =	shalt  }
0x7a: {  	_ =	shalt  }
0x7b: {  	_ =	shalt  }
0x7c: {  	_ =	shalt  }
0x7d: {  	_ =	shalt  }
0x7e: {  	_ =	shalt  }
0x7f: {  	_ =	shalt  }
0x80: {  	_ =	shalt  }
0x81: {  	_ =	shalt  }
0x82: {  	_ =	shalt  }
0x83: {  	_ =	shalt  }
0x84: {  	_ =	shalt  }
0x85: {  	_ =	shalt  }
0x86: {  	_ =	shalt  }
0x87: {  	_ =	shalt  }
.Lfunc_end0:
.L_simem_size_0:
called_computation.1_lowered:
.L_overlay_start_0:
0x88: {  	s2 =	sld [smem:$0x3FD9]  }
0x89: {  	s3 =	sld [smem:$0x3FFE];
	_ =	sdelay $0x1  }
0x8a: {  	s1 =	srdreg.scid  }
0x8b: {  	s0 =	sand.u32 $0x1, s1  }
0x8c: {  	s17 =	sshll.u32 s0, $0xA;
	s2 =	sadd.s32 s3, s2  }
0x8d: {  	s2 =	sadd.s32 s2, s17  }
0x8e: {  	[smem:$0x3FBE] =	sst s2  }
0x8f: {  	_ = 	snop  }
0x90: {  	s2 =	sld [smem:$0x3FD0];
	(tm) =	ssettm $0x1  }
0x91: {  	s18 =	sld [smem:$0x3FFB];
	_ =	sdelay $0x3  }
0x92: {  	_ =	strace s18  }
0x93: {  	s3 =	sld [smem:$0x3FFC];
	_ =	sdelay $0x3  }
0x94: {  	_ =	strace s3  }
0x95: {  	s3 =	sld [smem:$0x3FFD];
	_ =	sdelay $0x3  }
0x96: {  	_ =	strace s3  }
0x97: {  	_ =	strace $0x8FFFFFFF  }
0x98: {  	s19 =	sld [smem:$0x3FDB];
	_ =	sdelay $0x1  }
0x99: {  	s4 =	simm.s32 $_scs_section_size  }
0x9a: {  	s5 =	simm.s32 $_size__tile_overlayer_lowered;
	s6 =	simm.s32 $_tile_overlayer_lowered  }
0x9b: {  	s22 =	simm.s32 $0x1BFF;
	s21 =	sshll.u32 s6, $0x1;
	s3 =	sadd.s32 s4, s19  }
0x9c: {  	s7 =	simm.s32 $0x0;
	s20 =	sshll.u32 s5, $0x1;
	s5 =	sadd.s32 s21, s3  }
0x9d: {  	[timem:s7], [sflag:s22] =	dma.local [hbm:s5], s20  }
0x9e: {  	_ =	swait.ge [sflag:s22], s20  }
0x9f: {  	s4 =	ssub.s32 $0x0, s20;
	[sflag:s22] =	ssyncset.done $0x0  }
0xa0: {  	[sflag:s22] =	ssyncadd.s32 s4;
	_ =	sdelay $0x1  }
0xa1: {  	s23 =	simm.s32 $0x1B8B  }
0xa2: {  	_ =	swait.ge [sflag:s23], $0x1  }
0xa3: {  	[sflag:s23] =	ssyncset.done $0x0  }
0xa4: {  	s25 =	simm.s32 $0x1B8E;
	s24 =	sld [smem:$0x3FFE];
	[sflag:s23] =	ssyncadd.s32 $0xFFFFFFFF  }
0xa5: {  	s26 =	simm.s32 $execute0_lowered;
	[smem:$0x3FD2] =	sst s25  }
0xa6: {  	s5 =	sshll.u32 s26, $0x1;
	_ =	strace $0x80000049;
	[dreg:$0x1] =	wrdreg $0xFFFFFFFF  }
0xa7: {  	s28 =	simm.s32 $_size_execute0_lowered;
	s3 =	sadd.s32 s3, s5;
	[dreg:$0x0] =	wrdreg $0x0  }
0xa8: {  	s5 =	sshll.u32 s28, $0x1;
	[dreg:$0x2] =	wrdreg s3  }
0xa9: {  	[dreg:$0x3] =	wrdreg s5  }
0xaa: {  	[dreg:$0x4] =	wrdreg $0xC0  }
0xab: {  	_ =	task [dreg:s7], $0x5FFFF  }
0xac: {  	[dreg:$0x1] =	wrdreg $0xFFFFFFFF  }
0xad: {  	[dreg:$0x0] =	wrdreg $0x60  }
0xae: {  	[dreg:$0x2] =	wrdreg s24  }
0xaf: {  	[dreg:$0x3] =	wrdreg s2  }
0xb0: {  	[dreg:$0x4] =	wrdreg $0xC0000  }
0xb1: {  	[dreg:$0x5] =	wrdreg $0x9  }
0xb2: {  	_ =	task.clear_ibuf [dreg:s7], $0x6FFFF;
	_ =	strace $0x90000049  }
0xb3: {  	s29 =	simm.s32 $0x9;
	_ =	strace $0x8000004B  }
0xb4: {  	_ =	swait.ge [sflag:s29], $0x1  }
0xb5: {  	[sflag:s29] =	ssyncadd.s32 $0xFFFFFFFF  }
0xb6: {  	_ =	strace $0x9000004B  }
0xb7: {  	_ =	sfence  }
0xb8: {  	s30 =	sld [smem:$0x0];
	_ =	sdelay $0x2  }
0xb9: {  	s31 =	sshll.u32 s1, $0xD;
	s1 =	sshrl.u32 s1, $0x2  }
0xba: {  	s3 =	sand.u32 $0x4000, s31;
	s1 =	sadd.s32 s1, s30  }
0xbb: {  	s0 =	sor.u32 s3, s0;
	s1 =	sshll.u32 s1, $0x11  }
0xbc: {  	s0 =	sor.u32 s1, s0  }
0xbd: {  	s0 =	sadd.s32 $0x8F2B, s0  }
0xbe: {  	[sflag:s0] =	ssyncadd.remote.s32 $0x1  }
0xbf: {  	_ =	sfence.sel $0xFFFF  }
0xc0: {  	[dreg:$0x0] =	wrdreg $0xFFFFFFFF;
	(pc) =	sbr.abs _section_cstart, $3  }
0xc1: {  	[dreg:$0x1] =	wrdreg $0xFFFFFFFF  }
0xc2: {  	_ =	task.clear_ibuf [dreg:s7], $0x2FFFF;
	_ =	strace $0x9FFFFFFF  }
0xc3: {  	(tm) =	ssettm $0x7FFFFFFF  }
tec
execute0_lowered:
.L_overlay_start_1:
0x0: {  	(tag) =	ssettag $0x1  }
0x1: {  	s0 =	rddreg [dreg:$0x0]  }
0x2: {  	s1 =	rddreg [dreg:$0x1]  }
0x3: {  	s2 =	rddreg [dreg:$0x2];
	s3 =	simm.s32 $0x0  }
0x4: {  	s14 =	stileid.u32;
	s6 =	srdreg.scid;
	s28 =	simm.s32 $0x2980  }
0x5: {  	s29 =	simm.s32 $0x2;
	s30 =	simm.s32 $0x2A00;
	s31 =	simm.s32 $0x3  }
0x6: {  	[smem:$0x7FF] =	sst s3;
	s5 =	smul.u32 $0x13800, s14;
	s4 =	sadd.s32 $0x7600, s0  }
0x7: {  	s8 =	sand.u32 $0x1, s6;
	s9 =	sadd.s32 $0x2600, s0;
	s11 =	sshll.u32 s14, $0x1  }
0x8: {  	s12 =	smul.u32 $0x4E000, s14;
	s13 =	sadd.s32 $0x55A00, s0;
	s18 =	sshll.u32 s14, $0x6  }
0x9: {  	p0 =	sne.s32 s14, $0xF;
	_ =	strace $0x8000004A;
	s15 =	ssub.s32 $0x2, s8  }
0xa: {  	s16 =	sor.u32 s8, s11;
	s8 =	smul.u32 $0x138800, s8;
	s7 =	sshrl.u32 s5, $0x3  }
0xb: {  	s10 =	sshrl.u32 s15, $0x1;
	s17 =	sshrl.u32 s12, $0x2;
	s12 =	sadd.s32 $0x138000, s2  }
0xc: {  	s26 =	sadd.s32 s7, s0;
	s7 =	ssub.s32 s15, s10;
	s10 =	smul.u32 $0x1388, s16  }
0xd: {  	s11 =	sadd.s32 s17, s2;
	s0 =	sadd.s32 $0x55800, s0;
	s5 =	sadd.s32 s5, s8  }
0xe: {  	s8 =	sshrl.u32 s8, $0x3;
	s16 =	simm.s32 $0x7;
	s17 =	sshrl.u32 @!p0 s12, $0x3  }
0xf: {  	s6 =	sadd.s32 $0x2E800, s26;
	[dreg:$0x5] =	wrdreg s0;
	s22 =	sshrl.u32 s5, $0x3  }
0x10: {  	s23 =	sadd.s32 s13, s8;
	s26 =	smax.u32 s7, $0x1;
	s15 =	sshrl.u32 s11, $0x3  }
0x11: {  	s5 =	simm.s32 $0x6;
	s8 =	simm.s32 $0xBB80;
	s11 =	simm.s32 $0x0  }
0x12: {  	[dreg:$0x4] =	wrdreg s6;
	s6 =	sor.u32 $0x1C07, s18;
	s10 =	sshrl.u32 s10, $0x3  }
0x13: {  	s24 =	sadd.s32 s13, s22;
	s25 =	sadd.s32 $0x27000, s23;
	[dreg:$0xc] =	wrdreg s26  }
0x14: {  	s22 =	simm.s32 $0x2880;
	s23 =	simm.s32 $0x5B00;
	s26 =	simm.s32 $0x1  }
0x15: {  	s18 =	simm.s32 $0x5;
	s19 =	sadd.s32 s1, s10;
	[dreg:$0xa] =	wrdreg s24  }
0x16: {  	s20 =	sadd.s32 s9, s10;
	s21 =	sadd.s32 $0x270, s10;
	[dreg:$0xb] =	wrdreg s25  }
0x17: {  	s24 =	simm.s32 $0x2900;
	s25 =	simm.s32 $0x8B00;
	[dreg:$0x6] =	wrdreg s19  }
0x18: {  	s10 =	simm.s32 $0xBC00;
	[dreg:$0x7] =	wrdreg s20;
	s1 =	sadd.s32 s1, s21  }
0x19: {  	s0 =	sadd.s32 s9, s21;
	s19 =	simm.s32 $0x60;
	s20 =	simm.s32 $0x2800  }
0x1a: {  	s21 =	simm.s32 $0x2B00;
	s9 =	simm.s32 $0x8;
	[dreg:$0x8] =	wrdreg s1  }
0x1b: {  	[dreg:$0x9] =	wrdreg s0;
	s0 =	simm.s32 $0x2A80;
	s1 =	simm.s32 $0x4  }
.LBB2_1:
0x1c: {  	s7 =	rddreg [dreg:$0x4]  }
0x1d: {  	[spmem:s15], [sflag:s6] =	dma.local [hbm:s7], $0x2700  }
0x1e: {  	_ =	swait.ge [sflag:s16], $0x2700  }
0x1f: {  	[sflag:s16] =	ssyncset.done $0x0  }
0x20: {  	s7 =	rddreg [dreg:$0x5];
	[sflag:s16] =	ssyncadd.s32 $0xFFFFD900  }
0x21: {  	[spmem:s17], [sflag:s6] =	dma.local @!p0 [hbm:s7], $0x100  }
0x22: {  	s7 =	simm.s32 @!p0 $0x7  }
0x23: {  	_ =	swait.ge @!p0 [sflag:s7], $0x100  }
0x24: {  	[sflag:s7] =	ssyncset.done @!p0 $0x0  }
0x25: {  	s12 =	rddreg [dreg:$0x6];
	[sflag:s7] =	ssyncadd.s32 @!p0 $0xFFFFFF00  }
0x26: {  	[tilespmem:s3], [sflag:$0x7] =	stream.linear.gather [hbm4b:s12+s3], $0x1388, $0x38;
	[tilespmem:$0x1F880] =	vst v63  }
0x27: {  	_ =	swait.ge [sflag:s16], $0x1388  }
0x28: {  	[sflag:s16] =	ssyncset.done $0x0  }
0x29: {  	s12 =	simm.s32 $0x1400;
	s13 =	rddreg [dreg:$0x7];
	[sflag:s16] =	ssyncadd.s32 $0xFFFFEC78  }
0x2a: {  	[tilespmem:s12], [sflag:$0x7] =	stream.linear.gather [hbm4b:s13+s3], $0x1388, $0x38;
	[tilespmem:$0x1F880] =	vst v63  }
0x2b: {  	_ =	swait.ge [sflag:s16], $0x1388  }
0x2c: {  	[sflag:s16] =	ssyncset.done $0x0  }
0x2d: {  	[sflag:s16] =	ssyncadd.s32 $0xFFFFEC78  }
0x2e: {  	s12 =	simm.s32 $0x90;
	[bflag:$0x0] =	sbarrier.arrive $0xFFFF  }
0x2f: {  	v0 =	vld [tilespmem:s12+$0xFFFFFF70];
	_ =	sdelay $0x4  }
0x30: {  	[tilespmem:$0x2800] =	vst v0  }
0x31: {  	v0 =	vld [tilespmem:s12+$0xFFFFFF80];
	_ =	sdelay $0x4  }
0x32: {  	[tilespmem:$0x2810] =	vst v0  }
0x33: {  	v0 =	vld [tilespmem:s12+$0xFFFFFF90];
	_ =	sdelay $0x4  }
0x34: {  	[tilespmem:$0x2820] =	vst v0  }
0x35: {  	v0 =	vld [tilespmem:s12+$0xFFFFFFA0];
	_ =	sdelay $0x4  }
0x36: {  	[tilespmem:$0x2830] =	vst v0  }
0x37: {  	v0 =	vld [tilespmem:s12+$0xFFFFFFB0];
	_ =	sdelay $0x4  }
0x38: {  	[tilespmem:$0x2840] =	vst v0  }
0x39: {  	v0 =	vld [tilespmem:s12+$0xFFFFFFC0];
	_ =	sdelay $0x4  }
0x3a: {  	s13 =	simm.s32 $0x1490;
	[tilespmem:$0x2850] =	vst v0  }
0x3b: {  	v0 =	vld [tilespmem:s13+$0xFFFFFF70];
	_ =	sdelay $0x4  }
0x3c: {  	[tilespmem:$0x2980] =	vst v0  }
0x3d: {  	v0 =	vld [tilespmem:s13+$0xFFFFFF80];
	_ =	sdelay $0x4  }
0x3e: {  	[tilespmem:$0x2990] =	vst v0  }
0x3f: {  	v0 =	vld [tilespmem:s13+$0xFFFFFF90];
	_ =	sdelay $0x4  }
0x40: {  	[tilespmem:$0x29A0] =	vst v0  }
0x41: {  	v0 =	vld [tilespmem:s13+$0xFFFFFFA0];
	_ =	sdelay $0x4  }
0x42: {  	[tilespmem:$0x29B0] =	vst v0  }
0x43: {  	v0 =	vld [tilespmem:s13+$0xFFFFFFB0];
	_ =	sdelay $0x4  }
0x44: {  	[tilespmem:$0x29C0] =	vst v0  }
0x45: {  	v0 =	vld [tilespmem:s13+$0xFFFFFFC0];
	_ =	sdelay $0x4  }
0x46: {  	[tilespmem:$0x29D0] =	vst v0  }
0x47: {  	[tilespmem:s21], [sflag:$0x1] =	stream.indirect.gather [hbm4b:s4+s19], $0x80, s20, s19, $0xb8;
	[tilespmem:$0x1F880] =	vst v63  }
0x48: {  	v0 =	vld [tilespmem:s12+$0xFFFFFFD0];
	_ =	sdelay $0x4  }
0x49: {  	[tilespmem:$0x2880] =	vst v0  }
0x4a: {  	v0 =	vld [tilespmem:s12+$0xFFFFFFE0];
	_ =	sdelay $0x4  }
0x4b: {  	s14 =	sand.u32 $0x3FE0, s3;
	[tilespmem:$0x2890] =	vst v0  }
0x4c: {  	v0 =	vld [tilespmem:s14+$0x80];
	_ =	sdelay $0x4  }
0x4d: {  	[tilespmem:$0x28A0] =	vst v0  }
0x4e: {  	v0 =	vld [tilespmem:s12+$0x0];
	_ =	sdelay $0x4  }
0x4f: {  	[tilespmem:$0x28B0] =	vst v0  }
0x50: {  	v0 =	vld [tilespmem:s12+$0x10];
	_ =	sdelay $0x4  }
0x51: {  	[tilespmem:$0x28C0] =	vst v0  }
0x52: {  	v0 =	vld [tilespmem:s12+$0x20];
	_ =	sdelay $0x4  }
0x53: {  	[tilespmem:$0x28D0] =	vst v0  }
0x54: {  	v0 =	vld [tilespmem:s13+$0xFFFFFFD0];
	_ =	sdelay $0x4  }
0x55: {  	[tilespmem:$0x2A00] =	vst v0  }
0x56: {  	v0 =	vld [tilespmem:s13+$0xFFFFFFE0];
	_ =	sdelay $0x4  }
0x57: {  	[tilespmem:$0x2A10] =	vst v0  }
0x58: {  	v0 =	vld [tilespmem:s14+$0x1480];
	_ =	sdelay $0x4  }
0x59: {  	[tilespmem:$0x2A20] =	vst v0  }
0x5a: {  	v0 =	vld [tilespmem:s13+$0x0];
	_ =	sdelay $0x4  }
0x5b: {  	[tilespmem:$0x2A30] =	vst v0  }
0x5c: {  	v0 =	vld [tilespmem:s13+$0x10];
	_ =	sdelay $0x4  }
0x5d: {  	[tilespmem:$0x2A40] =	vst v0  }
0x5e: {  	v0 =	vld [tilespmem:s13+$0x20];
	_ =	sdelay $0x4  }
0x5f: {  	[tilespmem:$0x2A50] =	vst v0  }
0x60: {  	[tilespmem:s23], [sflag:$0x2] =	stream.indirect.gather [hbm4b:s4+s19], $0x80, s22, s19, $0xb8;
	[tilespmem:$0x1F880] =	vst v63  }
0x61: {  	v0 =	vld [tilespmem:s12+$0x30];
	_ =	sdelay $0x4  }
0x62: {  	[tilespmem:$0x2900] =	vst v0  }
0x63: {  	v0 =	vld [tilespmem:s12+$0x40];
	_ =	sdelay $0x4  }
0x64: {  	[tilespmem:$0x2910] =	vst v0  }
0x65: {  	v0 =	vld [tilespmem:s12+$0x50];
	_ =	sdelay $0x4  }
0x66: {  	[tilespmem:$0x2920] =	vst v0  }
0x67: {  	v0 =	vld [tilespmem:s12+$0x60];
	_ =	sdelay $0x4  }
0x68: {  	[tilespmem:$0x2930] =	vst v0  }
0x69: {  	v0 =	vld [tilespmem:s14+$0x100];
	_ =	sdelay $0x4  }
0x6a: {  	[tilespmem:$0x2940] =	vst v0  }
0x6b: {  	v0 =	vld [tilespmem:s12+$0x80];
	_ =	sdelay $0x4  }
0x6c: {  	[tilespmem:$0x2950] =	vst v0  }
0x6d: {  	v0 =	vld [tilespmem:s13+$0x30];
	_ =	sdelay $0x4  }
0x6e: {  	[tilespmem:$0x2A80] =	vst v0  }
0x6f: {  	v0 =	vld [tilespmem:s13+$0x40];
	_ =	sdelay $0x4  }
0x70: {  	[tilespmem:$0x2A90] =	vst v0  }
0x71: {  	v0 =	vld [tilespmem:s13+$0x50];
	_ =	sdelay $0x4  }
0x72: {  	[tilespmem:$0x2AA0] =	vst v0  }
0x73: {  	v0 =	vld [tilespmem:s13+$0x60];
	_ =	sdelay $0x4  }
0x74: {  	[tilespmem:$0x2AB0] =	vst v0  }
0x75: {  	v0 =	vld [tilespmem:s14+$0x1500];
	_ =	sdelay $0x4  }
0x76: {  	[tilespmem:$0x2AC0] =	vst v0  }
0x77: {  	v0 =	vld [tilespmem:s13+$0x80];
	_ =	sdelay $0x4  }
0x78: {  	[tilespmem:$0x2AD0] =	vst v0  }
0x79: {  	[tilespmem:s25], [sflag:$0x3] =	stream.indirect.gather [hbm4b:s4+s19], $0x80, s24, s19, $0xb8;
	[tilespmem:$0x1F880] =	vst v63  }
0x7a: {  	_ =	swait.ge [sflag:s26], $0x3000  }
0x7b: {  	[sflag:s26] =	ssyncset.done $0x0  }
0x7c: {  	[sflag:s26] =	ssyncadd.s32 $0xFFFFD000  }
0x7d: {  	[spmem:s2] =	stream.indirect.scatter.add.f32 [tilespmem:s21], [sflag:$0x4], $0x80, s28, s19, $0xb8;
	[tilespmem:$0x1F880] =	vst v63  }
0x7e: {  	_ =	swait.ge [sflag:s29], $0x3000  }
0x7f: {  	[sflag:s29] =	ssyncset.done $0x0  }
0x80: {  	[sflag:s29] =	ssyncadd.s32 $0xFFFFD000  }
0x81: {  	[spmem:s2] =	stream.indirect.scatter.add.f32 [tilespmem:s23], [sflag:$0x5], $0x80, s30, s19, $0xb8;
	[tilespmem:$0x1F880] =	vst v63  }
0x82: {  	_ =	swait.ge [sflag:s31], $0x3000  }
0x83: {  	[sflag:s31] =	ssyncset.done $0x0  }
0x84: {  	[sflag:s31] =	ssyncadd.s32 $0xFFFFD000  }
0x85: {  	[spmem:s2] =	stream.indirect.scatter.add.f32 [tilespmem:s25], [sflag:$0x6], $0x80, s0, s19, $0xb8;
	[tilespmem:$0x1F880] =	vst v63  }
0x86: {  	_ =	swait.ge [sflag:s1], $0x3000  }
0x87: {  	[sflag:s1] =	ssyncset.done $0x0  }
0x88: {  	[sflag:s1] =	ssyncadd.s32 $0xFFFFD000  }
0x89: {  	_ =	swait.ge [sflag:s18], $0x3000  }
0x8a: {  	[sflag:s18] =	ssyncset.done $0x0  }
0x8b: {  	[sflag:s18] =	ssyncadd.s32 $0xFFFFD000  }
0x8c: {  	_ =	swait.ge [sflag:s5], $0x3000  }
0x8d: {  	s14 =	simm.s32 $0x120;
	[sflag:s5] =	ssyncset.done $0x0  }
.LBB2_2:
0x8e: {  	[sflag:s5] =	ssyncadd.s32 $0xFFFFD000;
	s13 =	sadd.s32 $0x120, s13;
	s12 =	sadd.s32 $0x120, s12  }
0x8f: {  	p1 =	sne.s32 s14, $0x1200;
	s7 =	smov.u32 s14;
	s14 =	sadd.s32 $0x120, s14;
	v0 =	vld [tilespmem:s12+$0xFFFFFF70]  }
0x90: {  	_ =	sdelay $0x3  }
0x91: {  	[tilespmem:$0x2800] =	vst v0  }
0x92: {  	v0 =	vld [tilespmem:s12+$0xFFFFFF80];
	_ =	sdelay $0x4  }
0x93: {  	[tilespmem:$0x2810] =	vst v0  }
0x94: {  	v0 =	vld [tilespmem:s12+$0xFFFFFF90];
	_ =	sdelay $0x4  }
0x95: {  	[tilespmem:$0x2820] =	vst v0  }
0x96: {  	v0 =	vld [tilespmem:s12+$0xFFFFFFA0];
	_ =	sdelay $0x4  }
0x97: {  	[tilespmem:$0x2830] =	vst v0  }
0x98: {  	v0 =	vld [tilespmem:s12+$0xFFFFFFB0];
	_ =	sdelay $0x4  }
0x99: {  	[tilespmem:$0x2840] =	vst v0  }
0x9a: {  	v0 =	vld [tilespmem:s12+$0xFFFFFFC0];
	_ =	sdelay $0x4  }
0x9b: {  	[tilespmem:$0x2850] =	vst v0  }
0x9c: {  	v0 =	vld [tilespmem:s13+$0xFFFFFF70];
	_ =	sdelay $0x4  }
0x9d: {  	[tilespmem:$0x2980] =	vst v0  }
0x9e: {  	v0 =	vld [tilespmem:s13+$0xFFFFFF80];
	_ =	sdelay $0x4  }
0x9f: {  	[tilespmem:$0x2990] =	vst v0  }
0xa0: {  	v0 =	vld [tilespmem:s13+$0xFFFFFF90];
	_ =	sdelay $0x4  }
0xa1: {  	[tilespmem:$0x29A0] =	vst v0  }
0xa2: {  	v0 =	vld [tilespmem:s13+$0xFFFFFFA0];
	_ =	sdelay $0x4  }
0xa3: {  	[tilespmem:$0x29B0] =	vst v0  }
0xa4: {  	v0 =	vld [tilespmem:s13+$0xFFFFFFB0];
	_ =	sdelay $0x4  }
0xa5: {  	[tilespmem:$0x29C0] =	vst v0  }
0xa6: {  	v0 =	vld [tilespmem:s13+$0xFFFFFFC0];
	_ =	sdelay $0x4  }
0xa7: {  	[tilespmem:$0x29D0] =	vst v0  }
0xa8: {  	[tilespmem:s21], [sflag:$0x1] =	stream.indirect.gather [hbm4b:s4+s19], $0x80, s20, s19, $0xb8;
	[tilespmem:$0x1F880] =	vst v63  }
0xa9: {  	v0 =	vld [tilespmem:s12+$0xFFFFFFD0];
	_ =	sdelay $0x4  }
0xaa: {  	[tilespmem:$0x2880] =	vst v0  }
0xab: {  	v0 =	vld [tilespmem:s12+$0xFFFFFFE0];
	_ =	sdelay $0x4  }
0xac: {  	s7 =	sand.u32 $0x3FE0, s7;
	[tilespmem:$0x2890] =	vst v0  }
0xad: {  	v0 =	vld [tilespmem:s7+$0x80];
	_ =	sdelay $0x4  }
0xae: {  	[tilespmem:$0x28A0] =	vst v0  }
0xaf: {  	v0 =	vld [tilespmem:s12+$0x0];
	_ =	sdelay $0x4  }
0xb0: {  	[tilespmem:$0x28B0] =	vst v0  }
0xb1: {  	v0 =	vld [tilespmem:s12+$0x10];
	_ =	sdelay $0x4  }
0xb2: {  	[tilespmem:$0x28C0] =	vst v0  }
0xb3: {  	v0 =	vld [tilespmem:s12+$0x20];
	_ =	sdelay $0x4  }
0xb4: {  	[tilespmem:$0x28D0] =	vst v0  }
0xb5: {  	v0 =	vld [tilespmem:s13+$0xFFFFFFD0];
	_ =	sdelay $0x4  }
0xb6: {  	[tilespmem:$0x2A00] =	vst v0  }
0xb7: {  	v0 =	vld [tilespmem:s13+$0xFFFFFFE0];
	_ =	sdelay $0x4  }
0xb8: {  	[tilespmem:$0x2A10] =	vst v0  }
0xb9: {  	v0 =	vld [tilespmem:s7+$0x1480];
	_ =	sdelay $0x4  }
0xba: {  	[tilespmem:$0x2A20] =	vst v0  }
0xbb: {  	v0 =	vld [tilespmem:s13+$0x0];
	_ =	sdelay $0x4  }
0xbc: {  	[tilespmem:$0x2A30] =	vst v0  }
0xbd: {  	v0 =	vld [tilespmem:s13+$0x10];
	_ =	sdelay $0x4  }
0xbe: {  	[tilespmem:$0x2A40] =	vst v0  }
0xbf: {  	v0 =	vld [tilespmem:s13+$0x20];
	_ =	sdelay $0x4  }
0xc0: {  	[tilespmem:$0x2A50] =	vst v0  }
0xc1: {  	[tilespmem:s23], [sflag:$0x2] =	stream.indirect.gather [hbm4b:s4+s19], $0x80, s22, s19, $0xb8;
	[tilespmem:$0x1F880] =	vst v63  }
0xc2: {  	v0 =	vld [tilespmem:s12+$0x30];
	_ =	sdelay $0x4  }
0xc3: {  	[tilespmem:$0x2900] =	vst v0  }
0xc4: {  	v0 =	vld [tilespmem:s12+$0x40];
	_ =	sdelay $0x4  }
0xc5: {  	[tilespmem:$0x2910] =	vst v0  }
0xc6: {  	v0 =	vld [tilespmem:s12+$0x50];
	_ =	sdelay $0x4  }
0xc7: {  	[tilespmem:$0x2920] =	vst v0  }
0xc8: {  	v0 =	vld [tilespmem:s12+$0x60];
	_ =	sdelay $0x4  }
0xc9: {  	[tilespmem:$0x2930] =	vst v0  }
0xca: {  	v0 =	vld [tilespmem:s7+$0x100];
	_ =	sdelay $0x4  }
0xcb: {  	[tilespmem:$0x2940] =	vst v0  }
0xcc: {  	v0 =	vld [tilespmem:s12+$0x80];
	_ =	sdelay $0x4  }
0xcd: {  	[tilespmem:$0x2950] =	vst v0  }
0xce: {  	v0 =	vld [tilespmem:s13+$0x30];
	_ =	sdelay $0x4  }
0xcf: {  	[tilespmem:$0x2A80] =	vst v0  }
0xd0: {  	v0 =	vld [tilespmem:s13+$0x40];
	_ =	sdelay $0x4  }
0xd1: {  	[tilespmem:$0x2A90] =	vst v0  }
0xd2: {  	v0 =	vld [tilespmem:s13+$0x50];
	_ =	sdelay $0x4  }
0xd3: {  	[tilespmem:$0x2AA0] =	vst v0  }
0xd4: {  	v0 =	vld [tilespmem:s13+$0x60];
	_ =	sdelay $0x4  }
0xd5: {  	[tilespmem:$0x2AB0] =	vst v0  }
0xd6: {  	v0 =	vld [tilespmem:s7+$0x1500];
	_ =	sdelay $0x4  }
0xd7: {  	[tilespmem:$0x2AC0] =	vst v0  }
0xd8: {  	v0 =	vld [tilespmem:s13+$0x80];
	_ =	sdelay $0x4  }
0xd9: {  	[tilespmem:$0x2AD0] =	vst v0  }
0xda: {  	[tilespmem:s25], [sflag:$0x3] =	stream.indirect.gather [hbm4b:s4+s19], $0x80, s24, s19, $0xb8;
	[tilespmem:$0x1F880] =	vst v63  }
0xdb: {  	_ =	swait.ge [sflag:s26], $0x3000  }
0xdc: {  	[sflag:s26] =	ssyncset.done $0x0  }
0xdd: {  	[sflag:s26] =	ssyncadd.s32 $0xFFFFD000  }
0xde: {  	[spmem:s2] =	stream.indirect.scatter.add.f32 [tilespmem:s21], [sflag:$0x4], $0x80, s28, s19, $0xb8;
	[tilespmem:$0x1F880] =	vst v63  }
0xdf: {  	_ =	swait.ge [sflag:s29], $0x3000  }
0xe0: {  	[sflag:s29] =	ssyncset.done $0x0  }
0xe1: {  	[sflag:s29] =	ssyncadd.s32 $0xFFFFD000  }
0xe2: {  	[spmem:s2] =	stream.indirect.scatter.add.f32 [tilespmem:s23], [sflag:$0x5], $0x80, s30, s19, $0xb8;
	[tilespmem:$0x1F880] =	vst v63  }
0xe3: {  	_ =	swait.ge [sflag:s31], $0x3000  }
0xe4: {  	[sflag:s31] =	ssyncset.done $0x0  }
0xe5: {  	[sflag:s31] =	ssyncadd.s32 $0xFFFFD000  }
0xe6: {  	[spmem:s2] =	stream.indirect.scatter.add.f32 [tilespmem:s25], [sflag:$0x6], $0x80, s0, s19, $0xb8;
	[tilespmem:$0x1F880] =	vst v63  }
0xe7: {  	_ =	swait.ge [sflag:s1], $0x3000  }
0xe8: {  	[sflag:s1] =	ssyncset.done $0x0  }
0xe9: {  	[sflag:s1] =	ssyncadd.s32 $0xFFFFD000  }
.Ltmp0:
0xea: {  	_ =	swait.ge [sflag:s18], $0x3000;
	(pc) =	sbr.rel @p1 .LBB2_2-.Ltmp0, $4  }
0xeb: {  	[sflag:s18] =	ssyncset.done $0x0  }
0xec: {  	[sflag:s18] =	ssyncadd.s32 $0xFFFFD000  }
0xed: {  	_ =	swait.ge [sflag:s5], $0x3000  }
0xee: {  	[sflag:s5] =	ssyncset.done $0x0  }
0xef: {  	[sflag:s5] =	ssyncadd.s32 $0xFFFFD000  }
0xf0: {  	v0 =	vld [tilespmem:$0x1320]  }
0xf1: {  	v1 =	vld [tilespmem:$0x1330]  }
0xf2: {  	v2 =	vld [tilespmem:$0x1340]  }
0xf3: {  	v3 =	vld [tilespmem:$0x1350]  }
0xf4: {  	v4 =	vld [tilespmem:$0x1360]  }
0xf5: {  	v57 =	vld [tilespmem:$0x1370];
	[tilespmem:$0x2800] =	vst v0  }
0xf6: {  	v58 =	vld [tilespmem:$0x2720];
	[tilespmem:$0x2810] =	vst v1  }
0xf7: {  	v59 =	vld [tilespmem:$0x2730];
	[tilespmem:$0x2820] =	vst v2  }
0xf8: {  	v60 =	vld [tilespmem:$0x2740];
	[tilespmem:$0x2830] =	vst v3  }
0xf9: {  	v61 =	vld [tilespmem:$0x2750];
	[tilespmem:$0x2840] =	vst v4  }
0xfa: {  	v62 =	vld [tilespmem:$0x2760];
	[tilespmem:$0x2850] =	vst v57  }
0xfb: {  	v63 =	vld [tilespmem:$0x2770];
	[tilespmem:$0x2980] =	vst v58  }
0xfc: {  	[tilespmem:$0x2990] =	vst v59  }
0xfd: {  	[tilespmem:$0x29A0] =	vst v60  }
0xfe: {  	[tilespmem:$0x29B0] =	vst v61  }
0xff: {  	[tilespmem:$0x29C0] =	vst v62  }
0x100: {  	[tilespmem:$0x29D0] =	vst v63  }
0x101: {  	[tilespmem:s21], [sflag:$0x1] =	stream.indirect.gather [hbm4b:s4+s19], $0x80, s20, s19, $0xb8;
	[tilespmem:$0x1F880] =	vst v63  }
0x102: {  	_ =	swait.ge [sflag:s26], $0x3000  }
0x103: {  	[sflag:s26] =	ssyncset.done $0x0  }
0x104: {  	[sflag:s26] =	ssyncadd.s32 $0xFFFFD000  }
0x105: {  	[spmem:s2] =	stream.indirect.scatter.add.f32 [tilespmem:s21], [sflag:$0x4], $0x80, s28, s19, $0xb8;
	[tilespmem:$0x1F880] =	vst v63  }
0x106: {  	_ =	swait.ge [sflag:s1], $0x3000  }
0x107: {  	[sflag:s1] =	ssyncset.done $0x0  }
0x108: {  	s12 =	simm.s32 $0xBB00;
	s7 =	rddreg [dreg:$0x8];
	[sflag:s1] =	ssyncadd.s32 $0xFFFFD000  }
0x109: {  	[tilespmem:s12], [sflag:$0x7] =	stream.linear.gather [hbm4b:s7+s3], $0x8, $0x38;
	[tilespmem:$0x1F880] =	vst v63  }
0x10a: {  	_ =	swait.ge [sflag:s16], $0x8  }
0x10b: {  	[sflag:s16] =	ssyncset.done $0x0  }
0x10c: {  	s14 =	rddreg [dreg:$0x9];
	[sflag:s16] =	ssyncadd.s32 $0xFFFFFFF8  }
0x10d: {  	[tilespmem:s8], [sflag:$0x7] =	stream.linear.gather [hbm4b:s14+s3], $0x8, $0x38;
	[tilespmem:$0x1F880] =	vst v63  }
0x10e: {  	_ =	swait.ge [sflag:s16], $0x8  }
0x10f: {  	[sflag:s16] =	ssyncset.done $0x0  }
0x110: {  	[sflag:s16] =	ssyncadd.s32 $0xFFFFFFF8  }
0x111: {  	[tilespmem:s10], [sflag:$0x1] =	stream.indirect.gather [hbm4b:s4+s9], $0x80, s12, s9, $0xb8;
	[tilespmem:$0x1F880] =	vst v63  }
0x112: {  	_ =	swait.ge [sflag:s26], $0x400  }
0x113: {  	[sflag:s26] =	ssyncset.done $0x0  }
0x114: {  	[sflag:s26] =	ssyncadd.s32 $0xFFFFFC00  }
0x115: {  	[spmem:s2] =	stream.indirect.scatter.add.f32 [tilespmem:s10], [sflag:$0x4], $0x80, s8, s9, $0xb8;
	[tilespmem:$0x1F880] =	vst v63  }
0x116: {  	_ =	swait.ge [sflag:s1], $0x400  }
0x117: {  	[sflag:s1] =	ssyncset.done $0x0  }
0x118: {  	[sflag:s1] =	ssyncadd.s32 $0xFFFFFC00  }
0x119: {  	[bflag:$0x0] =	sbarrier.arrive $0xFFFF  }
0x11a: {  	s13 =	rddreg [dreg:$0xa]  }
0x11b: {  	[hbm:s13], [sflag:s6] =	dma.local [spmem:s15], $0x2700  }
0x11c: {  	_ =	swait.ge [sflag:s16], $0x2700  }
0x11d: {  	[sflag:s16] =	ssyncset.done $0x0  }
0x11e: {  	s7 =	rddreg [dreg:$0xb];
	[sflag:s16] =	ssyncadd.s32 $0xFFFFD900  }
0x11f: {  	[hbm:s7], [sflag:s6] =	dma.local @!p0 [spmem:s17], $0x100  }
0x120: {  	s7 =	simm.s32 @!p0 $0x7  }
0x121: {  	_ =	swait.ge @!p0 [sflag:s7], $0x100  }
0x122: {  	s11 =	sadd.s32 $0x1, s11;
	s14 =	rddreg [dreg:$0xc]  }
0x123: {  	p1 =	sne.s32 s11, s14  }
.Ltmp1:
0x124: {  	_ = 	snop;
	(pc) =	sbr.rel @p1 .LBB2_1-.Ltmp1, $3  }
0x125: {  	_ =	sdelay $0x1  }
0x126: {  	[sflag:s7] =	ssyncset.done @!p0 $0x0  }
0x127: {  	[sflag:s7] =	ssyncadd.s32 @!p0 $0xFFFFFF00  }
0x128: {  	_ =	sfence.sel $0x180000  }
0x129: {  	[bflag:$0x0] =	sbarrier.arrive $0xFFFF  }
0x12a: {  	_ =	strace $0x9000004A  }
0x12b: {  	s0 =	stileid.u32;
	[bflag:$0x2] =	sbarrier.arrive $0xFFFF  }
0x12c: {  	p0 =	sne.s32 s0, $0x0;
	s0 =	rddreg [dreg:$0x3]  }
0x12d: {  	s0 =	sadd.s32 @!p0 $0x100000, s0  }
0x12e: {  	[sflag:s0] =	ssyncadd.tile.s32 @!p0 $0x1;
	_ =	shalt  }
.Lfunc_end2:
_tile_overlayer_lowered:
.L_overlay_start_2:
0x12f: {  	(tag) =	ssettag $0x2  }
0x130: {  	s0 =	rddreg [dreg:$0x0];
	s2 =	stileid.u32  }
0x131: {  	s1 =	rddreg [dreg:$0x1];
	p0 =	sne.s32 s2, $0x0  }
0x132: {  	s3 =	rddreg [dreg:$0x2];
	[bflag:$0x3] =	sbarrier.arrive $0xFFFF;
	s2 =	simm.s32 @!p0 $0x1C07  }
0x133: {  	[timem:s3], [sflag:s2] =	dma.local @!p0 [hbm:s0], s1  }
0x134: {  	s0 =	simm.s32 @!p0 $0x7  }
0x135: {  	_ =	swait.ge @!p0 [sflag:s0], s1  }
0x136: {  	s1 =	ssub.s32 @!p0 $0x0, s1;
	[sflag:s0] =	ssyncset.done @!p0 $0x0  }
0x137: {  	[sflag:s0] =	ssyncadd.s32 @!p0 s1  }
0x138: {  	[bflag:$0x3] =	sbarrier.arrive $0xFFFF  }
0x139: {  	_ =	shalt  }

// kernel: kernel.16.cloned.1.call-start
scs
__scs_entry_jumppad:
0x0: {  	(pc) =	sbr.rel $0x88, $3  }
0x1: {  	(tag) =	ssettag $0x0;
	lr =	simm.s32 $0x1  }
0x2: {  	[smem:$0x3F97] =	sst lr;
	_ =	strace $0xD0000000  }
0x3: {  	_ = 	snop  }
0x4: {  	_ = 	snop  }
0x5: {  	_ = 	snop  }
0x6: {  	_ = 	snop  }
0x7: {  	_ = 	snop  }
__scs_overlays_trampoline_lowered:
0x8: {  	[smem:$0x3FA6] =	sst s0  }
0x9: {  	[smem:$0x3FA7] =	sst s1  }
0xa: {  	[smem:$0x3FA8] =	sst s2  }
0xb: {  	[smem:$0x3FA9] =	sst s3  }
0xc: {  	[smem:$0x3FAA] =	sst s4  }
0xd: {  	[smem:$0x3FAB] =	sst s5  }
0xe: {  	[smem:$0x3FAC] =	sst s6  }
0xf: {  	[smem:$0x3FAD] =	sst s7  }
0x10: {  	[smem:$0x3FAE] =	sst s8  }
0x11: {  	[smem:$0x3FAF] =	sst s9;
	s0 =	simm.s32 @!p0 $0x0  }
0x12: {  	s1 =	sld [smem:$0x3F95];
	s0 =	simm.s32 @p0 $0x1  }
0x13: {  	[smem:$0x3FB0] =	sst s0;
	s0 =	simm.s32 @!p1 $0x0  }
0x14: {  	s2 =	sld [smem:$0x3F94];
	s0 =	simm.s32 @p1 $0x1  }
0x15: {  	[smem:$0x3FB1] =	sst s0;
	s0 =	simm.s32 @!p2 $0x0  }
0x16: {  	s3 =	sld [smem:$0x3FDB];
	s0 =	simm.s32 @p2 $0x1  }
0x17: {  	s4 =	simm.s32 $0x1BF5;
	[smem:$0x3FB3] =	sst s0  }
0x18: {  	s0 =	sld [smem:$0x3F96];
	_ =	swait.ge [sflag:s4], $0x0  }
0x19: {  	s7 =	sld [smem:$0x3F97]  }
0x1a: {  	s8 =	sadd.s32 $0xFFFFE003, lr  }
0x1b: {  	s9 =	sadd.s32 $0xFFFFFEF7, lr;
	s5 =	simm.s32 $0xFFFFFFFF;
	p2 =	slt.u32 s8, $0xFFFFF086  }
0x1c: {  	p1 =	slt.u32 s9, $0xF7A;
	s5 =	simm.s32 @!p2 $0x0  }
0x1d: {  	s5 =	simm.s32 @p1 $0x1;
	p0 =	seq.s32 s7, s2  }
0x1e: {  	s7 =	smul.u32 @!p0 $0xF7A, s2;
	p2 =	seq.s32 @!p0 s5, $0x0  }
0x1f: {  	s9 =	smul.u32 $0xF7A, s1;
	s8 =	simm.s32 @!p0 $0x1BF5;
	p2 =	por !p2, p0  }
0x20: {  	[sflag:s8] =	ssyncset.s32 @!p0 $0xFFFFF086;
	s6 =	sadd.s32 @!p0 s3, s7;
	s7 =	simm.s32 @!p0 $0x108  }
0x21: {  	s3 =	sadd.s32 s3, s9;
	s6 =	sadd.s32 @!p0 $0x88, s6;
	s7 =	simm.s32 @p2 $0x1082  }
0x22: {  	[simem:s7], [sflag:s8] =	dma.local @!p0 [hbm:s6], $0xF7A  }
0x23: {  	s9 =	sor.u32 $0xD0000000, s2;
	s6 =	simm.s32 $0x108;
	_ =	swait.ge @!p0 [sflag:s8], $0x0  }
0x24: {  	s3 =	sadd.s32 $0x88, s3;
	s6 =	simm.s32 @!p1 $0x1082;
	[sflag:s4] =	ssyncset.s32 $0xFFFFF086  }
0x25: {  	[simem:s6], [sflag:s4] =	dma.local [hbm:s3], $0xF7A  }
0x26: {  	[smem:$0x3F97] =	sst s1;
	(tag) =	ssettag s2;
	_ =	strace s9  }
0x27: {  	s1 =	sld [smem:$0x3FA7]  }
0x28: {  	s2 =	sld [smem:$0x3FA8]  }
0x29: {  	s4 =	sld [smem:$0x3FAA]  }
0x2a: {  	p0 =	seq.s32 s5, $0x0;
	s5 =	sld [smem:$0x3FAB]  }
0x2b: {  	s6 =	sld [smem:$0x3FAC]  }
0x2c: {  	s7 =	sld [smem:$0x3FAD]  }
0x2d: {  	s3 =	simm.s32 $0x108;
	s8 =	sld [smem:$0x3FAE]  }
0x2e: {  	s3 =	simm.s32 @!p0 $0x1082;
	s9 =	sld [smem:$0x3FAF]  }
0x2f: {  	lr =	sadd.s32 s0, s3;
	s0 =	sld [smem:$0x3FA6]  }
0x30: {  	s3 =	sld [smem:$0x3FA9]  }
0x31: {  	[smem:$0x3FB2] =	sst s10  }
0x32: {  	s10 =	sld [smem:$0x3FB0];
	_ =	sdelay $0x3  }
0x33: {  	p0 =	seq.s32 s10, $0x1;
	s10 =	sld [smem:$0x3FB2];
	_ =	sdelay $0x3  }
0x34: {  	[smem:$0x3FB2] =	sst s10  }
0x35: {  	s10 =	sld [smem:$0x3FB1];
	_ =	sdelay $0x3  }
0x36: {  	p1 =	seq.s32 s10, $0x1;
	s10 =	sld [smem:$0x3FB2];
	_ =	sdelay $0x3  }
0x37: {  	[smem:$0x3FB2] =	sst s10  }
0x38: {  	s10 =	sld [smem:$0x3FB3]  }
0x39: {  	_ = 	snop;
	(pc) =	sbr.ind lr, $3  }
0x3a: {  	_ = 	snop  }
0x3b: {  	_ = 	snop  }
0x3c: {  	p2 =	seq.s32 s10, $0x1;
	s10 =	sld [smem:$0x3FB2]  }
0x3d: {  	_ =	shalt  }
0x3e: {  	_ =	shalt  }
0x3f: {  	_ =	shalt  }
0x40: {  	_ =	shalt  }
0x41: {  	_ =	shalt  }
0x42: {  	_ =	shalt  }
0x43: {  	_ =	shalt  }
0x44: {  	_ =	shalt  }
0x45: {  	_ =	shalt  }
0x46: {  	_ =	shalt  }
0x47: {  	_ =	shalt  }
0x48: {  	_ =	shalt  }
0x49: {  	_ =	shalt  }
0x4a: {  	_ =	shalt  }
0x4b: {  	_ =	shalt  }
0x4c: {  	_ =	shalt  }
0x4d: {  	_ =	shalt  }
0x4e: {  	_ =	shalt  }
0x4f: {  	_ =	shalt  }
0x50: {  	_ =	shalt  }
0x51: {  	_ =	shalt  }
0x52: {  	_ =	shalt  }
0x53: {  	_ =	shalt  }
0x54: {  	_ =	shalt  }
0x55: {  	_ =	shalt  }
0x56: {  	_ =	shalt  }
0x57: {  	_ =	shalt  }
0x58: {  	_ =	shalt  }
0x59: {  	_ =	shalt  }
0x5a: {  	_ =	shalt  }
0x5b: {  	_ =	shalt  }
0x5c: {  	_ =	shalt  }
0x5d: {  	_ =	shalt  }
0x5e: {  	_ =	shalt  }
0x5f: {  	_ =	shalt  }
0x60: {  	_ =	shalt  }
0x61: {  	_ =	shalt  }
0x62: {  	_ =	shalt  }
0x63: {  	_ =	shalt  }
0x64: {  	_ =	shalt  }
0x65: {  	_ =	shalt  }
0x66: {  	_ =	shalt  }
0x67: {  	_ =	shalt  }
0x68: {  	_ =	shalt  }
0x69: {  	_ =	shalt  }
0x6a: {  	_ =	shalt  }
0x6b: {  	_ =	shalt  }
0x6c: {  	_ =	shalt  }
0x6d: {  	_ =	shalt  }
0x6e: {  	_ =	shalt  }
0x6f: {  	_ =	shalt  }
0x70: {  	_ =	shalt  }
0x71: {  	_ =	shalt  }
0x72: {  	_ =	shalt  }
0x73: {  	_ =	shalt  }
0x74: {  	_ =	shalt  }
0x75: {  	_ =	shalt  }
0x76: {  	_ =	shalt  }
0x77: {  	_ =	shalt  }
0x78: {  	_ =	shalt  }
0x79: {  	_ =	shalt  }
0x7a: {  	_ =	shalt  }
0x7b: {  	_ =	shalt  }
0x7c: {  	_ =	shalt  }
0x7d: {  	_ =	shalt  }
0x7e: {  	_ =	shalt  }
0x7f: {  	_ =	shalt  }
0x80: {  	_ =	shalt  }
0x81: {  	_ =	shalt  }
0x82: {  	_ =	shalt  }
0x83: {  	_ =	shalt  }
0x84: {  	_ =	shalt  }
0x85: {  	_ =	shalt  }
0x86: {  	_ =	shalt  }
0x87: {  	_ =	shalt  }
.Lfunc_end0:
.L_simem_size_0:
called_computation.2_lowered:
.L_overlay_start_0:
0x88: {  	s2 =	sld [smem:$0x3FD9]  }
0x89: {  	s3 =	sld [smem:$0x3FFE];
	_ =	sdelay $0x1  }
0x8a: {  	s1 =	srdreg.scid  }
0x8b: {  	s0 =	sand.u32 $0x1, s1  }
0x8c: {  	s17 =	sshll.u32 s0, $0xA;
	s2 =	sadd.s32 s3, s2  }
0x8d: {  	s2 =	sadd.s32 s2, s17  }
0x8e: {  	[smem:$0x3FBE] =	sst s2  }
0x8f: {  	_ = 	snop  }
0x90: {  	s2 =	sld [smem:$0x3FD0];
	(tm) =	ssettm $0x1  }
0x91: {  	s18 =	sld [smem:$0x3FFB];
	_ =	sdelay $0x3  }
0x92: {  	_ =	strace s18  }
0x93: {  	s3 =	sld [smem:$0x3FFC];
	_ =	sdelay $0x3  }
0x94: {  	_ =	strace s3  }
0x95: {  	s3 =	sld [smem:$0x3FFD];
	_ =	sdelay $0x3  }
0x96: {  	_ =	strace s3  }
0x97: {  	_ =	strace $0x8FFFFFFF  }
0x98: {  	s19 =	sld [smem:$0x3FDB];
	_ =	sdelay $0x1  }
0x99: {  	s4 =	simm.s32 $_scs_section_size  }
0x9a: {  	s5 =	simm.s32 $_size__tile_overlayer_lowered;
	s6 =	simm.s32 $_tile_overlayer_lowered  }
0x9b: {  	s22 =	simm.s32 $0x1BFF;
	s21 =	sshll.u32 s6, $0x1;
	s3 =	sadd.s32 s4, s19  }
0x9c: {  	s7 =	simm.s32 $0x0;
	s20 =	sshll.u32 s5, $0x1;
	s5 =	sadd.s32 s21, s3  }
0x9d: {  	[timem:s7], [sflag:s22] =	dma.local [hbm:s5], s20  }
0x9e: {  	_ =	swait.ge [sflag:s22], s20  }
0x9f: {  	s4 =	ssub.s32 $0x0, s20;
	[sflag:s22] =	ssyncset.done $0x0  }
0xa0: {  	[sflag:s22] =	ssyncadd.s32 s4;
	_ =	sdelay $0x1  }
0xa1: {  	s23 =	simm.s32 $0x1B8B  }
0xa2: {  	_ =	swait.ge [sflag:s23], $0x1  }
0xa3: {  	[sflag:s23] =	ssyncset.done $0x0  }
0xa4: {  	s25 =	simm.s32 $0x1B8E;
	s24 =	sld [smem:$0x3FFE];
	[sflag:s23] =	ssyncadd.s32 $0xFFFFFFFF  }
0xa5: {  	s26 =	simm.s32 $execute0_lowered;
	[smem:$0x3FD2] =	sst s25  }
0xa6: {  	s5 =	sshll.u32 s26, $0x1;
	_ =	strace $0x8000004C;
	[dreg:$0x1] =	wrdreg $0xFFFFFFFF  }
0xa7: {  	s28 =	simm.s32 $_size_execute0_lowered;
	s3 =	sadd.s32 s3, s5;
	[dreg:$0x0] =	wrdreg $0x0  }
0xa8: {  	s5 =	sshll.u32 s28, $0x1;
	[dreg:$0x2] =	wrdreg s3  }
0xa9: {  	[dreg:$0x3] =	wrdreg s5  }
0xaa: {  	[dreg:$0x4] =	wrdreg $0xC0  }
0xab: {  	_ =	task [dreg:s7], $0x5FFFF  }
0xac: {  	[dreg:$0x1] =	wrdreg $0xFFFFFFFF  }
0xad: {  	[dreg:$0x0] =	wrdreg $0x60  }
0xae: {  	[dreg:$0x2] =	wrdreg s24  }
0xaf: {  	[dreg:$0x3] =	wrdreg s2  }
0xb0: {  	[dreg:$0x4] =	wrdreg $0xC0000  }
0xb1: {  	[dreg:$0x5] =	wrdreg $0x9  }
0xb2: {  	_ =	task.clear_ibuf [dreg:s7], $0x6FFFF;
	_ =	strace $0x9000004C  }
0xb3: {  	s29 =	simm.s32 $0x9;
	_ =	strace $0x8000004E  }
0xb4: {  	_ =	swait.ge [sflag:s29], $0x1  }
0xb5: {  	[sflag:s29] =	ssyncadd.s32 $0xFFFFFFFF  }
0xb6: {  	_ =	strace $0x9000004E  }
0xb7: {  	_ =	sfence  }
0xb8: {  	s30 =	sld [smem:$0x0];
	_ =	sdelay $0x2  }
0xb9: {  	s31 =	sshll.u32 s1, $0xD;
	s1 =	sshrl.u32 s1, $0x2  }
0xba: {  	s3 =	sand.u32 $0x4000, s31;
	s1 =	sadd.s32 s1, s30  }
0xbb: {  	s0 =	sor.u32 s3, s0;
	s1 =	sshll.u32 s1, $0x11  }
0xbc: {  	s0 =	sor.u32 s1, s0  }
0xbd: {  	s0 =	sadd.s32 $0x8F2B, s0  }
0xbe: {  	[sflag:s0] =	ssyncadd.remote.s32 $0x1  }
0xbf: {  	_ =	sfence.sel $0xFFFF  }
0xc0: {  	[dreg:$0x0] =	wrdreg $0xFFFFFFFF;
	(pc) =	sbr.abs _section_cstart, $3  }
0xc1: {  	[dreg:$0x1] =	wrdreg $0xFFFFFFFF  }
0xc2: {  	_ =	task.clear_ibuf [dreg:s7], $0x2FFFF;
	_ =	strace $0x9FFFFFFF  }
0xc3: {  	(tm) =	ssettm $0x7FFFFFFF  }
tec
execute0_lowered:
.L_overlay_start_1:
0x0: {  	(tag) =	ssettag $0x1  }
0x1: {  	s0 =	rddreg [dreg:$0x0]  }
0x2: {  	s1 =	rddreg [dreg:$0x1]  }
0x3: {  	s2 =	rddreg [dreg:$0x2];
	s3 =	simm.s32 $0x0  }
0x4: {  	s14 =	stileid.u32;
	s6 =	srdreg.scid;
	s28 =	simm.s32 $0x2980  }
0x5: {  	s29 =	simm.s32 $0x2;
	s30 =	simm.s32 $0x2A00;
	s31 =	simm.s32 $0x3  }
0x6: {  	[smem:$0x7FF] =	sst s3;
	s5 =	smul.u32 $0x13800, s14;
	s4 =	sadd.s32 $0x7600, s0  }
0x7: {  	s8 =	sand.u32 $0x1, s6;
	s9 =	sadd.s32 $0x2600, s0;
	s11 =	sshll.u32 s14, $0x1  }
0x8: {  	s12 =	smul.u32 $0x4E000, s14;
	s13 =	sadd.s32 $0x55A00, s0;
	s18 =	sshll.u32 s14, $0x6  }
0x9: {  	p0 =	sne.s32 s14, $0xF;
	_ =	strace $0x8000004D;
	s15 =	ssub.s32 $0x2, s8  }
0xa: {  	s16 =	sor.u32 s8, s11;
	s8 =	smul.u32 $0x138800, s8;
	s7 =	sshrl.u32 s5, $0x3  }
0xb: {  	s10 =	sshrl.u32 s15, $0x1;
	s17 =	sshrl.u32 s12, $0x2;
	s12 =	sadd.s32 $0x138000, s2  }
0xc: {  	s26 =	sadd.s32 s7, s0;
	s7 =	ssub.s32 s15, s10;
	s10 =	smul.u32 $0x1388, s16  }
0xd: {  	s11 =	sadd.s32 s17, s2;
	s0 =	sadd.s32 $0x55800, s0;
	s5 =	sadd.s32 s5, s8  }
0xe: {  	s8 =	sshrl.u32 s8, $0x3;
	s16 =	simm.s32 $0x7;
	s17 =	sshrl.u32 @!p0 s12, $0x3  }
0xf: {  	s6 =	sadd.s32 $0x2E800, s26;
	[dreg:$0x5] =	wrdreg s0;
	s22 =	sshrl.u32 s5, $0x3  }
0x10: {  	s23 =	sadd.s32 s13, s8;
	s26 =	smax.u32 s7, $0x1;
	s15 =	sshrl.u32 s11, $0x3  }
0x11: {  	s5 =	simm.s32 $0x6;
	s8 =	simm.s32 $0xBB80;
	s11 =	simm.s32 $0x0  }
0x12: {  	[dreg:$0x4] =	wrdreg s6;
	s6 =	sor.u32 $0x1C07, s18;
	s10 =	sshrl.u32 s10, $0x3  }
0x13: {  	s24 =	sadd.s32 s13, s22;
	s25 =	sadd.s32 $0x27000, s23;
	[dreg:$0xc] =	wrdreg s26  }
0x14: {  	s22 =	simm.s32 $0x2880;
	s23 =	simm.s32 $0x5B00;
	s26 =	simm.s32 $0x1  }
0x15: {  	s18 =	simm.s32 $0x5;
	s19 =	sadd.s32 s1, s10;
	[dreg:$0xa] =	wrdreg s24  }
0x16: {  	s20 =	sadd.s32 s9, s10;
	s21 =	sadd.s32 $0x270, s10;
	[dreg:$0xb] =	wrdreg s25  }
0x17: {  	s24 =	simm.s32 $0x2900;
	s25 =	simm.s32 $0x8B00;
	[dreg:$0x6] =	wrdreg s19  }
0x18: {  	s10 =	simm.s32 $0xBC00;
	[dreg:$0x7] =	wrdreg s20;
	s1 =	sadd.s32 s1, s21  }
0x19: {  	s0 =	sadd.s32 s9, s21;
	s19 =	simm.s32 $0x60;
	s20 =	simm.s32 $0x2800  }
0x1a: {  	s21 =	simm.s32 $0x2B00;
	s9 =	simm.s32 $0x8;
	[dreg:$0x8] =	wrdreg s1  }
0x1b: {  	[dreg:$0x9] =	wrdreg s0;
	s0 =	simm.s32 $0x2A80;
	s1 =	simm.s32 $0x4  }
.LBB2_1:
0x1c: {  	s7 =	rddreg [dreg:$0x4]  }
0x1d: {  	[spmem:s15], [sflag:s6] =	dma.local [hbm:s7], $0x2700  }
0x1e: {  	_ =	swait.ge [sflag:s16], $0x2700  }
0x1f: {  	[sflag:s16] =	ssyncset.done $0x0  }
0x20: {  	s7 =	rddreg [dreg:$0x5];
	[sflag:s16] =	ssyncadd.s32 $0xFFFFD900  }
0x21: {  	[spmem:s17], [sflag:s6] =	dma.local @!p0 [hbm:s7], $0x100  }
0x22: {  	s7 =	simm.s32 @!p0 $0x7  }
0x23: {  	_ =	swait.ge @!p0 [sflag:s7], $0x100  }
0x24: {  	[sflag:s7] =	ssyncset.done @!p0 $0x0  }
0x25: {  	s12 =	rddreg [dreg:$0x6];
	[sflag:s7] =	ssyncadd.s32 @!p0 $0xFFFFFF00  }
0x26: {  	[tilespmem:s3], [sflag:$0x7] =	stream.linear.gather [hbm4b:s12+s3], $0x1388, $0x38;
	[tilespmem:$0x1F880] =	vst v63  }
0x27: {  	_ =	swait.ge [sflag:s16], $0x1388  }
0x28: {  	[sflag:s16] =	ssyncset.done $0x0  }
0x29: {  	s12 =	simm.s32 $0x1400;
	s13 =	rddreg [dreg:$0x7];
	[sflag:s16] =	ssyncadd.s32 $0xFFFFEC78  }
0x2a: {  	[tilespmem:s12], [sflag:$0x7] =	stream.linear.gather [hbm4b:s13+s3], $0x1388, $0x38;
	[tilespmem:$0x1F880] =	vst v63  }
0x2b: {  	_ =	swait.ge [sflag:s16], $0x1388  }
0x2c: {  	[sflag:s16] =	ssyncset.done $0x0  }
0x2d: {  	[sflag:s16] =	ssyncadd.s32 $0xFFFFEC78  }
0x2e: {  	s12 =	simm.s32 $0x90;
	[bflag:$0x0] =	sbarrier.arrive $0xFFFF  }
0x2f: {  	v0 =	vld [tilespmem:s12+$0xFFFFFF70];
	_ =	sdelay $0x4  }
0x30: {  	[tilespmem:$0x2800] =	vst v0  }
0x31: {  	v0 =	vld [tilespmem:s12+$0xFFFFFF80];
	_ =	sdelay $0x4  }
0x32: {  	[tilespmem:$0x2810] =	vst v0  }
0x33: {  	v0 =	vld [tilespmem:s12+$0xFFFFFF90];
	_ =	sdelay $0x4  }
0x34: {  	[tilespmem:$0x2820] =	vst v0  }
0x35: {  	v0 =	vld [tilespmem:s12+$0xFFFFFFA0];
	_ =	sdelay $0x4  }
0x36: {  	[tilespmem:$0x2830] =	vst v0  }
0x37: {  	v0 =	vld [tilespmem:s12+$0xFFFFFFB0];
	_ =	sdelay $0x4  }
0x38: {  	[tilespmem:$0x2840] =	vst v0  }
0x39: {  	v0 =	vld [tilespmem:s12+$0xFFFFFFC0];
	_ =	sdelay $0x4  }
0x3a: {  	s13 =	simm.s32 $0x1490;
	[tilespmem:$0x2850] =	vst v0  }
0x3b: {  	v0 =	vld [tilespmem:s13+$0xFFFFFF70];
	_ =	sdelay $0x4  }
0x3c: {  	[tilespmem:$0x2980] =	vst v0  }
0x3d: {  	v0 =	vld [tilespmem:s13+$0xFFFFFF80];
	_ =	sdelay $0x4  }
0x3e: {  	[tilespmem:$0x2990] =	vst v0  }
0x3f: {  	v0 =	vld [tilespmem:s13+$0xFFFFFF90];
	_ =	sdelay $0x4  }
0x40: {  	[tilespmem:$0x29A0] =	vst v0  }
0x41: {  	v0 =	vld [tilespmem:s13+$0xFFFFFFA0];
	_ =	sdelay $0x4  }
0x42: {  	[tilespmem:$0x29B0] =	vst v0  }
0x43: {  	v0 =	vld [tilespmem:s13+$0xFFFFFFB0];
	_ =	sdelay $0x4  }
0x44: {  	[tilespmem:$0x29C0] =	vst v0  }
0x45: {  	v0 =	vld [tilespmem:s13+$0xFFFFFFC0];
	_ =	sdelay $0x4  }
0x46: {  	[tilespmem:$0x29D0] =	vst v0  }
0x47: {  	[tilespmem:s21], [sflag:$0x1] =	stream.indirect.gather [hbm4b:s4+s19], $0x80, s20, s19, $0xb8;
	[tilespmem:$0x1F880] =	vst v63  }
0x48: {  	v0 =	vld [tilespmem:s12+$0xFFFFFFD0];
	_ =	sdelay $0x4  }
0x49: {  	[tilespmem:$0x2880] =	vst v0  }
0x4a: {  	v0 =	vld [tilespmem:s12+$0xFFFFFFE0];
	_ =	sdelay $0x4  }
0x4b: {  	s14 =	sand.u32 $0x3FE0, s3;
	[tilespmem:$0x2890] =	vst v0  }
0x4c: {  	v0 =	vld [tilespmem:s14+$0x80];
	_ =	sdelay $0x4  }
0x4d: {  	[tilespmem:$0x28A0] =	vst v0  }
0x4e: {  	v0 =	vld [tilespmem:s12+$0x0];
	_ =	sdelay $0x4  }
0x4f: {  	[tilespmem:$0x28B0] =	vst v0  }
0x50: {  	v0 =	vld [tilespmem:s12+$0x10];
	_ =	sdelay $0x4  }
0x51: {  	[tilespmem:$0x28C0] =	vst v0  }
0x52: {  	v0 =	vld [tilespmem:s12+$0x20];
	_ =	sdelay $0x4  }
0x53: {  	[tilespmem:$0x28D0] =	vst v0  }
0x54: {  	v0 =	vld [tilespmem:s13+$0xFFFFFFD0];
	_ =	sdelay $0x4  }
0x55: {  	[tilespmem:$0x2A00] =	vst v0  }
0x56: {  	v0 =	vld [tilespmem:s13+$0xFFFFFFE0];
	_ =	sdelay $0x4  }
0x57: {  	[tilespmem:$0x2A10] =	vst v0  }
0x58: {  	v0 =	vld [tilespmem:s14+$0x1480];
	_ =	sdelay $0x4  }
0x59: {  	[tilespmem:$0x2A20] =	vst v0  }
0x5a: {  	v0 =	vld [tilespmem:s13+$0x0];
	_ =	sdelay $0x4  }
0x5b: {  	[tilespmem:$0x2A30] =	vst v0  }
0x5c: {  	v0 =	vld [tilespmem:s13+$0x10];
	_ =	sdelay $0x4  }
0x5d: {  	[tilespmem:$0x2A40] =	vst v0  }
0x5e: {  	v0 =	vld [tilespmem:s13+$0x20];
	_ =	sdelay $0x4  }
0x5f: {  	[tilespmem:$0x2A50] =	vst v0  }
0x60: {  	[tilespmem:s23], [sflag:$0x2] =	stream.indirect.gather [hbm4b:s4+s19], $0x80, s22, s19, $0xb8;
	[tilespmem:$0x1F880] =	vst v63  }
0x61: {  	v0 =	vld [tilespmem:s12+$0x30];
	_ =	sdelay $0x4  }
0x62: {  	[tilespmem:$0x2900] =	vst v0  }
0x63: {  	v0 =	vld [tilespmem:s12+$0x40];
	_ =	sdelay $0x4  }
0x64: {  	[tilespmem:$0x2910] =	vst v0  }
0x65: {  	v0 =	vld [tilespmem:s12+$0x50];
	_ =	sdelay $0x4  }
0x66: {  	[tilespmem:$0x2920] =	vst v0  }
0x67: {  	v0 =	vld [tilespmem:s12+$0x60];
	_ =	sdelay $0x4  }
0x68: {  	[tilespmem:$0x2930] =	vst v0  }
0x69: {  	v0 =	vld [tilespmem:s14+$0x100];
	_ =	sdelay $0x4  }
0x6a: {  	[tilespmem:$0x2940] =	vst v0  }
0x6b: {  	v0 =	vld [tilespmem:s12+$0x80];
	_ =	sdelay $0x4  }
0x6c: {  	[tilespmem:$0x2950] =	vst v0  }
0x6d: {  	v0 =	vld [tilespmem:s13+$0x30];
	_ =	sdelay $0x4  }
0x6e: {  	[tilespmem:$0x2A80] =	vst v0  }
0x6f: {  	v0 =	vld [tilespmem:s13+$0x40];
	_ =	sdelay $0x4  }
0x70: {  	[tilespmem:$0x2A90] =	vst v0  }
0x71: {  	v0 =	vld [tilespmem:s13+$0x50];
	_ =	sdelay $0x4  }
0x72: {  	[tilespmem:$0x2AA0] =	vst v0  }
0x73: {  	v0 =	vld [tilespmem:s13+$0x60];
	_ =	sdelay $0x4  }
0x74: {  	[tilespmem:$0x2AB0] =	vst v0  }
0x75: {  	v0 =	vld [tilespmem:s14+$0x1500];
	_ =	sdelay $0x4  }
0x76: {  	[tilespmem:$0x2AC0] =	vst v0  }
0x77: {  	v0 =	vld [tilespmem:s13+$0x80];
	_ =	sdelay $0x4  }
0x78: {  	[tilespmem:$0x2AD0] =	vst v0  }
0x79: {  	[tilespmem:s25], [sflag:$0x3] =	stream.indirect.gather [hbm4b:s4+s19], $0x80, s24, s19, $0xb8;
	[tilespmem:$0x1F880] =	vst v63  }
0x7a: {  	_ =	swait.ge [sflag:s26], $0x3000  }
0x7b: {  	[sflag:s26] =	ssyncset.done $0x0  }
0x7c: {  	[sflag:s26] =	ssyncadd.s32 $0xFFFFD000  }
0x7d: {  	[spmem:s2] =	stream.indirect.scatter.add.f32 [tilespmem:s21], [sflag:$0x4], $0x80, s28, s19, $0xb8;
	[tilespmem:$0x1F880] =	vst v63  }
0x7e: {  	_ =	swait.ge [sflag:s29], $0x3000  }
0x7f: {  	[sflag:s29] =	ssyncset.done $0x0  }
0x80: {  	[sflag:s29] =	ssyncadd.s32 $0xFFFFD000  }
0x81: {  	[spmem:s2] =	stream.indirect.scatter.add.f32 [tilespmem:s23], [sflag:$0x5], $0x80, s30, s19, $0xb8;
	[tilespmem:$0x1F880] =	vst v63  }
0x82: {  	_ =	swait.ge [sflag:s31], $0x3000  }
0x83: {  	[sflag:s31] =	ssyncset.done $0x0  }
0x84: {  	[sflag:s31] =	ssyncadd.s32 $0xFFFFD000  }
0x85: {  	[spmem:s2] =	stream.indirect.scatter.add.f32 [tilespmem:s25], [sflag:$0x6], $0x80, s0, s19, $0xb8;
	[tilespmem:$0x1F880] =	vst v63  }
0x86: {  	_ =	swait.ge [sflag:s1], $0x3000  }
0x87: {  	[sflag:s1] =	ssyncset.done $0x0  }
0x88: {  	[sflag:s1] =	ssyncadd.s32 $0xFFFFD000  }
0x89: {  	_ =	swait.ge [sflag:s18], $0x3000  }
0x8a: {  	[sflag:s18] =	ssyncset.done $0x0  }
0x8b: {  	[sflag:s18] =	ssyncadd.s32 $0xFFFFD000  }
0x8c: {  	_ =	swait.ge [sflag:s5], $0x3000  }
0x8d: {  	s14 =	simm.s32 $0x120;
	[sflag:s5] =	ssyncset.done $0x0  }
.LBB2_2:
0x8e: {  	[sflag:s5] =	ssyncadd.s32 $0xFFFFD000;
	s13 =	sadd.s32 $0x120, s13;
	s12 =	sadd.s32 $0x120, s12  }
0x8f: {  	p1 =	sne.s32 s14, $0x1200;
	s7 =	smov.u32 s14;
	s14 =	sadd.s32 $0x120, s14;
	v0 =	vld [tilespmem:s12+$0xFFFFFF70]  }
0x90: {  	_ =	sdelay $0x3  }
0x91: {  	[tilespmem:$0x2800] =	vst v0  }
0x92: {  	v0 =	vld [tilespmem:s12+$0xFFFFFF80];
	_ =	sdelay $0x4  }
0x93: {  	[tilespmem:$0x2810] =	vst v0  }
0x94: {  	v0 =	vld [tilespmem:s12+$0xFFFFFF90];
	_ =	sdelay $0x4  }
0x95: {  	[tilespmem:$0x2820] =	vst v0  }
0x96: {  	v0 =	vld [tilespmem:s12+$0xFFFFFFA0];
	_ =	sdelay $0x4  }
0x97: {  	[tilespmem:$0x2830] =	vst v0  }
0x98: {  	v0 =	vld [tilespmem:s12+$0xFFFFFFB0];
	_ =	sdelay $0x4  }
0x99: {  	[tilespmem:$0x2840] =	vst v0  }
0x9a: {  	v0 =	vld [tilespmem:s12+$0xFFFFFFC0];
	_ =	sdelay $0x4  }
0x9b: {  	[tilespmem:$0x2850] =	vst v0  }
0x9c: {  	v0 =	vld [tilespmem:s13+$0xFFFFFF70];
	_ =	sdelay $0x4  }
0x9d: {  	[tilespmem:$0x2980] =	vst v0  }
0x9e: {  	v0 =	vld [tilespmem:s13+$0xFFFFFF80];
	_ =	sdelay $0x4  }
0x9f: {  	[tilespmem:$0x2990] =	vst v0  }
0xa0: {  	v0 =	vld [tilespmem:s13+$0xFFFFFF90];
	_ =	sdelay $0x4  }
0xa1: {  	[tilespmem:$0x29A0] =	vst v0  }
0xa2: {  	v0 =	vld [tilespmem:s13+$0xFFFFFFA0];
	_ =	sdelay $0x4  }
0xa3: {  	[tilespmem:$0x29B0] =	vst v0  }
0xa4: {  	v0 =	vld [tilespmem:s13+$0xFFFFFFB0];
	_ =	sdelay $0x4  }
0xa5: {  	[tilespmem:$0x29C0] =	vst v0  }
0xa6: {  	v0 =	vld [tilespmem:s13+$0xFFFFFFC0];
	_ =	sdelay $0x4  }
0xa7: {  	[tilespmem:$0x29D0] =	vst v0  }
0xa8: {  	[tilespmem:s21], [sflag:$0x1] =	stream.indirect.gather [hbm4b:s4+s19], $0x80, s20, s19, $0xb8;
	[tilespmem:$0x1F880] =	vst v63  }
0xa9: {  	v0 =	vld [tilespmem:s12+$0xFFFFFFD0];
	_ =	sdelay $0x4  }
0xaa: {  	[tilespmem:$0x2880] =	vst v0  }
0xab: {  	v0 =	vld [tilespmem:s12+$0xFFFFFFE0];
	_ =	sdelay $0x4  }
0xac: {  	s7 =	sand.u32 $0x3FE0, s7;
	[tilespmem:$0x2890] =	vst v0  }
0xad: {  	v0 =	vld [tilespmem:s7+$0x80];
	_ =	sdelay $0x4  }
0xae: {  	[tilespmem:$0x28A0] =	vst v0  }
0xaf: {  	v0 =	vld [tilespmem:s12+$0x0];
	_ =	sdelay $0x4  }
0xb0: {  	[tilespmem:$0x28B0] =	vst v0  }
0xb1: {  	v0 =	vld [tilespmem:s12+$0x10];
	_ =	sdelay $0x4  }
0xb2: {  	[tilespmem:$0x28C0] =	vst v0  }
0xb3: {  	v0 =	vld [tilespmem:s12+$0x20];
	_ =	sdelay $0x4  }
0xb4: {  	[tilespmem:$0x28D0] =	vst v0  }
0xb5: {  	v0 =	vld [tilespmem:s13+$0xFFFFFFD0];
	_ =	sdelay $0x4  }
0xb6: {  	[tilespmem:$0x2A00] =	vst v0  }
0xb7: {  	v0 =	vld [tilespmem:s13+$0xFFFFFFE0];
	_ =	sdelay $0x4  }
0xb8: {  	[tilespmem:$0x2A10] =	vst v0  }
0xb9: {  	v0 =	vld [tilespmem:s7+$0x1480];
	_ =	sdelay $0x4  }
0xba: {  	[tilespmem:$0x2A20] =	vst v0  }
0xbb: {  	v0 =	vld [tilespmem:s13+$0x0];
	_ =	sdelay $0x4  }
0xbc: {  	[tilespmem:$0x2A30] =	vst v0  }
0xbd: {  	v0 =	vld [tilespmem:s13+$0x10];
	_ =	sdelay $0x4  }
0xbe: {  	[tilespmem:$0x2A40] =	vst v0  }
0xbf: {  	v0 =	vld [tilespmem:s13+$0x20];
	_ =	sdelay $0x4  }
0xc0: {  	[tilespmem:$0x2A50] =	vst v0  }
0xc1: {  	[tilespmem:s23], [sflag:$0x2] =	stream.indirect.gather [hbm4b:s4+s19], $0x80, s22, s19, $0xb8;
	[tilespmem:$0x1F880] =	vst v63  }
0xc2: {  	v0 =	vld [tilespmem:s12+$0x30];
	_ =	sdelay $0x4  }
0xc3: {  	[tilespmem:$0x2900] =	vst v0  }
0xc4: {  	v0 =	vld [tilespmem:s12+$0x40];
	_ =	sdelay $0x4  }
0xc5: {  	[tilespmem:$0x2910] =	vst v0  }
0xc6: {  	v0 =	vld [tilespmem:s12+$0x50];
	_ =	sdelay $0x4  }
0xc7: {  	[tilespmem:$0x2920] =	vst v0  }
0xc8: {  	v0 =	vld [tilespmem:s12+$0x60];
	_ =	sdelay $0x4  }
0xc9: {  	[tilespmem:$0x2930] =	vst v0  }
0xca: {  	v0 =	vld [tilespmem:s7+$0x100];
	_ =	sdelay $0x4  }
0xcb: {  	[tilespmem:$0x2940] =	vst v0  }
0xcc: {  	v0 =	vld [tilespmem:s12+$0x80];
	_ =	sdelay $0x4  }
0xcd: {  	[tilespmem:$0x2950] =	vst v0  }
0xce: {  	v0 =	vld [tilespmem:s13+$0x30];
	_ =	sdelay $0x4  }
0xcf: {  	[tilespmem:$0x2A80] =	vst v0  }
0xd0: {  	v0 =	vld [tilespmem:s13+$0x40];
	_ =	sdelay $0x4  }
0xd1: {  	[tilespmem:$0x2A90] =	vst v0  }
0xd2: {  	v0 =	vld [tilespmem:s13+$0x50];
	_ =	sdelay $0x4  }
0xd3: {  	[tilespmem:$0x2AA0] =	vst v0  }
0xd4: {  	v0 =	vld [tilespmem:s13+$0x60];
	_ =	sdelay $0x4  }
0xd5: {  	[tilespmem:$0x2AB0] =	vst v0  }
0xd6: {  	v0 =	vld [tilespmem:s7+$0x1500];
	_ =	sdelay $0x4  }
0xd7: {  	[tilespmem:$0x2AC0] =	vst v0  }
0xd8: {  	v0 =	vld [tilespmem:s13+$0x80];
	_ =	sdelay $0x4  }
0xd9: {  	[tilespmem:$0x2AD0] =	vst v0  }
0xda: {  	[tilespmem:s25], [sflag:$0x3] =	stream.indirect.gather [hbm4b:s4+s19], $0x80, s24, s19, $0xb8;
	[tilespmem:$0x1F880] =	vst v63  }
0xdb: {  	_ =	swait.ge [sflag:s26], $0x3000  }
0xdc: {  	[sflag:s26] =	ssyncset.done $0x0  }
0xdd: {  	[sflag:s26] =	ssyncadd.s32 $0xFFFFD000  }
0xde: {  	[spmem:s2] =	stream.indirect.scatter.add.f32 [tilespmem:s21], [sflag:$0x4], $0x80, s28, s19, $0xb8;
	[tilespmem:$0x1F880] =	vst v63  }
0xdf: {  	_ =	swait.ge [sflag:s29], $0x3000  }
0xe0: {  	[sflag:s29] =	ssyncset.done $0x0  }
0xe1: {  	[sflag:s29] =	ssyncadd.s32 $0xFFFFD000  }
0xe2: {  	[spmem:s2] =	stream.indirect.scatter.add.f32 [tilespmem:s23], [sflag:$0x5], $0x80, s30, s19, $0xb8;
	[tilespmem:$0x1F880] =	vst v63  }
0xe3: {  	_ =	swait.ge [sflag:s31], $0x3000  }
0xe4: {  	[sflag:s31] =	ssyncset.done $0x0  }
0xe5: {  	[sflag:s31] =	ssyncadd.s32 $0xFFFFD000  }
0xe6: {  	[spmem:s2] =	stream.indirect.scatter.add.f32 [tilespmem:s25], [sflag:$0x6], $0x80, s0, s19, $0xb8;
	[tilespmem:$0x1F880] =	vst v63  }
0xe7: {  	_ =	swait.ge [sflag:s1], $0x3000  }
0xe8: {  	[sflag:s1] =	ssyncset.done $0x0  }
0xe9: {  	[sflag:s1] =	ssyncadd.s32 $0xFFFFD000  }
.Ltmp0:
0xea: {  	_ =	swait.ge [sflag:s18], $0x3000;
	(pc) =	sbr.rel @p1 .LBB2_2-.Ltmp0, $4  }
0xeb: {  	[sflag:s18] =	ssyncset.done $0x0  }
0xec: {  	[sflag:s18] =	ssyncadd.s32 $0xFFFFD000  }
0xed: {  	_ =	swait.ge [sflag:s5], $0x3000  }
0xee: {  	[sflag:s5] =	ssyncset.done $0x0  }
0xef: {  	[sflag:s5] =	ssyncadd.s32 $0xFFFFD000  }
0xf0: {  	v0 =	vld [tilespmem:$0x1320]  }
0xf1: {  	v1 =	vld [tilespmem:$0x1330]  }
0xf2: {  	v2 =	vld [tilespmem:$0x1340]  }
0xf3: {  	v3 =	vld [tilespmem:$0x1350]  }
0xf4: {  	v4 =	vld [tilespmem:$0x1360]  }
0xf5: {  	v57 =	vld [tilespmem:$0x1370];
	[tilespmem:$0x2800] =	vst v0  }
0xf6: {  	v58 =	vld [tilespmem:$0x2720];
	[tilespmem:$0x2810] =	vst v1  }
0xf7: {  	v59 =	vld [tilespmem:$0x2730];
	[tilespmem:$0x2820] =	vst v2  }
0xf8: {  	v60 =	vld [tilespmem:$0x2740];
	[tilespmem:$0x2830] =	vst v3  }
0xf9: {  	v61 =	vld [tilespmem:$0x2750];
	[tilespmem:$0x2840] =	vst v4  }
0xfa: {  	v62 =	vld [tilespmem:$0x2760];
	[tilespmem:$0x2850] =	vst v57  }
0xfb: {  	v63 =	vld [tilespmem:$0x2770];
	[tilespmem:$0x2980] =	vst v58  }
0xfc: {  	[tilespmem:$0x2990] =	vst v59  }
0xfd: {  	[tilespmem:$0x29A0] =	vst v60  }
0xfe: {  	[tilespmem:$0x29B0] =	vst v61  }
0xff: {  	[tilespmem:$0x29C0] =	vst v62  }
0x100: {  	[tilespmem:$0x29D0] =	vst v63  }
0x101: {  	[tilespmem:s21], [sflag:$0x1] =	stream.indirect.gather [hbm4b:s4+s19], $0x80, s20, s19, $0xb8;
	[tilespmem:$0x1F880] =	vst v63  }
0x102: {  	_ =	swait.ge [sflag:s26], $0x3000  }
0x103: {  	[sflag:s26] =	ssyncset.done $0x0  }
0x104: {  	[sflag:s26] =	ssyncadd.s32 $0xFFFFD000  }
0x105: {  	[spmem:s2] =	stream.indirect.scatter.add.f32 [tilespmem:s21], [sflag:$0x4], $0x80, s28, s19, $0xb8;
	[tilespmem:$0x1F880] =	vst v63  }
0x106: {  	_ =	swait.ge [sflag:s1], $0x3000  }
0x107: {  	[sflag:s1] =	ssyncset.done $0x0  }
0x108: {  	s12 =	simm.s32 $0xBB00;
	s7 =	rddreg [dreg:$0x8];
	[sflag:s1] =	ssyncadd.s32 $0xFFFFD000  }
0x109: {  	[tilespmem:s12], [sflag:$0x7] =	stream.linear.gather [hbm4b:s7+s3], $0x8, $0x38;
	[tilespmem:$0x1F880] =	vst v63  }
0x10a: {  	_ =	swait.ge [sflag:s16], $0x8  }
0x10b: {  	[sflag:s16] =	ssyncset.done $0x0  }
0x10c: {  	s14 =	rddreg [dreg:$0x9];
	[sflag:s16] =	ssyncadd.s32 $0xFFFFFFF8  }
0x10d: {  	[tilespmem:s8], [sflag:$0x7] =	stream.linear.gather [hbm4b:s14+s3], $0x8, $0x38;
	[tilespmem:$0x1F880] =	vst v63  }
0x10e: {  	_ =	swait.ge [sflag:s16], $0x8  }
0x10f: {  	[sflag:s16] =	ssyncset.done $0x0  }
0x110: {  	[sflag:s16] =	ssyncadd.s32 $0xFFFFFFF8  }
0x111: {  	[tilespmem:s10], [sflag:$0x1] =	stream.indirect.gather [hbm4b:s4+s9], $0x80, s12, s9, $0xb8;
	[tilespmem:$0x1F880] =	vst v63  }
0x112: {  	_ =	swait.ge [sflag:s26], $0x400  }
0x113: {  	[sflag:s26] =	ssyncset.done $0x0  }
0x114: {  	[sflag:s26] =	ssyncadd.s32 $0xFFFFFC00  }
0x115: {  	[spmem:s2] =	stream.indirect.scatter.add.f32 [tilespmem:s10], [sflag:$0x4], $0x80, s8, s9, $0xb8;
	[tilespmem:$0x1F880] =	vst v63  }
0x116: {  	_ =	swait.ge [sflag:s1], $0x400  }
0x117: {  	[sflag:s1] =	ssyncset.done $0x0  }
0x118: {  	[sflag:s1] =	ssyncadd.s32 $0xFFFFFC00  }
0x119: {  	[bflag:$0x0] =	sbarrier.arrive $0xFFFF  }
0x11a: {  	s13 =	rddreg [dreg:$0xa]  }
0x11b: {  	[hbm:s13], [sflag:s6] =	dma.local [spmem:s15], $0x2700  }
0x11c: {  	_ =	swait.ge [sflag:s16], $0x2700  }
0x11d: {  	[sflag:s16] =	ssyncset.done $0x0  }
0x11e: {  	s7 =	rddreg [dreg:$0xb];
	[sflag:s16] =	ssyncadd.s32 $0xFFFFD900  }
0x11f: {  	[hbm:s7], [sflag:s6] =	dma.local @!p0 [spmem:s17], $0x100  }
0x120: {  	s7 =	simm.s32 @!p0 $0x7  }
0x121: {  	_ =	swait.ge @!p0 [sflag:s7], $0x100  }
0x122: {  	s11 =	sadd.s32 $0x1, s11;
	s14 =	rddreg [dreg:$0xc]  }
0x123: {  	p1 =	sne.s32 s11, s14  }
.Ltmp1:
0x124: {  	_ = 	snop;
	(pc) =	sbr.rel @p1 .LBB2_1-.Ltmp1, $3  }
0x125: {  	_ =	sdelay $0x1  }
0x126: {  	[sflag:s7] =	ssyncset.done @!p0 $0x0  }
0x127: {  	[sflag:s7] =	ssyncadd.s32 @!p0 $0xFFFFFF00  }
0x128: {  	_ =	sfence.sel $0x180000  }
0x129: {  	[bflag:$0x0] =	sbarrier.arrive $0xFFFF  }
0x12a: {  	_ =	strace $0x9000004D  }
0x12b: {  	s0 =	stileid.u32;
	[bflag:$0x2] =	sbarrier.arrive $0xFFFF  }
0x12c: {  	p0 =	sne.s32 s0, $0x0;
	s0 =	rddreg [dreg:$0x3]  }
0x12d: {  	s0 =	sadd.s32 @!p0 $0x100000, s0  }
0x12e: {  	[sflag:s0] =	ssyncadd.tile.s32 @!p0 $0x1;
	_ =	shalt  }
.Lfunc_end2:
_tile_overlayer_lowered:
.L_overlay_start_2:
0x12f: {  	(tag) =	ssettag $0x2  }
0x130: {  	s0 =	rddreg [dreg:$0x0];
	s2 =	stileid.u32  }
0x131: {  	s1 =	rddreg [dreg:$0x1];
	p0 =	sne.s32 s2, $0x0  }
0x132: {  	s3 =	rddreg [dreg:$0x2];
	[bflag:$0x3] =	sbarrier.arrive $0xFFFF;
	s2 =	simm.s32 @!p0 $0x1C07  }
0x133: {  	[timem:s3], [sflag:s2] =	dma.local @!p0 [hbm:s0], s1  }
0x134: {  	s0 =	simm.s32 @!p0 $0x7  }
0x135: {  	_ =	swait.ge @!p0 [sflag:s0], s1  }
0x136: {  	s1 =	ssub.s32 @!p0 $0x0, s1;
	[sflag:s0] =	ssyncset.done @!p0 $0x0  }
0x137: {  	[sflag:s0] =	ssyncadd.s32 @!p0 s1  }
0x138: {  	[bflag:$0x3] =	sbarrier.arrive $0xFFFF  }
0x139: {  	_ =	shalt  }

// kernel: kernel.19.cloned.1.call-start
scs
__scs_entry_jumppad:
0x0: {  	(pc) =	sbr.rel $0x88, $3  }
0x1: {  	(tag) =	ssettag $0x0;
	lr =	simm.s32 $0x1  }
0x2: {  	[smem:$0x3F97] =	sst lr;
	_ =	strace $0xD0000000  }
0x3: {  	_ = 	snop  }
0x4: {  	_ = 	snop  }
0x5: {  	_ = 	snop  }
0x6: {  	_ = 	snop  }
0x7: {  	_ = 	snop  }
__scs_overlays_trampoline_lowered:
0x8: {  	[smem:$0x3FA6] =	sst s0  }
0x9: {  	[smem:$0x3FA7] =	sst s1  }
0xa: {  	[smem:$0x3FA8] =	sst s2  }
0xb: {  	[smem:$0x3FA9] =	sst s3  }
0xc: {  	[smem:$0x3FAA] =	sst s4  }
0xd: {  	[smem:$0x3FAB] =	sst s5  }
0xe: {  	[smem:$0x3FAC] =	sst s6  }
0xf: {  	[smem:$0x3FAD] =	sst s7  }
0x10: {  	[smem:$0x3FAE] =	sst s8  }
0x11: {  	[smem:$0x3FAF] =	sst s9;
	s0 =	simm.s32 @!p0 $0x0  }
0x12: {  	s1 =	sld [smem:$0x3F95];
	s0 =	simm.s32 @p0 $0x1  }
0x13: {  	[smem:$0x3FB0] =	sst s0;
	s0 =	simm.s32 @!p1 $0x0  }
0x14: {  	s2 =	sld [smem:$0x3F94];
	s0 =	simm.s32 @p1 $0x1  }
0x15: {  	[smem:$0x3FB1] =	sst s0;
	s0 =	simm.s32 @!p2 $0x0  }
0x16: {  	s3 =	sld [smem:$0x3FDB];
	s0 =	simm.s32 @p2 $0x1  }
0x17: {  	s4 =	simm.s32 $0x1BF5;
	[smem:$0x3FB3] =	sst s0  }
0x18: {  	s0 =	sld [smem:$0x3F96];
	_ =	swait.ge [sflag:s4], $0x0  }
0x19: {  	s7 =	sld [smem:$0x3F97]  }
0x1a: {  	s8 =	sadd.s32 $0xFFFFE003, lr  }
0x1b: {  	s9 =	sadd.s32 $0xFFFFFEF7, lr;
	s5 =	simm.s32 $0xFFFFFFFF;
	p2 =	slt.u32 s8, $0xFFFFF086  }
0x1c: {  	p1 =	slt.u32 s9, $0xF7A;
	s5 =	simm.s32 @!p2 $0x0  }
0x1d: {  	s5 =	simm.s32 @p1 $0x1;
	p0 =	seq.s32 s7, s2  }
0x1e: {  	s7 =	smul.u32 @!p0 $0xF7A, s2;
	p2 =	seq.s32 @!p0 s5, $0x0  }
0x1f: {  	s9 =	smul.u32 $0xF7A, s1;
	s8 =	simm.s32 @!p0 $0x1BF5;
	p2 =	por !p2, p0  }
0x20: {  	[sflag:s8] =	ssyncset.s32 @!p0 $0xFFFFF086;
	s6 =	sadd.s32 @!p0 s3, s7;
	s7 =	simm.s32 @!p0 $0x108  }
0x21: {  	s3 =	sadd.s32 s3, s9;
	s6 =	sadd.s32 @!p0 $0x88, s6;
	s7 =	simm.s32 @p2 $0x1082  }
0x22: {  	[simem:s7], [sflag:s8] =	dma.local @!p0 [hbm:s6], $0xF7A  }
0x23: {  	s9 =	sor.u32 $0xD0000000, s2;
	s6 =	simm.s32 $0x108;
	_ =	swait.ge @!p0 [sflag:s8], $0x0  }
0x24: {  	s3 =	sadd.s32 $0x88, s3;
	s6 =	simm.s32 @!p1 $0x1082;
	[sflag:s4] =	ssyncset.s32 $0xFFFFF086  }
0x25: {  	[simem:s6], [sflag:s4] =	dma.local [hbm:s3], $0xF7A  }
0x26: {  	[smem:$0x3F97] =	sst s1;
	(tag) =	ssettag s2;
	_ =	strace s9  }
0x27: {  	s1 =	sld [smem:$0x3FA7]  }
0x28: {  	s2 =	sld [smem:$0x3FA8]  }
0x29: {  	s4 =	sld [smem:$0x3FAA]  }
0x2a: {  	p0 =	seq.s32 s5, $0x0;
	s5 =	sld [smem:$0x3FAB]  }
0x2b: {  	s6 =	sld [smem:$0x3FAC]  }
0x2c: {  	s7 =	sld [smem:$0x3FAD]  }
0x2d: {  	s3 =	simm.s32 $0x108;
	s8 =	sld [smem:$0x3FAE]  }
0x2e: {  	s3 =	simm.s32 @!p0 $0x1082;
	s9 =	sld [smem:$0x3FAF]  }
0x2f: {  	lr =	sadd.s32 s0, s3;
	s0 =	sld [smem:$0x3FA6]  }
0x30: {  	s3 =	sld [smem:$0x3FA9]  }
0x31: {  	[smem:$0x3FB2] =	sst s10  }
0x32: {  	s10 =	sld [smem:$0x3FB0];
	_ =	sdelay $0x3  }
0x33: {  	p0 =	seq.s32 s10, $0x1;
	s10 =	sld [smem:$0x3FB2];
	_ =	sdelay $0x3  }
0x34: {  	[smem:$0x3FB2] =	sst s10  }
0x35: {  	s10 =	sld [smem:$0x3FB1];
	_ =	sdelay $0x3  }
0x36: {  	p1 =	seq.s32 s10, $0x1;
	s10 =	sld [smem:$0x3FB2];
	_ =	sdelay $0x3  }
0x37: {  	[smem:$0x3FB2] =	sst s10  }
0x38: {  	s10 =	sld [smem:$0x3FB3]  }
0x39: {  	_ = 	snop;
	(pc) =	sbr.ind lr, $3  }
0x3a: {  	_ = 	snop  }
0x3b: {  	_ = 	snop  }
0x3c: {  	p2 =	seq.s32 s10, $0x1;
	s10 =	sld [smem:$0x3FB2]  }
0x3d: {  	_ =	shalt  }
0x3e: {  	_ =	shalt  }
0x3f: {  	_ =	shalt  }
0x40: {  	_ =	shalt  }
0x41: {  	_ =	shalt  }
0x42: {  	_ =	shalt  }
0x43: {  	_ =	shalt  }
0x44: {  	_ =	shalt  }
0x45: {  	_ =	shalt  }
0x46: {  	_ =	shalt  }
0x47: {  	_ =	shalt  }
0x48: {  	_ =	shalt  }
0x49: {  	_ =	shalt  }
0x4a: {  	_ =	shalt  }
0x4b: {  	_ =	shalt  }
0x4c: {  	_ =	shalt  }
0x4d: {  	_ =	shalt  }
0x4e: {  	_ =	shalt  }
0x4f: {  	_ =	shalt  }
0x50: {  	_ =	shalt  }
0x51: {  	_ =	shalt  }
0x52: {  	_ =	shalt  }
0x53: {  	_ =	shalt  }
0x54: {  	_ =	shalt  }
0x55: {  	_ =	shalt  }
0x56: {  	_ =	shalt  }
0x57: {  	_ =	shalt  }
0x58: {  	_ =	shalt  }
0x59: {  	_ =	shalt  }
0x5a: {  	_ =	shalt  }
0x5b: {  	_ =	shalt  }
0x5c: {  	_ =	shalt  }
0x5d: {  	_ =	shalt  }
0x5e: {  	_ =	shalt  }
0x5f: {  	_ =	shalt  }
0x60: {  	_ =	shalt  }
0x61: {  	_ =	shalt  }
0x62: {  	_ =	shalt  }
0x63: {  	_ =	shalt  }
0x64: {  	_ =	shalt  }
0x65: {  	_ =	shalt  }
0x66: {  	_ =	shalt  }
0x67: {  	_ =	shalt  }
0x68: {  	_ =	shalt  }
0x69: {  	_ =	shalt  }
0x6a: {  	_ =	shalt  }
0x6b: {  	_ =	shalt  }
0x6c: {  	_ =	shalt  }
0x6d: {  	_ =	shalt  }
0x6e: {  	_ =	shalt  }
0x6f: {  	_ =	shalt  }
0x70: {  	_ =	shalt  }
0x71: {  	_ =	shalt  }
0x72: {  	_ =	shalt  }
0x73: {  	_ =	shalt  }
0x74: {  	_ =	shalt  }
0x75: {  	_ =	shalt  }
0x76: {  	_ =	shalt  }
0x77: {  	_ =	shalt  }
0x78: {  	_ =	shalt  }
0x79: {  	_ =	shalt  }
0x7a: {  	_ =	shalt  }
0x7b: {  	_ =	shalt  }
0x7c: {  	_ =	shalt  }
0x7d: {  	_ =	shalt  }
0x7e: {  	_ =	shalt  }
0x7f: {  	_ =	shalt  }
0x80: {  	_ =	shalt  }
0x81: {  	_ =	shalt  }
0x82: {  	_ =	shalt  }
0x83: {  	_ =	shalt  }
0x84: {  	_ =	shalt  }
0x85: {  	_ =	shalt  }
0x86: {  	_ =	shalt  }
0x87: {  	_ =	shalt  }
.Lfunc_end0:
.L_simem_size_0:
called_computation.3_lowered:
.L_overlay_start_0:
0x88: {  	s2 =	sld [smem:$0x3FD9]  }
0x89: {  	s3 =	sld [smem:$0x3FFE];
	_ =	sdelay $0x1  }
0x8a: {  	s1 =	srdreg.scid  }
0x8b: {  	s0 =	sand.u32 $0x1, s1  }
0x8c: {  	s17 =	sshll.u32 s0, $0xA;
	s2 =	sadd.s32 s3, s2  }
0x8d: {  	s2 =	sadd.s32 s2, s17  }
0x8e: {  	[smem:$0x3FBE] =	sst s2  }
0x8f: {  	_ = 	snop  }
0x90: {  	s2 =	sld [smem:$0x3FD0];
	(tm) =	ssettm $0x1  }
0x91: {  	s18 =	sld [smem:$0x3FFB];
	_ =	sdelay $0x3  }
0x92: {  	_ =	strace s18  }
0x93: {  	s3 =	sld [smem:$0x3FFC];
	_ =	sdelay $0x3  }
0x94: {  	_ =	strace s3  }
0x95: {  	s3 =	sld [smem:$0x3FFD];
	_ =	sdelay $0x3  }
0x96: {  	_ =	strace s3  }
0x97: {  	_ =	strace $0x8FFFFFFF  }
0x98: {  	s19 =	sld [smem:$0x3FDB];
	_ =	sdelay $0x1  }
0x99: {  	s4 =	simm.s32 $_scs_section_size  }
0x9a: {  	s5 =	simm.s32 $_size__tile_overlayer_lowered;
	s6 =	simm.s32 $_tile_overlayer_lowered  }
0x9b: {  	s22 =	simm.s32 $0x1BFF;
	s21 =	sshll.u32 s6, $0x1;
	s3 =	sadd.s32 s4, s19  }
0x9c: {  	s7 =	simm.s32 $0x0;
	s20 =	sshll.u32 s5, $0x1;
	s5 =	sadd.s32 s21, s3  }
0x9d: {  	[timem:s7], [sflag:s22] =	dma.local [hbm:s5], s20  }
0x9e: {  	_ =	swait.ge [sflag:s22], s20  }
0x9f: {  	s4 =	ssub.s32 $0x0, s20;
	[sflag:s22] =	ssyncset.done $0x0  }
0xa0: {  	[sflag:s22] =	ssyncadd.s32 s4;
	_ =	sdelay $0x1  }
0xa1: {  	s23 =	simm.s32 $0x1B8B  }
0xa2: {  	_ =	swait.ge [sflag:s23], $0x1  }
0xa3: {  	[sflag:s23] =	ssyncset.done $0x0  }
0xa4: {  	s25 =	simm.s32 $0x1B8E;
	s24 =	sld [smem:$0x3FFE];
	[sflag:s23] =	ssyncadd.s32 $0xFFFFFFFF  }
0xa5: {  	s26 =	simm.s32 $execute0_lowered;
	[smem:$0x3FD2] =	sst s25  }
0xa6: {  	s5 =	sshll.u32 s26, $0x1;
	_ =	strace $0x8000004F;
	[dreg:$0x1] =	wrdreg $0xFFFFFFFF  }
0xa7: {  	s28 =	simm.s32 $_size_execute0_lowered;
	s3 =	sadd.s32 s3, s5;
	[dreg:$0x0] =	wrdreg $0x0  }
0xa8: {  	s5 =	sshll.u32 s28, $0x1;
	[dreg:$0x2] =	wrdreg s3  }
0xa9: {  	[dreg:$0x3] =	wrdreg s5  }
0xaa: {  	[dreg:$0x4] =	wrdreg $0xC0  }
0xab: {  	_ =	task [dreg:s7], $0x5FFFF  }
0xac: {  	[dreg:$0x1] =	wrdreg $0xFFFFFFFF  }
0xad: {  	[dreg:$0x0] =	wrdreg $0x60  }
0xae: {  	[dreg:$0x2] =	wrdreg s24  }
0xaf: {  	[dreg:$0x3] =	wrdreg s2  }
0xb0: {  	[dreg:$0x4] =	wrdreg $0x9  }
0xb1: {  	_ =	task.clear_ibuf [dreg:s7], $0x5FFFF;
	_ =	strace $0x9000004F  }
0xb2: {  	s29 =	simm.s32 $0x9;
	_ =	strace $0x80000051  }
0xb3: {  	_ =	swait.ge [sflag:s29], $0x1  }
0xb4: {  	[sflag:s29] =	ssyncadd.s32 $0xFFFFFFFF  }
0xb5: {  	_ =	strace $0x90000051  }
0xb6: {  	_ =	sfence  }
0xb7: {  	s30 =	sld [smem:$0x0];
	_ =	sdelay $0x2  }
0xb8: {  	s31 =	sshll.u32 s1, $0xD;
	s1 =	sshrl.u32 s1, $0x2  }
0xb9: {  	s3 =	sand.u32 $0x4000, s31;
	s1 =	sadd.s32 s1, s30  }
0xba: {  	s0 =	sor.u32 s3, s0;
	s1 =	sshll.u32 s1, $0x11  }
0xbb: {  	s0 =	sor.u32 s1, s0  }
0xbc: {  	s0 =	sadd.s32 $0x8F2B, s0  }
0xbd: {  	[sflag:s0] =	ssyncadd.remote.s32 $0x1  }
0xbe: {  	_ =	sfence.sel $0xFFFF  }
0xbf: {  	[dreg:$0x0] =	wrdreg $0xFFFFFFFF;
	(pc) =	sbr.abs _section_cstart, $3  }
0xc0: {  	[dreg:$0x1] =	wrdreg $0xFFFFFFFF  }
0xc1: {  	_ =	task.clear_ibuf [dreg:s7], $0x2FFFF;
	_ =	strace $0x9FFFFFFF  }
0xc2: {  	(tm) =	ssettm $0x7FFFFFFF  }
0xc3: {  	_ =	shalt  }
tec
execute0_lowered:
.L_overlay_start_1:
0x0: {  	(tag) =	ssettag $0x1  }
0x1: {  	s0 =	rddreg [dreg:$0x0];
	s1 =	srdreg.scid  }
0x2: {  	s2 =	stileid.u32;
	s6 =	rddreg [dreg:$0x1]  }
0x3: {  	s13 =	simm.s32 $0x7;
	s15 =	simm.s32 $0x80;
	s16 =	simm.s32 $0x2800  }
0x4: {  	s17 =	simm.s32 $0x2A00;
	s18 =	simm.s32 $0x2880;
	s19 =	simm.s32 $0x6A00  }
0x5: {  	s20 =	simm.s32 $0x2900;
	s28 =	simm.s32 $0x3;
	s29 =	simm.s32 $0x4  }
0x6: {  	s30 =	simm.s32 $0x16A00;
	s31 =	simm.s32 $0x5;
	s14 =	simm.s32 $0x1AA80  }
0x7: {  	s1 =	sand.u32 $0x1, s1;
	s3 =	sshll.u32 s2, $0x1;
	s2 =	simm.s32 $0x0  }
0x8: {  	s8 =	sadd.s32 $0x2600, s0;
	s5 =	sadd.s32 $0x2E800, s0;
	s4 =	sor.u32 s1, s3  }
0x9: {  	[smem:$0x7FF] =	sst s2;
	s21 =	ssub.s32 $0x2, s1;
	s7 =	smul.u32 $0x1388, s4  }
0xa: {  	s3 =	sadd.s32 $0x7600, s0;
	s4 =	smul.u32 $0x9C400, s4;
	s1 =	sshrl.u32 s21, $0x1  }
0xb: {  	_ =	strace $0x80000050;
	s0 =	ssub.s32 s21, s1;
	s21 =	simm.s32 $0xAA00  }
0xc: {  	s7 =	sshrl.u32 s7, $0x3;
	s9 =	sshrl.u32 s4, $0x3;
	s0 =	smax.u32 s0, $0x1  }
0xd: {  	s22 =	sadd.s32 s6, s7;
	s23 =	sadd.s32 s5, s9;
	[dreg:$0x9] =	wrdreg s0  }
0xe: {  	s24 =	sadd.s32 s8, s7;
	s7 =	sadd.s32 $0x270, s7;
	[dreg:$0x3] =	wrdreg s22  }
0xf: {  	s0 =	simm.s32 $0x1AA00;
	[dreg:$0x4] =	wrdreg s24;
	s25 =	sadd.s32 $0x13000, s23  }
0x10: {  	s6 =	sadd.s32 s6, s7;
	s26 =	sadd.s32 s8, s7;
	[dreg:$0x5] =	wrdreg s25  }
0x11: {  	s1 =	sadd.s32 $0x13800, s23;
	s22 =	simm.s32 $0x2980;
	[dreg:$0x6] =	wrdreg s6  }
0x12: {  	s23 =	simm.s32 $0xEA00;
	s24 =	simm.s32 $0x1;
	[dreg:$0x7] =	wrdreg s26  }
0x13: {  	s7 =	simm.s32 $0x0;
	[dreg:$0x8] =	wrdreg s1;
	s25 =	simm.s32 $0x2  }
0x14: {  	s26 =	simm.s32 $0x12A00;
	s1 =	simm.s32 $0x6;
	s6 =	simm.s32 $0x8  }
.LBB2_1:
0x15: {  	s8 =	rddreg [dreg:$0x3]  }
0x16: {  	[tilespmem:s2], [sflag:$0x7] =	stream.linear.gather [hbm4b:s8+s2], $0x1388, $0x38;
	[tilespmem:$0x1B700] =	vst v63  }
0x17: {  	_ =	swait.ge [sflag:s13], $0x1388  }
0x18: {  	[sflag:s13] =	ssyncset.done $0x0  }
0x19: {  	s9 =	simm.s32 $0x1400;
	s12 =	rddreg [dreg:$0x4];
	[sflag:s13] =	ssyncadd.s32 $0xFFFFEC78  }
0x1a: {  	[tilespmem:s9], [sflag:$0x7] =	stream.linear.gather [hbm4b:s12+s2], $0x1388, $0x38;
	[tilespmem:$0x1B700] =	vst v63  }
0x1b: {  	_ =	swait.ge [sflag:s13], $0x1388  }
0x1c: {  	[sflag:s13] =	ssyncset.done $0x0  }
0x1d: {  	s8 =	simm.s32 $0x0;
	[sflag:s13] =	ssyncadd.s32 $0xFFFFEC78  }
.LBB2_2:
0x1e: {  	s9 =	sshll.u32 s8, $0x8  }
0x1f: {  	v0 =	vld [tilespmem:s9+$0x0];
	_ =	sdelay $0x4  }
0x20: {  	[tilespmem:$0x2800] =	vst v0  }
0x21: {  	v0 =	vld [tilespmem:s9+$0x10];
	_ =	sdelay $0x4  }
0x22: {  	[tilespmem:$0x2810] =	vst v0  }
0x23: {  	v0 =	vld [tilespmem:s9+$0x20];
	_ =	sdelay $0x4  }
0x24: {  	[tilespmem:$0x2820] =	vst v0  }
0x25: {  	v0 =	vld [tilespmem:s9+$0x30];
	_ =	sdelay $0x4  }
0x26: {  	[tilespmem:$0x2830] =	vst v0  }
0x27: {  	v0 =	vld [tilespmem:s9+$0x40];
	_ =	sdelay $0x4  }
0x28: {  	[tilespmem:$0x2840] =	vst v0  }
0x29: {  	v0 =	vld [tilespmem:s9+$0x50];
	_ =	sdelay $0x4  }
0x2a: {  	[tilespmem:$0x2850] =	vst v0  }
0x2b: {  	v0 =	vld [tilespmem:s9+$0x60];
	_ =	sdelay $0x4  }
0x2c: {  	[tilespmem:$0x2860] =	vst v0  }
0x2d: {  	v0 =	vld [tilespmem:s9+$0x70];
	_ =	sdelay $0x4  }
0x2e: {  	[tilespmem:$0x2870] =	vst v0  }
0x2f: {  	v0 =	vld [tilespmem:s9+$0x1400];
	_ =	sdelay $0x4  }
0x30: {  	[tilespmem:$0x2880] =	vst v0  }
0x31: {  	v0 =	vld [tilespmem:s9+$0x1410];
	_ =	sdelay $0x4  }
0x32: {  	[tilespmem:$0x2890] =	vst v0  }
0x33: {  	v0 =	vld [tilespmem:s9+$0x1420];
	_ =	sdelay $0x4  }
0x34: {  	[tilespmem:$0x28A0] =	vst v0  }
0x35: {  	v0 =	vld [tilespmem:s9+$0x1430];
	_ =	sdelay $0x4  }
0x36: {  	[tilespmem:$0x28B0] =	vst v0  }
0x37: {  	v0 =	vld [tilespmem:s9+$0x1440];
	_ =	sdelay $0x4  }
0x38: {  	[tilespmem:$0x28C0] =	vst v0  }
0x39: {  	v0 =	vld [tilespmem:s9+$0x1450];
	_ =	sdelay $0x4  }
0x3a: {  	[tilespmem:$0x28D0] =	vst v0  }
0x3b: {  	v0 =	vld [tilespmem:s9+$0x1460];
	_ =	sdelay $0x4  }
0x3c: {  	[tilespmem:$0x28E0] =	vst v0  }
0x3d: {  	v0 =	vld [tilespmem:s9+$0x1470];
	_ =	sdelay $0x4  }
0x3e: {  	[tilespmem:$0x28F0] =	vst v0  }
0x3f: {  	v0 =	vld [tilespmem:s9+$0x80];
	_ =	sdelay $0x4  }
0x40: {  	[tilespmem:$0x2900] =	vst v0  }
0x41: {  	v0 =	vld [tilespmem:s9+$0x90];
	_ =	sdelay $0x4  }
0x42: {  	[tilespmem:$0x2910] =	vst v0  }
0x43: {  	v0 =	vld [tilespmem:s9+$0xA0];
	_ =	sdelay $0x4  }
0x44: {  	[tilespmem:$0x2920] =	vst v0  }
0x45: {  	v0 =	vld [tilespmem:s9+$0xB0];
	_ =	sdelay $0x4  }
0x46: {  	[tilespmem:$0x2930] =	vst v0  }
0x47: {  	v0 =	vld [tilespmem:s9+$0xC0];
	_ =	sdelay $0x4  }
0x48: {  	[tilespmem:$0x2940] =	vst v0  }
0x49: {  	v0 =	vld [tilespmem:s9+$0xD0];
	_ =	sdelay $0x4  }
0x4a: {  	[tilespmem:$0x2950] =	vst v0  }
0x4b: {  	v0 =	vld [tilespmem:s9+$0xE0];
	_ =	sdelay $0x4  }
0x4c: {  	[tilespmem:$0x2960] =	vst v0  }
0x4d: {  	v0 =	vld [tilespmem:s9+$0xF0];
	_ =	sdelay $0x4  }
0x4e: {  	[tilespmem:$0x2970] =	vst v0  }
0x4f: {  	v0 =	vld [tilespmem:s9+$0x1480];
	_ =	sdelay $0x4  }
0x50: {  	[tilespmem:$0x2980] =	vst v0  }
0x51: {  	v0 =	vld [tilespmem:s9+$0x1490];
	_ =	sdelay $0x4  }
0x52: {  	[tilespmem:$0x2990] =	vst v0  }
0x53: {  	v0 =	vld [tilespmem:s9+$0x14A0];
	_ =	sdelay $0x4  }
0x54: {  	[tilespmem:$0x29A0] =	vst v0  }
0x55: {  	v0 =	vld [tilespmem:s9+$0x14B0];
	_ =	sdelay $0x4  }
0x56: {  	[tilespmem:$0x29B0] =	vst v0  }
0x57: {  	v0 =	vld [tilespmem:s9+$0x14C0];
	_ =	sdelay $0x4  }
0x58: {  	[tilespmem:$0x29C0] =	vst v0  }
0x59: {  	v0 =	vld [tilespmem:s9+$0x14D0];
	_ =	sdelay $0x4  }
0x5a: {  	[tilespmem:$0x29D0] =	vst v0  }
0x5b: {  	v0 =	vld [tilespmem:s9+$0x14E0];
	_ =	sdelay $0x4  }
0x5c: {  	[tilespmem:$0x29E0] =	vst v0  }
0x5d: {  	v0 =	vld [tilespmem:s9+$0x14F0];
	_ =	sdelay $0x4  }
0x5e: {  	[tilespmem:$0x29F0] =	vst v0  }
0x5f: {  	[tilespmem:s17], [sflag:$0x1] =	stream.indirect.gather [hbm4b:s3+s15], $0x80, s16, s15, $0xb8;
	[tilespmem:$0x1B700] =	vst v63  }
0x60: {  	_ = 	snop  }
0x61: {  	[tilespmem:s19], [sflag:$0x2] =	stream.indirect.gather [hbm4b:s3+s15], $0x80, s18, s15, $0xb8;
	[tilespmem:$0x1B700] =	vst v63  }
0x62: {  	_ = 	snop  }
0x63: {  	[tilespmem:s21], [sflag:$0x3] =	stream.indirect.gather [hbm4b:s3+s15], $0x80, s20, s15, $0xb8;
	[tilespmem:$0x1B700] =	vst v63  }
0x64: {  	_ = 	snop  }
0x65: {  	[tilespmem:s23], [sflag:$0x4] =	stream.indirect.gather [hbm4b:s3+s15], $0x80, s22, s15, $0xb8;
	[tilespmem:$0x1B700] =	vst v63  }
0x66: {  	_ =	swait.ge [sflag:s24], $0x4000  }
0x67: {  	[sflag:s24] =	ssyncset.done $0x0  }
0x68: {  	[sflag:s24] =	ssyncadd.s32 $0xFFFFC000  }
0x69: {  	_ =	swait.ge [sflag:s25], $0x4000  }
0x6a: {  	[sflag:s25] =	ssyncset.done $0x0  }
0x6b: {  	s11 =	simm.s32 $0x0;
	[sflag:s25] =	ssyncadd.s32 $0xFFFFC000  }
0x6c: {  	v2 =	vld [tilespmem:s11+$0x2A30]  }
0x6d: {  	v4 =	vld [tilespmem:s11+$0x6A70]  }
0x6e: {  	v5 =	vld [tilespmem:s11+$0x2A00]  }
0x6f: {  	v6 =	vld [tilespmem:s11+$0x6A40]  }
0x70: {  	v1 =	vld [tilespmem:s11+$0x2A10]  }
0x71: {  	v3 =	vld [tilespmem:s11+$0x6A50]  }
0x72: {  	v0 =	vld [tilespmem:s11+$0x2A20];
	v7 =	vadd.bf16 v4, v2  }
0x73: {  	s10 =	simm.s32 $0x80;
	v4 =	vld [tilespmem:s11+$0x6A60]  }
0x74: {  	s12 =	simm.s32 $0x400;
	s9 =	sor.u32 $0x80, s9;
	v2 =	vld [tilespmem:s10+$0x2A30];
	v5 =	vadd.bf16 v6, v5;
	[tilespmem:s11+$0x12A30] =	vst v7  }
.LBB2_3:
0x75: {  	p0 =	sne.s32 s12, $0xFE00;
	v6 =	vld [tilespmem:s10+$0x6A70]  }
0x76: {  	v7 =	vld [tilespmem:s10+$0x2A00];
	[tilespmem:s11+$0x12A00] =	vst v5;
	v3 =	vadd.bf16 v3, v1  }
0x77: {  	v5 =	vld [tilespmem:s10+$0x6A40]  }
.Ltmp0:
0x78: {  	v1 =	vld [tilespmem:s10+$0x2A10];
	[tilespmem:s11+$0x12A10] =	vst v3;
	v4 =	vadd.bf16 v4, v0;
	(pc) =	sbr.rel @p0 .LBB2_3-.Ltmp0, $4  }
0x79: {  	v3 =	vld [tilespmem:s10+$0x6A50]  }
0x7a: {  	v0 =	vld [tilespmem:s10+$0x2A20];
	v6 =	vadd.bf16 v6, v2;
	[tilespmem:s11+$0x12A20] =	vst v4;
	s11 =	smov.u32 s10  }
0x7b: {  	s10 =	sshra.s32 s12, $0x2;
	v4 =	vld [tilespmem:s11+$0x6A60]  }
0x7c: {  	s12 =	sadd.s32 $0x200, s12;
	v2 =	vld [tilespmem:s10+$0x2A30];
	v5 =	vadd.bf16 v5, v7;
	[tilespmem:s11+$0x12A30] =	vst v6  }
0x7d: {  	v6 =	vld [tilespmem:s10+$0x6A70]  }
0x7e: {  	v7 =	vld [tilespmem:s10+$0x2A00];
	[tilespmem:s11+$0x12A00] =	vst v5;
	v1 =	vadd.bf16 v3, v1  }
0x7f: {  	v3 =	vld [tilespmem:s10+$0x6A40]  }
0x80: {  	v5 =	vld [tilespmem:s10+$0x2A10];
	[tilespmem:s11+$0x12A10] =	vst v1;
	v0 =	vadd.bf16 v4, v0  }
0x81: {  	v1 =	vld [tilespmem:s10+$0x6A50]  }
0x82: {  	v4 =	vld [tilespmem:s10+$0x2A20];
	[tilespmem:s11+$0x12A20] =	vst v0  }
0x83: {  	v0 =	vld [tilespmem:s10+$0x6A60];
	_ =	sdelay $0x1  }
0x84: {  	v2 =	vadd.bf16 v6, v2  }
0x85: {  	v3 =	vadd.bf16 v3, v7  }
0x86: {  	s12 =	sshll.u32 s8, $0xF;
	[tilespmem:s10+$0x12A30] =	vst v2;
	v1 =	vadd.bf16 v1, v5  }
0x87: {  	s11 =	sadd.s32 s4, s12;
	[tilespmem:s10+$0x12A00] =	vst v3;
	v0 =	vadd.bf16 v0, v4  }
0x88: {  	s11 =	sshrl.u32 s11, $0x3;
	[tilespmem:s10+$0x12A10] =	vst v1  }
0x89: {  	s12 =	simm.s32 $0x0;
	s11 =	sadd.s32 s5, s11;
	[tilespmem:s10+$0x12A20] =	vst v0  }
0x8a: {  	[hbm4b:s11+s12] =	stream.linear.scatter [tilespmem:s26], [sflag:$0x5], $0x4000, $0x38;
	[tilespmem:$0x1B700] =	vst v63  }
0x8b: {  	_ =	swait.ge [sflag:s28], $0x4000  }
0x8c: {  	[sflag:s28] =	ssyncset.done $0x0  }
0x8d: {  	[sflag:s28] =	ssyncadd.s32 $0xFFFFC000  }
0x8e: {  	_ =	swait.ge [sflag:s29], $0x4000  }
0x8f: {  	[sflag:s29] =	ssyncset.done $0x0  }
0x90: {  	s11 =	simm.s32 $0x0;
	[sflag:s29] =	ssyncadd.s32 $0xFFFFC000  }
0x91: {  	v2 =	vld [tilespmem:s11+$0xAA30]  }
0x92: {  	v4 =	vld [tilespmem:s11+$0xEA70]  }
0x93: {  	v5 =	vld [tilespmem:s11+$0xAA00]  }
0x94: {  	v6 =	vld [tilespmem:s11+$0xEA40]  }
0x95: {  	v1 =	vld [tilespmem:s11+$0xAA10]  }
0x96: {  	v3 =	vld [tilespmem:s11+$0xEA50]  }
0x97: {  	v0 =	vld [tilespmem:s11+$0xAA20];
	v7 =	vadd.bf16 v4, v2  }
0x98: {  	s10 =	simm.s32 $0x80;
	v4 =	vld [tilespmem:s11+$0xEA60]  }
0x99: {  	s12 =	simm.s32 $0x400;
	v2 =	vld [tilespmem:s10+$0xAA30];
	v5 =	vadd.bf16 v6, v5;
	[tilespmem:s11+$0x16A30] =	vst v7  }
.LBB2_5:
0x9a: {  	p0 =	sne.s32 s12, $0xFE00;
	v6 =	vld [tilespmem:s10+$0xEA70]  }
0x9b: {  	v7 =	vld [tilespmem:s10+$0xAA00];
	[tilespmem:s11+$0x16A00] =	vst v5;
	v3 =	vadd.bf16 v3, v1  }
0x9c: {  	v5 =	vld [tilespmem:s10+$0xEA40]  }
.Ltmp1:
0x9d: {  	v1 =	vld [tilespmem:s10+$0xAA10];
	[tilespmem:s11+$0x16A10] =	vst v3;
	v4 =	vadd.bf16 v4, v0;
	(pc) =	sbr.rel @p0 .LBB2_5-.Ltmp1, $4  }
0x9e: {  	v3 =	vld [tilespmem:s10+$0xEA50]  }
0x9f: {  	v0 =	vld [tilespmem:s10+$0xAA20];
	v6 =	vadd.bf16 v6, v2;
	[tilespmem:s11+$0x16A20] =	vst v4;
	s11 =	smov.u32 s10  }
0xa0: {  	s10 =	sshra.s32 s12, $0x2;
	v4 =	vld [tilespmem:s11+$0xEA60]  }
0xa1: {  	s12 =	sadd.s32 $0x200, s12;
	v2 =	vld [tilespmem:s10+$0xAA30];
	v5 =	vadd.bf16 v5, v7;
	[tilespmem:s11+$0x16A30] =	vst v6  }
0xa2: {  	v6 =	vld [tilespmem:s10+$0xEA70]  }
0xa3: {  	v7 =	vld [tilespmem:s10+$0xAA00];
	[tilespmem:s11+$0x16A00] =	vst v5;
	v1 =	vadd.bf16 v3, v1  }
0xa4: {  	v62 =	vld [tilespmem:s10+$0xEA40]  }
0xa5: {  	v5 =	vld [tilespmem:s10+$0xAA10];
	[tilespmem:s11+$0x16A10] =	vst v1;
	v0 =	vadd.bf16 v4, v0  }
0xa6: {  	v1 =	vld [tilespmem:s10+$0xEA50]  }
0xa7: {  	v63 =	vld [tilespmem:s10+$0xAA20];
	[tilespmem:s11+$0x16A20] =	vst v0  }
0xa8: {  	v0 =	vld [tilespmem:s10+$0xEA60];
	_ =	sdelay $0x1  }
0xa9: {  	v2 =	vadd.bf16 v6, v2  }
0xaa: {  	v3 =	vadd.bf16 v62, v7  }
0xab: {  	s9 =	sshll.u32 s9, $0x7;
	[tilespmem:s10+$0x16A30] =	vst v2;
	v1 =	vadd.bf16 v1, v5  }
0xac: {  	s9 =	sadd.s32 s4, s9;
	[tilespmem:s10+$0x16A00] =	vst v3;
	v0 =	vadd.bf16 v0, v63  }
0xad: {  	s9 =	sshrl.u32 s9, $0x3;
	[tilespmem:s10+$0x16A10] =	vst v1  }
0xae: {  	s8 =	sadd.s32 $0x1, s8;
	s9 =	sadd.s32 s5, s9;
	[tilespmem:s10+$0x16A20] =	vst v0  }
0xaf: {  	[hbm4b:s9+s2] =	stream.linear.scatter [tilespmem:s30], [sflag:$0x6], $0x4000, $0x38;
	[tilespmem:$0x1B700] =	vst v63  }
0xb0: {  	p0 =	sne.s32 s8, $0x13;
	_ =	swait.ge [sflag:s31], $0x4000  }
.Ltmp2:
0xb1: {  	[sflag:s31] =	ssyncset.done $0x0;
	(pc) =	sbr.rel @p0 .LBB2_2-.Ltmp2, $4  }
0xb2: {  	[sflag:s31] =	ssyncadd.s32 $0xFFFFC000  }
0xb3: {  	_ =	swait.ge [sflag:s1], $0x4000  }
0xb4: {  	[sflag:s1] =	ssyncset.done $0x0  }
0xb5: {  	[sflag:s1] =	ssyncadd.s32 $0xFFFFC000  }
0xb6: {  	v0 =	vld [tilespmem:$0x1300]  }
0xb7: {  	v1 =	vld [tilespmem:$0x1310]  }
0xb8: {  	v2 =	vld [tilespmem:$0x1320]  }
0xb9: {  	v3 =	vld [tilespmem:$0x1330]  }
0xba: {  	v4 =	vld [tilespmem:$0x1340]  }
0xbb: {  	[tilespmem:$0x2800] =	vst v0;
	v0 =	vld [tilespmem:$0x1350]  }
0xbc: {  	[tilespmem:$0x2810] =	vst v1;
	v1 =	vld [tilespmem:$0x1360]  }
0xbd: {  	[tilespmem:$0x2820] =	vst v2;
	v2 =	vld [tilespmem:$0x1370]  }
0xbe: {  	[tilespmem:$0x2830] =	vst v3;
	v3 =	vld [tilespmem:$0x2700]  }
0xbf: {  	[tilespmem:$0x2840] =	vst v4;
	v4 =	vld [tilespmem:$0x2710]  }
0xc0: {  	[tilespmem:$0x2850] =	vst v0;
	v0 =	vld [tilespmem:$0x2720]  }
0xc1: {  	[tilespmem:$0x2860] =	vst v1;
	v1 =	vld [tilespmem:$0x2730]  }
0xc2: {  	[tilespmem:$0x2870] =	vst v2;
	v2 =	vld [tilespmem:$0x2740]  }
0xc3: {  	[tilespmem:$0x2880] =	vst v3;
	v3 =	vld [tilespmem:$0x2750]  }
0xc4: {  	[tilespmem:$0x2890] =	vst v4;
	v4 =	vld [tilespmem:$0x2760]  }
0xc5: {  	[tilespmem:$0x28A0] =	vst v0;
	v0 =	vld [tilespmem:$0x2770]  }
0xc6: {  	[tilespmem:$0x28B0] =	vst v1  }
0xc7: {  	[tilespmem:$0x28C0] =	vst v2  }
0xc8: {  	[tilespmem:$0x28D0] =	vst v3  }
0xc9: {  	[tilespmem:$0x28E0] =	vst v4  }
0xca: {  	[tilespmem:$0x28F0] =	vst v0  }
0xcb: {  	[tilespmem:s17], [sflag:$0x1] =	stream.indirect.gather [hbm4b:s3+s15], $0x80, s16, s15, $0xb8;
	[tilespmem:$0x1B700] =	vst v63  }
0xcc: {  	_ = 	snop  }
0xcd: {  	[tilespmem:s19], [sflag:$0x2] =	stream.indirect.gather [hbm4b:s3+s15], $0x80, s18, s15, $0xb8;
	[tilespmem:$0x1B700] =	vst v63  }
0xce: {  	_ =	swait.ge [sflag:s24], $0x4000  }
0xcf: {  	[sflag:s24] =	ssyncset.done $0x0  }
0xd0: {  	[sflag:s24] =	ssyncadd.s32 $0xFFFFC000  }
0xd1: {  	_ =	swait.ge [sflag:s25], $0x4000  }
0xd2: {  	[sflag:s25] =	ssyncset.done $0x0  }
0xd3: {  	s8 =	simm.s32 $0x0;
	[sflag:s25] =	ssyncadd.s32 $0xFFFFC000  }
0xd4: {  	v2 =	vld [tilespmem:s8+$0x2A30]  }
0xd5: {  	v4 =	vld [tilespmem:s8+$0x6A70]  }
0xd6: {  	v5 =	vld [tilespmem:s8+$0x2A00]  }
0xd7: {  	v6 =	vld [tilespmem:s8+$0x6A40]  }
0xd8: {  	v1 =	vld [tilespmem:s8+$0x2A10]  }
0xd9: {  	v3 =	vld [tilespmem:s8+$0x6A50]  }
0xda: {  	v0 =	vld [tilespmem:s8+$0x2A20];
	v7 =	vadd.bf16 v4, v2  }
0xdb: {  	s9 =	simm.s32 $0x80;
	v4 =	vld [tilespmem:s8+$0x6A60]  }
0xdc: {  	s10 =	simm.s32 $0x400;
	v2 =	vld [tilespmem:s9+$0x2A30];
	v5 =	vadd.bf16 v6, v5;
	[tilespmem:s8+$0x12A30] =	vst v7  }
.LBB2_8:
0xdd: {  	p0 =	sne.s32 s10, $0xFE00;
	v6 =	vld [tilespmem:s9+$0x6A70]  }
0xde: {  	v7 =	vld [tilespmem:s9+$0x2A00];
	[tilespmem:s8+$0x12A00] =	vst v5;
	v3 =	vadd.bf16 v3, v1  }
0xdf: {  	v5 =	vld [tilespmem:s9+$0x6A40]  }
.Ltmp3:
0xe0: {  	v1 =	vld [tilespmem:s9+$0x2A10];
	[tilespmem:s8+$0x12A10] =	vst v3;
	v4 =	vadd.bf16 v4, v0;
	(pc) =	sbr.rel @p0 .LBB2_8-.Ltmp3, $4  }
0xe1: {  	v3 =	vld [tilespmem:s9+$0x6A50]  }
0xe2: {  	v0 =	vld [tilespmem:s9+$0x2A20];
	v6 =	vadd.bf16 v6, v2;
	[tilespmem:s8+$0x12A20] =	vst v4;
	s8 =	smov.u32 s9  }
0xe3: {  	s9 =	sshra.s32 s10, $0x2;
	v4 =	vld [tilespmem:s8+$0x6A60]  }
0xe4: {  	s10 =	sadd.s32 $0x200, s10;
	v2 =	vld [tilespmem:s9+$0x2A30];
	v5 =	vadd.bf16 v5, v7;
	[tilespmem:s8+$0x12A30] =	vst v6  }
0xe5: {  	v6 =	vld [tilespmem:s9+$0x6A70]  }
0xe6: {  	v7 =	vld [tilespmem:s9+$0x2A00];
	[tilespmem:s8+$0x12A00] =	vst v5;
	v1 =	vadd.bf16 v3, v1  }
0xe7: {  	v60 =	vld [tilespmem:s9+$0x6A40]  }
0xe8: {  	v5 =	vld [tilespmem:s9+$0x2A10];
	[tilespmem:s8+$0x12A10] =	vst v1;
	v0 =	vadd.bf16 v4, v0  }
0xe9: {  	v1 =	vld [tilespmem:s9+$0x6A50]  }
0xea: {  	v61 =	vld [tilespmem:s9+$0x2A20];
	[tilespmem:s8+$0x12A20] =	vst v0  }
0xeb: {  	v0 =	vld [tilespmem:s9+$0x6A60];
	_ =	sdelay $0x1  }
0xec: {  	v2 =	vadd.bf16 v6, v2  }
0xed: {  	v3 =	vadd.bf16 v60, v7  }
0xee: {  	[tilespmem:s9+$0x12A30] =	vst v2;
	v1 =	vadd.bf16 v1, v5  }
0xef: {  	[tilespmem:s9+$0x12A00] =	vst v3;
	v0 =	vadd.bf16 v0, v61  }
0xf0: {  	[tilespmem:s9+$0x12A10] =	vst v1  }
0xf1: {  	[tilespmem:s9+$0x12A20] =	vst v0;
	s9 =	rddreg [dreg:$0x5]  }
0xf2: {  	[hbm4b:s9+s2] =	stream.linear.scatter [tilespmem:s26], [sflag:$0x5], $0x4000, $0x38;
	[tilespmem:$0x1B700] =	vst v63  }
0xf3: {  	_ =	swait.ge [sflag:s31], $0x4000  }
0xf4: {  	[sflag:s31] =	ssyncset.done $0x0  }
0xf5: {  	s10 =	rddreg [dreg:$0x6];
	[sflag:s31] =	ssyncadd.s32 $0xFFFFC000  }
0xf6: {  	[tilespmem:s0], [sflag:$0x7] =	stream.linear.gather [hbm4b:s10+s2], $0x8, $0x38;
	[tilespmem:$0x1B700] =	vst v63  }
0xf7: {  	_ =	swait.ge [sflag:s13], $0x8  }
0xf8: {  	[sflag:s13] =	ssyncset.done $0x0  }
0xf9: {  	s11 =	rddreg [dreg:$0x7];
	[sflag:s13] =	ssyncadd.s32 $0xFFFFFFF8  }
0xfa: {  	[tilespmem:s14], [sflag:$0x7] =	stream.linear.gather [hbm4b:s11+s2], $0x8, $0x38;
	[tilespmem:$0x1B700] =	vst v63  }
0xfb: {  	_ =	swait.ge [sflag:s13], $0x8  }
0xfc: {  	[sflag:s13] =	ssyncset.done $0x0  }
0xfd: {  	s12 =	simm.s32 $0x1AB00;
	[sflag:s13] =	ssyncadd.s32 $0xFFFFFFF8  }
0xfe: {  	[tilespmem:s12], [sflag:$0x3] =	stream.indirect.gather [hbm4b:s3+s6], $0x80, s0, s6, $0xb8;
	[tilespmem:$0x1B700] =	vst v63  }
0xff: {  	s9 =	simm.s32 $0x1AF00  }
0x100: {  	[tilespmem:s9], [sflag:$0x4] =	stream.indirect.gather [hbm4b:s3+s6], $0x80, s14, s6, $0xb8;
	[tilespmem:$0x1B700] =	vst v63  }
0x101: {  	_ =	swait.ge [sflag:s28], $0x400  }
0x102: {  	[sflag:s28] =	ssyncset.done $0x0  }
0x103: {  	[sflag:s28] =	ssyncadd.s32 $0xFFFFFC00  }
0x104: {  	_ =	swait.ge [sflag:s29], $0x400  }
0x105: {  	[sflag:s29] =	ssyncset.done $0x0  }
0x106: {  	[sflag:s29] =	ssyncadd.s32 $0xFFFFFC00  }
0x107: {  	v62 =	vld [tilespmem:$0x1AB00]  }
0x108: {  	v63 =	vld [tilespmem:$0x1AF40]  }
0x109: {  	v40 =	vld [tilespmem:$0x1AB10]  }
0x10a: {  	v41 =	vld [tilespmem:$0x1AF50]  }
0x10b: {  	v42 =	vld [tilespmem:$0x1AB20]  }
0x10c: {  	v43 =	vld [tilespmem:$0x1AF60]  }
0x10d: {  	v44 =	vld [tilespmem:$0x1AB30]  }
0x10e: {  	v45 =	vld [tilespmem:$0x1AF70]  }
0x10f: {  	v8 =	vld [tilespmem:$0x1AB80]  }
0x110: {  	v9 =	vld [tilespmem:$0x1AFC0]  }
0x111: {  	v10 =	vld [tilespmem:$0x1AB90]  }
0x112: {  	v11 =	vld [tilespmem:$0x1AFD0]  }
0x113: {  	v12 =	vld [tilespmem:$0x1ABA0]  }
0x114: {  	v13 =	vld [tilespmem:$0x1AFE0]  }
0x115: {  	v14 =	vld [tilespmem:$0x1ABB0]  }
0x116: {  	v15 =	vld [tilespmem:$0x1AFF0]  }
0x117: {  	v16 =	vld [tilespmem:$0x1AC00]  }
0x118: {  	v17 =	vld [tilespmem:$0x1B040]  }
0x119: {  	v18 =	vld [tilespmem:$0x1AC10]  }
0x11a: {  	v19 =	vld [tilespmem:$0x1B050]  }
0x11b: {  	v20 =	vld [tilespmem:$0x1AC20]  }
0x11c: {  	v21 =	vld [tilespmem:$0x1B060]  }
0x11d: {  	v22 =	vld [tilespmem:$0x1AC30]  }
0x11e: {  	v23 =	vld [tilespmem:$0x1B070]  }
0x11f: {  	v24 =	vld [tilespmem:$0x1AC80]  }
0x120: {  	v25 =	vld [tilespmem:$0x1B0C0]  }
0x121: {  	v26 =	vld [tilespmem:$0x1AC90]  }
0x122: {  	v27 =	vld [tilespmem:$0x1B0D0]  }
0x123: {  	v28 =	vld [tilespmem:$0x1ACA0]  }
0x124: {  	v29 =	vld [tilespmem:$0x1B0E0]  }
0x125: {  	v30 =	vld [tilespmem:$0x1ACB0]  }
0x126: {  	v31 =	vld [tilespmem:$0x1B0F0]  }
0x127: {  	v32 =	vld [tilespmem:$0x1AD00]  }
0x128: {  	v33 =	vld [tilespmem:$0x1B140]  }
0x129: {  	v34 =	vld [tilespmem:$0x1AD10]  }
0x12a: {  	v35 =	vld [tilespmem:$0x1B150]  }
0x12b: {  	v36 =	vld [tilespmem:$0x1AD20]  }
0x12c: {  	v46 =	vld [tilespmem:$0x1B160];
	v0 =	vadd.bf16 v63, v62  }
0x12d: {  	v47 =	vld [tilespmem:$0x1AD30];
	v2 =	vadd.bf16 v41, v40  }
0x12e: {  	v49 =	vld [tilespmem:$0x1B170];
	v48 =	vadd.bf16 v43, v42;
	[tilespmem:$0x1B300] =	vst v0  }
0x12f: {  	v51 =	vld [tilespmem:$0x1AD80];
	v50 =	vadd.bf16 v45, v44;
	[tilespmem:$0x1B310] =	vst v2  }
0x130: {  	v53 =	vld [tilespmem:$0x1B1C0];
	v52 =	vadd.bf16 v9, v8;
	[tilespmem:$0x1B320] =	vst v48  }
0x131: {  	v55 =	vld [tilespmem:$0x1AD90];
	v54 =	vadd.bf16 v11, v10;
	[tilespmem:$0x1B330] =	vst v50  }
0x132: {  	v57 =	vld [tilespmem:$0x1B1D0];
	v56 =	vadd.bf16 v13, v12;
	[tilespmem:$0x1B380] =	vst v52  }
0x133: {  	v59 =	vld [tilespmem:$0x1ADA0];
	v58 =	vadd.bf16 v15, v14;
	[tilespmem:$0x1B390] =	vst v54  }
0x134: {  	v61 =	vld [tilespmem:$0x1B1E0];
	v60 =	vadd.bf16 v17, v16;
	[tilespmem:$0x1B3A0] =	vst v56  }
0x135: {  	v37 =	vld [tilespmem:$0x1AE20];
	v62 =	vadd.bf16 v19, v18;
	[tilespmem:$0x1B3B0] =	vst v58  }
0x136: {  	v39 =	vld [tilespmem:$0x1B260];
	v20 =	vadd.bf16 v21, v20;
	[tilespmem:$0x1B400] =	vst v60  }
0x137: {  	v63 =	vld [tilespmem:$0x1ADB0];
	v22 =	vadd.bf16 v23, v22;
	[tilespmem:$0x1B410] =	vst v62  }
0x138: {  	v21 =	vld [tilespmem:$0x1B1F0];
	v24 =	vadd.bf16 v25, v24;
	[tilespmem:$0x1B420] =	vst v20  }
0x139: {  	v23 =	vld [tilespmem:$0x1AE00];
	v26 =	vadd.bf16 v27, v26;
	[tilespmem:$0x1B430] =	vst v22  }
0x13a: {  	v25 =	vld [tilespmem:$0x1B240];
	v28 =	vadd.bf16 v29, v28;
	[tilespmem:$0x1B480] =	vst v24  }
0x13b: {  	v27 =	vld [tilespmem:$0x1AE10];
	v31 =	vadd.bf16 v31, v30;
	[tilespmem:$0x1B490] =	vst v26  }
0x13c: {  	v29 =	vld [tilespmem:$0x1B250];
	v38 =	vadd.bf16 v33, v32;
	[tilespmem:$0x1B4A0] =	vst v28  }
0x13d: {  	v40 =	vadd.bf16 v35, v34;
	v41 =	vld [tilespmem:$0x1AE30];
	[tilespmem:$0x1B4B0] =	vst v31  }
0x13e: {  	v42 =	vadd.bf16 v46, v36;
	v43 =	vld [tilespmem:$0x1B270];
	[tilespmem:$0x1B500] =	vst v38  }
0x13f: {  	v44 =	vadd.bf16 v49, v47;
	v45 =	vld [tilespmem:$0x1AE80];
	[tilespmem:$0x1B510] =	vst v40  }
0x140: {  	v46 =	vadd.bf16 v53, v51;
	v47 =	vld [tilespmem:$0x1B2C0];
	[tilespmem:$0x1B520] =	vst v42  }
0x141: {  	v49 =	vld [tilespmem:$0x1AE90];
	[tilespmem:$0x1B530] =	vst v44;
	v48 =	vadd.bf16 v57, v55  }
0x142: {  	v51 =	vld [tilespmem:$0x1B2D0];
	[tilespmem:$0x1B580] =	vst v46;
	v50 =	vadd.bf16 v61, v59  }
0x143: {  	v53 =	vld [tilespmem:$0x1AEA0];
	v58 =	vadd.bf16 v39, v37;
	[tilespmem:$0x1B590] =	vst v48  }
0x144: {  	v55 =	vld [tilespmem:$0x1B2E0];
	[tilespmem:$0x1B5A0] =	vst v50;
	v52 =	vadd.bf16 v21, v63  }
0x145: {  	v57 =	vld [tilespmem:$0x1AEB0];
	[tilespmem:$0x1B620] =	vst v58;
	v54 =	vadd.bf16 v25, v23  }
0x146: {  	v59 =	vld [tilespmem:$0x1B2F0];
	v56 =	vadd.bf16 v29, v27;
	[tilespmem:$0x1B5B0] =	vst v52  }
0x147: {  	v1 =	vadd.bf16 v43, v41;
	[tilespmem:$0x1B600] =	vst v54  }
0x148: {  	v60 =	vadd.bf16 v47, v45;
	[tilespmem:$0x1B610] =	vst v56  }
0x149: {  	v61 =	vadd.bf16 v51, v49;
	[tilespmem:$0x1B630] =	vst v1  }
0x14a: {  	[tilespmem:$0x1B680] =	vst v60;
	v62 =	vadd.bf16 v55, v53  }
0x14b: {  	[tilespmem:$0x1B690] =	vst v61;
	v63 =	vadd.bf16 v59, v57  }
0x14c: {  	[tilespmem:$0x1B6A0] =	vst v62  }
0x14d: {  	s11 =	simm.s32 $0x1B300;
	s10 =	rddreg [dreg:$0x8];
	[tilespmem:$0x1B6B0] =	vst v63  }
0x14e: {  	[hbm4b:s10+s2] =	stream.linear.scatter [tilespmem:s11], [sflag:$0x6], $0x400, $0x38;
	[tilespmem:$0x1B700] =	vst v63  }
0x14f: {  	_ =	swait.ge [sflag:s1], $0x400  }
0x150: {  	s7 =	sadd.s32 $0x1, s7;
	s12 =	rddreg [dreg:$0x9]  }
0x151: {  	p0 =	sne.s32 s7, s12  }
.Ltmp4:
0x152: {  	_ = 	snop;
	(pc) =	sbr.rel @p0 .LBB2_1-.Ltmp4, $3  }
0x153: {  	_ =	sdelay $0x1  }
0x154: {  	[sflag:s1] =	ssyncset.done $0x0  }
0x155: {  	[sflag:s1] =	ssyncadd.s32 $0xFFFFFC00  }
0x156: {  	_ =	sfence.sel $0x180000  }
0x157: {  	[bflag:$0x0] =	sbarrier.arrive $0xFFFF  }
0x158: {  	_ =	strace $0x90000050  }
0x159: {  	s0 =	stileid.u32;
	[bflag:$0x2] =	sbarrier.arrive $0xFFFF  }
0x15a: {  	p0 =	sne.s32 s0, $0x0;
	s0 =	rddreg [dreg:$0x2]  }
0x15b: {  	s0 =	sadd.s32 @!p0 $0x100000, s0  }
0x15c: {  	[sflag:s0] =	ssyncadd.tile.s32 @!p0 $0x1;
	_ =	shalt  }
.Lfunc_end2:
_tile_overlayer_lowered:
.L_overlay_start_2:
0x15d: {  	(tag) =	ssettag $0x2  }
0x15e: {  	s0 =	rddreg [dreg:$0x0];
	s2 =	stileid.u32  }
0x15f: {  	s1 =	rddreg [dreg:$0x1];
	p0 =	sne.s32 s2, $0x0  }
0x160: {  	s3 =	rddreg [dreg:$0x2];
	[bflag:$0x3] =	sbarrier.arrive $0xFFFF;
	s2 =	simm.s32 @!p0 $0x1C07  }
0x161: {  	[timem:s3], [sflag:s2] =	dma.local @!p0 [hbm:s0], s1  }
0x162: {  	s0 =	simm.s32 @!p0 $0x7  }
0x163: {  	_ =	swait.ge @!p0 [sflag:s0], s1  }
0x164: {  	s1 =	ssub.s32 @!p0 $0x0, s1;
	[sflag:s0] =	ssyncset.done @!p0 $0x0  }
0x165: {  	[sflag:s0] =	ssyncadd.s32 @!p0 s1  }
0x166: {  	[bflag:$0x3] =	sbarrier.arrive $0xFFFF  }
0x167: {  	_ =	shalt  }

</sc_bundles>
